<compile_context>
chip_gen: v7x
topology: tpu7x:2x2x1
jax: 0.10.2.dev20260603
libtpu: 0.0.44.dev20260713+nightly
codegen_flags: <defaults>
</compile_context>

<pallas_src>
import functools

import jax
import jax.numpy as jnp
from jax import lax
from jax.experimental import pallas as pl
from jax.experimental.pallas import tpu as pltpu
from jax.experimental.pallas import tpu_sc as plsc

N = 10000
D = 128
H = 64
E = 320000

NC = 2
NS = 16
NW = NC * NS
GC = 125
NCHG = E // GC
NCH = NCHG // NW
DC = 1000
NCHD = E // DC // NS
ZCH = 1000
ZR = GC
BLK = 2000

_mesh = plsc.VectorSubcoreMesh(core_axis_name="c", subcore_axis_name="s")
_sc_params = pltpu.CompilerParams(use_tc_tiling_on_sc=False)


@functools.partial(
    pl.kernel,
    out_type=jax.ShapeDtypeStruct((NC, 1, N), jnp.float32),
    mesh=_mesh,
    compiler_params=_sc_params,
    scratch_types=[
        pltpu.VMEM((NCHD, DC), jnp.int32),
        pltpu.VMEM((DC,), jnp.float32),
        pltpu.VMEM((ZCH,), jnp.float32),
        pltpu.VMEM((N,), jnp.float32),
        pltpu.VMEM_SHARED((N,), jnp.float32),
        pltpu.SemaphoreType.DMA,
        pltpu.SemaphoreType.DMA,
    ],
)
def _deg_kernel(dst2_hbm, ones_hbm, zeros_hbm, out_hbm,
                idx_v, ones_v, zb, wb, acc, sem0, sem1):
    c = lax.axis_index("c")
    s = lax.axis_index("s")

    pltpu.sync_copy(zeros_hbm, zb)
    for j in range(N // ZCH):
        @pl.when(s == (j % NS))
        def _(j=j):
            pltpu.sync_copy(zb, acc.at[pl.ds(j * ZCH, ZCH)])

    pltpu.sync_copy(ones_hbm, ones_v)
    plsc.subcore_barrier()

    pltpu.sync_copy(dst2_hbm.at[c, pl.ds(s * NCHD, NCHD)], idx_v)
    sems = (sem0, sem1)

    def body(p, carry):
        for b in range(2):
            j = 2 * p + b

            @pl.when(j >= 2)
            def _(b=b):
                pltpu.make_async_copy(ones_hbm, ones_v, sems[b]).wait()

            pltpu.async_copy(ones_v, acc.at[idx_v.at[j]], sems[b], add=True)
        return carry

    lax.fori_loop(0, NCHD // 2, body, 0)
    pltpu.make_async_copy(ones_hbm, ones_v, sem0).wait()
    pltpu.make_async_copy(ones_hbm, ones_v, sem1).wait()
    plsc.subcore_barrier()

    @pl.when(s == 0)
    def _():
        pltpu.sync_copy(acc, wb)
        pltpu.sync_copy(wb, out_hbm.at[c, 0])


@functools.partial(
    pl.kernel,
    out_type=jax.ShapeDtypeStruct((NC, N, H), jnp.float32),
    mesh=_mesh,
    compiler_params=_sc_params,
    scratch_types=[
        pltpu.VMEM((NCH, GC), jnp.int32),
        pltpu.VMEM((NCH, GC), jnp.int32),
        pltpu.VMEM((GC, H), jnp.float32),
        pltpu.VMEM((GC, H), jnp.float32),
        pltpu.VMEM((GC, H), jnp.float32),
        pltpu.VMEM((GC, H), jnp.float32),
        pltpu.VMEM_SHARED((N, H), jnp.float32),
        pltpu.SemaphoreType.DMA,
        pltpu.SemaphoreType.DMA,
        pltpu.SemaphoreType.DMA,
        pltpu.SemaphoreType.DMA,
        pltpu.SemaphoreType.DMA,
        pltpu.SemaphoreType.DMA,
        pltpu.SemaphoreType.DMA,
        pltpu.SemaphoreType.DMA,
    ],
)
def _scatter_kernel(tab_hbm, ei_hbm, zrows_hbm, out_hbm,
                    idx_s, idx_d, rows0, rows1, rows2, rows3, acc,
                    gsem0, gsem1, gsem2, gsem3, ssem0, ssem1, ssem2, ssem3):
    c = lax.axis_index("c")
    s = lax.axis_index("s")
    wid = s * NC + c
    rows = (rows0, rows1, rows2, rows3)
    gsem = (gsem0, gsem1, gsem2, gsem3)
    ssem = (ssem0, ssem1, ssem2, ssem3)

    pltpu.async_copy(ei_hbm.at[0, pl.ds(wid * NCH, NCH)], idx_s, gsem0)
    pltpu.async_copy(ei_hbm.at[1, pl.ds(wid * NCH, NCH)], idx_d, gsem1)

    NZ = N // ZR // NS
    pltpu.sync_copy(zrows_hbm, rows0)
    for k in range(NZ):
        pltpu.async_copy(rows0, acc.at[pl.ds((NZ * s + k) * ZR, ZR)],
                         ssem[k % 4])
    for k in range(min(NZ, 4)):
        pltpu.make_async_copy(zrows_hbm, rows0, ssem[k]).wait()
    if NZ > 4:
        for k in range(4, NZ):
            pltpu.make_async_copy(zrows_hbm, rows0, ssem[k % 4]).wait()
    pltpu.make_async_copy(ei_hbm.at[0, pl.ds(0, NCH)], idx_s, gsem0).wait()
    pltpu.make_async_copy(ei_hbm.at[0, pl.ds(0, NCH)], idx_d, gsem1).wait()

    plsc.subcore_barrier()

    for b in range(3):
        pltpu.async_copy(tab_hbm.at[idx_s.at[b]], rows[b], gsem[b])

    def ring(p, carry):
        for b in range(4):
            t = 4 * p + b
            a = (b + 3) % 4

            @pl.when(t > 0)
            def _(a=a):
                pltpu.make_async_copy(zrows_hbm, rows[a], ssem[a]).wait()

            @pl.when(t + 3 < NCH)
            def _(t=t, a=a):
                pltpu.async_copy(tab_hbm.at[idx_s.at[t + 3]], rows[a],
                                 gsem[a])

            pltpu.make_async_copy(zrows_hbm, rows[b], gsem[b]).wait()
            pltpu.async_copy(rows[b], acc.at[idx_d.at[t]], ssem[b],
                             add=True)
        return carry

    lax.fori_loop(0, NCH // 4, ring, 0)
    pltpu.make_async_copy(zrows_hbm, rows[(NCH - 1) % 4], ssem[(NCH - 1) % 4]).wait()

    plsc.subcore_barrier()
    NZ2 = N // ZR // NS
    for k in range(NZ2):
        b = k % 4
        if k >= 4:
            pltpu.make_async_copy(zrows_hbm, rows[b], ssem[b]).wait()
        j = NZ2 * s + k
        pltpu.async_copy(acc.at[pl.ds(j * ZR, ZR)], rows[b], gsem[b])
        pltpu.make_async_copy(zrows_hbm, rows[b], gsem[b]).wait()
        pltpu.async_copy(rows[b], out_hbm.at[c, pl.ds(j * ZR, ZR)], ssem[b])
    for k in range(max(NZ2 - 4, 0), NZ2):
        pltpu.make_async_copy(zrows_hbm, rows[k % 4], ssem[k % 4]).wait()


N2 = N // 2
H2 = 2 * H
BLK2 = 1000


def _scale(dp):
    dinv = lax.rsqrt(dp + 1.0)
    return jnp.concatenate(
        [jnp.broadcast_to(dinv[:, 0:1], (dp.shape[0], H)),
         jnp.broadcast_to(dinv[:, 1:2], (dp.shape[0], H))], axis=1)


def _pair_dot(x, w, b):
    he = jnp.dot(x[:, :x.shape[1] // 2], w,
                 preferred_element_type=jnp.float32) + b
    ho = jnp.dot(x[:, x.shape[1] // 2:], w,
                 preferred_element_type=jnp.float32) + b
    return jnp.concatenate([he, ho], axis=1)


def _tc_a_body(x_ref, w_ref, b_ref, dp_ref, h_ref, g_ref):
    h = _pair_dot(x_ref[...], w_ref[...], b_ref[...])
    sc = _scale(dp_ref[...])
    h_ref[...] = h
    g_ref[...] = sc * h


_tc_a = pl.pallas_call(
    _tc_a_body,
    grid=(N2 // BLK2,),
    in_specs=[
        pl.BlockSpec((BLK2, 2 * D), lambda i: (i, 0)),
        pl.BlockSpec((D, H), lambda i: (0, 0)),
        pl.BlockSpec((1, H), lambda i: (0, 0)),
        pl.BlockSpec((BLK2, 2), lambda i: (i, 0)),
    ],
    out_specs=[pl.BlockSpec((BLK2, H2), lambda i: (i, 0))] * 2,
    out_shape=[jax.ShapeDtypeStruct((N2, H2), jnp.float32)] * 2,
)


def _tc_b_body(sp_ref, h1_ref, dp_ref, w_ref, b_ref, h2_ref, g2_ref):
    sc = _scale(dp_ref[...])
    ssum = sp_ref[0] + sp_ref[1]
    z = jnp.maximum(sc * ssum + (sc * sc) * h1_ref[...], 0.0)
    h2 = _pair_dot(z, w_ref[...], b_ref[...])
    h2_ref[...] = h2
    g2_ref[...] = sc * h2


_tc_b = pl.pallas_call(
    _tc_b_body,
    grid=(N2 // BLK2,),
    in_specs=[
        pl.BlockSpec((NC, BLK2, H2), lambda i: (0, i, 0)),
        pl.BlockSpec((BLK2, H2), lambda i: (i, 0)),
        pl.BlockSpec((BLK2, 2), lambda i: (i, 0)),
        pl.BlockSpec((H, H), lambda i: (0, 0)),
        pl.BlockSpec((1, H), lambda i: (0, 0)),
    ],
    out_specs=[pl.BlockSpec((BLK2, H2), lambda i: (i, 0))] * 2,
    out_shape=[jax.ShapeDtypeStruct((N2, H2), jnp.float32)] * 2,
)


def _tc_c_body(sp_ref, h2_ref, dp_ref, o_ref):
    sc = _scale(dp_ref[...])
    ssum = sp_ref[0] + sp_ref[1]
    o_ref[...] = sc * ssum + (sc * sc) * h2_ref[...]


_tc_c = pl.pallas_call(
    _tc_c_body,
    grid=(N2 // BLK2,),
    in_specs=[
        pl.BlockSpec((NC, BLK2, H2), lambda i: (0, i, 0)),
        pl.BlockSpec((BLK2, H2), lambda i: (i, 0)),
        pl.BlockSpec((BLK2, 2), lambda i: (i, 0)),
    ],
    out_specs=pl.BlockSpec((BLK2, H2), lambda i: (i, 0)),
    out_shape=jax.ShapeDtypeStruct((N2, H2), jnp.float32),
)


def kernel(features_plus, features_minus, edge_index_pos, edge_index_neg,
           Wp1, bp1, Wp2, bp2, Wn1, bn1, Wn2, bn2):
    eip = edge_index_pos.reshape(2, NCHG, GC)
    ein = edge_index_neg.reshape(2, NCHG, GC)
    ones = jnp.ones((DC,), jnp.float32)
    zeros1 = jnp.zeros((ZCH,), jnp.float32)
    zrows = jnp.zeros((ZR, H), jnp.float32)

    dst2 = jnp.stack([edge_index_pos[1], edge_index_neg[1]]
                     ).reshape(2, E // DC, DC)
    degb = _deg_kernel(dst2, ones, zeros1)
    dpp = degb[0].reshape(N2, 2)
    dpn = degb[1].reshape(N2, 2)

    xp2 = features_plus.reshape(N2, 2 * D)
    xn2 = features_minus.reshape(N2, 2 * D)

    h1p, g1p = _tc_a(xp2, Wp1, bp1.reshape(1, H), dpp)
    h1n, g1n = _tc_a(xn2, Wn1, bn1.reshape(1, H), dpn)

    s1p = _scatter_kernel(g1p.reshape(N, H), eip, zrows)
    s1n = _scatter_kernel(g1n.reshape(N, H), ein, zrows)

    h2p, g2p = _tc_b(s1p.reshape(NC, N2, H2), h1p, dpp, Wp2, bp2.reshape(1, H))
    h2n, g2n = _tc_b(s1n.reshape(NC, N2, H2), h1n, dpn, Wn2, bn2.reshape(1, H))

    s2p = _scatter_kernel(g2p.reshape(N, H), eip, zrows)
    s2n = _scatter_kernel(g2n.reshape(N, H), ein, zrows)

    x = _tc_c(s2p.reshape(NC, N2, H2), h2p, dpp)
    y = _tc_c(s2n.reshape(NC, N2, H2), h2n, dpn)
    return (x.reshape(N, H), y.reshape(N, H))

# --- scband reference (transcript-rebuilt; emitter-appended) ---
"""Pipeline reference for scband-sgaae-2224793060009 (READ-ONLY COPY).

The authoritative reference and input builder live on the scoring server;
editing this copy changes nothing except your own understanding.
"""

import jax, jax.numpy as jnp
import numpy as np

N = 10000
D = 128
H = 64
E = 320000


def _gcn_layer(x, src, dst, W, b, n):
    # linear transform
    h = x @ W + b
    # add self-loops
    loop = jnp.arange(n, dtype=src.dtype)
    src2 = jnp.concatenate([src, loop])
    dst2 = jnp.concatenate([dst, loop])
    # symmetric normalization deg^{-1/2} A deg^{-1/2}
    deg = jnp.zeros((n,), dtype=h.dtype).at[dst2].add(1.0)
    dinv = jnp.where(deg > 0, jax.lax.rsqrt(deg), 0.0)
    norm = dinv[src2] * dinv[dst2]
    msg = h[src2] * norm[:, None]
    out = jnp.zeros((n, h.shape[1]), dtype=h.dtype).at[dst2].add(msg)
    return out


def _gcn2(x, edge_index, W1, b1, W2, b2, n):
    src = edge_index[0]
    dst = edge_index[1]
    h = _gcn_layer(x, src, dst, W1, b1, n)
    h = jax.nn.relu(h)
    h = _gcn_layer(h, src, dst, W2, b2, n)
    return h


def setup_inputs(seed: int = 0) -> dict:
    key = jax.random.key(seed)
    ks = jax.random.split(key, 12)
    features_plus = jax.random.normal(ks[0], (N, D), dtype=jnp.float32)
    features_minus = jax.random.normal(ks[1], (N, D), dtype=jnp.float32)
    edge_index_pos = jax.random.randint(ks[2], (2, E), 0, N, dtype=jnp.int32)
    edge_index_neg = jax.random.randint(ks[3], (2, E), 0, N, dtype=jnp.int32)
    s1 = 1.0 / np.sqrt(D)
    s2 = 1.0 / np.sqrt(H)
    Wp1 = jax.random.uniform(ks[4], (D, H), jnp.float32, -s1, s1)
    bp1 = jnp.zeros((H,), jnp.float32)
    Wp2 = jax.random.uniform(ks[5], (H, H), jnp.float32, -s2, s2)
    bp2 = jnp.zeros((H,), jnp.float32)
    Wn1 = jax.random.uniform(ks[6], (D, H), jnp.float32, -s1, s1)
    bn1 = jnp.zeros((H,), jnp.float32)
    Wn2 = jax.random.uniform(ks[7], (H, H), jnp.float32, -s2, s2)
    bn2 = jnp.zeros((H,), jnp.float32)
    return {
        "features_plus": features_plus,
        "features_minus": features_minus,
        "edge_index_pos": edge_index_pos,
        "edge_index_neg": edge_index_neg,
        "Wp1": Wp1, "bp1": bp1, "Wp2": Wp2, "bp2": bp2,
        "Wn1": Wn1, "bn1": bn1, "Wn2": Wn2, "bn2": bn2,
    }


def reference(features_plus, features_minus, edge_index_pos, edge_index_neg,
              Wp1, bp1, Wp2, bp2, Wn1, bn1, Wn2, bn2):
    n = features_plus.shape[0]
    x = _gcn2(features_plus, edge_index_pos, Wp1, bp1, Wp2, bp2, n)
    y = _gcn2(features_minus, edge_index_neg, Wn1, bn1, Wn2, bn2, n)
    return (x, y)

if __name__ == "__main__":
    import jax
    _d = setup_inputs()
    print(jax.jit(kernel)(*tuple(_d.values())))

</pallas_src>

<mosaic_0001>
#map = affine_map<(d0, d1) -> (0, 0, 0)>
#map1 = affine_map<(d0, d1) -> (0)>
module attributes {stable_mosaic.version = 14 : i64} {
  func.func @_deg_kernel(%arg0: i32, %arg1: i32, %arg2: memref<2x320x1000xi32, #tpu.memory_space<hbm>>, %arg3: memref<1000xf32, #tpu.memory_space<hbm>>, %arg4: memref<1000xf32, #tpu.memory_space<hbm>>, %arg5: memref<2x1x10000xf32, #tpu.memory_space<hbm>>, %arg6: memref<20x1000xi32, #tpu.memory_space<vmem>>, %arg7: memref<1000xf32, #tpu.memory_space<vmem>>, %arg8: memref<1000xf32, #tpu.memory_space<vmem>>, %arg9: memref<10000xf32, #tpu.memory_space<vmem>>, %arg10: memref<10000xf32, #tpu.memory_space<vmem_shared>>, %arg11: memref<!tpu.dma_semaphore, #tpu.memory_space<semaphore_mem>>, %arg12: memref<!tpu.dma_semaphore, #tpu.memory_space<semaphore_mem>>) attributes {dimension_semantics = [#tpu.dimension_semantics<core_parallel>, #tpu.dimension_semantics<subcore_parallel>], iteration_bounds = array<i64: 2, 16>, scalar_prefetch = 0 : i64, scratch_operands = 7 : i64, tpu.core_type = #tpu.core_type<sc_vector_subcore>, window_params = [{transform_indices = #map}, {transform_indices = #map1}, {transform_indices = #map1}, {transform_indices = #map}]} {
    "tpu.region"() ({
      %run_scoped3A = tpu.sem_alloc : memref<!tpu.dma_semaphore, #tpu.memory_space<semaphore_mem>>
      tpu.enqueue_dma source(%arg4 : memref<1000xf32, #tpu.memory_space<hbm>>) target(%arg8 : memref<1000xf32, #tpu.memory_space<vmem>>) target_semaphore(%run_scoped3A : memref<!tpu.dma_semaphore, #tpu.memory_space<semaphore_mem>>)
      tpu.wait_dma2 semaphore(%run_scoped3A : memref<!tpu.dma_semaphore, #tpu.memory_space<semaphore_mem>>) src(%arg4 : memref<1000xf32, #tpu.memory_space<hbm>>) dst(%arg8 : memref<1000xf32, #tpu.memory_space<vmem>>)
      tpu.yield
    }) : () -> ()
    %eq3A = arith.constant 0 : i32
    %eq3A_0 = arith.cmpi eq, %arg1, %eq3A : i32
    %convert_element_type3A = arith.extui %eq3A_0 : i1 to i32
    %cond3A = arith.constant 0 : i32
    %cond3A_1 = arith.cmpi ne, %convert_element_type3A, %cond3A : i32
    scf.if %cond3A_1 {
      "tpu.region"() ({
        %run_scoped3A = tpu.sem_alloc : memref<!tpu.dma_semaphore, #tpu.memory_space<semaphore_mem>>
        %dma_start3A = arith.constant 0 : i32
        %dma_start3A_59 = tpu.memref_slice %arg10[%dma_start3A] : memref<10000xf32, #tpu.memory_space<vmem_shared>> -> memref<1000xf32, #tpu.memory_space<vmem_shared>>
        %dma_start3A_60 = arith.constant 0 : i32
        %dma_start3A_61 = tpu.memref_slice %arg10[%dma_start3A_60] : memref<10000xf32, #tpu.memory_space<vmem_shared>> -> memref<1000xf32, #tpu.memory_space<vmem_shared>>
        tpu.enqueue_dma source(%arg8 : memref<1000xf32, #tpu.memory_space<vmem>>) target(%dma_start3A_61 : memref<1000xf32, #tpu.memory_space<vmem_shared>>) target_semaphore(%run_scoped3A : memref<!tpu.dma_semaphore, #tpu.memory_space<semaphore_mem>>)
        %dma_wait3A = arith.constant 0 : i32
        %dma_wait3A_62 = tpu.memref_slice %arg10[%dma_wait3A] : memref<10000xf32, #tpu.memory_space<vmem_shared>> -> memref<1000xf32, #tpu.memory_space<vmem_shared>>
        %dma_wait3A_63 = arith.constant 0 : i32
        %dma_wait3A_64 = tpu.memref_slice %arg10[%dma_wait3A_63] : memref<10000xf32, #tpu.memory_space<vmem_shared>> -> memref<1000xf32, #tpu.memory_space<vmem_shared>>
        tpu.wait_dma2 semaphore(%run_scoped3A : memref<!tpu.dma_semaphore, #tpu.memory_space<semaphore_mem>>) src(%arg8 : memref<1000xf32, #tpu.memory_space<vmem>>) dst(%dma_wait3A_64 : memref<1000xf32, #tpu.memory_space<vmem_shared>>)
        tpu.yield
      }) : () -> ()
    } else {
    }
    %eq3A_2 = arith.constant 1 : i32
    %eq3A_3 = arith.cmpi eq, %arg1, %eq3A_2 : i32
    %convert_element_type3A_4 = arith.extui %eq3A_3 : i1 to i32
    %cond3A_5 = arith.constant 0 : i32
    %cond3A_6 = arith.cmpi ne, %convert_element_type3A_4, %cond3A_5 : i32
    scf.if %cond3A_6 {
      "tpu.region"() ({
        %run_scoped3A = tpu.sem_alloc : memref<!tpu.dma_semaphore, #tpu.memory_space<semaphore_mem>>
        %dma_start3A = arith.constant 1000 : i32
        %dma_start3A_59 = tpu.memref_slice %arg10[%dma_start3A] : memref<10000xf32, #tpu.memory_space<vmem_shared>> -> memref<1000xf32, #tpu.memory_space<vmem_shared>>
        %dma_start3A_60 = arith.constant 1000 : i32
        %dma_start3A_61 = tpu.memref_slice %arg10[%dma_start3A_60] : memref<10000xf32, #tpu.memory_space<vmem_shared>> -> memref<1000xf32, #tpu.memory_space<vmem_shared>>
        tpu.enqueue_dma source(%arg8 : memref<1000xf32, #tpu.memory_space<vmem>>) target(%dma_start3A_61 : memref<1000xf32, #tpu.memory_space<vmem_shared>>) target_semaphore(%run_scoped3A : memref<!tpu.dma_semaphore, #tpu.memory_space<semaphore_mem>>)
        %dma_wait3A = arith.constant 1000 : i32
        %dma_wait3A_62 = tpu.memref_slice %arg10[%dma_wait3A] : memref<10000xf32, #tpu.memory_space<vmem_shared>> -> memref<1000xf32, #tpu.memory_space<vmem_shared>>
        %dma_wait3A_63 = arith.constant 1000 : i32
        %dma_wait3A_64 = tpu.memref_slice %arg10[%dma_wait3A_63] : memref<10000xf32, #tpu.memory_space<vmem_shared>> -> memref<1000xf32, #tpu.memory_space<vmem_shared>>
        tpu.wait_dma2 semaphore(%run_scoped3A : memref<!tpu.dma_semaphore, #tpu.memory_space<semaphore_mem>>) src(%arg8 : memref<1000xf32, #tpu.memory_space<vmem>>) dst(%dma_wait3A_64 : memref<1000xf32, #tpu.memory_space<vmem_shared>>)
        tpu.yield
      }) : () -> ()
    } else {
    }
    %eq3A_7 = arith.constant 2 : i32
    %eq3A_8 = arith.cmpi eq, %arg1, %eq3A_7 : i32
    %convert_element_type3A_9 = arith.extui %eq3A_8 : i1 to i32
    %cond3A_10 = arith.constant 0 : i32
    %cond3A_11 = arith.cmpi ne, %convert_element_type3A_9, %cond3A_10 : i32
    scf.if %cond3A_11 {
      "tpu.region"() ({
        %run_scoped3A = tpu.sem_alloc : memref<!tpu.dma_semaphore, #tpu.memory_space<semaphore_mem>>
        %dma_start3A = arith.constant 2000 : i32
        %dma_start3A_59 = tpu.memref_slice %arg10[%dma_start3A] : memref<10000xf32, #tpu.memory_space<vmem_shared>> -> memref<1000xf32, #tpu.memory_space<vmem_shared>>
        %dma_start3A_60 = arith.constant 2000 : i32
        %dma_start3A_61 = tpu.memref_slice %arg10[%dma_start3A_60] : memref<10000xf32, #tpu.memory_space<vmem_shared>> -> memref<1000xf32, #tpu.memory_space<vmem_shared>>
        tpu.enqueue_dma source(%arg8 : memref<1000xf32, #tpu.memory_space<vmem>>) target(%dma_start3A_61 : memref<1000xf32, #tpu.memory_space<vmem_shared>>) target_semaphore(%run_scoped3A : memref<!tpu.dma_semaphore, #tpu.memory_space<semaphore_mem>>)
        %dma_wait3A = arith.constant 2000 : i32
        %dma_wait3A_62 = tpu.memref_slice %arg10[%dma_wait3A] : memref<10000xf32, #tpu.memory_space<vmem_shared>> -> memref<1000xf32, #tpu.memory_space<vmem_shared>>
        %dma_wait3A_63 = arith.constant 2000 : i32
        %dma_wait3A_64 = tpu.memref_slice %arg10[%dma_wait3A_63] : memref<10000xf32, #tpu.memory_space<vmem_shared>> -> memref<1000xf32, #tpu.memory_space<vmem_shared>>
        tpu.wait_dma2 semaphore(%run_scoped3A : memref<!tpu.dma_semaphore, #tpu.memory_space<semaphore_mem>>) src(%arg8 : memref<1000xf32, #tpu.memory_space<vmem>>) dst(%dma_wait3A_64 : memref<1000xf32, #tpu.memory_space<vmem_shared>>)
        tpu.yield
      }) : () -> ()
    } else {
    }
    %eq3A_12 = arith.constant 3 : i32
    %eq3A_13 = arith.cmpi eq, %arg1, %eq3A_12 : i32
    %convert_element_type3A_14 = arith.extui %eq3A_13 : i1 to i32
    %cond3A_15 = arith.constant 0 : i32
    %cond3A_16 = arith.cmpi ne, %convert_element_type3A_14, %cond3A_15 : i32
    scf.if %cond3A_16 {
      "tpu.region"() ({
        %run_scoped3A = tpu.sem_alloc : memref<!tpu.dma_semaphore, #tpu.memory_space<semaphore_mem>>
        %dma_start3A = arith.constant 3000 : i32
        %dma_start3A_59 = tpu.memref_slice %arg10[%dma_start3A] : memref<10000xf32, #tpu.memory_space<vmem_shared>> -> memref<1000xf32, #tpu.memory_space<vmem_shared>>
        %dma_start3A_60 = arith.constant 3000 : i32
        %dma_start3A_61 = tpu.memref_slice %arg10[%dma_start3A_60] : memref<10000xf32, #tpu.memory_space<vmem_shared>> -> memref<1000xf32, #tpu.memory_space<vmem_shared>>
        tpu.enqueue_dma source(%arg8 : memref<1000xf32, #tpu.memory_space<vmem>>) target(%dma_start3A_61 : memref<1000xf32, #tpu.memory_space<vmem_shared>>) target_semaphore(%run_scoped3A : memref<!tpu.dma_semaphore, #tpu.memory_space<semaphore_mem>>)
        %dma_wait3A = arith.constant 3000 : i32
        %dma_wait3A_62 = tpu.memref_slice %arg10[%dma_wait3A] : memref<10000xf32, #tpu.memory_space<vmem_shared>> -> memref<1000xf32, #tpu.memory_space<vmem_shared>>
        %dma_wait3A_63 = arith.constant 3000 : i32
        %dma_wait3A_64 = tpu.memref_slice %arg10[%dma_wait3A_63] : memref<10000xf32, #tpu.memory_space<vmem_shared>> -> memref<1000xf32, #tpu.memory_space<vmem_shared>>
        tpu.wait_dma2 semaphore(%run_scoped3A : memref<!tpu.dma_semaphore, #tpu.memory_space<semaphore_mem>>) src(%arg8 : memref<1000xf32, #tpu.memory_space<vmem>>) dst(%dma_wait3A_64 : memref<1000xf32, #tpu.memory_space<vmem_shared>>)
        tpu.yield
      }) : () -> ()
    } else {
    }
    %eq3A_17 = arith.constant 4 : i32
    %eq3A_18 = arith.cmpi eq, %arg1, %eq3A_17 : i32
    %convert_element_type3A_19 = arith.extui %eq3A_18 : i1 to i32
    %cond3A_20 = arith.constant 0 : i32
    %cond3A_21 = arith.cmpi ne, %convert_element_type3A_19, %cond3A_20 : i32
    scf.if %cond3A_21 {
      "tpu.region"() ({
        %run_scoped3A = tpu.sem_alloc : memref<!tpu.dma_semaphore, #tpu.memory_space<semaphore_mem>>
        %dma_start3A = arith.constant 4000 : i32
        %dma_start3A_59 = tpu.memref_slice %arg10[%dma_start3A] : memref<10000xf32, #tpu.memory_space<vmem_shared>> -> memref<1000xf32, #tpu.memory_space<vmem_shared>>
        %dma_start3A_60 = arith.constant 4000 : i32
        %dma_start3A_61 = tpu.memref_slice %arg10[%dma_start3A_60] : memref<10000xf32, #tpu.memory_space<vmem_shared>> -> memref<1000xf32, #tpu.memory_space<vmem_shared>>
        tpu.enqueue_dma source(%arg8 : memref<1000xf32, #tpu.memory_space<vmem>>) target(%dma_start3A_61 : memref<1000xf32, #tpu.memory_space<vmem_shared>>) target_semaphore(%run_scoped3A : memref<!tpu.dma_semaphore, #tpu.memory_space<semaphore_mem>>)
        %dma_wait3A = arith.constant 4000 : i32
        %dma_wait3A_62 = tpu.memref_slice %arg10[%dma_wait3A] : memref<10000xf32, #tpu.memory_space<vmem_shared>> -> memref<1000xf32, #tpu.memory_space<vmem_shared>>
        %dma_wait3A_63 = arith.constant 4000 : i32
        %dma_wait3A_64 = tpu.memref_slice %arg10[%dma_wait3A_63] : memref<10000xf32, #tpu.memory_space<vmem_shared>> -> memref<1000xf32, #tpu.memory_space<vmem_shared>>
        tpu.wait_dma2 semaphore(%run_scoped3A : memref<!tpu.dma_semaphore, #tpu.memory_space<semaphore_mem>>) src(%arg8 : memref<1000xf32, #tpu.memory_space<vmem>>) dst(%dma_wait3A_64 : memref<1000xf32, #tpu.memory_space<vmem_shared>>)
        tpu.yield
      }) : () -> ()
    } else {
    }
    %eq3A_22 = arith.constant 5 : i32
    %eq3A_23 = arith.cmpi eq, %arg1, %eq3A_22 : i32
    %convert_element_type3A_24 = arith.extui %eq3A_23 : i1 to i32
    %cond3A_25 = arith.constant 0 : i32
    %cond3A_26 = arith.cmpi ne, %convert_element_type3A_24, %cond3A_25 : i32
    scf.if %cond3A_26 {
      "tpu.region"() ({
        %run_scoped3A = tpu.sem_alloc : memref<!tpu.dma_semaphore, #tpu.memory_space<semaphore_mem>>
        %dma_start3A = arith.constant 5000 : i32
        %dma_start3A_59 = tpu.memref_slice %arg10[%dma_start3A] : memref<10000xf32, #tpu.memory_space<vmem_shared>> -> memref<1000xf32, #tpu.memory_space<vmem_shared>>
        %dma_start3A_60 = arith.constant 5000 : i32
        %dma_start3A_61 = tpu.memref_slice %arg10[%dma_start3A_60] : memref<10000xf32, #tpu.memory_space<vmem_shared>> -> memref<1000xf32, #tpu.memory_space<vmem_shared>>
        tpu.enqueue_dma source(%arg8 : memref<1000xf32, #tpu.memory_space<vmem>>) target(%dma_start3A_61 : memref<1000xf32, #tpu.memory_space<vmem_shared>>) target_semaphore(%run_scoped3A : memref<!tpu.dma_semaphore, #tpu.memory_space<semaphore_mem>>)
        %dma_wait3A = arith.constant 5000 : i32
        %dma_wait3A_62 = tpu.memref_slice %arg10[%dma_wait3A] : memref<10000xf32, #tpu.memory_space<vmem_shared>> -> memref<1000xf32, #tpu.memory_space<vmem_shared>>
        %dma_wait3A_63 = arith.constant 5000 : i32
        %dma_wait3A_64 = tpu.memref_slice %arg10[%dma_wait3A_63] : memref<10000xf32, #tpu.memory_space<vmem_shared>> -> memref<1000xf32, #tpu.memory_space<vmem_shared>>
        tpu.wait_dma2 semaphore(%run_scoped3A : memref<!tpu.dma_semaphore, #tpu.memory_space<semaphore_mem>>) src(%arg8 : memref<1000xf32, #tpu.memory_space<vmem>>) dst(%dma_wait3A_64 : memref<1000xf32, #tpu.memory_space<vmem_shared>>)
        tpu.yield
      }) : () -> ()
    } else {
    }
    %eq3A_27 = arith.constant 6 : i32
    %eq3A_28 = arith.cmpi eq, %arg1, %eq3A_27 : i32
    %convert_element_type3A_29 = arith.extui %eq3A_28 : i1 to i32
    %cond3A_30 = arith.constant 0 : i32
    %cond3A_31 = arith.cmpi ne, %convert_element_type3A_29, %cond3A_30 : i32
    scf.if %cond3A_31 {
      "tpu.region"() ({
        %run_scoped3A = tpu.sem_alloc : memref<!tpu.dma_semaphore, #tpu.memory_space<semaphore_mem>>
        %dma_start3A = arith.constant 6000 : i32
        %dma_start3A_59 = tpu.memref_slice %arg10[%dma_start3A] : memref<10000xf32, #tpu.memory_space<vmem_shared>> -> memref<1000xf32, #tpu.memory_space<vmem_shared>>
        %dma_start3A_60 = arith.constant 6000 : i32
        %dma_start3A_61 = tpu.memref_slice %arg10[%dma_start3A_60] : memref<10000xf32, #tpu.memory_space<vmem_shared>> -> memref<1000xf32, #tpu.memory_space<vmem_shared>>
        tpu.enqueue_dma source(%arg8 : memref<1000xf32, #tpu.memory_space<vmem>>) target(%dma_start3A_61 : memref<1000xf32, #tpu.memory_space<vmem_shared>>) target_semaphore(%run_scoped3A : memref<!tpu.dma_semaphore, #tpu.memory_space<semaphore_mem>>)
        %dma_wait3A = arith.constant 6000 : i32
        %dma_wait3A_62 = tpu.memref_slice %arg10[%dma_wait3A] : memref<10000xf32, #tpu.memory_space<vmem_shared>> -> memref<1000xf32, #tpu.memory_space<vmem_shared>>
        %dma_wait3A_63 = arith.constant 6000 : i32
        %dma_wait3A_64 = tpu.memref_slice %arg10[%dma_wait3A_63] : memref<10000xf32, #tpu.memory_space<vmem_shared>> -> memref<1000xf32, #tpu.memory_space<vmem_shared>>
        tpu.wait_dma2 semaphore(%run_scoped3A : memref<!tpu.dma_semaphore, #tpu.memory_space<semaphore_mem>>) src(%arg8 : memref<1000xf32, #tpu.memory_space<vmem>>) dst(%dma_wait3A_64 : memref<1000xf32, #tpu.memory_space<vmem_shared>>)
        tpu.yield
      }) : () -> ()
    } else {
    }
    %eq3A_32 = arith.constant 7 : i32
    %eq3A_33 = arith.cmpi eq, %arg1, %eq3A_32 : i32
    %convert_element_type3A_34 = arith.extui %eq3A_33 : i1 to i32
    %cond3A_35 = arith.constant 0 : i32
    %cond3A_36 = arith.cmpi ne, %convert_element_type3A_34, %cond3A_35 : i32
    scf.if %cond3A_36 {
      "tpu.region"() ({
        %run_scoped3A = tpu.sem_alloc : memref<!tpu.dma_semaphore, #tpu.memory_space<semaphore_mem>>
        %dma_start3A = arith.constant 7000 : i32
        %dma_start3A_59 = tpu.memref_slice %arg10[%dma_start3A] : memref<10000xf32, #tpu.memory_space<vmem_shared>> -> memref<1000xf32, #tpu.memory_space<vmem_shared>>
        %dma_start3A_60 = arith.constant 7000 : i32
        %dma_start3A_61 = tpu.memref_slice %arg10[%dma_start3A_60] : memref<10000xf32, #tpu.memory_space<vmem_shared>> -> memref<1000xf32, #tpu.memory_space<vmem_shared>>
        tpu.enqueue_dma source(%arg8 : memref<1000xf32, #tpu.memory_space<vmem>>) target(%dma_start3A_61 : memref<1000xf32, #tpu.memory_space<vmem_shared>>) target_semaphore(%run_scoped3A : memref<!tpu.dma_semaphore, #tpu.memory_space<semaphore_mem>>)
        %dma_wait3A = arith.constant 7000 : i32
        %dma_wait3A_62 = tpu.memref_slice %arg10[%dma_wait3A] : memref<10000xf32, #tpu.memory_space<vmem_shared>> -> memref<1000xf32, #tpu.memory_space<vmem_shared>>
        %dma_wait3A_63 = arith.constant 7000 : i32
        %dma_wait3A_64 = tpu.memref_slice %arg10[%dma_wait3A_63] : memref<10000xf32, #tpu.memory_space<vmem_shared>> -> memref<1000xf32, #tpu.memory_space<vmem_shared>>
        tpu.wait_dma2 semaphore(%run_scoped3A : memref<!tpu.dma_semaphore, #tpu.memory_space<semaphore_mem>>) src(%arg8 : memref<1000xf32, #tpu.memory_space<vmem>>) dst(%dma_wait3A_64 : memref<1000xf32, #tpu.memory_space<vmem_shared>>)
        tpu.yield
      }) : () -> ()
    } else {
    }
    %eq3A_37 = arith.constant 8 : i32
    %eq3A_38 = arith.cmpi eq, %arg1, %eq3A_37 : i32
    %convert_element_type3A_39 = arith.extui %eq3A_38 : i1 to i32
    %cond3A_40 = arith.constant 0 : i32
    %cond3A_41 = arith.cmpi ne, %convert_element_type3A_39, %cond3A_40 : i32
    scf.if %cond3A_41 {
      "tpu.region"() ({
        %run_scoped3A = tpu.sem_alloc : memref<!tpu.dma_semaphore, #tpu.memory_space<semaphore_mem>>
        %dma_start3A = arith.constant 8000 : i32
        %dma_start3A_59 = tpu.memref_slice %arg10[%dma_start3A] : memref<10000xf32, #tpu.memory_space<vmem_shared>> -> memref<1000xf32, #tpu.memory_space<vmem_shared>>
        %dma_start3A_60 = arith.constant 8000 : i32
        %dma_start3A_61 = tpu.memref_slice %arg10[%dma_start3A_60] : memref<10000xf32, #tpu.memory_space<vmem_shared>> -> memref<1000xf32, #tpu.memory_space<vmem_shared>>
        tpu.enqueue_dma source(%arg8 : memref<1000xf32, #tpu.memory_space<vmem>>) target(%dma_start3A_61 : memref<1000xf32, #tpu.memory_space<vmem_shared>>) target_semaphore(%run_scoped3A : memref<!tpu.dma_semaphore, #tpu.memory_space<semaphore_mem>>)
        %dma_wait3A = arith.constant 8000 : i32
        %dma_wait3A_62 = tpu.memref_slice %arg10[%dma_wait3A] : memref<10000xf32, #tpu.memory_space<vmem_shared>> -> memref<1000xf32, #tpu.memory_space<vmem_shared>>
        %dma_wait3A_63 = arith.constant 8000 : i32
        %dma_wait3A_64 = tpu.memref_slice %arg10[%dma_wait3A_63] : memref<10000xf32, #tpu.memory_space<vmem_shared>> -> memref<1000xf32, #tpu.memory_space<vmem_shared>>
        tpu.wait_dma2 semaphore(%run_scoped3A : memref<!tpu.dma_semaphore, #tpu.memory_space<semaphore_mem>>) src(%arg8 : memref<1000xf32, #tpu.memory_space<vmem>>) dst(%dma_wait3A_64 : memref<1000xf32, #tpu.memory_space<vmem_shared>>)
        tpu.yield
      }) : () -> ()
    } else {
    }
    %eq3A_42 = arith.constant 9 : i32
    %eq3A_43 = arith.cmpi eq, %arg1, %eq3A_42 : i32
    %convert_element_type3A_44 = arith.extui %eq3A_43 : i1 to i32
    %cond3A_45 = arith.constant 0 : i32
    %cond3A_46 = arith.cmpi ne, %convert_element_type3A_44, %cond3A_45 : i32
    scf.if %cond3A_46 {
      "tpu.region"() ({
        %run_scoped3A = tpu.sem_alloc : memref<!tpu.dma_semaphore, #tpu.memory_space<semaphore_mem>>
        %dma_start3A = arith.constant 9000 : i32
        %dma_start3A_59 = tpu.memref_slice %arg10[%dma_start3A] : memref<10000xf32, #tpu.memory_space<vmem_shared>> -> memref<1000xf32, #tpu.memory_space<vmem_shared>>
        %dma_start3A_60 = arith.constant 9000 : i32
        %dma_start3A_61 = tpu.memref_slice %arg10[%dma_start3A_60] : memref<10000xf32, #tpu.memory_space<vmem_shared>> -> memref<1000xf32, #tpu.memory_space<vmem_shared>>
        tpu.enqueue_dma source(%arg8 : memref<1000xf32, #tpu.memory_space<vmem>>) target(%dma_start3A_61 : memref<1000xf32, #tpu.memory_space<vmem_shared>>) target_semaphore(%run_scoped3A : memref<!tpu.dma_semaphore, #tpu.memory_space<semaphore_mem>>)
        %dma_wait3A = arith.constant 9000 : i32
        %dma_wait3A_62 = tpu.memref_slice %arg10[%dma_wait3A] : memref<10000xf32, #tpu.memory_space<vmem_shared>> -> memref<1000xf32, #tpu.memory_space<vmem_shared>>
        %dma_wait3A_63 = arith.constant 9000 : i32
        %dma_wait3A_64 = tpu.memref_slice %arg10[%dma_wait3A_63] : memref<10000xf32, #tpu.memory_space<vmem_shared>> -> memref<1000xf32, #tpu.memory_space<vmem_shared>>
        tpu.wait_dma2 semaphore(%run_scoped3A : memref<!tpu.dma_semaphore, #tpu.memory_space<semaphore_mem>>) src(%arg8 : memref<1000xf32, #tpu.memory_space<vmem>>) dst(%dma_wait3A_64 : memref<1000xf32, #tpu.memory_space<vmem_shared>>)
        tpu.yield
      }) : () -> ()
    } else {
    }
    "tpu.region"() ({
      %run_scoped3A = tpu.sem_alloc : memref<!tpu.dma_semaphore, #tpu.memory_space<semaphore_mem>>
      tpu.enqueue_dma source(%arg3 : memref<1000xf32, #tpu.memory_space<hbm>>) target(%arg7 : memref<1000xf32, #tpu.memory_space<vmem>>) target_semaphore(%run_scoped3A : memref<!tpu.dma_semaphore, #tpu.memory_space<semaphore_mem>>)
      tpu.wait_dma2 semaphore(%run_scoped3A : memref<!tpu.dma_semaphore, #tpu.memory_space<semaphore_mem>>) src(%arg3 : memref<1000xf32, #tpu.memory_space<hbm>>) dst(%arg7 : memref<1000xf32, #tpu.memory_space<vmem>>)
      tpu.yield
    }) : () -> ()
    %barrier3A = arith.constant 0 : index
    tpu.barrier barrier_id(%barrier3A)
    %mul3A = arith.constant 20 : i32
    %mul3A_47 = arith.muli %arg1, %mul3A : i32
    "tpu.region"() ({
      %run_scoped3A = tpu.sem_alloc : memref<!tpu.dma_semaphore, #tpu.memory_space<semaphore_mem>>
      %dma_start3A = arith.constant 0 : i32
      %dma_start3A_59 = tpu.memref_slice %arg2[%arg0, %mul3A_47, %dma_start3A] : memref<2x320x1000xi32, #tpu.memory_space<hbm>> -> memref<1x20x1000xi32, #tpu.memory_space<hbm>>
      %dma_start3A_60 = tpu.memref_squeeze %dma_start3A_59 : memref<1x20x1000xi32, #tpu.memory_space<hbm>> -> memref<20x1000xi32, #tpu.memory_space<hbm>>
      %dma_start3A_61 = arith.constant 0 : i32
      %dma_start3A_62 = tpu.memref_slice %arg2[%arg0, %mul3A_47, %dma_start3A_61] : memref<2x320x1000xi32, #tpu.memory_space<hbm>> -> memref<1x20x1000xi32, #tpu.memory_space<hbm>>
      %dma_start3A_63 = tpu.memref_squeeze %dma_start3A_62 : memref<1x20x1000xi32, #tpu.memory_space<hbm>> -> memref<20x1000xi32, #tpu.memory_space<hbm>>
      tpu.enqueue_dma source(%dma_start3A_63 : memref<20x1000xi32, #tpu.memory_space<hbm>>) target(%arg6 : memref<20x1000xi32, #tpu.memory_space<vmem>>) target_semaphore(%run_scoped3A : memref<!tpu.dma_semaphore, #tpu.memory_space<semaphore_mem>>)
      %dma_wait3A = arith.constant 0 : i32
      %dma_wait3A_64 = tpu.memref_slice %arg2[%arg0, %mul3A_47, %dma_wait3A] : memref<2x320x1000xi32, #tpu.memory_space<hbm>> -> memref<1x20x1000xi32, #tpu.memory_space<hbm>>
      %dma_wait3A_65 = tpu.memref_squeeze %dma_wait3A_64 : memref<1x20x1000xi32, #tpu.memory_space<hbm>> -> memref<20x1000xi32, #tpu.memory_space<hbm>>
      %dma_wait3A_66 = arith.constant 0 : i32
      %dma_wait3A_67 = tpu.memref_slice %arg2[%arg0, %mul3A_47, %dma_wait3A_66] : memref<2x320x1000xi32, #tpu.memory_space<hbm>> -> memref<1x20x1000xi32, #tpu.memory_space<hbm>>
      %dma_wait3A_68 = tpu.memref_squeeze %dma_wait3A_67 : memref<1x20x1000xi32, #tpu.memory_space<hbm>> -> memref<20x1000xi32, #tpu.memory_space<hbm>>
      tpu.wait_dma2 semaphore(%run_scoped3A : memref<!tpu.dma_semaphore, #tpu.memory_space<semaphore_mem>>) src(%dma_wait3A_68 : memref<20x1000xi32, #tpu.memory_space<hbm>>) dst(%arg6 : memref<20x1000xi32, #tpu.memory_space<vmem>>)
      tpu.yield
    }) : () -> ()
    %scan3A = arith.constant 0 : i32
    %scan3A_48 = arith.constant 0 : i32
    %scan3A_49 = arith.constant 10 : i32
    %scan3A_50 = arith.addi %scan3A_48, %scan3A_49 : i32
    %scan3A_51 = arith.constant 1 : i32
    scf.for %scan3A_59 = %scan3A_48 to %scan3A_50 step %scan3A_51  : i32 {
      %mul3A_60 = arith.constant 2 : i32
      %mul3A_61 = arith.muli %mul3A_60, %scan3A_59 : i32
      %add3A = arith.constant 0 : i32
      %add3A_62 = arith.addi %mul3A_61, %add3A : i32
      %ge3A = arith.constant 2 : i32
      %ge3A_63 = arith.cmpi sge, %add3A_62, %ge3A : i32
      %convert_element_type3A_64 = arith.extui %ge3A_63 : i1 to i32
      %cond3A_65 = arith.constant 0 : i32
      %cond3A_66 = arith.cmpi ne, %convert_element_type3A_64, %cond3A_65 : i32
      scf.if %cond3A_66 {
        tpu.wait_dma2 semaphore(%arg11 : memref<!tpu.dma_semaphore, #tpu.memory_space<semaphore_mem>>) src(%arg3 : memref<1000xf32, #tpu.memory_space<hbm>>) dst(%arg7 : memref<1000xf32, #tpu.memory_space<vmem>>)
      } else {
      }
      %dma_start3A = arith.constant 0 : i32
      %dma_start3A_67 = tpu.memref_slice %arg6[%add3A_62, %dma_start3A] : memref<20x1000xi32, #tpu.memory_space<vmem>> -> memref<1x1000xi32, #tpu.memory_space<vmem>>
      %dma_start3A_68 = tpu.memref_squeeze %dma_start3A_67 : memref<1x1000xi32, #tpu.memory_space<vmem>> -> memref<1000xi32, #tpu.memory_space<vmem>>
      %dma_start3A_69 = arith.constant 0 : i32
      %dma_start3A_70 = tpu.memref_slice %arg10[%dma_start3A_69] : memref<10000xf32, #tpu.memory_space<vmem_shared>> -> memref<10000xf32, #tpu.memory_space<vmem_shared>>
      tpu.enqueue_indirect_dma source(%arg7 : memref<1000xf32, #tpu.memory_space<vmem>>) target(%dma_start3A_70 : memref<10000xf32, #tpu.memory_space<vmem_shared>>) offsets(%dma_start3A_68 : memref<1000xi32, #tpu.memory_space<vmem>>) semaphore(%arg11 : memref<!tpu.dma_semaphore, #tpu.memory_space<semaphore_mem>>) {add = true}
      %mul3A_71 = arith.constant 2 : i32
      %mul3A_72 = arith.muli %mul3A_71, %scan3A_59 : i32
      %add3A_73 = arith.constant 1 : i32
      %add3A_74 = arith.addi %mul3A_72, %add3A_73 : i32
      %ge3A_75 = arith.constant 2 : i32
      %ge3A_76 = arith.cmpi sge, %add3A_74, %ge3A_75 : i32
      %convert_element_type3A_77 = arith.extui %ge3A_76 : i1 to i32
      %cond3A_78 = arith.constant 0 : i32
      %cond3A_79 = arith.cmpi ne, %convert_element_type3A_77, %cond3A_78 : i32
      scf.if %cond3A_79 {
        tpu.wait_dma2 semaphore(%arg12 : memref<!tpu.dma_semaphore, #tpu.memory_space<semaphore_mem>>) src(%arg3 : memref<1000xf32, #tpu.memory_space<hbm>>) dst(%arg7 : memref<1000xf32, #tpu.memory_space<vmem>>)
      } else {
      }
      %dma_start3A_80 = arith.constant 0 : i32
      %dma_start3A_81 = tpu.memref_slice %arg6[%add3A_74, %dma_start3A_80] : memref<20x1000xi32, #tpu.memory_space<vmem>> -> memref<1x1000xi32, #tpu.memory_space<vmem>>
      %dma_start3A_82 = tpu.memref_squeeze %dma_start3A_81 : memref<1x1000xi32, #tpu.memory_space<vmem>> -> memref<1000xi32, #tpu.memory_space<vmem>>
      %dma_start3A_83 = arith.constant 0 : i32
      %dma_start3A_84 = tpu.memref_slice %arg10[%dma_start3A_83] : memref<10000xf32, #tpu.memory_space<vmem_shared>> -> memref<10000xf32, #tpu.memory_space<vmem_shared>>
      tpu.enqueue_indirect_dma source(%arg7 : memref<1000xf32, #tpu.memory_space<vmem>>) target(%dma_start3A_84 : memref<10000xf32, #tpu.memory_space<vmem_shared>>) offsets(%dma_start3A_82 : memref<1000xi32, #tpu.memory_space<vmem>>) semaphore(%arg12 : memref<!tpu.dma_semaphore, #tpu.memory_space<semaphore_mem>>) {add = true}
    }
    %scan3A_52 = arith.constant 10 : i32
    tpu.wait_dma2 semaphore(%arg11 : memref<!tpu.dma_semaphore, #tpu.memory_space<semaphore_mem>>) src(%arg3 : memref<1000xf32, #tpu.memory_space<hbm>>) dst(%arg7 : memref<1000xf32, #tpu.memory_space<vmem>>)
    tpu.wait_dma2 semaphore(%arg12 : memref<!tpu.dma_semaphore, #tpu.memory_space<semaphore_mem>>) src(%arg3 : memref<1000xf32, #tpu.memory_space<hbm>>) dst(%arg7 : memref<1000xf32, #tpu.memory_space<vmem>>)
    %barrier3A_53 = arith.constant 0 : index
    tpu.barrier barrier_id(%barrier3A_53)
    %eq3A_54 = arith.constant 0 : i32
    %eq3A_55 = arith.cmpi eq, %arg1, %eq3A_54 : i32
    %convert_element_type3A_56 = arith.extui %eq3A_55 : i1 to i32
    %cond3A_57 = arith.constant 0 : i32
    %cond3A_58 = arith.cmpi ne, %convert_element_type3A_56, %cond3A_57 : i32
    scf.if %cond3A_58 {
      "tpu.region"() ({
        %run_scoped3A_59 = tpu.sem_alloc : memref<!tpu.dma_semaphore, #tpu.memory_space<semaphore_mem>>
        tpu.enqueue_dma source(%arg10 : memref<10000xf32, #tpu.memory_space<vmem_shared>>) target(%arg9 : memref<10000xf32, #tpu.memory_space<vmem>>) target_semaphore(%run_scoped3A_59 : memref<!tpu.dma_semaphore, #tpu.memory_space<semaphore_mem>>)
        tpu.wait_dma2 semaphore(%run_scoped3A_59 : memref<!tpu.dma_semaphore, #tpu.memory_space<semaphore_mem>>) src(%arg10 : memref<10000xf32, #tpu.memory_space<vmem_shared>>) dst(%arg9 : memref<10000xf32, #tpu.memory_space<vmem>>)
        tpu.yield
      }) : () -> ()
      %run_scoped3A = arith.constant 0 : i32
      "tpu.region"() ({
        %run_scoped3A_59 = tpu.sem_alloc : memref<!tpu.dma_semaphore, #tpu.memory_space<semaphore_mem>>
        %dma_start3A = arith.constant 0 : i32
        %dma_start3A_60 = tpu.memref_slice %arg5[%arg0, %run_scoped3A, %dma_start3A] : memref<2x1x10000xf32, #tpu.memory_space<hbm>> -> memref<1x1x10000xf32, #tpu.memory_space<hbm>>
        %dma_start3A_61 = tpu.memref_squeeze %dma_start3A_60 : memref<1x1x10000xf32, #tpu.memory_space<hbm>> -> memref<10000xf32, #tpu.memory_space<hbm>>
        %dma_start3A_62 = arith.constant 0 : i32
        %dma_start3A_63 = tpu.memref_slice %arg5[%arg0, %run_scoped3A, %dma_start3A_62] : memref<2x1x10000xf32, #tpu.memory_space<hbm>> -> memref<1x1x10000xf32, #tpu.memory_space<hbm>>
        %dma_start3A_64 = tpu.memref_squeeze %dma_start3A_63 : memref<1x1x10000xf32, #tpu.memory_space<hbm>> -> memref<10000xf32, #tpu.memory_space<hbm>>
        tpu.enqueue_dma source(%arg9 : memref<10000xf32, #tpu.memory_space<vmem>>) target(%dma_start3A_64 : memref<10000xf32, #tpu.memory_space<hbm>>) target_semaphore(%run_scoped3A_59 : memref<!tpu.dma_semaphore, #tpu.memory_space<semaphore_mem>>)
        %dma_wait3A = arith.constant 0 : i32
        %dma_wait3A_65 = tpu.memref_slice %arg5[%arg0, %run_scoped3A, %dma_wait3A] : memref<2x1x10000xf32, #tpu.memory_space<hbm>> -> memref<1x1x10000xf32, #tpu.memory_space<hbm>>
        %dma_wait3A_66 = tpu.memref_squeeze %dma_wait3A_65 : memref<1x1x10000xf32, #tpu.memory_space<hbm>> -> memref<10000xf32, #tpu.memory_space<hbm>>
        %dma_wait3A_67 = arith.constant 0 : i32
        %dma_wait3A_68 = tpu.memref_slice %arg5[%arg0, %run_scoped3A, %dma_wait3A_67] : memref<2x1x10000xf32, #tpu.memory_space<hbm>> -> memref<1x1x10000xf32, #tpu.memory_space<hbm>>
        %dma_wait3A_69 = tpu.memref_squeeze %dma_wait3A_68 : memref<1x1x10000xf32, #tpu.memory_space<hbm>> -> memref<10000xf32, #tpu.memory_space<hbm>>
        tpu.wait_dma2 semaphore(%run_scoped3A_59 : memref<!tpu.dma_semaphore, #tpu.memory_space<semaphore_mem>>) src(%arg9 : memref<10000xf32, #tpu.memory_space<vmem>>) dst(%dma_wait3A_69 : memref<10000xf32, #tpu.memory_space<hbm>>)
        tpu.yield
      }) : () -> ()
    } else {
    }
    return
  }
}

#map = affine_map<(d0, d1) -> (0, 0)>
#map1 = affine_map<(d0, d1) -> (0, 0, 0)>
module attributes {stable_mosaic.version = 14 : i64} {
  func.func @_scatter_kernel(%arg0: i32, %arg1: i32, %arg2: memref<10000x64xf32, #tpu.memory_space<hbm>>, %arg3: memref<2x2560x125xi32, #tpu.memory_space<hbm>>, %arg4: memref<125x64xf32, #tpu.memory_space<hbm>>, %arg5: memref<2x10000x64xf32, #tpu.memory_space<hbm>>, %arg6: memref<80x125xi32, #tpu.memory_space<vmem>>, %arg7: memref<80x125xi32, #tpu.memory_space<vmem>>, %arg8: memref<125x64xf32, #tpu.memory_space<vmem>>, %arg9: memref<125x64xf32, #tpu.memory_space<vmem>>, %arg10: memref<125x64xf32, #tpu.memory_space<vmem>>, %arg11: memref<125x64xf32, #tpu.memory_space<vmem>>, %arg12: memref<10000x64xf32, #tpu.memory_space<vmem_shared>>, %arg13: memref<!tpu.dma_semaphore, #tpu.memory_space<semaphore_mem>>, %arg14: memref<!tpu.dma_semaphore, #tpu.memory_space<semaphore_mem>>, %arg15: memref<!tpu.dma_semaphore, #tpu.memory_space<semaphore_mem>>, %arg16: memref<!tpu.dma_semaphore, #tpu.memory_space<semaphore_mem>>, %arg17: memref<!tpu.dma_semaphore, #tpu.memory_space<semaphore_mem>>, %arg18: memref<!tpu.dma_semaphore, #tpu.memory_space<semaphore_mem>>, %arg19: memref<!tpu.dma_semaphore, #tpu.memory_space<semaphore_mem>>, %arg20: memref<!tpu.dma_semaphore, #tpu.memory_space<semaphore_mem>>) attributes {dimension_semantics = [#tpu.dimension_semantics<core_parallel>, #tpu.dimension_semantics<subcore_parallel>], iteration_bounds = array<i64: 2, 16>, scalar_prefetch = 0 : i64, scratch_operands = 15 : i64, tpu.core_type = #tpu.core_type<sc_vector_subcore>, window_params = [{transform_indices = #map}, {transform_indices = #map1}, {transform_indices = #map}, {transform_indices = #map1}]} {
    %mul3A = arith.constant 2 : i32
    %mul3A_0 = arith.muli %arg1, %mul3A : i32
    %add3A = arith.addi %mul3A_0, %arg0 : i32
    %mul3A_1 = arith.constant 80 : i32
    %mul3A_2 = arith.muli %add3A, %mul3A_1 : i32
    %dma_start3A = arith.constant 0 : i32
    %dma_start3A_3 = arith.constant 0 : i32
    %dma_start3A_4 = tpu.memref_slice %arg3[%dma_start3A, %mul3A_2, %dma_start3A_3] : memref<2x2560x125xi32, #tpu.memory_space<hbm>> -> memref<1x80x125xi32, #tpu.memory_space<hbm>>
    %dma_start3A_5 = tpu.memref_squeeze %dma_start3A_4 : memref<1x80x125xi32, #tpu.memory_space<hbm>> -> memref<80x125xi32, #tpu.memory_space<hbm>>
    %dma_start3A_6 = arith.constant 0 : i32
    %dma_start3A_7 = tpu.memref_slice %arg3[%dma_start3A, %mul3A_2, %dma_start3A_6] : memref<2x2560x125xi32, #tpu.memory_space<hbm>> -> memref<1x80x125xi32, #tpu.memory_space<hbm>>
    %dma_start3A_8 = tpu.memref_squeeze %dma_start3A_7 : memref<1x80x125xi32, #tpu.memory_space<hbm>> -> memref<80x125xi32, #tpu.memory_space<hbm>>
    tpu.enqueue_dma source(%dma_start3A_8 : memref<80x125xi32, #tpu.memory_space<hbm>>) target(%arg6 : memref<80x125xi32, #tpu.memory_space<vmem>>) target_semaphore(%arg13 : memref<!tpu.dma_semaphore, #tpu.memory_space<semaphore_mem>>)
    %mul3A_9 = arith.constant 80 : i32
    %mul3A_10 = arith.muli %add3A, %mul3A_9 : i32
    %dma_start3A_11 = arith.constant 1 : i32
    %dma_start3A_12 = arith.constant 0 : i32
    %dma_start3A_13 = tpu.memref_slice %arg3[%dma_start3A_11, %mul3A_10, %dma_start3A_12] : memref<2x2560x125xi32, #tpu.memory_space<hbm>> -> memref<1x80x125xi32, #tpu.memory_space<hbm>>
    %dma_start3A_14 = tpu.memref_squeeze %dma_start3A_13 : memref<1x80x125xi32, #tpu.memory_space<hbm>> -> memref<80x125xi32, #tpu.memory_space<hbm>>
    %dma_start3A_15 = arith.constant 0 : i32
    %dma_start3A_16 = tpu.memref_slice %arg3[%dma_start3A_11, %mul3A_10, %dma_start3A_15] : memref<2x2560x125xi32, #tpu.memory_space<hbm>> -> memref<1x80x125xi32, #tpu.memory_space<hbm>>
    %dma_start3A_17 = tpu.memref_squeeze %dma_start3A_16 : memref<1x80x125xi32, #tpu.memory_space<hbm>> -> memref<80x125xi32, #tpu.memory_space<hbm>>
    tpu.enqueue_dma source(%dma_start3A_17 : memref<80x125xi32, #tpu.memory_space<hbm>>) target(%arg7 : memref<80x125xi32, #tpu.memory_space<vmem>>) target_semaphore(%arg14 : memref<!tpu.dma_semaphore, #tpu.memory_space<semaphore_mem>>)
    "tpu.region"() ({
      %run_scoped3A = tpu.sem_alloc : memref<!tpu.dma_semaphore, #tpu.memory_space<semaphore_mem>>
      tpu.enqueue_dma source(%arg4 : memref<125x64xf32, #tpu.memory_space<hbm>>) target(%arg8 : memref<125x64xf32, #tpu.memory_space<vmem>>) target_semaphore(%run_scoped3A : memref<!tpu.dma_semaphore, #tpu.memory_space<semaphore_mem>>)
      tpu.wait_dma2 semaphore(%run_scoped3A : memref<!tpu.dma_semaphore, #tpu.memory_space<semaphore_mem>>) src(%arg4 : memref<125x64xf32, #tpu.memory_space<hbm>>) dst(%arg8 : memref<125x64xf32, #tpu.memory_space<vmem>>)
      tpu.yield
    }) : () -> ()
    %mul3A_18 = arith.constant 5 : i32
    %mul3A_19 = arith.muli %mul3A_18, %arg1 : i32
    %add3A_20 = arith.constant 0 : i32
    %add3A_21 = arith.addi %mul3A_19, %add3A_20 : i32
    %mul3A_22 = arith.constant 125 : i32
    %mul3A_23 = arith.muli %add3A_21, %mul3A_22 : i32
    %dma_start3A_24 = arith.constant 0 : i32
    %dma_start3A_25 = tpu.memref_slice %arg12[%mul3A_23, %dma_start3A_24] : memref<10000x64xf32, #tpu.memory_space<vmem_shared>> -> memref<125x64xf32, #tpu.memory_space<vmem_shared>>
    %dma_start3A_26 = arith.constant 0 : i32
    %dma_start3A_27 = tpu.memref_slice %arg12[%mul3A_23, %dma_start3A_26] : memref<10000x64xf32, #tpu.memory_space<vmem_shared>> -> memref<125x64xf32, #tpu.memory_space<vmem_shared>>
    tpu.enqueue_dma source(%arg8 : memref<125x64xf32, #tpu.memory_space<vmem>>) target(%dma_start3A_27 : memref<125x64xf32, #tpu.memory_space<vmem_shared>>) target_semaphore(%arg17 : memref<!tpu.dma_semaphore, #tpu.memory_space<semaphore_mem>>)
    %mul3A_28 = arith.constant 5 : i32
    %mul3A_29 = arith.muli %mul3A_28, %arg1 : i32
    %add3A_30 = arith.constant 1 : i32
    %add3A_31 = arith.addi %mul3A_29, %add3A_30 : i32
    %mul3A_32 = arith.constant 125 : i32
    %mul3A_33 = arith.muli %add3A_31, %mul3A_32 : i32
    %dma_start3A_34 = arith.constant 0 : i32
    %dma_start3A_35 = tpu.memref_slice %arg12[%mul3A_33, %dma_start3A_34] : memref<10000x64xf32, #tpu.memory_space<vmem_shared>> -> memref<125x64xf32, #tpu.memory_space<vmem_shared>>
    %dma_start3A_36 = arith.constant 0 : i32
    %dma_start3A_37 = tpu.memref_slice %arg12[%mul3A_33, %dma_start3A_36] : memref<10000x64xf32, #tpu.memory_space<vmem_shared>> -> memref<125x64xf32, #tpu.memory_space<vmem_shared>>
    tpu.enqueue_dma source(%arg8 : memref<125x64xf32, #tpu.memory_space<vmem>>) target(%dma_start3A_37 : memref<125x64xf32, #tpu.memory_space<vmem_shared>>) target_semaphore(%arg18 : memref<!tpu.dma_semaphore, #tpu.memory_space<semaphore_mem>>)
    %mul3A_38 = arith.constant 5 : i32
    %mul3A_39 = arith.muli %mul3A_38, %arg1 : i32
    %add3A_40 = arith.constant 2 : i32
    %add3A_41 = arith.addi %mul3A_39, %add3A_40 : i32
    %mul3A_42 = arith.constant 125 : i32
    %mul3A_43 = arith.muli %add3A_41, %mul3A_42 : i32
    %dma_start3A_44 = arith.constant 0 : i32
    %dma_start3A_45 = tpu.memref_slice %arg12[%mul3A_43, %dma_start3A_44] : memref<10000x64xf32, #tpu.memory_space<vmem_shared>> -> memref<125x64xf32, #tpu.memory_space<vmem_shared>>
    %dma_start3A_46 = arith.constant 0 : i32
    %dma_start3A_47 = tpu.memref_slice %arg12[%mul3A_43, %dma_start3A_46] : memref<10000x64xf32, #tpu.memory_space<vmem_shared>> -> memref<125x64xf32, #tpu.memory_space<vmem_shared>>
    tpu.enqueue_dma source(%arg8 : memref<125x64xf32, #tpu.memory_space<vmem>>) target(%dma_start3A_47 : memref<125x64xf32, #tpu.memory_space<vmem_shared>>) target_semaphore(%arg19 : memref<!tpu.dma_semaphore, #tpu.memory_space<semaphore_mem>>)
    %mul3A_48 = arith.constant 5 : i32
    %mul3A_49 = arith.muli %mul3A_48, %arg1 : i32
    %add3A_50 = arith.constant 3 : i32
    %add3A_51 = arith.addi %mul3A_49, %add3A_50 : i32
    %mul3A_52 = arith.constant 125 : i32
    %mul3A_53 = arith.muli %add3A_51, %mul3A_52 : i32
    %dma_start3A_54 = arith.constant 0 : i32
    %dma_start3A_55 = tpu.memref_slice %arg12[%mul3A_53, %dma_start3A_54] : memref<10000x64xf32, #tpu.memory_space<vmem_shared>> -> memref<125x64xf32, #tpu.memory_space<vmem_shared>>
    %dma_start3A_56 = arith.constant 0 : i32
    %dma_start3A_57 = tpu.memref_slice %arg12[%mul3A_53, %dma_start3A_56] : memref<10000x64xf32, #tpu.memory_space<vmem_shared>> -> memref<125x64xf32, #tpu.memory_space<vmem_shared>>
    tpu.enqueue_dma source(%arg8 : memref<125x64xf32, #tpu.memory_space<vmem>>) target(%dma_start3A_57 : memref<125x64xf32, #tpu.memory_space<vmem_shared>>) target_semaphore(%arg20 : memref<!tpu.dma_semaphore, #tpu.memory_space<semaphore_mem>>)
    %mul3A_58 = arith.constant 5 : i32
    %mul3A_59 = arith.muli %mul3A_58, %arg1 : i32
    %add3A_60 = arith.constant 4 : i32
    %add3A_61 = arith.addi %mul3A_59, %add3A_60 : i32
    %mul3A_62 = arith.constant 125 : i32
    %mul3A_63 = arith.muli %add3A_61, %mul3A_62 : i32
    %dma_start3A_64 = arith.constant 0 : i32
    %dma_start3A_65 = tpu.memref_slice %arg12[%mul3A_63, %dma_start3A_64] : memref<10000x64xf32, #tpu.memory_space<vmem_shared>> -> memref<125x64xf32, #tpu.memory_space<vmem_shared>>
    %dma_start3A_66 = arith.constant 0 : i32
    %dma_start3A_67 = tpu.memref_slice %arg12[%mul3A_63, %dma_start3A_66] : memref<10000x64xf32, #tpu.memory_space<vmem_shared>> -> memref<125x64xf32, #tpu.memory_space<vmem_shared>>
    tpu.enqueue_dma source(%arg8 : memref<125x64xf32, #tpu.memory_space<vmem>>) target(%dma_start3A_67 : memref<125x64xf32, #tpu.memory_space<vmem_shared>>) target_semaphore(%arg17 : memref<!tpu.dma_semaphore, #tpu.memory_space<semaphore_mem>>)
    tpu.wait_dma2 semaphore(%arg17 : memref<!tpu.dma_semaphore, #tpu.memory_space<semaphore_mem>>) src(%arg4 : memref<125x64xf32, #tpu.memory_space<hbm>>) dst(%arg8 : memref<125x64xf32, #tpu.memory_space<vmem>>)
    tpu.wait_dma2 semaphore(%arg18 : memref<!tpu.dma_semaphore, #tpu.memory_space<semaphore_mem>>) src(%arg4 : memref<125x64xf32, #tpu.memory_space<hbm>>) dst(%arg8 : memref<125x64xf32, #tpu.memory_space<vmem>>)
    tpu.wait_dma2 semaphore(%arg19 : memref<!tpu.dma_semaphore, #tpu.memory_space<semaphore_mem>>) src(%arg4 : memref<125x64xf32, #tpu.memory_space<hbm>>) dst(%arg8 : memref<125x64xf32, #tpu.memory_space<vmem>>)
    tpu.wait_dma2 semaphore(%arg20 : memref<!tpu.dma_semaphore, #tpu.memory_space<semaphore_mem>>) src(%arg4 : memref<125x64xf32, #tpu.memory_space<hbm>>) dst(%arg8 : memref<125x64xf32, #tpu.memory_space<vmem>>)
    tpu.wait_dma2 semaphore(%arg17 : memref<!tpu.dma_semaphore, #tpu.memory_space<semaphore_mem>>) src(%arg4 : memref<125x64xf32, #tpu.memory_space<hbm>>) dst(%arg8 : memref<125x64xf32, #tpu.memory_space<vmem>>)
    %dma_wait3A = arith.constant 0 : i32
    %dma_wait3A_68 = arith.constant 0 : i32
    %dma_wait3A_69 = arith.constant 0 : i32
    %dma_wait3A_70 = tpu.memref_slice %arg3[%dma_wait3A, %dma_wait3A_68, %dma_wait3A_69] : memref<2x2560x125xi32, #tpu.memory_space<hbm>> -> memref<1x80x125xi32, #tpu.memory_space<hbm>>
    %dma_wait3A_71 = tpu.memref_squeeze %dma_wait3A_70 : memref<1x80x125xi32, #tpu.memory_space<hbm>> -> memref<80x125xi32, #tpu.memory_space<hbm>>
    %dma_wait3A_72 = arith.constant 0 : i32
    %dma_wait3A_73 = arith.constant 0 : i32
    %dma_wait3A_74 = tpu.memref_slice %arg3[%dma_wait3A, %dma_wait3A_72, %dma_wait3A_73] : memref<2x2560x125xi32, #tpu.memory_space<hbm>> -> memref<1x80x125xi32, #tpu.memory_space<hbm>>
    %dma_wait3A_75 = tpu.memref_squeeze %dma_wait3A_74 : memref<1x80x125xi32, #tpu.memory_space<hbm>> -> memref<80x125xi32, #tpu.memory_space<hbm>>
    tpu.wait_dma2 semaphore(%arg13 : memref<!tpu.dma_semaphore, #tpu.memory_space<semaphore_mem>>) src(%dma_wait3A_75 : memref<80x125xi32, #tpu.memory_space<hbm>>) dst(%arg6 : memref<80x125xi32, #tpu.memory_space<vmem>>)
    %dma_wait3A_76 = arith.constant 0 : i32
    %dma_wait3A_77 = arith.constant 0 : i32
    %dma_wait3A_78 = arith.constant 0 : i32
    %dma_wait3A_79 = tpu.memref_slice %arg3[%dma_wait3A_76, %dma_wait3A_77, %dma_wait3A_78] : memref<2x2560x125xi32, #tpu.memory_space<hbm>> -> memref<1x80x125xi32, #tpu.memory_space<hbm>>
    %dma_wait3A_80 = tpu.memref_squeeze %dma_wait3A_79 : memref<1x80x125xi32, #tpu.memory_space<hbm>> -> memref<80x125xi32, #tpu.memory_space<hbm>>
    %dma_wait3A_81 = arith.constant 0 : i32
    %dma_wait3A_82 = arith.constant 0 : i32
    %dma_wait3A_83 = tpu.memref_slice %arg3[%dma_wait3A_76, %dma_wait3A_81, %dma_wait3A_82] : memref<2x2560x125xi32, #tpu.memory_space<hbm>> -> memref<1x80x125xi32, #tpu.memory_space<hbm>>
    %dma_wait3A_84 = tpu.memref_squeeze %dma_wait3A_83 : memref<1x80x125xi32, #tpu.memory_space<hbm>> -> memref<80x125xi32, #tpu.memory_space<hbm>>
    tpu.wait_dma2 semaphore(%arg14 : memref<!tpu.dma_semaphore, #tpu.memory_space<semaphore_mem>>) src(%dma_wait3A_84 : memref<80x125xi32, #tpu.memory_space<hbm>>) dst(%arg7 : memref<80x125xi32, #tpu.memory_space<vmem>>)
    %barrier3A = arith.constant 0 : index
    tpu.barrier barrier_id(%barrier3A)
    %dma_start3A_85 = arith.constant 0 : i32
    %dma_start3A_86 = arith.constant 0 : i32
    %dma_start3A_87 = tpu.memref_slice %arg6[%dma_start3A_85, %dma_start3A_86] : memref<80x125xi32, #tpu.memory_space<vmem>> -> memref<1x125xi32, #tpu.memory_space<vmem>>
    %dma_start3A_88 = tpu.memref_squeeze %dma_start3A_87 : memref<1x125xi32, #tpu.memory_space<vmem>> -> memref<125xi32, #tpu.memory_space<vmem>>
    %dma_start3A_89 = arith.constant 0 : i32
    %dma_start3A_90 = arith.constant 0 : i32
    %dma_start3A_91 = tpu.memref_slice %arg2[%dma_start3A_89, %dma_start3A_90] : memref<10000x64xf32, #tpu.memory_space<hbm>> -> memref<10000x64xf32, #tpu.memory_space<hbm>>
    tpu.enqueue_indirect_dma source(%dma_start3A_91 : memref<10000x64xf32, #tpu.memory_space<hbm>>) target(%arg8 : memref<125x64xf32, #tpu.memory_space<vmem>>) offsets(%dma_start3A_88 : memref<125xi32, #tpu.memory_space<vmem>>) semaphore(%arg13 : memref<!tpu.dma_semaphore, #tpu.memory_space<semaphore_mem>>)
    %dma_start3A_92 = arith.constant 1 : i32
    %dma_start3A_93 = arith.constant 0 : i32
    %dma_start3A_94 = tpu.memref_slice %arg6[%dma_start3A_92, %dma_start3A_93] : memref<80x125xi32, #tpu.memory_space<vmem>> -> memref<1x125xi32, #tpu.memory_space<vmem>>
    %dma_start3A_95 = tpu.memref_squeeze %dma_start3A_94 : memref<1x125xi32, #tpu.memory_space<vmem>> -> memref<125xi32, #tpu.memory_space<vmem>>
    %dma_start3A_96 = arith.constant 0 : i32
    %dma_start3A_97 = arith.constant 0 : i32
    %dma_start3A_98 = tpu.memref_slice %arg2[%dma_start3A_96, %dma_start3A_97] : memref<10000x64xf32, #tpu.memory_space<hbm>> -> memref<10000x64xf32, #tpu.memory_space<hbm>>
    tpu.enqueue_indirect_dma source(%dma_start3A_98 : memref<10000x64xf32, #tpu.memory_space<hbm>>) target(%arg9 : memref<125x64xf32, #tpu.memory_space<vmem>>) offsets(%dma_start3A_95 : memref<125xi32, #tpu.memory_space<vmem>>) semaphore(%arg14 : memref<!tpu.dma_semaphore, #tpu.memory_space<semaphore_mem>>)
    %dma_start3A_99 = arith.constant 2 : i32
    %dma_start3A_100 = arith.constant 0 : i32
    %dma_start3A_101 = tpu.memref_slice %arg6[%dma_start3A_99, %dma_start3A_100] : memref<80x125xi32, #tpu.memory_space<vmem>> -> memref<1x125xi32, #tpu.memory_space<vmem>>
    %dma_start3A_102 = tpu.memref_squeeze %dma_start3A_101 : memref<1x125xi32, #tpu.memory_space<vmem>> -> memref<125xi32, #tpu.memory_space<vmem>>
    %dma_start3A_103 = arith.constant 0 : i32
    %dma_start3A_104 = arith.constant 0 : i32
    %dma_start3A_105 = tpu.memref_slice %arg2[%dma_start3A_103, %dma_start3A_104] : memref<10000x64xf32, #tpu.memory_space<hbm>> -> memref<10000x64xf32, #tpu.memory_space<hbm>>
    tpu.enqueue_indirect_dma source(%dma_start3A_105 : memref<10000x64xf32, #tpu.memory_space<hbm>>) target(%arg10 : memref<125x64xf32, #tpu.memory_space<vmem>>) offsets(%dma_start3A_102 : memref<125xi32, #tpu.memory_space<vmem>>) semaphore(%arg15 : memref<!tpu.dma_semaphore, #tpu.memory_space<semaphore_mem>>)
    %scan3A = arith.constant 0 : i32
    %scan3A_106 = arith.constant 0 : i32
    %scan3A_107 = arith.constant 20 : i32
    %scan3A_108 = arith.addi %scan3A_106, %scan3A_107 : i32
    %scan3A_109 = arith.constant 1 : i32
    scf.for %scan3A_202 = %scan3A_106 to %scan3A_108 step %scan3A_109  : i32 {
      %mul3A_203 = arith.constant 4 : i32
      %mul3A_204 = arith.muli %mul3A_203, %scan3A_202 : i32
      %add3A_205 = arith.constant 0 : i32
      %add3A_206 = arith.addi %mul3A_204, %add3A_205 : i32
      %gt3A = arith.constant 0 : i32
      %gt3A_207 = arith.cmpi sgt, %add3A_206, %gt3A : i32
      %convert_element_type3A = arith.extui %gt3A_207 : i1 to i32
      %cond3A = arith.constant 0 : i32
      %cond3A_208 = arith.cmpi ne, %convert_element_type3A, %cond3A : i32
      scf.if %cond3A_208 {
        tpu.wait_dma2 semaphore(%arg20 : memref<!tpu.dma_semaphore, #tpu.memory_space<semaphore_mem>>) src(%arg4 : memref<125x64xf32, #tpu.memory_space<hbm>>) dst(%arg11 : memref<125x64xf32, #tpu.memory_space<vmem>>)
      } else {
      }
      %add3A_209 = arith.constant 3 : i32
      %add3A_210 = arith.addi %add3A_206, %add3A_209 : i32
      %lt3A = arith.constant 80 : i32
      %lt3A_211 = arith.cmpi slt, %add3A_210, %lt3A : i32
      %convert_element_type3A_212 = arith.extui %lt3A_211 : i1 to i32
      %cond3A_213 = arith.constant 0 : i32
      %cond3A_214 = arith.cmpi ne, %convert_element_type3A_212, %cond3A_213 : i32
      scf.if %cond3A_214 {
        %add3A_287 = arith.constant 3 : i32
        %add3A_288 = arith.addi %add3A_206, %add3A_287 : i32
        %dma_start3A_289 = arith.constant 0 : i32
        %dma_start3A_290 = tpu.memref_slice %arg6[%add3A_288, %dma_start3A_289] : memref<80x125xi32, #tpu.memory_space<vmem>> -> memref<1x125xi32, #tpu.memory_space<vmem>>
        %dma_start3A_291 = tpu.memref_squeeze %dma_start3A_290 : memref<1x125xi32, #tpu.memory_space<vmem>> -> memref<125xi32, #tpu.memory_space<vmem>>
        %dma_start3A_292 = arith.constant 0 : i32
        %dma_start3A_293 = arith.constant 0 : i32
        %dma_start3A_294 = tpu.memref_slice %arg2[%dma_start3A_292, %dma_start3A_293] : memref<10000x64xf32, #tpu.memory_space<hbm>> -> memref<10000x64xf32, #tpu.memory_space<hbm>>
        tpu.enqueue_indirect_dma source(%dma_start3A_294 : memref<10000x64xf32, #tpu.memory_space<hbm>>) target(%arg11 : memref<125x64xf32, #tpu.memory_space<vmem>>) offsets(%dma_start3A_291 : memref<125xi32, #tpu.memory_space<vmem>>) semaphore(%arg16 : memref<!tpu.dma_semaphore, #tpu.memory_space<semaphore_mem>>)
      } else {
      }
      tpu.wait_dma2 semaphore(%arg13 : memref<!tpu.dma_semaphore, #tpu.memory_space<semaphore_mem>>) src(%arg4 : memref<125x64xf32, #tpu.memory_space<hbm>>) dst(%arg8 : memref<125x64xf32, #tpu.memory_space<vmem>>)
      %dma_start3A_215 = arith.constant 0 : i32
      %dma_start3A_216 = tpu.memref_slice %arg7[%add3A_206, %dma_start3A_215] : memref<80x125xi32, #tpu.memory_space<vmem>> -> memref<1x125xi32, #tpu.memory_space<vmem>>
      %dma_start3A_217 = tpu.memref_squeeze %dma_start3A_216 : memref<1x125xi32, #tpu.memory_space<vmem>> -> memref<125xi32, #tpu.memory_space<vmem>>
      %dma_start3A_218 = arith.constant 0 : i32
      %dma_start3A_219 = arith.constant 0 : i32
      %dma_start3A_220 = tpu.memref_slice %arg12[%dma_start3A_218, %dma_start3A_219] : memref<10000x64xf32, #tpu.memory_space<vmem_shared>> -> memref<10000x64xf32, #tpu.memory_space<vmem_shared>>
      tpu.enqueue_indirect_dma source(%arg8 : memref<125x64xf32, #tpu.memory_space<vmem>>) target(%dma_start3A_220 : memref<10000x64xf32, #tpu.memory_space<vmem_shared>>) offsets(%dma_start3A_217 : memref<125xi32, #tpu.memory_space<vmem>>) semaphore(%arg17 : memref<!tpu.dma_semaphore, #tpu.memory_space<semaphore_mem>>) {add = true}
      %mul3A_221 = arith.constant 4 : i32
      %mul3A_222 = arith.muli %mul3A_221, %scan3A_202 : i32
      %add3A_223 = arith.constant 1 : i32
      %add3A_224 = arith.addi %mul3A_222, %add3A_223 : i32
      %gt3A_225 = arith.constant 0 : i32
      %gt3A_226 = arith.cmpi sgt, %add3A_224, %gt3A_225 : i32
      %convert_element_type3A_227 = arith.extui %gt3A_226 : i1 to i32
      %cond3A_228 = arith.constant 0 : i32
      %cond3A_229 = arith.cmpi ne, %convert_element_type3A_227, %cond3A_228 : i32
      scf.if %cond3A_229 {
        tpu.wait_dma2 semaphore(%arg17 : memref<!tpu.dma_semaphore, #tpu.memory_space<semaphore_mem>>) src(%arg4 : memref<125x64xf32, #tpu.memory_space<hbm>>) dst(%arg8 : memref<125x64xf32, #tpu.memory_space<vmem>>)
      } else {
      }
      %add3A_230 = arith.constant 3 : i32
      %add3A_231 = arith.addi %add3A_224, %add3A_230 : i32
      %lt3A_232 = arith.constant 80 : i32
      %lt3A_233 = arith.cmpi slt, %add3A_231, %lt3A_232 : i32
      %convert_element_type3A_234 = arith.extui %lt3A_233 : i1 to i32
      %cond3A_235 = arith.constant 0 : i32
      %cond3A_236 = arith.cmpi ne, %convert_element_type3A_234, %cond3A_235 : i32
      scf.if %cond3A_236 {
        %add3A_287 = arith.constant 3 : i32
        %add3A_288 = arith.addi %add3A_224, %add3A_287 : i32
        %dma_start3A_289 = arith.constant 0 : i32
        %dma_start3A_290 = tpu.memref_slice %arg6[%add3A_288, %dma_start3A_289] : memref<80x125xi32, #tpu.memory_space<vmem>> -> memref<1x125xi32, #tpu.memory_space<vmem>>
        %dma_start3A_291 = tpu.memref_squeeze %dma_start3A_290 : memref<1x125xi32, #tpu.memory_space<vmem>> -> memref<125xi32, #tpu.memory_space<vmem>>
        %dma_start3A_292 = arith.constant 0 : i32
        %dma_start3A_293 = arith.constant 0 : i32
        %dma_start3A_294 = tpu.memref_slice %arg2[%dma_start3A_292, %dma_start3A_293] : memref<10000x64xf32, #tpu.memory_space<hbm>> -> memref<10000x64xf32, #tpu.memory_space<hbm>>
        tpu.enqueue_indirect_dma source(%dma_start3A_294 : memref<10000x64xf32, #tpu.memory_space<hbm>>) target(%arg8 : memref<125x64xf32, #tpu.memory_space<vmem>>) offsets(%dma_start3A_291 : memref<125xi32, #tpu.memory_space<vmem>>) semaphore(%arg13 : memref<!tpu.dma_semaphore, #tpu.memory_space<semaphore_mem>>)
      } else {
      }
      tpu.wait_dma2 semaphore(%arg14 : memref<!tpu.dma_semaphore, #tpu.memory_space<semaphore_mem>>) src(%arg4 : memref<125x64xf32, #tpu.memory_space<hbm>>) dst(%arg9 : memref<125x64xf32, #tpu.memory_space<vmem>>)
      %dma_start3A_237 = arith.constant 0 : i32
      %dma_start3A_238 = tpu.memref_slice %arg7[%add3A_224, %dma_start3A_237] : memref<80x125xi32, #tpu.memory_space<vmem>> -> memref<1x125xi32, #tpu.memory_space<vmem>>
      %dma_start3A_239 = tpu.memref_squeeze %dma_start3A_238 : memref<1x125xi32, #tpu.memory_space<vmem>> -> memref<125xi32, #tpu.memory_space<vmem>>
      %dma_start3A_240 = arith.constant 0 : i32
      %dma_start3A_241 = arith.constant 0 : i32
      %dma_start3A_242 = tpu.memref_slice %arg12[%dma_start3A_240, %dma_start3A_241] : memref<10000x64xf32, #tpu.memory_space<vmem_shared>> -> memref<10000x64xf32, #tpu.memory_space<vmem_shared>>
      tpu.enqueue_indirect_dma source(%arg9 : memref<125x64xf32, #tpu.memory_space<vmem>>) target(%dma_start3A_242 : memref<10000x64xf32, #tpu.memory_space<vmem_shared>>) offsets(%dma_start3A_239 : memref<125xi32, #tpu.memory_space<vmem>>) semaphore(%arg18 : memref<!tpu.dma_semaphore, #tpu.memory_space<semaphore_mem>>) {add = true}
      %mul3A_243 = arith.constant 4 : i32
      %mul3A_244 = arith.muli %mul3A_243, %scan3A_202 : i32
      %add3A_245 = arith.constant 2 : i32
      %add3A_246 = arith.addi %mul3A_244, %add3A_245 : i32
      %gt3A_247 = arith.constant 0 : i32
      %gt3A_248 = arith.cmpi sgt, %add3A_246, %gt3A_247 : i32
      %convert_element_type3A_249 = arith.extui %gt3A_248 : i1 to i32
      %cond3A_250 = arith.constant 0 : i32
      %cond3A_251 = arith.cmpi ne, %convert_element_type3A_249, %cond3A_250 : i32
      scf.if %cond3A_251 {
        tpu.wait_dma2 semaphore(%arg18 : memref<!tpu.dma_semaphore, #tpu.memory_space<semaphore_mem>>) src(%arg4 : memref<125x64xf32, #tpu.memory_space<hbm>>) dst(%arg9 : memref<125x64xf32, #tpu.memory_space<vmem>>)
      } else {
      }
      %add3A_252 = arith.constant 3 : i32
      %add3A_253 = arith.addi %add3A_246, %add3A_252 : i32
      %lt3A_254 = arith.constant 80 : i32
      %lt3A_255 = arith.cmpi slt, %add3A_253, %lt3A_254 : i32
      %convert_element_type3A_256 = arith.extui %lt3A_255 : i1 to i32
      %cond3A_257 = arith.constant 0 : i32
      %cond3A_258 = arith.cmpi ne, %convert_element_type3A_256, %cond3A_257 : i32
      scf.if %cond3A_258 {
        %add3A_287 = arith.constant 3 : i32
        %add3A_288 = arith.addi %add3A_246, %add3A_287 : i32
        %dma_start3A_289 = arith.constant 0 : i32
        %dma_start3A_290 = tpu.memref_slice %arg6[%add3A_288, %dma_start3A_289] : memref<80x125xi32, #tpu.memory_space<vmem>> -> memref<1x125xi32, #tpu.memory_space<vmem>>
        %dma_start3A_291 = tpu.memref_squeeze %dma_start3A_290 : memref<1x125xi32, #tpu.memory_space<vmem>> -> memref<125xi32, #tpu.memory_space<vmem>>
        %dma_start3A_292 = arith.constant 0 : i32
        %dma_start3A_293 = arith.constant 0 : i32
        %dma_start3A_294 = tpu.memref_slice %arg2[%dma_start3A_292, %dma_start3A_293] : memref<10000x64xf32, #tpu.memory_space<hbm>> -> memref<10000x64xf32, #tpu.memory_space<hbm>>
        tpu.enqueue_indirect_dma source(%dma_start3A_294 : memref<10000x64xf32, #tpu.memory_space<hbm>>) target(%arg9 : memref<125x64xf32, #tpu.memory_space<vmem>>) offsets(%dma_start3A_291 : memref<125xi32, #tpu.memory_space<vmem>>) semaphore(%arg14 : memref<!tpu.dma_semaphore, #tpu.memory_space<semaphore_mem>>)
      } else {
      }
      tpu.wait_dma2 semaphore(%arg15 : memref<!tpu.dma_semaphore, #tpu.memory_space<semaphore_mem>>) src(%arg4 : memref<125x64xf32, #tpu.memory_space<hbm>>) dst(%arg10 : memref<125x64xf32, #tpu.memory_space<vmem>>)
      %dma_start3A_259 = arith.constant 0 : i32
      %dma_start3A_260 = tpu.memref_slice %arg7[%add3A_246, %dma_start3A_259] : memref<80x125xi32, #tpu.memory_space<vmem>> -> memref<1x125xi32, #tpu.memory_space<vmem>>
      %dma_start3A_261 = tpu.memref_squeeze %dma_start3A_260 : memref<1x125xi32, #tpu.memory_space<vmem>> -> memref<125xi32, #tpu.memory_space<vmem>>
      %dma_start3A_262 = arith.constant 0 : i32
      %dma_start3A_263 = arith.constant 0 : i32
      %dma_start3A_264 = tpu.memref_slice %arg12[%dma_start3A_262, %dma_start3A_263] : memref<10000x64xf32, #tpu.memory_space<vmem_shared>> -> memref<10000x64xf32, #tpu.memory_space<vmem_shared>>
      tpu.enqueue_indirect_dma source(%arg10 : memref<125x64xf32, #tpu.memory_space<vmem>>) target(%dma_start3A_264 : memref<10000x64xf32, #tpu.memory_space<vmem_shared>>) offsets(%dma_start3A_261 : memref<125xi32, #tpu.memory_space<vmem>>) semaphore(%arg19 : memref<!tpu.dma_semaphore, #tpu.memory_space<semaphore_mem>>) {add = true}
      %mul3A_265 = arith.constant 4 : i32
      %mul3A_266 = arith.muli %mul3A_265, %scan3A_202 : i32
      %add3A_267 = arith.constant 3 : i32
      %add3A_268 = arith.addi %mul3A_266, %add3A_267 : i32
      %gt3A_269 = arith.constant 0 : i32
      %gt3A_270 = arith.cmpi sgt, %add3A_268, %gt3A_269 : i32
      %convert_element_type3A_271 = arith.extui %gt3A_270 : i1 to i32
      %cond3A_272 = arith.constant 0 : i32
      %cond3A_273 = arith.cmpi ne, %convert_element_type3A_271, %cond3A_272 : i32
      scf.if %cond3A_273 {
        tpu.wait_dma2 semaphore(%arg19 : memref<!tpu.dma_semaphore, #tpu.memory_space<semaphore_mem>>) src(%arg4 : memref<125x64xf32, #tpu.memory_space<hbm>>) dst(%arg10 : memref<125x64xf32, #tpu.memory_space<vmem>>)
      } else {
      }
      %add3A_274 = arith.constant 3 : i32
      %add3A_275 = arith.addi %add3A_268, %add3A_274 : i32
      %lt3A_276 = arith.constant 80 : i32
      %lt3A_277 = arith.cmpi slt, %add3A_275, %lt3A_276 : i32
      %convert_element_type3A_278 = arith.extui %lt3A_277 : i1 to i32
      %cond3A_279 = arith.constant 0 : i32
      %cond3A_280 = arith.cmpi ne, %convert_element_type3A_278, %cond3A_279 : i32
      scf.if %cond3A_280 {
        %add3A_287 = arith.constant 3 : i32
        %add3A_288 = arith.addi %add3A_268, %add3A_287 : i32
        %dma_start3A_289 = arith.constant 0 : i32
        %dma_start3A_290 = tpu.memref_slice %arg6[%add3A_288, %dma_start3A_289] : memref<80x125xi32, #tpu.memory_space<vmem>> -> memref<1x125xi32, #tpu.memory_space<vmem>>
        %dma_start3A_291 = tpu.memref_squeeze %dma_start3A_290 : memref<1x125xi32, #tpu.memory_space<vmem>> -> memref<125xi32, #tpu.memory_space<vmem>>
        %dma_start3A_292 = arith.constant 0 : i32
        %dma_start3A_293 = arith.constant 0 : i32
        %dma_start3A_294 = tpu.memref_slice %arg2[%dma_start3A_292, %dma_start3A_293] : memref<10000x64xf32, #tpu.memory_space<hbm>> -> memref<10000x64xf32, #tpu.memory_space<hbm>>
        tpu.enqueue_indirect_dma source(%dma_start3A_294 : memref<10000x64xf32, #tpu.memory_space<hbm>>) target(%arg10 : memref<125x64xf32, #tpu.memory_space<vmem>>) offsets(%dma_start3A_291 : memref<125xi32, #tpu.memory_space<vmem>>) semaphore(%arg15 : memref<!tpu.dma_semaphore, #tpu.memory_space<semaphore_mem>>)
      } else {
      }
      tpu.wait_dma2 semaphore(%arg16 : memref<!tpu.dma_semaphore, #tpu.memory_space<semaphore_mem>>) src(%arg4 : memref<125x64xf32, #tpu.memory_space<hbm>>) dst(%arg11 : memref<125x64xf32, #tpu.memory_space<vmem>>)
      %dma_start3A_281 = arith.constant 0 : i32
      %dma_start3A_282 = tpu.memref_slice %arg7[%add3A_268, %dma_start3A_281] : memref<80x125xi32, #tpu.memory_space<vmem>> -> memref<1x125xi32, #tpu.memory_space<vmem>>
      %dma_start3A_283 = tpu.memref_squeeze %dma_start3A_282 : memref<1x125xi32, #tpu.memory_space<vmem>> -> memref<125xi32, #tpu.memory_space<vmem>>
      %dma_start3A_284 = arith.constant 0 : i32
      %dma_start3A_285 = arith.constant 0 : i32
      %dma_start3A_286 = tpu.memref_slice %arg12[%dma_start3A_284, %dma_start3A_285] : memref<10000x64xf32, #tpu.memory_space<vmem_shared>> -> memref<10000x64xf32, #tpu.memory_space<vmem_shared>>
      tpu.enqueue_indirect_dma source(%arg11 : memref<125x64xf32, #tpu.memory_space<vmem>>) target(%dma_start3A_286 : memref<10000x64xf32, #tpu.memory_space<vmem_shared>>) offsets(%dma_start3A_283 : memref<125xi32, #tpu.memory_space<vmem>>) semaphore(%arg20 : memref<!tpu.dma_semaphore, #tpu.memory_space<semaphore_mem>>) {add = true}
    }
    %scan3A_110 = arith.constant 20 : i32
    tpu.wait_dma2 semaphore(%arg20 : memref<!tpu.dma_semaphore, #tpu.memory_space<semaphore_mem>>) src(%arg4 : memref<125x64xf32, #tpu.memory_space<hbm>>) dst(%arg11 : memref<125x64xf32, #tpu.memory_space<vmem>>)
    %barrier3A_111 = arith.constant 0 : index
    tpu.barrier barrier_id(%barrier3A_111)
    %mul3A_112 = arith.constant 5 : i32
    %mul3A_113 = arith.muli %mul3A_112, %arg1 : i32
    %add3A_114 = arith.constant 0 : i32
    %add3A_115 = arith.addi %mul3A_113, %add3A_114 : i32
    %mul3A_116 = arith.constant 125 : i32
    %mul3A_117 = arith.muli %add3A_115, %mul3A_116 : i32
    %dma_start3A_118 = arith.constant 0 : i32
    %dma_start3A_119 = tpu.memref_slice %arg12[%mul3A_117, %dma_start3A_118] : memref<10000x64xf32, #tpu.memory_space<vmem_shared>> -> memref<125x64xf32, #tpu.memory_space<vmem_shared>>
    %dma_start3A_120 = arith.constant 0 : i32
    %dma_start3A_121 = tpu.memref_slice %arg12[%mul3A_117, %dma_start3A_120] : memref<10000x64xf32, #tpu.memory_space<vmem_shared>> -> memref<125x64xf32, #tpu.memory_space<vmem_shared>>
    tpu.enqueue_dma source(%dma_start3A_121 : memref<125x64xf32, #tpu.memory_space<vmem_shared>>) target(%arg8 : memref<125x64xf32, #tpu.memory_space<vmem>>) target_semaphore(%arg13 : memref<!tpu.dma_semaphore, #tpu.memory_space<semaphore_mem>>)
    tpu.wait_dma2 semaphore(%arg13 : memref<!tpu.dma_semaphore, #tpu.memory_space<semaphore_mem>>) src(%arg4 : memref<125x64xf32, #tpu.memory_space<hbm>>) dst(%arg8 : memref<125x64xf32, #tpu.memory_space<vmem>>)
    %mul3A_122 = arith.constant 125 : i32
    %mul3A_123 = arith.muli %add3A_115, %mul3A_122 : i32
    %dma_start3A_124 = arith.constant 0 : i32
    %dma_start3A_125 = tpu.memref_slice %arg5[%arg0, %mul3A_123, %dma_start3A_124] : memref<2x10000x64xf32, #tpu.memory_space<hbm>> -> memref<1x125x64xf32, #tpu.memory_space<hbm>>
    %dma_start3A_126 = tpu.memref_squeeze %dma_start3A_125 : memref<1x125x64xf32, #tpu.memory_space<hbm>> -> memref<125x64xf32, #tpu.memory_space<hbm>>
    %dma_start3A_127 = arith.constant 0 : i32
    %dma_start3A_128 = tpu.memref_slice %arg5[%arg0, %mul3A_123, %dma_start3A_127] : memref<2x10000x64xf32, #tpu.memory_space<hbm>> -> memref<1x125x64xf32, #tpu.memory_space<hbm>>
    %dma_start3A_129 = tpu.memref_squeeze %dma_start3A_128 : memref<1x125x64xf32, #tpu.memory_space<hbm>> -> memref<125x64xf32, #tpu.memory_space<hbm>>
    tpu.enqueue_dma source(%arg8 : memref<125x64xf32, #tpu.memory_space<vmem>>) target(%dma_start3A_129 : memref<125x64xf32, #tpu.memory_space<hbm>>) target_semaphore(%arg17 : memref<!tpu.dma_semaphore, #tpu.memory_space<semaphore_mem>>)
    %mul3A_130 = arith.constant 5 : i32
    %mul3A_131 = arith.muli %mul3A_130, %arg1 : i32
    %add3A_132 = arith.constant 1 : i32
    %add3A_133 = arith.addi %mul3A_131, %add3A_132 : i32
    %mul3A_134 = arith.constant 125 : i32
    %mul3A_135 = arith.muli %add3A_133, %mul3A_134 : i32
    %dma_start3A_136 = arith.constant 0 : i32
    %dma_start3A_137 = tpu.memref_slice %arg12[%mul3A_135, %dma_start3A_136] : memref<10000x64xf32, #tpu.memory_space<vmem_shared>> -> memref<125x64xf32, #tpu.memory_space<vmem_shared>>
    %dma_start3A_138 = arith.constant 0 : i32
    %dma_start3A_139 = tpu.memref_slice %arg12[%mul3A_135, %dma_start3A_138] : memref<10000x64xf32, #tpu.memory_space<vmem_shared>> -> memref<125x64xf32, #tpu.memory_space<vmem_shared>>
    tpu.enqueue_dma source(%dma_start3A_139 : memref<125x64xf32, #tpu.memory_space<vmem_shared>>) target(%arg9 : memref<125x64xf32, #tpu.memory_space<vmem>>) target_semaphore(%arg14 : memref<!tpu.dma_semaphore, #tpu.memory_space<semaphore_mem>>)
    tpu.wait_dma2 semaphore(%arg14 : memref<!tpu.dma_semaphore, #tpu.memory_space<semaphore_mem>>) src(%arg4 : memref<125x64xf32, #tpu.memory_space<hbm>>) dst(%arg9 : memref<125x64xf32, #tpu.memory_space<vmem>>)
    %mul3A_140 = arith.constant 125 : i32
    %mul3A_141 = arith.muli %add3A_133, %mul3A_140 : i32
    %dma_start3A_142 = arith.constant 0 : i32
    %dma_start3A_143 = tpu.memref_slice %arg5[%arg0, %mul3A_141, %dma_start3A_142] : memref<2x10000x64xf32, #tpu.memory_space<hbm>> -> memref<1x125x64xf32, #tpu.memory_space<hbm>>
    %dma_start3A_144 = tpu.memref_squeeze %dma_start3A_143 : memref<1x125x64xf32, #tpu.memory_space<hbm>> -> memref<125x64xf32, #tpu.memory_space<hbm>>
    %dma_start3A_145 = arith.constant 0 : i32
    %dma_start3A_146 = tpu.memref_slice %arg5[%arg0, %mul3A_141, %dma_start3A_145] : memref<2x10000x64xf32, #tpu.memory_space<hbm>> -> memref<1x125x64xf32, #tpu.memory_space<hbm>>
    %dma_start3A_147 = tpu.memref_squeeze %dma_start3A_146 : memref<1x125x64xf32, #tpu.memory_space<hbm>> -> memref<125x64xf32, #tpu.memory_space<hbm>>
    tpu.enqueue_dma source(%arg9 : memref<125x64xf32, #tpu.memory_space<vmem>>) target(%dma_start3A_147 : memref<125x64xf32, #tpu.memory_space<hbm>>) target_semaphore(%arg18 : memref<!tpu.dma_semaphore, #tpu.memory_space<semaphore_mem>>)
    %mul3A_148 = arith.constant 5 : i32
    %mul3A_149 = arith.muli %mul3A_148, %arg1 : i32
    %add3A_150 = arith.constant 2 : i32
    %add3A_151 = arith.addi %mul3A_149, %add3A_150 : i32
    %mul3A_152 = arith.constant 125 : i32
    %mul3A_153 = arith.muli %add3A_151, %mul3A_152 : i32
    %dma_start3A_154 = arith.constant 0 : i32
    %dma_start3A_155 = tpu.memref_slice %arg12[%mul3A_153, %dma_start3A_154] : memref<10000x64xf32, #tpu.memory_space<vmem_shared>> -> memref<125x64xf32, #tpu.memory_space<vmem_shared>>
    %dma_start3A_156 = arith.constant 0 : i32
    %dma_start3A_157 = tpu.memref_slice %arg12[%mul3A_153, %dma_start3A_156] : memref<10000x64xf32, #tpu.memory_space<vmem_shared>> -> memref<125x64xf32, #tpu.memory_space<vmem_shared>>
    tpu.enqueue_dma source(%dma_start3A_157 : memref<125x64xf32, #tpu.memory_space<vmem_shared>>) target(%arg10 : memref<125x64xf32, #tpu.memory_space<vmem>>) target_semaphore(%arg15 : memref<!tpu.dma_semaphore, #tpu.memory_space<semaphore_mem>>)
    tpu.wait_dma2 semaphore(%arg15 : memref<!tpu.dma_semaphore, #tpu.memory_space<semaphore_mem>>) src(%arg4 : memref<125x64xf32, #tpu.memory_space<hbm>>) dst(%arg10 : memref<125x64xf32, #tpu.memory_space<vmem>>)
    %mul3A_158 = arith.constant 125 : i32
    %mul3A_159 = arith.muli %add3A_151, %mul3A_158 : i32
    %dma_start3A_160 = arith.constant 0 : i32
    %dma_start3A_161 = tpu.memref_slice %arg5[%arg0, %mul3A_159, %dma_start3A_160] : memref<2x10000x64xf32, #tpu.memory_space<hbm>> -> memref<1x125x64xf32, #tpu.memory_space<hbm>>
    %dma_start3A_162 = tpu.memref_squeeze %dma_start3A_161 : memref<1x125x64xf32, #tpu.memory_space<hbm>> -> memref<125x64xf32, #tpu.memory_space<hbm>>
    %dma_start3A_163 = arith.constant 0 : i32
    %dma_start3A_164 = tpu.memref_slice %arg5[%arg0, %mul3A_159, %dma_start3A_163] : memref<2x10000x64xf32, #tpu.memory_space<hbm>> -> memref<1x125x64xf32, #tpu.memory_space<hbm>>
    %dma_start3A_165 = tpu.memref_squeeze %dma_start3A_164 : memref<1x125x64xf32, #tpu.memory_space<hbm>> -> memref<125x64xf32, #tpu.memory_space<hbm>>
    tpu.enqueue_dma source(%arg10 : memref<125x64xf32, #tpu.memory_space<vmem>>) target(%dma_start3A_165 : memref<125x64xf32, #tpu.memory_space<hbm>>) target_semaphore(%arg19 : memref<!tpu.dma_semaphore, #tpu.memory_space<semaphore_mem>>)
    %mul3A_166 = arith.constant 5 : i32
    %mul3A_167 = arith.muli %mul3A_166, %arg1 : i32
    %add3A_168 = arith.constant 3 : i32
    %add3A_169 = arith.addi %mul3A_167, %add3A_168 : i32
    %mul3A_170 = arith.constant 125 : i32
    %mul3A_171 = arith.muli %add3A_169, %mul3A_170 : i32
    %dma_start3A_172 = arith.constant 0 : i32
    %dma_start3A_173 = tpu.memref_slice %arg12[%mul3A_171, %dma_start3A_172] : memref<10000x64xf32, #tpu.memory_space<vmem_shared>> -> memref<125x64xf32, #tpu.memory_space<vmem_shared>>
    %dma_start3A_174 = arith.constant 0 : i32
    %dma_start3A_175 = tpu.memref_slice %arg12[%mul3A_171, %dma_start3A_174] : memref<10000x64xf32, #tpu.memory_space<vmem_shared>> -> memref<125x64xf32, #tpu.memory_space<vmem_shared>>
    tpu.enqueue_dma source(%dma_start3A_175 : memref<125x64xf32, #tpu.memory_space<vmem_shared>>) target(%arg11 : memref<125x64xf32, #tpu.memory_space<vmem>>) target_semaphore(%arg16 : memref<!tpu.dma_semaphore, #tpu.memory_space<semaphore_mem>>)
    tpu.wait_dma2 semaphore(%arg16 : memref<!tpu.dma_semaphore, #tpu.memory_space<semaphore_mem>>) src(%arg4 : memref<125x64xf32, #tpu.memory_space<hbm>>) dst(%arg11 : memref<125x64xf32, #tpu.memory_space<vmem>>)
    %mul3A_176 = arith.constant 125 : i32
    %mul3A_177 = arith.muli %add3A_169, %mul3A_176 : i32
    %dma_start3A_178 = arith.constant 0 : i32
    %dma_start3A_179 = tpu.memref_slice %arg5[%arg0, %mul3A_177, %dma_start3A_178] : memref<2x10000x64xf32, #tpu.memory_space<hbm>> -> memref<1x125x64xf32, #tpu.memory_space<hbm>>
    %dma_start3A_180 = tpu.memref_squeeze %dma_start3A_179 : memref<1x125x64xf32, #tpu.memory_space<hbm>> -> memref<125x64xf32, #tpu.memory_space<hbm>>
    %dma_start3A_181 = arith.constant 0 : i32
    %dma_start3A_182 = tpu.memref_slice %arg5[%arg0, %mul3A_177, %dma_start3A_181] : memref<2x10000x64xf32, #tpu.memory_space<hbm>> -> memref<1x125x64xf32, #tpu.memory_space<hbm>>
    %dma_start3A_183 = tpu.memref_squeeze %dma_start3A_182 : memref<1x125x64xf32, #tpu.memory_space<hbm>> -> memref<125x64xf32, #tpu.memory_space<hbm>>
    tpu.enqueue_dma source(%arg11 : memref<125x64xf32, #tpu.memory_space<vmem>>) target(%dma_start3A_183 : memref<125x64xf32, #tpu.memory_space<hbm>>) target_semaphore(%arg20 : memref<!tpu.dma_semaphore, #tpu.memory_space<semaphore_mem>>)
    tpu.wait_dma2 semaphore(%arg17 : memref<!tpu.dma_semaphore, #tpu.memory_space<semaphore_mem>>) src(%arg4 : memref<125x64xf32, #tpu.memory_space<hbm>>) dst(%arg8 : memref<125x64xf32, #tpu.memory_space<vmem>>)
    %mul3A_184 = arith.constant 5 : i32
    %mul3A_185 = arith.muli %mul3A_184, %arg1 : i32
    %add3A_186 = arith.constant 4 : i32
    %add3A_187 = arith.addi %mul3A_185, %add3A_186 : i32
    %mul3A_188 = arith.constant 125 : i32
    %mul3A_189 = arith.muli %add3A_187, %mul3A_188 : i32
    %dma_start3A_190 = arith.constant 0 : i32
    %dma_start3A_191 = tpu.memref_slice %arg12[%mul3A_189, %dma_start3A_190] : memref<10000x64xf32, #tpu.memory_space<vmem_shared>> -> memref<125x64xf32, #tpu.memory_space<vmem_shared>>
    %dma_start3A_192 = arith.constant 0 : i32
    %dma_start3A_193 = tpu.memref_slice %arg12[%mul3A_189, %dma_start3A_192] : memref<10000x64xf32, #tpu.memory_space<vmem_shared>> -> memref<125x64xf32, #tpu.memory_space<vmem_shared>>
    tpu.enqueue_dma source(%dma_start3A_193 : memref<125x64xf32, #tpu.memory_space<vmem_shared>>) target(%arg8 : memref<125x64xf32, #tpu.memory_space<vmem>>) target_semaphore(%arg13 : memref<!tpu.dma_semaphore, #tpu.memory_space<semaphore_mem>>)
    tpu.wait_dma2 semaphore(%arg13 : memref<!tpu.dma_semaphore, #tpu.memory_space<semaphore_mem>>) src(%arg4 : memref<125x64xf32, #tpu.memory_space<hbm>>) dst(%arg8 : memref<125x64xf32, #tpu.memory_space<vmem>>)
    %mul3A_194 = arith.constant 125 : i32
    %mul3A_195 = arith.muli %add3A_187, %mul3A_194 : i32
    %dma_start3A_196 = arith.constant 0 : i32
    %dma_start3A_197 = tpu.memref_slice %arg5[%arg0, %mul3A_195, %dma_start3A_196] : memref<2x10000x64xf32, #tpu.memory_space<hbm>> -> memref<1x125x64xf32, #tpu.memory_space<hbm>>
    %dma_start3A_198 = tpu.memref_squeeze %dma_start3A_197 : memref<1x125x64xf32, #tpu.memory_space<hbm>> -> memref<125x64xf32, #tpu.memory_space<hbm>>
    %dma_start3A_199 = arith.constant 0 : i32
    %dma_start3A_200 = tpu.memref_slice %arg5[%arg0, %mul3A_195, %dma_start3A_199] : memref<2x10000x64xf32, #tpu.memory_space<hbm>> -> memref<1x125x64xf32, #tpu.memory_space<hbm>>
    %dma_start3A_201 = tpu.memref_squeeze %dma_start3A_200 : memref<1x125x64xf32, #tpu.memory_space<hbm>> -> memref<125x64xf32, #tpu.memory_space<hbm>>
    tpu.enqueue_dma source(%arg8 : memref<125x64xf32, #tpu.memory_space<vmem>>) target(%dma_start3A_201 : memref<125x64xf32, #tpu.memory_space<hbm>>) target_semaphore(%arg17 : memref<!tpu.dma_semaphore, #tpu.memory_space<semaphore_mem>>)
    tpu.wait_dma2 semaphore(%arg18 : memref<!tpu.dma_semaphore, #tpu.memory_space<semaphore_mem>>) src(%arg4 : memref<125x64xf32, #tpu.memory_space<hbm>>) dst(%arg9 : memref<125x64xf32, #tpu.memory_space<vmem>>)
    tpu.wait_dma2 semaphore(%arg19 : memref<!tpu.dma_semaphore, #tpu.memory_space<semaphore_mem>>) src(%arg4 : memref<125x64xf32, #tpu.memory_space<hbm>>) dst(%arg10 : memref<125x64xf32, #tpu.memory_space<vmem>>)
    tpu.wait_dma2 semaphore(%arg20 : memref<!tpu.dma_semaphore, #tpu.memory_space<semaphore_mem>>) src(%arg4 : memref<125x64xf32, #tpu.memory_space<hbm>>) dst(%arg11 : memref<125x64xf32, #tpu.memory_space<vmem>>)
    tpu.wait_dma2 semaphore(%arg17 : memref<!tpu.dma_semaphore, #tpu.memory_space<semaphore_mem>>) src(%arg4 : memref<125x64xf32, #tpu.memory_space<hbm>>) dst(%arg8 : memref<125x64xf32, #tpu.memory_space<vmem>>)
    return
  }
}

#map = affine_map<(d0, d1) -> (0, 0)>
#map1 = affine_map<(d0, d1) -> (0, 0, 0)>
module attributes {stable_mosaic.version = 14 : i64} {
  func.func @_scatter_kernel(%arg0: i32, %arg1: i32, %arg2: memref<10000x64xf32, #tpu.memory_space<hbm>>, %arg3: memref<2x2560x125xi32, #tpu.memory_space<hbm>>, %arg4: memref<125x64xf32, #tpu.memory_space<hbm>>, %arg5: memref<2x10000x64xf32, #tpu.memory_space<hbm>>, %arg6: memref<80x125xi32, #tpu.memory_space<vmem>>, %arg7: memref<80x125xi32, #tpu.memory_space<vmem>>, %arg8: memref<125x64xf32, #tpu.memory_space<vmem>>, %arg9: memref<125x64xf32, #tpu.memory_space<vmem>>, %arg10: memref<125x64xf32, #tpu.memory_space<vmem>>, %arg11: memref<125x64xf32, #tpu.memory_space<vmem>>, %arg12: memref<10000x64xf32, #tpu.memory_space<vmem_shared>>, %arg13: memref<!tpu.dma_semaphore, #tpu.memory_space<semaphore_mem>>, %arg14: memref<!tpu.dma_semaphore, #tpu.memory_space<semaphore_mem>>, %arg15: memref<!tpu.dma_semaphore, #tpu.memory_space<semaphore_mem>>, %arg16: memref<!tpu.dma_semaphore, #tpu.memory_space<semaphore_mem>>, %arg17: memref<!tpu.dma_semaphore, #tpu.memory_space<semaphore_mem>>, %arg18: memref<!tpu.dma_semaphore, #tpu.memory_space<semaphore_mem>>, %arg19: memref<!tpu.dma_semaphore, #tpu.memory_space<semaphore_mem>>, %arg20: memref<!tpu.dma_semaphore, #tpu.memory_space<semaphore_mem>>) attributes {dimension_semantics = [#tpu.dimension_semantics<core_parallel>, #tpu.dimension_semantics<subcore_parallel>], iteration_bounds = array<i64: 2, 16>, scalar_prefetch = 0 : i64, scratch_operands = 15 : i64, tpu.core_type = #tpu.core_type<sc_vector_subcore>, window_params = [{transform_indices = #map}, {transform_indices = #map1}, {transform_indices = #map}, {transform_indices = #map1}]} {
    %mul3A = arith.constant 2 : i32
    %mul3A_0 = arith.muli %arg1, %mul3A : i32
    %add3A = arith.addi %mul3A_0, %arg0 : i32
    %mul3A_1 = arith.constant 80 : i32
    %mul3A_2 = arith.muli %add3A, %mul3A_1 : i32
    %dma_start3A = arith.constant 0 : i32
    %dma_start3A_3 = arith.constant 0 : i32
    %dma_start3A_4 = tpu.memref_slice %arg3[%dma_start3A, %mul3A_2, %dma_start3A_3] : memref<2x2560x125xi32, #tpu.memory_space<hbm>> -> memref<1x80x125xi32, #tpu.memory_space<hbm>>
    %dma_start3A_5 = tpu.memref_squeeze %dma_start3A_4 : memref<1x80x125xi32, #tpu.memory_space<hbm>> -> memref<80x125xi32, #tpu.memory_space<hbm>>
    %dma_start3A_6 = arith.constant 0 : i32
    %dma_start3A_7 = tpu.memref_slice %arg3[%dma_start3A, %mul3A_2, %dma_start3A_6] : memref<2x2560x125xi32, #tpu.memory_space<hbm>> -> memref<1x80x125xi32, #tpu.memory_space<hbm>>
    %dma_start3A_8 = tpu.memref_squeeze %dma_start3A_7 : memref<1x80x125xi32, #tpu.memory_space<hbm>> -> memref<80x125xi32, #tpu.memory_space<hbm>>
    tpu.enqueue_dma source(%dma_start3A_8 : memref<80x125xi32, #tpu.memory_space<hbm>>) target(%arg6 : memref<80x125xi32, #tpu.memory_space<vmem>>) target_semaphore(%arg13 : memref<!tpu.dma_semaphore, #tpu.memory_space<semaphore_mem>>)
    %mul3A_9 = arith.constant 80 : i32
    %mul3A_10 = arith.muli %add3A, %mul3A_9 : i32
    %dma_start3A_11 = arith.constant 1 : i32
    %dma_start3A_12 = arith.constant 0 : i32
    %dma_start3A_13 = tpu.memref_slice %arg3[%dma_start3A_11, %mul3A_10, %dma_start3A_12] : memref<2x2560x125xi32, #tpu.memory_space<hbm>> -> memref<1x80x125xi32, #tpu.memory_space<hbm>>
    %dma_start3A_14 = tpu.memref_squeeze %dma_start3A_13 : memref<1x80x125xi32, #tpu.memory_space<hbm>> -> memref<80x125xi32, #tpu.memory_space<hbm>>
    %dma_start3A_15 = arith.constant 0 : i32
    %dma_start3A_16 = tpu.memref_slice %arg3[%dma_start3A_11, %mul3A_10, %dma_start3A_15] : memref<2x2560x125xi32, #tpu.memory_space<hbm>> -> memref<1x80x125xi32, #tpu.memory_space<hbm>>
    %dma_start3A_17 = tpu.memref_squeeze %dma_start3A_16 : memref<1x80x125xi32, #tpu.memory_space<hbm>> -> memref<80x125xi32, #tpu.memory_space<hbm>>
    tpu.enqueue_dma source(%dma_start3A_17 : memref<80x125xi32, #tpu.memory_space<hbm>>) target(%arg7 : memref<80x125xi32, #tpu.memory_space<vmem>>) target_semaphore(%arg14 : memref<!tpu.dma_semaphore, #tpu.memory_space<semaphore_mem>>)
    "tpu.region"() ({
      %run_scoped3A = tpu.sem_alloc : memref<!tpu.dma_semaphore, #tpu.memory_space<semaphore_mem>>
      tpu.enqueue_dma source(%arg4 : memref<125x64xf32, #tpu.memory_space<hbm>>) target(%arg8 : memref<125x64xf32, #tpu.memory_space<vmem>>) target_semaphore(%run_scoped3A : memref<!tpu.dma_semaphore, #tpu.memory_space<semaphore_mem>>)
      tpu.wait_dma2 semaphore(%run_scoped3A : memref<!tpu.dma_semaphore, #tpu.memory_space<semaphore_mem>>) src(%arg4 : memref<125x64xf32, #tpu.memory_space<hbm>>) dst(%arg8 : memref<125x64xf32, #tpu.memory_space<vmem>>)
      tpu.yield
    }) : () -> ()
    %mul3A_18 = arith.constant 5 : i32
    %mul3A_19 = arith.muli %mul3A_18, %arg1 : i32
    %add3A_20 = arith.constant 0 : i32
    %add3A_21 = arith.addi %mul3A_19, %add3A_20 : i32
    %mul3A_22 = arith.constant 125 : i32
    %mul3A_23 = arith.muli %add3A_21, %mul3A_22 : i32
    %dma_start3A_24 = arith.constant 0 : i32
    %dma_start3A_25 = tpu.memref_slice %arg12[%mul3A_23, %dma_start3A_24] : memref<10000x64xf32, #tpu.memory_space<vmem_shared>> -> memref<125x64xf32, #tpu.memory_space<vmem_shared>>
    %dma_start3A_26 = arith.constant 0 : i32
    %dma_start3A_27 = tpu.memref_slice %arg12[%mul3A_23, %dma_start3A_26] : memref<10000x64xf32, #tpu.memory_space<vmem_shared>> -> memref<125x64xf32, #tpu.memory_space<vmem_shared>>
    tpu.enqueue_dma source(%arg8 : memref<125x64xf32, #tpu.memory_space<vmem>>) target(%dma_start3A_27 : memref<125x64xf32, #tpu.memory_space<vmem_shared>>) target_semaphore(%arg17 : memref<!tpu.dma_semaphore, #tpu.memory_space<semaphore_mem>>)
    %mul3A_28 = arith.constant 5 : i32
    %mul3A_29 = arith.muli %mul3A_28, %arg1 : i32
    %add3A_30 = arith.constant 1 : i32
    %add3A_31 = arith.addi %mul3A_29, %add3A_30 : i32
    %mul3A_32 = arith.constant 125 : i32
    %mul3A_33 = arith.muli %add3A_31, %mul3A_32 : i32
    %dma_start3A_34 = arith.constant 0 : i32
    %dma_start3A_35 = tpu.memref_slice %arg12[%mul3A_33, %dma_start3A_34] : memref<10000x64xf32, #tpu.memory_space<vmem_shared>> -> memref<125x64xf32, #tpu.memory_space<vmem_shared>>
    %dma_start3A_36 = arith.constant 0 : i32
    %dma_start3A_37 = tpu.memref_slice %arg12[%mul3A_33, %dma_start3A_36] : memref<10000x64xf32, #tpu.memory_space<vmem_shared>> -> memref<125x64xf32, #tpu.memory_space<vmem_shared>>
    tpu.enqueue_dma source(%arg8 : memref<125x64xf32, #tpu.memory_space<vmem>>) target(%dma_start3A_37 : memref<125x64xf32, #tpu.memory_space<vmem_shared>>) target_semaphore(%arg18 : memref<!tpu.dma_semaphore, #tpu.memory_space<semaphore_mem>>)
    %mul3A_38 = arith.constant 5 : i32
    %mul3A_39 = arith.muli %mul3A_38, %arg1 : i32
    %add3A_40 = arith.constant 2 : i32
    %add3A_41 = arith.addi %mul3A_39, %add3A_40 : i32
    %mul3A_42 = arith.constant 125 : i32
    %mul3A_43 = arith.muli %add3A_41, %mul3A_42 : i32
    %dma_start3A_44 = arith.constant 0 : i32
    %dma_start3A_45 = tpu.memref_slice %arg12[%mul3A_43, %dma_start3A_44] : memref<10000x64xf32, #tpu.memory_space<vmem_shared>> -> memref<125x64xf32, #tpu.memory_space<vmem_shared>>
    %dma_start3A_46 = arith.constant 0 : i32
    %dma_start3A_47 = tpu.memref_slice %arg12[%mul3A_43, %dma_start3A_46] : memref<10000x64xf32, #tpu.memory_space<vmem_shared>> -> memref<125x64xf32, #tpu.memory_space<vmem_shared>>
    tpu.enqueue_dma source(%arg8 : memref<125x64xf32, #tpu.memory_space<vmem>>) target(%dma_start3A_47 : memref<125x64xf32, #tpu.memory_space<vmem_shared>>) target_semaphore(%arg19 : memref<!tpu.dma_semaphore, #tpu.memory_space<semaphore_mem>>)
    %mul3A_48 = arith.constant 5 : i32
    %mul3A_49 = arith.muli %mul3A_48, %arg1 : i32
    %add3A_50 = arith.constant 3 : i32
    %add3A_51 = arith.addi %mul3A_49, %add3A_50 : i32
    %mul3A_52 = arith.constant 125 : i32
    %mul3A_53 = arith.muli %add3A_51, %mul3A_52 : i32
    %dma_start3A_54 = arith.constant 0 : i32
    %dma_start3A_55 = tpu.memref_slice %arg12[%mul3A_53, %dma_start3A_54] : memref<10000x64xf32, #tpu.memory_space<vmem_shared>> -> memref<125x64xf32, #tpu.memory_space<vmem_shared>>
    %dma_start3A_56 = arith.constant 0 : i32
    %dma_start3A_57 = tpu.memref_slice %arg12[%mul3A_53, %dma_start3A_56] : memref<10000x64xf32, #tpu.memory_space<vmem_shared>> -> memref<125x64xf32, #tpu.memory_space<vmem_shared>>
    tpu.enqueue_dma source(%arg8 : memref<125x64xf32, #tpu.memory_space<vmem>>) target(%dma_start3A_57 : memref<125x64xf32, #tpu.memory_space<vmem_shared>>) target_semaphore(%arg20 : memref<!tpu.dma_semaphore, #tpu.memory_space<semaphore_mem>>)
    %mul3A_58 = arith.constant 5 : i32
    %mul3A_59 = arith.muli %mul3A_58, %arg1 : i32
    %add3A_60 = arith.constant 4 : i32
    %add3A_61 = arith.addi %mul3A_59, %add3A_60 : i32
    %mul3A_62 = arith.constant 125 : i32
    %mul3A_63 = arith.muli %add3A_61, %mul3A_62 : i32
    %dma_start3A_64 = arith.constant 0 : i32
    %dma_start3A_65 = tpu.memref_slice %arg12[%mul3A_63, %dma_start3A_64] : memref<10000x64xf32, #tpu.memory_space<vmem_shared>> -> memref<125x64xf32, #tpu.memory_space<vmem_shared>>
    %dma_start3A_66 = arith.constant 0 : i32
    %dma_start3A_67 = tpu.memref_slice %arg12[%mul3A_63, %dma_start3A_66] : memref<10000x64xf32, #tpu.memory_space<vmem_shared>> -> memref<125x64xf32, #tpu.memory_space<vmem_shared>>
    tpu.enqueue_dma source(%arg8 : memref<125x64xf32, #tpu.memory_space<vmem>>) target(%dma_start3A_67 : memref<125x64xf32, #tpu.memory_space<vmem_shared>>) target_semaphore(%arg17 : memref<!tpu.dma_semaphore, #tpu.memory_space<semaphore_mem>>)
    tpu.wait_dma2 semaphore(%arg17 : memref<!tpu.dma_semaphore, #tpu.memory_space<semaphore_mem>>) src(%arg4 : memref<125x64xf32, #tpu.memory_space<hbm>>) dst(%arg8 : memref<125x64xf32, #tpu.memory_space<vmem>>)
    tpu.wait_dma2 semaphore(%arg18 : memref<!tpu.dma_semaphore, #tpu.memory_space<semaphore_mem>>) src(%arg4 : memref<125x64xf32, #tpu.memory_space<hbm>>) dst(%arg8 : memref<125x64xf32, #tpu.memory_space<vmem>>)
    tpu.wait_dma2 semaphore(%arg19 : memref<!tpu.dma_semaphore, #tpu.memory_space<semaphore_mem>>) src(%arg4 : memref<125x64xf32, #tpu.memory_space<hbm>>) dst(%arg8 : memref<125x64xf32, #tpu.memory_space<vmem>>)
    tpu.wait_dma2 semaphore(%arg20 : memref<!tpu.dma_semaphore, #tpu.memory_space<semaphore_mem>>) src(%arg4 : memref<125x64xf32, #tpu.memory_space<hbm>>) dst(%arg8 : memref<125x64xf32, #tpu.memory_space<vmem>>)
    tpu.wait_dma2 semaphore(%arg17 : memref<!tpu.dma_semaphore, #tpu.memory_space<semaphore_mem>>) src(%arg4 : memref<125x64xf32, #tpu.memory_space<hbm>>) dst(%arg8 : memref<125x64xf32, #tpu.memory_space<vmem>>)
    %dma_wait3A = arith.constant 0 : i32
    %dma_wait3A_68 = arith.constant 0 : i32
    %dma_wait3A_69 = arith.constant 0 : i32
    %dma_wait3A_70 = tpu.memref_slice %arg3[%dma_wait3A, %dma_wait3A_68, %dma_wait3A_69] : memref<2x2560x125xi32, #tpu.memory_space<hbm>> -> memref<1x80x125xi32, #tpu.memory_space<hbm>>
    %dma_wait3A_71 = tpu.memref_squeeze %dma_wait3A_70 : memref<1x80x125xi32, #tpu.memory_space<hbm>> -> memref<80x125xi32, #tpu.memory_space<hbm>>
    %dma_wait3A_72 = arith.constant 0 : i32
    %dma_wait3A_73 = arith.constant 0 : i32
    %dma_wait3A_74 = tpu.memref_slice %arg3[%dma_wait3A, %dma_wait3A_72, %dma_wait3A_73] : memref<2x2560x125xi32, #tpu.memory_space<hbm>> -> memref<1x80x125xi32, #tpu.memory_space<hbm>>
    %dma_wait3A_75 = tpu.memref_squeeze %dma_wait3A_74 : memref<1x80x125xi32, #tpu.memory_space<hbm>> -> memref<80x125xi32, #tpu.memory_space<hbm>>
    tpu.wait_dma2 semaphore(%arg13 : memref<!tpu.dma_semaphore, #tpu.memory_space<semaphore_mem>>) src(%dma_wait3A_75 : memref<80x125xi32, #tpu.memory_space<hbm>>) dst(%arg6 : memref<80x125xi32, #tpu.memory_space<vmem>>)
    %dma_wait3A_76 = arith.constant 0 : i32
    %dma_wait3A_77 = arith.constant 0 : i32
    %dma_wait3A_78 = arith.constant 0 : i32
    %dma_wait3A_79 = tpu.memref_slice %arg3[%dma_wait3A_76, %dma_wait3A_77, %dma_wait3A_78] : memref<2x2560x125xi32, #tpu.memory_space<hbm>> -> memref<1x80x125xi32, #tpu.memory_space<hbm>>
    %dma_wait3A_80 = tpu.memref_squeeze %dma_wait3A_79 : memref<1x80x125xi32, #tpu.memory_space<hbm>> -> memref<80x125xi32, #tpu.memory_space<hbm>>
    %dma_wait3A_81 = arith.constant 0 : i32
    %dma_wait3A_82 = arith.constant 0 : i32
    %dma_wait3A_83 = tpu.memref_slice %arg3[%dma_wait3A_76, %dma_wait3A_81, %dma_wait3A_82] : memref<2x2560x125xi32, #tpu.memory_space<hbm>> -> memref<1x80x125xi32, #tpu.memory_space<hbm>>
    %dma_wait3A_84 = tpu.memref_squeeze %dma_wait3A_83 : memref<1x80x125xi32, #tpu.memory_space<hbm>> -> memref<80x125xi32, #tpu.memory_space<hbm>>
    tpu.wait_dma2 semaphore(%arg14 : memref<!tpu.dma_semaphore, #tpu.memory_space<semaphore_mem>>) src(%dma_wait3A_84 : memref<80x125xi32, #tpu.memory_space<hbm>>) dst(%arg7 : memref<80x125xi32, #tpu.memory_space<vmem>>)
    %barrier3A = arith.constant 0 : index
    tpu.barrier barrier_id(%barrier3A)
    %dma_start3A_85 = arith.constant 0 : i32
    %dma_start3A_86 = arith.constant 0 : i32
    %dma_start3A_87 = tpu.memref_slice %arg6[%dma_start3A_85, %dma_start3A_86] : memref<80x125xi32, #tpu.memory_space<vmem>> -> memref<1x125xi32, #tpu.memory_space<vmem>>
    %dma_start3A_88 = tpu.memref_squeeze %dma_start3A_87 : memref<1x125xi32, #tpu.memory_space<vmem>> -> memref<125xi32, #tpu.memory_space<vmem>>
    %dma_start3A_89 = arith.constant 0 : i32
    %dma_start3A_90 = arith.constant 0 : i32
    %dma_start3A_91 = tpu.memref_slice %arg2[%dma_start3A_89, %dma_start3A_90] : memref<10000x64xf32, #tpu.memory_space<hbm>> -> memref<10000x64xf32, #tpu.memory_space<hbm>>
    tpu.enqueue_indirect_dma source(%dma_start3A_91 : memref<10000x64xf32, #tpu.memory_space<hbm>>) target(%arg8 : memref<125x64xf32, #tpu.memory_space<vmem>>) offsets(%dma_start3A_88 : memref<125xi32, #tpu.memory_space<vmem>>) semaphore(%arg13 : memref<!tpu.dma_semaphore, #tpu.memory_space<semaphore_mem>>)
    %dma_start3A_92 = arith.constant 1 : i32
    %dma_start3A_93 = arith.constant 0 : i32
    %dma_start3A_94 = tpu.memref_slice %arg6[%dma_start3A_92, %dma_start3A_93] : memref<80x125xi32, #tpu.memory_space<vmem>> -> memref<1x125xi32, #tpu.memory_space<vmem>>
    %dma_start3A_95 = tpu.memref_squeeze %dma_start3A_94 : memref<1x125xi32, #tpu.memory_space<vmem>> -> memref<125xi32, #tpu.memory_space<vmem>>
    %dma_start3A_96 = arith.constant 0 : i32
    %dma_start3A_97 = arith.constant 0 : i32
    %dma_start3A_98 = tpu.memref_slice %arg2[%dma_start3A_96, %dma_start3A_97] : memref<10000x64xf32, #tpu.memory_space<hbm>> -> memref<10000x64xf32, #tpu.memory_space<hbm>>
    tpu.enqueue_indirect_dma source(%dma_start3A_98 : memref<10000x64xf32, #tpu.memory_space<hbm>>) target(%arg9 : memref<125x64xf32, #tpu.memory_space<vmem>>) offsets(%dma_start3A_95 : memref<125xi32, #tpu.memory_space<vmem>>) semaphore(%arg14 : memref<!tpu.dma_semaphore, #tpu.memory_space<semaphore_mem>>)
    %dma_start3A_99 = arith.constant 2 : i32
    %dma_start3A_100 = arith.constant 0 : i32
    %dma_start3A_101 = tpu.memref_slice %arg6[%dma_start3A_99, %dma_start3A_100] : memref<80x125xi32, #tpu.memory_space<vmem>> -> memref<1x125xi32, #tpu.memory_space<vmem>>
    %dma_start3A_102 = tpu.memref_squeeze %dma_start3A_101 : memref<1x125xi32, #tpu.memory_space<vmem>> -> memref<125xi32, #tpu.memory_space<vmem>>
    %dma_start3A_103 = arith.constant 0 : i32
    %dma_start3A_104 = arith.constant 0 : i32
    %dma_start3A_105 = tpu.memref_slice %arg2[%dma_start3A_103, %dma_start3A_104] : memref<10000x64xf32, #tpu.memory_space<hbm>> -> memref<10000x64xf32, #tpu.memory_space<hbm>>
    tpu.enqueue_indirect_dma source(%dma_start3A_105 : memref<10000x64xf32, #tpu.memory_space<hbm>>) target(%arg10 : memref<125x64xf32, #tpu.memory_space<vmem>>) offsets(%dma_start3A_102 : memref<125xi32, #tpu.memory_space<vmem>>) semaphore(%arg15 : memref<!tpu.dma_semaphore, #tpu.memory_space<semaphore_mem>>)
    %scan3A = arith.constant 0 : i32
    %scan3A_106 = arith.constant 0 : i32
    %scan3A_107 = arith.constant 20 : i32
    %scan3A_108 = arith.addi %scan3A_106, %scan3A_107 : i32
    %scan3A_109 = arith.constant 1 : i32
    scf.for %scan3A_202 = %scan3A_106 to %scan3A_108 step %scan3A_109  : i32 {
      %mul3A_203 = arith.constant 4 : i32
      %mul3A_204 = arith.muli %mul3A_203, %scan3A_202 : i32
      %add3A_205 = arith.constant 0 : i32
      %add3A_206 = arith.addi %mul3A_204, %add3A_205 : i32
      %gt3A = arith.constant 0 : i32
      %gt3A_207 = arith.cmpi sgt, %add3A_206, %gt3A : i32
      %convert_element_type3A = arith.extui %gt3A_207 : i1 to i32
      %cond3A = arith.constant 0 : i32
      %cond3A_208 = arith.cmpi ne, %convert_element_type3A, %cond3A : i32
      scf.if %cond3A_208 {
        tpu.wait_dma2 semaphore(%arg20 : memref<!tpu.dma_semaphore, #tpu.memory_space<semaphore_mem>>) src(%arg4 : memref<125x64xf32, #tpu.memory_space<hbm>>) dst(%arg11 : memref<125x64xf32, #tpu.memory_space<vmem>>)
      } else {
      }
      %add3A_209 = arith.constant 3 : i32
      %add3A_210 = arith.addi %add3A_206, %add3A_209 : i32
      %lt3A = arith.constant 80 : i32
      %lt3A_211 = arith.cmpi slt, %add3A_210, %lt3A : i32
      %convert_element_type3A_212 = arith.extui %lt3A_211 : i1 to i32
      %cond3A_213 = arith.constant 0 : i32
      %cond3A_214 = arith.cmpi ne, %convert_element_type3A_212, %cond3A_213 : i32
      scf.if %cond3A_214 {
        %add3A_287 = arith.constant 3 : i32
        %add3A_288 = arith.addi %add3A_206, %add3A_287 : i32
        %dma_start3A_289 = arith.constant 0 : i32
        %dma_start3A_290 = tpu.memref_slice %arg6[%add3A_288, %dma_start3A_289] : memref<80x125xi32, #tpu.memory_space<vmem>> -> memref<1x125xi32, #tpu.memory_space<vmem>>
        %dma_start3A_291 = tpu.memref_squeeze %dma_start3A_290 : memref<1x125xi32, #tpu.memory_space<vmem>> -> memref<125xi32, #tpu.memory_space<vmem>>
        %dma_start3A_292 = arith.constant 0 : i32
        %dma_start3A_293 = arith.constant 0 : i32
        %dma_start3A_294 = tpu.memref_slice %arg2[%dma_start3A_292, %dma_start3A_293] : memref<10000x64xf32, #tpu.memory_space<hbm>> -> memref<10000x64xf32, #tpu.memory_space<hbm>>
        tpu.enqueue_indirect_dma source(%dma_start3A_294 : memref<10000x64xf32, #tpu.memory_space<hbm>>) target(%arg11 : memref<125x64xf32, #tpu.memory_space<vmem>>) offsets(%dma_start3A_291 : memref<125xi32, #tpu.memory_space<vmem>>) semaphore(%arg16 : memref<!tpu.dma_semaphore, #tpu.memory_space<semaphore_mem>>)
      } else {
      }
      tpu.wait_dma2 semaphore(%arg13 : memref<!tpu.dma_semaphore, #tpu.memory_space<semaphore_mem>>) src(%arg4 : memref<125x64xf32, #tpu.memory_space<hbm>>) dst(%arg8 : memref<125x64xf32, #tpu.memory_space<vmem>>)
      %dma_start3A_215 = arith.constant 0 : i32
      %dma_start3A_216 = tpu.memref_slice %arg7[%add3A_206, %dma_start3A_215] : memref<80x125xi32, #tpu.memory_space<vmem>> -> memref<1x125xi32, #tpu.memory_space<vmem>>
      %dma_start3A_217 = tpu.memref_squeeze %dma_start3A_216 : memref<1x125xi32, #tpu.memory_space<vmem>> -> memref<125xi32, #tpu.memory_space<vmem>>
      %dma_start3A_218 = arith.constant 0 : i32
      %dma_start3A_219 = arith.constant 0 : i32
      %dma_start3A_220 = tpu.memref_slice %arg12[%dma_start3A_218, %dma_start3A_219] : memref<10000x64xf32, #tpu.memory_space<vmem_shared>> -> memref<10000x64xf32, #tpu.memory_space<vmem_shared>>
      tpu.enqueue_indirect_dma source(%arg8 : memref<125x64xf32, #tpu.memory_space<vmem>>) target(%dma_start3A_220 : memref<10000x64xf32, #tpu.memory_space<vmem_shared>>) offsets(%dma_start3A_217 : memref<125xi32, #tpu.memory_space<vmem>>) semaphore(%arg17 : memref<!tpu.dma_semaphore, #tpu.memory_space<semaphore_mem>>) {add = true}
      %mul3A_221 = arith.constant 4 : i32
      %mul3A_222 = arith.muli %mul3A_221, %scan3A_202 : i32
      %add3A_223 = arith.constant 1 : i32
      %add3A_224 = arith.addi %mul3A_222, %add3A_223 : i32
      %gt3A_225 = arith.constant 0 : i32
      %gt3A_226 = arith.cmpi sgt, %add3A_224, %gt3A_225 : i32
      %convert_element_type3A_227 = arith.extui %gt3A_226 : i1 to i32
      %cond3A_228 = arith.constant 0 : i32
      %cond3A_229 = arith.cmpi ne, %convert_element_type3A_227, %cond3A_228 : i32
      scf.if %cond3A_229 {
        tpu.wait_dma2 semaphore(%arg17 : memref<!tpu.dma_semaphore, #tpu.memory_space<semaphore_mem>>) src(%arg4 : memref<125x64xf32, #tpu.memory_space<hbm>>) dst(%arg8 : memref<125x64xf32, #tpu.memory_space<vmem>>)
      } else {
      }
      %add3A_230 = arith.constant 3 : i32
      %add3A_231 = arith.addi %add3A_224, %add3A_230 : i32
      %lt3A_232 = arith.constant 80 : i32
      %lt3A_233 = arith.cmpi slt, %add3A_231, %lt3A_232 : i32
      %convert_element_type3A_234 = arith.extui %lt3A_233 : i1 to i32
      %cond3A_235 = arith.constant 0 : i32
      %cond3A_236 = arith.cmpi ne, %convert_element_type3A_234, %cond3A_235 : i32
      scf.if %cond3A_236 {
        %add3A_287 = arith.constant 3 : i32
        %add3A_288 = arith.addi %add3A_224, %add3A_287 : i32
        %dma_start3A_289 = arith.constant 0 : i32
        %dma_start3A_290 = tpu.memref_slice %arg6[%add3A_288, %dma_start3A_289] : memref<80x125xi32, #tpu.memory_space<vmem>> -> memref<1x125xi32, #tpu.memory_space<vmem>>
        %dma_start3A_291 = tpu.memref_squeeze %dma_start3A_290 : memref<1x125xi32, #tpu.memory_space<vmem>> -> memref<125xi32, #tpu.memory_space<vmem>>
        %dma_start3A_292 = arith.constant 0 : i32
        %dma_start3A_293 = arith.constant 0 : i32
        %dma_start3A_294 = tpu.memref_slice %arg2[%dma_start3A_292, %dma_start3A_293] : memref<10000x64xf32, #tpu.memory_space<hbm>> -> memref<10000x64xf32, #tpu.memory_space<hbm>>
        tpu.enqueue_indirect_dma source(%dma_start3A_294 : memref<10000x64xf32, #tpu.memory_space<hbm>>) target(%arg8 : memref<125x64xf32, #tpu.memory_space<vmem>>) offsets(%dma_start3A_291 : memref<125xi32, #tpu.memory_space<vmem>>) semaphore(%arg13 : memref<!tpu.dma_semaphore, #tpu.memory_space<semaphore_mem>>)
      } else {
      }
      tpu.wait_dma2 semaphore(%arg14 : memref<!tpu.dma_semaphore, #tpu.memory_space<semaphore_mem>>) src(%arg4 : memref<125x64xf32, #tpu.memory_space<hbm>>) dst(%arg9 : memref<125x64xf32, #tpu.memory_space<vmem>>)
      %dma_start3A_237 = arith.constant 0 : i32
      %dma_start3A_238 = tpu.memref_slice %arg7[%add3A_224, %dma_start3A_237] : memref<80x125xi32, #tpu.memory_space<vmem>> -> memref<1x125xi32, #tpu.memory_space<vmem>>
      %dma_start3A_239 = tpu.memref_squeeze %dma_start3A_238 : memref<1x125xi32, #tpu.memory_space<vmem>> -> memref<125xi32, #tpu.memory_space<vmem>>
      %dma_start3A_240 = arith.constant 0 : i32
      %dma_start3A_241 = arith.constant 0 : i32
      %dma_start3A_242 = tpu.memref_slice %arg12[%dma_start3A_240, %dma_start3A_241] : memref<10000x64xf32, #tpu.memory_space<vmem_shared>> -> memref<10000x64xf32, #tpu.memory_space<vmem_shared>>
      tpu.enqueue_indirect_dma source(%arg9 : memref<125x64xf32, #tpu.memory_space<vmem>>) target(%dma_start3A_242 : memref<10000x64xf32, #tpu.memory_space<vmem_shared>>) offsets(%dma_start3A_239 : memref<125xi32, #tpu.memory_space<vmem>>) semaphore(%arg18 : memref<!tpu.dma_semaphore, #tpu.memory_space<semaphore_mem>>) {add = true}
      %mul3A_243 = arith.constant 4 : i32
      %mul3A_244 = arith.muli %mul3A_243, %scan3A_202 : i32
      %add3A_245 = arith.constant 2 : i32
      %add3A_246 = arith.addi %mul3A_244, %add3A_245 : i32
      %gt3A_247 = arith.constant 0 : i32
      %gt3A_248 = arith.cmpi sgt, %add3A_246, %gt3A_247 : i32
      %convert_element_type3A_249 = arith.extui %gt3A_248 : i1 to i32
      %cond3A_250 = arith.constant 0 : i32
      %cond3A_251 = arith.cmpi ne, %convert_element_type3A_249, %cond3A_250 : i32
      scf.if %cond3A_251 {
        tpu.wait_dma2 semaphore(%arg18 : memref<!tpu.dma_semaphore, #tpu.memory_space<semaphore_mem>>) src(%arg4 : memref<125x64xf32, #tpu.memory_space<hbm>>) dst(%arg9 : memref<125x64xf32, #tpu.memory_space<vmem>>)
      } else {
      }
      %add3A_252 = arith.constant 3 : i32
      %add3A_253 = arith.addi %add3A_246, %add3A_252 : i32
      %lt3A_254 = arith.constant 80 : i32
      %lt3A_255 = arith.cmpi slt, %add3A_253, %lt3A_254 : i32
      %convert_element_type3A_256 = arith.extui %lt3A_255 : i1 to i32
      %cond3A_257 = arith.constant 0 : i32
      %cond3A_258 = arith.cmpi ne, %convert_element_type3A_256, %cond3A_257 : i32
      scf.if %cond3A_258 {
        %add3A_287 = arith.constant 3 : i32
        %add3A_288 = arith.addi %add3A_246, %add3A_287 : i32
        %dma_start3A_289 = arith.constant 0 : i32
        %dma_start3A_290 = tpu.memref_slice %arg6[%add3A_288, %dma_start3A_289] : memref<80x125xi32, #tpu.memory_space<vmem>> -> memref<1x125xi32, #tpu.memory_space<vmem>>
        %dma_start3A_291 = tpu.memref_squeeze %dma_start3A_290 : memref<1x125xi32, #tpu.memory_space<vmem>> -> memref<125xi32, #tpu.memory_space<vmem>>
        %dma_start3A_292 = arith.constant 0 : i32
        %dma_start3A_293 = arith.constant 0 : i32
        %dma_start3A_294 = tpu.memref_slice %arg2[%dma_start3A_292, %dma_start3A_293] : memref<10000x64xf32, #tpu.memory_space<hbm>> -> memref<10000x64xf32, #tpu.memory_space<hbm>>
        tpu.enqueue_indirect_dma source(%dma_start3A_294 : memref<10000x64xf32, #tpu.memory_space<hbm>>) target(%arg9 : memref<125x64xf32, #tpu.memory_space<vmem>>) offsets(%dma_start3A_291 : memref<125xi32, #tpu.memory_space<vmem>>) semaphore(%arg14 : memref<!tpu.dma_semaphore, #tpu.memory_space<semaphore_mem>>)
      } else {
      }
      tpu.wait_dma2 semaphore(%arg15 : memref<!tpu.dma_semaphore, #tpu.memory_space<semaphore_mem>>) src(%arg4 : memref<125x64xf32, #tpu.memory_space<hbm>>) dst(%arg10 : memref<125x64xf32, #tpu.memory_space<vmem>>)
      %dma_start3A_259 = arith.constant 0 : i32
      %dma_start3A_260 = tpu.memref_slice %arg7[%add3A_246, %dma_start3A_259] : memref<80x125xi32, #tpu.memory_space<vmem>> -> memref<1x125xi32, #tpu.memory_space<vmem>>
      %dma_start3A_261 = tpu.memref_squeeze %dma_start3A_260 : memref<1x125xi32, #tpu.memory_space<vmem>> -> memref<125xi32, #tpu.memory_space<vmem>>
      %dma_start3A_262 = arith.constant 0 : i32
      %dma_start3A_263 = arith.constant 0 : i32
      %dma_start3A_264 = tpu.memref_slice %arg12[%dma_start3A_262, %dma_start3A_263] : memref<10000x64xf32, #tpu.memory_space<vmem_shared>> -> memref<10000x64xf32, #tpu.memory_space<vmem_shared>>
      tpu.enqueue_indirect_dma source(%arg10 : memref<125x64xf32, #tpu.memory_space<vmem>>) target(%dma_start3A_264 : memref<10000x64xf32, #tpu.memory_space<vmem_shared>>) offsets(%dma_start3A_261 : memref<125xi32, #tpu.memory_space<vmem>>) semaphore(%arg19 : memref<!tpu.dma_semaphore, #tpu.memory_space<semaphore_mem>>) {add = true}
      %mul3A_265 = arith.constant 4 : i32
      %mul3A_266 = arith.muli %mul3A_265, %scan3A_202 : i32
      %add3A_267 = arith.constant 3 : i32
      %add3A_268 = arith.addi %mul3A_266, %add3A_267 : i32
      %gt3A_269 = arith.constant 0 : i32
      %gt3A_270 = arith.cmpi sgt, %add3A_268, %gt3A_269 : i32
      %convert_element_type3A_271 = arith.extui %gt3A_270 : i1 to i32
      %cond3A_272 = arith.constant 0 : i32
      %cond3A_273 = arith.cmpi ne, %convert_element_type3A_271, %cond3A_272 : i32
      scf.if %cond3A_273 {
        tpu.wait_dma2 semaphore(%arg19 : memref<!tpu.dma_semaphore, #tpu.memory_space<semaphore_mem>>) src(%arg4 : memref<125x64xf32, #tpu.memory_space<hbm>>) dst(%arg10 : memref<125x64xf32, #tpu.memory_space<vmem>>)
      } else {
      }
      %add3A_274 = arith.constant 3 : i32
      %add3A_275 = arith.addi %add3A_268, %add3A_274 : i32
      %lt3A_276 = arith.constant 80 : i32
      %lt3A_277 = arith.cmpi slt, %add3A_275, %lt3A_276 : i32
      %convert_element_type3A_278 = arith.extui %lt3A_277 : i1 to i32
      %cond3A_279 = arith.constant 0 : i32
      %cond3A_280 = arith.cmpi ne, %convert_element_type3A_278, %cond3A_279 : i32
      scf.if %cond3A_280 {
        %add3A_287 = arith.constant 3 : i32
        %add3A_288 = arith.addi %add3A_268, %add3A_287 : i32
        %dma_start3A_289 = arith.constant 0 : i32
        %dma_start3A_290 = tpu.memref_slice %arg6[%add3A_288, %dma_start3A_289] : memref<80x125xi32, #tpu.memory_space<vmem>> -> memref<1x125xi32, #tpu.memory_space<vmem>>
        %dma_start3A_291 = tpu.memref_squeeze %dma_start3A_290 : memref<1x125xi32, #tpu.memory_space<vmem>> -> memref<125xi32, #tpu.memory_space<vmem>>
        %dma_start3A_292 = arith.constant 0 : i32
        %dma_start3A_293 = arith.constant 0 : i32
        %dma_start3A_294 = tpu.memref_slice %arg2[%dma_start3A_292, %dma_start3A_293] : memref<10000x64xf32, #tpu.memory_space<hbm>> -> memref<10000x64xf32, #tpu.memory_space<hbm>>
        tpu.enqueue_indirect_dma source(%dma_start3A_294 : memref<10000x64xf32, #tpu.memory_space<hbm>>) target(%arg10 : memref<125x64xf32, #tpu.memory_space<vmem>>) offsets(%dma_start3A_291 : memref<125xi32, #tpu.memory_space<vmem>>) semaphore(%arg15 : memref<!tpu.dma_semaphore, #tpu.memory_space<semaphore_mem>>)
      } else {
      }
      tpu.wait_dma2 semaphore(%arg16 : memref<!tpu.dma_semaphore, #tpu.memory_space<semaphore_mem>>) src(%arg4 : memref<125x64xf32, #tpu.memory_space<hbm>>) dst(%arg11 : memref<125x64xf32, #tpu.memory_space<vmem>>)
      %dma_start3A_281 = arith.constant 0 : i32
      %dma_start3A_282 = tpu.memref_slice %arg7[%add3A_268, %dma_start3A_281] : memref<80x125xi32, #tpu.memory_space<vmem>> -> memref<1x125xi32, #tpu.memory_space<vmem>>
      %dma_start3A_283 = tpu.memref_squeeze %dma_start3A_282 : memref<1x125xi32, #tpu.memory_space<vmem>> -> memref<125xi32, #tpu.memory_space<vmem>>
      %dma_start3A_284 = arith.constant 0 : i32
      %dma_start3A_285 = arith.constant 0 : i32
      %dma_start3A_286 = tpu.memref_slice %arg12[%dma_start3A_284, %dma_start3A_285] : memref<10000x64xf32, #tpu.memory_space<vmem_shared>> -> memref<10000x64xf32, #tpu.memory_space<vmem_shared>>
      tpu.enqueue_indirect_dma source(%arg11 : memref<125x64xf32, #tpu.memory_space<vmem>>) target(%dma_start3A_286 : memref<10000x64xf32, #tpu.memory_space<vmem_shared>>) offsets(%dma_start3A_283 : memref<125xi32, #tpu.memory_space<vmem>>) semaphore(%arg20 : memref<!tpu.dma_semaphore, #tpu.memory_space<semaphore_mem>>) {add = true}
    }
    %scan3A_110 = arith.constant 20 : i32
    tpu.wait_dma2 semaphore(%arg20 : memref<!tpu.dma_semaphore, #tpu.memory_space<semaphore_mem>>) src(%arg4 : memref<125x64xf32, #tpu.memory_space<hbm>>) dst(%arg11 : memref<125x64xf32, #tpu.memory_space<vmem>>)
    %barrier3A_111 = arith.constant 0 : index
    tpu.barrier barrier_id(%barrier3A_111)
    %mul3A_112 = arith.constant 5 : i32
    %mul3A_113 = arith.muli %mul3A_112, %arg1 : i32
    %add3A_114 = arith.constant 0 : i32
    %add3A_115 = arith.addi %mul3A_113, %add3A_114 : i32
    %mul3A_116 = arith.constant 125 : i32
    %mul3A_117 = arith.muli %add3A_115, %mul3A_116 : i32
    %dma_start3A_118 = arith.constant 0 : i32
    %dma_start3A_119 = tpu.memref_slice %arg12[%mul3A_117, %dma_start3A_118] : memref<10000x64xf32, #tpu.memory_space<vmem_shared>> -> memref<125x64xf32, #tpu.memory_space<vmem_shared>>
    %dma_start3A_120 = arith.constant 0 : i32
    %dma_start3A_121 = tpu.memref_slice %arg12[%mul3A_117, %dma_start3A_120] : memref<10000x64xf32, #tpu.memory_space<vmem_shared>> -> memref<125x64xf32, #tpu.memory_space<vmem_shared>>
    tpu.enqueue_dma source(%dma_start3A_121 : memref<125x64xf32, #tpu.memory_space<vmem_shared>>) target(%arg8 : memref<125x64xf32, #tpu.memory_space<vmem>>) target_semaphore(%arg13 : memref<!tpu.dma_semaphore, #tpu.memory_space<semaphore_mem>>)
    tpu.wait_dma2 semaphore(%arg13 : memref<!tpu.dma_semaphore, #tpu.memory_space<semaphore_mem>>) src(%arg4 : memref<125x64xf32, #tpu.memory_space<hbm>>) dst(%arg8 : memref<125x64xf32, #tpu.memory_space<vmem>>)
    %mul3A_122 = arith.constant 125 : i32
    %mul3A_123 = arith.muli %add3A_115, %mul3A_122 : i32
    %dma_start3A_124 = arith.constant 0 : i32
    %dma_start3A_125 = tpu.memref_slice %arg5[%arg0, %mul3A_123, %dma_start3A_124] : memref<2x10000x64xf32, #tpu.memory_space<hbm>> -> memref<1x125x64xf32, #tpu.memory_space<hbm>>
    %dma_start3A_126 = tpu.memref_squeeze %dma_start3A_125 : memref<1x125x64xf32, #tpu.memory_space<hbm>> -> memref<125x64xf32, #tpu.memory_space<hbm>>
    %dma_start3A_127 = arith.constant 0 : i32
    %dma_start3A_128 = tpu.memref_slice %arg5[%arg0, %mul3A_123, %dma_start3A_127] : memref<2x10000x64xf32, #tpu.memory_space<hbm>> -> memref<1x125x64xf32, #tpu.memory_space<hbm>>
    %dma_start3A_129 = tpu.memref_squeeze %dma_start3A_128 : memref<1x125x64xf32, #tpu.memory_space<hbm>> -> memref<125x64xf32, #tpu.memory_space<hbm>>
    tpu.enqueue_dma source(%arg8 : memref<125x64xf32, #tpu.memory_space<vmem>>) target(%dma_start3A_129 : memref<125x64xf32, #tpu.memory_space<hbm>>) target_semaphore(%arg17 : memref<!tpu.dma_semaphore, #tpu.memory_space<semaphore_mem>>)
    %mul3A_130 = arith.constant 5 : i32
    %mul3A_131 = arith.muli %mul3A_130, %arg1 : i32
    %add3A_132 = arith.constant 1 : i32
    %add3A_133 = arith.addi %mul3A_131, %add3A_132 : i32
    %mul3A_134 = arith.constant 125 : i32
    %mul3A_135 = arith.muli %add3A_133, %mul3A_134 : i32
    %dma_start3A_136 = arith.constant 0 : i32
    %dma_start3A_137 = tpu.memref_slice %arg12[%mul3A_135, %dma_start3A_136] : memref<10000x64xf32, #tpu.memory_space<vmem_shared>> -> memref<125x64xf32, #tpu.memory_space<vmem_shared>>
    %dma_start3A_138 = arith.constant 0 : i32
    %dma_start3A_139 = tpu.memref_slice %arg12[%mul3A_135, %dma_start3A_138] : memref<10000x64xf32, #tpu.memory_space<vmem_shared>> -> memref<125x64xf32, #tpu.memory_space<vmem_shared>>
    tpu.enqueue_dma source(%dma_start3A_139 : memref<125x64xf32, #tpu.memory_space<vmem_shared>>) target(%arg9 : memref<125x64xf32, #tpu.memory_space<vmem>>) target_semaphore(%arg14 : memref<!tpu.dma_semaphore, #tpu.memory_space<semaphore_mem>>)
    tpu.wait_dma2 semaphore(%arg14 : memref<!tpu.dma_semaphore, #tpu.memory_space<semaphore_mem>>) src(%arg4 : memref<125x64xf32, #tpu.memory_space<hbm>>) dst(%arg9 : memref<125x64xf32, #tpu.memory_space<vmem>>)
    %mul3A_140 = arith.constant 125 : i32
    %mul3A_141 = arith.muli %add3A_133, %mul3A_140 : i32
    %dma_start3A_142 = arith.constant 0 : i32
    %dma_start3A_143 = tpu.memref_slice %arg5[%arg0, %mul3A_141, %dma_start3A_142] : memref<2x10000x64xf32, #tpu.memory_space<hbm>> -> memref<1x125x64xf32, #tpu.memory_space<hbm>>
    %dma_start3A_144 = tpu.memref_squeeze %dma_start3A_143 : memref<1x125x64xf32, #tpu.memory_space<hbm>> -> memref<125x64xf32, #tpu.memory_space<hbm>>
    %dma_start3A_145 = arith.constant 0 : i32
    %dma_start3A_146 = tpu.memref_slice %arg5[%arg0, %mul3A_141, %dma_start3A_145] : memref<2x10000x64xf32, #tpu.memory_space<hbm>> -> memref<1x125x64xf32, #tpu.memory_space<hbm>>
    %dma_start3A_147 = tpu.memref_squeeze %dma_start3A_146 : memref<1x125x64xf32, #tpu.memory_space<hbm>> -> memref<125x64xf32, #tpu.memory_space<hbm>>
    tpu.enqueue_dma source(%arg9 : memref<125x64xf32, #tpu.memory_space<vmem>>) target(%dma_start3A_147 : memref<125x64xf32, #tpu.memory_space<hbm>>) target_semaphore(%arg18 : memref<!tpu.dma_semaphore, #tpu.memory_space<semaphore_mem>>)
    %mul3A_148 = arith.constant 5 : i32
    %mul3A_149 = arith.muli %mul3A_148, %arg1 : i32
    %add3A_150 = arith.constant 2 : i32
    %add3A_151 = arith.addi %mul3A_149, %add3A_150 : i32
    %mul3A_152 = arith.constant 125 : i32
    %mul3A_153 = arith.muli %add3A_151, %mul3A_152 : i32
    %dma_start3A_154 = arith.constant 0 : i32
    %dma_start3A_155 = tpu.memref_slice %arg12[%mul3A_153, %dma_start3A_154] : memref<10000x64xf32, #tpu.memory_space<vmem_shared>> -> memref<125x64xf32, #tpu.memory_space<vmem_shared>>
    %dma_start3A_156 = arith.constant 0 : i32
    %dma_start3A_157 = tpu.memref_slice %arg12[%mul3A_153, %dma_start3A_156] : memref<10000x64xf32, #tpu.memory_space<vmem_shared>> -> memref<125x64xf32, #tpu.memory_space<vmem_shared>>
    tpu.enqueue_dma source(%dma_start3A_157 : memref<125x64xf32, #tpu.memory_space<vmem_shared>>) target(%arg10 : memref<125x64xf32, #tpu.memory_space<vmem>>) target_semaphore(%arg15 : memref<!tpu.dma_semaphore, #tpu.memory_space<semaphore_mem>>)
    tpu.wait_dma2 semaphore(%arg15 : memref<!tpu.dma_semaphore, #tpu.memory_space<semaphore_mem>>) src(%arg4 : memref<125x64xf32, #tpu.memory_space<hbm>>) dst(%arg10 : memref<125x64xf32, #tpu.memory_space<vmem>>)
    %mul3A_158 = arith.constant 125 : i32
    %mul3A_159 = arith.muli %add3A_151, %mul3A_158 : i32
    %dma_start3A_160 = arith.constant 0 : i32
    %dma_start3A_161 = tpu.memref_slice %arg5[%arg0, %mul3A_159, %dma_start3A_160] : memref<2x10000x64xf32, #tpu.memory_space<hbm>> -> memref<1x125x64xf32, #tpu.memory_space<hbm>>
    %dma_start3A_162 = tpu.memref_squeeze %dma_start3A_161 : memref<1x125x64xf32, #tpu.memory_space<hbm>> -> memref<125x64xf32, #tpu.memory_space<hbm>>
    %dma_start3A_163 = arith.constant 0 : i32
    %dma_start3A_164 = tpu.memref_slice %arg5[%arg0, %mul3A_159, %dma_start3A_163] : memref<2x10000x64xf32, #tpu.memory_space<hbm>> -> memref<1x125x64xf32, #tpu.memory_space<hbm>>
    %dma_start3A_165 = tpu.memref_squeeze %dma_start3A_164 : memref<1x125x64xf32, #tpu.memory_space<hbm>> -> memref<125x64xf32, #tpu.memory_space<hbm>>
    tpu.enqueue_dma source(%arg10 : memref<125x64xf32, #tpu.memory_space<vmem>>) target(%dma_start3A_165 : memref<125x64xf32, #tpu.memory_space<hbm>>) target_semaphore(%arg19 : memref<!tpu.dma_semaphore, #tpu.memory_space<semaphore_mem>>)
    %mul3A_166 = arith.constant 5 : i32
    %mul3A_167 = arith.muli %mul3A_166, %arg1 : i32
    %add3A_168 = arith.constant 3 : i32
    %add3A_169 = arith.addi %mul3A_167, %add3A_168 : i32
    %mul3A_170 = arith.constant 125 : i32
    %mul3A_171 = arith.muli %add3A_169, %mul3A_170 : i32
    %dma_start3A_172 = arith.constant 0 : i32
    %dma_start3A_173 = tpu.memref_slice %arg12[%mul3A_171, %dma_start3A_172] : memref<10000x64xf32, #tpu.memory_space<vmem_shared>> -> memref<125x64xf32, #tpu.memory_space<vmem_shared>>
    %dma_start3A_174 = arith.constant 0 : i32
    %dma_start3A_175 = tpu.memref_slice %arg12[%mul3A_171, %dma_start3A_174] : memref<10000x64xf32, #tpu.memory_space<vmem_shared>> -> memref<125x64xf32, #tpu.memory_space<vmem_shared>>
    tpu.enqueue_dma source(%dma_start3A_175 : memref<125x64xf32, #tpu.memory_space<vmem_shared>>) target(%arg11 : memref<125x64xf32, #tpu.memory_space<vmem>>) target_semaphore(%arg16 : memref<!tpu.dma_semaphore, #tpu.memory_space<semaphore_mem>>)
    tpu.wait_dma2 semaphore(%arg16 : memref<!tpu.dma_semaphore, #tpu.memory_space<semaphore_mem>>) src(%arg4 : memref<125x64xf32, #tpu.memory_space<hbm>>) dst(%arg11 : memref<125x64xf32, #tpu.memory_space<vmem>>)
    %mul3A_176 = arith.constant 125 : i32
    %mul3A_177 = arith.muli %add3A_169, %mul3A_176 : i32
    %dma_start3A_178 = arith.constant 0 : i32
    %dma_start3A_179 = tpu.memref_slice %arg5[%arg0, %mul3A_177, %dma_start3A_178] : memref<2x10000x64xf32, #tpu.memory_space<hbm>> -> memref<1x125x64xf32, #tpu.memory_space<hbm>>
    %dma_start3A_180 = tpu.memref_squeeze %dma_start3A_179 : memref<1x125x64xf32, #tpu.memory_space<hbm>> -> memref<125x64xf32, #tpu.memory_space<hbm>>
    %dma_start3A_181 = arith.constant 0 : i32
    %dma_start3A_182 = tpu.memref_slice %arg5[%arg0, %mul3A_177, %dma_start3A_181] : memref<2x10000x64xf32, #tpu.memory_space<hbm>> -> memref<1x125x64xf32, #tpu.memory_space<hbm>>
    %dma_start3A_183 = tpu.memref_squeeze %dma_start3A_182 : memref<1x125x64xf32, #tpu.memory_space<hbm>> -> memref<125x64xf32, #tpu.memory_space<hbm>>
    tpu.enqueue_dma source(%arg11 : memref<125x64xf32, #tpu.memory_space<vmem>>) target(%dma_start3A_183 : memref<125x64xf32, #tpu.memory_space<hbm>>) target_semaphore(%arg20 : memref<!tpu.dma_semaphore, #tpu.memory_space<semaphore_mem>>)
    tpu.wait_dma2 semaphore(%arg17 : memref<!tpu.dma_semaphore, #tpu.memory_space<semaphore_mem>>) src(%arg4 : memref<125x64xf32, #tpu.memory_space<hbm>>) dst(%arg8 : memref<125x64xf32, #tpu.memory_space<vmem>>)
    %mul3A_184 = arith.constant 5 : i32
    %mul3A_185 = arith.muli %mul3A_184, %arg1 : i32
    %add3A_186 = arith.constant 4 : i32
    %add3A_187 = arith.addi %mul3A_185, %add3A_186 : i32
    %mul3A_188 = arith.constant 125 : i32
    %mul3A_189 = arith.muli %add3A_187, %mul3A_188 : i32
    %dma_start3A_190 = arith.constant 0 : i32
    %dma_start3A_191 = tpu.memref_slice %arg12[%mul3A_189, %dma_start3A_190] : memref<10000x64xf32, #tpu.memory_space<vmem_shared>> -> memref<125x64xf32, #tpu.memory_space<vmem_shared>>
    %dma_start3A_192 = arith.constant 0 : i32
    %dma_start3A_193 = tpu.memref_slice %arg12[%mul3A_189, %dma_start3A_192] : memref<10000x64xf32, #tpu.memory_space<vmem_shared>> -> memref<125x64xf32, #tpu.memory_space<vmem_shared>>
    tpu.enqueue_dma source(%dma_start3A_193 : memref<125x64xf32, #tpu.memory_space<vmem_shared>>) target(%arg8 : memref<125x64xf32, #tpu.memory_space<vmem>>) target_semaphore(%arg13 : memref<!tpu.dma_semaphore, #tpu.memory_space<semaphore_mem>>)
    tpu.wait_dma2 semaphore(%arg13 : memref<!tpu.dma_semaphore, #tpu.memory_space<semaphore_mem>>) src(%arg4 : memref<125x64xf32, #tpu.memory_space<hbm>>) dst(%arg8 : memref<125x64xf32, #tpu.memory_space<vmem>>)
    %mul3A_194 = arith.constant 125 : i32
    %mul3A_195 = arith.muli %add3A_187, %mul3A_194 : i32
    %dma_start3A_196 = arith.constant 0 : i32
    %dma_start3A_197 = tpu.memref_slice %arg5[%arg0, %mul3A_195, %dma_start3A_196] : memref<2x10000x64xf32, #tpu.memory_space<hbm>> -> memref<1x125x64xf32, #tpu.memory_space<hbm>>
    %dma_start3A_198 = tpu.memref_squeeze %dma_start3A_197 : memref<1x125x64xf32, #tpu.memory_space<hbm>> -> memref<125x64xf32, #tpu.memory_space<hbm>>
    %dma_start3A_199 = arith.constant 0 : i32
    %dma_start3A_200 = tpu.memref_slice %arg5[%arg0, %mul3A_195, %dma_start3A_199] : memref<2x10000x64xf32, #tpu.memory_space<hbm>> -> memref<1x125x64xf32, #tpu.memory_space<hbm>>
    %dma_start3A_201 = tpu.memref_squeeze %dma_start3A_200 : memref<1x125x64xf32, #tpu.memory_space<hbm>> -> memref<125x64xf32, #tpu.memory_space<hbm>>
    tpu.enqueue_dma source(%arg8 : memref<125x64xf32, #tpu.memory_space<vmem>>) target(%dma_start3A_201 : memref<125x64xf32, #tpu.memory_space<hbm>>) target_semaphore(%arg17 : memref<!tpu.dma_semaphore, #tpu.memory_space<semaphore_mem>>)
    tpu.wait_dma2 semaphore(%arg18 : memref<!tpu.dma_semaphore, #tpu.memory_space<semaphore_mem>>) src(%arg4 : memref<125x64xf32, #tpu.memory_space<hbm>>) dst(%arg9 : memref<125x64xf32, #tpu.memory_space<vmem>>)
    tpu.wait_dma2 semaphore(%arg19 : memref<!tpu.dma_semaphore, #tpu.memory_space<semaphore_mem>>) src(%arg4 : memref<125x64xf32, #tpu.memory_space<hbm>>) dst(%arg10 : memref<125x64xf32, #tpu.memory_space<vmem>>)
    tpu.wait_dma2 semaphore(%arg20 : memref<!tpu.dma_semaphore, #tpu.memory_space<semaphore_mem>>) src(%arg4 : memref<125x64xf32, #tpu.memory_space<hbm>>) dst(%arg11 : memref<125x64xf32, #tpu.memory_space<vmem>>)
    tpu.wait_dma2 semaphore(%arg17 : memref<!tpu.dma_semaphore, #tpu.memory_space<semaphore_mem>>) src(%arg4 : memref<125x64xf32, #tpu.memory_space<hbm>>) dst(%arg8 : memref<125x64xf32, #tpu.memory_space<vmem>>)
    return
  }
}

#map = affine_map<(d0, d1) -> (0, 0)>
#map1 = affine_map<(d0, d1) -> (0, 0, 0)>
module attributes {stable_mosaic.version = 14 : i64} {
  func.func @_scatter_kernel(%arg0: i32, %arg1: i32, %arg2: memref<10000x64xf32, #tpu.memory_space<hbm>>, %arg3: memref<2x2560x125xi32, #tpu.memory_space<hbm>>, %arg4: memref<125x64xf32, #tpu.memory_space<hbm>>, %arg5: memref<2x10000x64xf32, #tpu.memory_space<hbm>>, %arg6: memref<80x125xi32, #tpu.memory_space<vmem>>, %arg7: memref<80x125xi32, #tpu.memory_space<vmem>>, %arg8: memref<125x64xf32, #tpu.memory_space<vmem>>, %arg9: memref<125x64xf32, #tpu.memory_space<vmem>>, %arg10: memref<125x64xf32, #tpu.memory_space<vmem>>, %arg11: memref<125x64xf32, #tpu.memory_space<vmem>>, %arg12: memref<10000x64xf32, #tpu.memory_space<vmem_shared>>, %arg13: memref<!tpu.dma_semaphore, #tpu.memory_space<semaphore_mem>>, %arg14: memref<!tpu.dma_semaphore, #tpu.memory_space<semaphore_mem>>, %arg15: memref<!tpu.dma_semaphore, #tpu.memory_space<semaphore_mem>>, %arg16: memref<!tpu.dma_semaphore, #tpu.memory_space<semaphore_mem>>, %arg17: memref<!tpu.dma_semaphore, #tpu.memory_space<semaphore_mem>>, %arg18: memref<!tpu.dma_semaphore, #tpu.memory_space<semaphore_mem>>, %arg19: memref<!tpu.dma_semaphore, #tpu.memory_space<semaphore_mem>>, %arg20: memref<!tpu.dma_semaphore, #tpu.memory_space<semaphore_mem>>) attributes {dimension_semantics = [#tpu.dimension_semantics<core_parallel>, #tpu.dimension_semantics<subcore_parallel>], iteration_bounds = array<i64: 2, 16>, scalar_prefetch = 0 : i64, scratch_operands = 15 : i64, tpu.core_type = #tpu.core_type<sc_vector_subcore>, window_params = [{transform_indices = #map}, {transform_indices = #map1}, {transform_indices = #map}, {transform_indices = #map1}]} {
    %mul3A = arith.constant 2 : i32
    %mul3A_0 = arith.muli %arg1, %mul3A : i32
    %add3A = arith.addi %mul3A_0, %arg0 : i32
    %mul3A_1 = arith.constant 80 : i32
    %mul3A_2 = arith.muli %add3A, %mul3A_1 : i32
    %dma_start3A = arith.constant 0 : i32
    %dma_start3A_3 = arith.constant 0 : i32
    %dma_start3A_4 = tpu.memref_slice %arg3[%dma_start3A, %mul3A_2, %dma_start3A_3] : memref<2x2560x125xi32, #tpu.memory_space<hbm>> -> memref<1x80x125xi32, #tpu.memory_space<hbm>>
    %dma_start3A_5 = tpu.memref_squeeze %dma_start3A_4 : memref<1x80x125xi32, #tpu.memory_space<hbm>> -> memref<80x125xi32, #tpu.memory_space<hbm>>
    %dma_start3A_6 = arith.constant 0 : i32
    %dma_start3A_7 = tpu.memref_slice %arg3[%dma_start3A, %mul3A_2, %dma_start3A_6] : memref<2x2560x125xi32, #tpu.memory_space<hbm>> -> memref<1x80x125xi32, #tpu.memory_space<hbm>>
    %dma_start3A_8 = tpu.memref_squeeze %dma_start3A_7 : memref<1x80x125xi32, #tpu.memory_space<hbm>> -> memref<80x125xi32, #tpu.memory_space<hbm>>
    tpu.enqueue_dma source(%dma_start3A_8 : memref<80x125xi32, #tpu.memory_space<hbm>>) target(%arg6 : memref<80x125xi32, #tpu.memory_space<vmem>>) target_semaphore(%arg13 : memref<!tpu.dma_semaphore, #tpu.memory_space<semaphore_mem>>)
    %mul3A_9 = arith.constant 80 : i32
    %mul3A_10 = arith.muli %add3A, %mul3A_9 : i32
    %dma_start3A_11 = arith.constant 1 : i32
    %dma_start3A_12 = arith.constant 0 : i32
    %dma_start3A_13 = tpu.memref_slice %arg3[%dma_start3A_11, %mul3A_10, %dma_start3A_12] : memref<2x2560x125xi32, #tpu.memory_space<hbm>> -> memref<1x80x125xi32, #tpu.memory_space<hbm>>
    %dma_start3A_14 = tpu.memref_squeeze %dma_start3A_13 : memref<1x80x125xi32, #tpu.memory_space<hbm>> -> memref<80x125xi32, #tpu.memory_space<hbm>>
    %dma_start3A_15 = arith.constant 0 : i32
    %dma_start3A_16 = tpu.memref_slice %arg3[%dma_start3A_11, %mul3A_10, %dma_start3A_15] : memref<2x2560x125xi32, #tpu.memory_space<hbm>> -> memref<1x80x125xi32, #tpu.memory_space<hbm>>
    %dma_start3A_17 = tpu.memref_squeeze %dma_start3A_16 : memref<1x80x125xi32, #tpu.memory_space<hbm>> -> memref<80x125xi32, #tpu.memory_space<hbm>>
    tpu.enqueue_dma source(%dma_start3A_17 : memref<80x125xi32, #tpu.memory_space<hbm>>) target(%arg7 : memref<80x125xi32, #tpu.memory_space<vmem>>) target_semaphore(%arg14 : memref<!tpu.dma_semaphore, #tpu.memory_space<semaphore_mem>>)
    "tpu.region"() ({
      %run_scoped3A = tpu.sem_alloc : memref<!tpu.dma_semaphore, #tpu.memory_space<semaphore_mem>>
      tpu.enqueue_dma source(%arg4 : memref<125x64xf32, #tpu.memory_space<hbm>>) target(%arg8 : memref<125x64xf32, #tpu.memory_space<vmem>>) target_semaphore(%run_scoped3A : memref<!tpu.dma_semaphore, #tpu.memory_space<semaphore_mem>>)
      tpu.wait_dma2 semaphore(%run_scoped3A : memref<!tpu.dma_semaphore, #tpu.memory_space<semaphore_mem>>) src(%arg4 : memref<125x64xf32, #tpu.memory_space<hbm>>) dst(%arg8 : memref<125x64xf32, #tpu.memory_space<vmem>>)
      tpu.yield
    }) : () -> ()
    %mul3A_18 = arith.constant 5 : i32
    %mul3A_19 = arith.muli %mul3A_18, %arg1 : i32
    %add3A_20 = arith.constant 0 : i32
    %add3A_21 = arith.addi %mul3A_19, %add3A_20 : i32
    %mul3A_22 = arith.constant 125 : i32
    %mul3A_23 = arith.muli %add3A_21, %mul3A_22 : i32
    %dma_start3A_24 = arith.constant 0 : i32
    %dma_start3A_25 = tpu.memref_slice %arg12[%mul3A_23, %dma_start3A_24] : memref<10000x64xf32, #tpu.memory_space<vmem_shared>> -> memref<125x64xf32, #tpu.memory_space<vmem_shared>>
    %dma_start3A_26 = arith.constant 0 : i32
    %dma_start3A_27 = tpu.memref_slice %arg12[%mul3A_23, %dma_start3A_26] : memref<10000x64xf32, #tpu.memory_space<vmem_shared>> -> memref<125x64xf32, #tpu.memory_space<vmem_shared>>
    tpu.enqueue_dma source(%arg8 : memref<125x64xf32, #tpu.memory_space<vmem>>) target(%dma_start3A_27 : memref<125x64xf32, #tpu.memory_space<vmem_shared>>) target_semaphore(%arg17 : memref<!tpu.dma_semaphore, #tpu.memory_space<semaphore_mem>>)
    %mul3A_28 = arith.constant 5 : i32
    %mul3A_29 = arith.muli %mul3A_28, %arg1 : i32
    %add3A_30 = arith.constant 1 : i32
    %add3A_31 = arith.addi %mul3A_29, %add3A_30 : i32
    %mul3A_32 = arith.constant 125 : i32
    %mul3A_33 = arith.muli %add3A_31, %mul3A_32 : i32
    %dma_start3A_34 = arith.constant 0 : i32
    %dma_start3A_35 = tpu.memref_slice %arg12[%mul3A_33, %dma_start3A_34] : memref<10000x64xf32, #tpu.memory_space<vmem_shared>> -> memref<125x64xf32, #tpu.memory_space<vmem_shared>>
    %dma_start3A_36 = arith.constant 0 : i32
    %dma_start3A_37 = tpu.memref_slice %arg12[%mul3A_33, %dma_start3A_36] : memref<10000x64xf32, #tpu.memory_space<vmem_shared>> -> memref<125x64xf32, #tpu.memory_space<vmem_shared>>
    tpu.enqueue_dma source(%arg8 : memref<125x64xf32, #tpu.memory_space<vmem>>) target(%dma_start3A_37 : memref<125x64xf32, #tpu.memory_space<vmem_shared>>) target_semaphore(%arg18 : memref<!tpu.dma_semaphore, #tpu.memory_space<semaphore_mem>>)
    %mul3A_38 = arith.constant 5 : i32
    %mul3A_39 = arith.muli %mul3A_38, %arg1 : i32
    %add3A_40 = arith.constant 2 : i32
    %add3A_41 = arith.addi %mul3A_39, %add3A_40 : i32
    %mul3A_42 = arith.constant 125 : i32
    %mul3A_43 = arith.muli %add3A_41, %mul3A_42 : i32
    %dma_start3A_44 = arith.constant 0 : i32
    %dma_start3A_45 = tpu.memref_slice %arg12[%mul3A_43, %dma_start3A_44] : memref<10000x64xf32, #tpu.memory_space<vmem_shared>> -> memref<125x64xf32, #tpu.memory_space<vmem_shared>>
    %dma_start3A_46 = arith.constant 0 : i32
    %dma_start3A_47 = tpu.memref_slice %arg12[%mul3A_43, %dma_start3A_46] : memref<10000x64xf32, #tpu.memory_space<vmem_shared>> -> memref<125x64xf32, #tpu.memory_space<vmem_shared>>
    tpu.enqueue_dma source(%arg8 : memref<125x64xf32, #tpu.memory_space<vmem>>) target(%dma_start3A_47 : memref<125x64xf32, #tpu.memory_space<vmem_shared>>) target_semaphore(%arg19 : memref<!tpu.dma_semaphore, #tpu.memory_space<semaphore_mem>>)
    %mul3A_48 = arith.constant 5 : i32
    %mul3A_49 = arith.muli %mul3A_48, %arg1 : i32
    %add3A_50 = arith.constant 3 : i32
    %add3A_51 = arith.addi %mul3A_49, %add3A_50 : i32
    %mul3A_52 = arith.constant 125 : i32
    %mul3A_53 = arith.muli %add3A_51, %mul3A_52 : i32
    %dma_start3A_54 = arith.constant 0 : i32
    %dma_start3A_55 = tpu.memref_slice %arg12[%mul3A_53, %dma_start3A_54] : memref<10000x64xf32, #tpu.memory_space<vmem_shared>> -> memref<125x64xf32, #tpu.memory_space<vmem_shared>>
    %dma_start3A_56 = arith.constant 0 : i32
    %dma_start3A_57 = tpu.memref_slice %arg12[%mul3A_53, %dma_start3A_56] : memref<10000x64xf32, #tpu.memory_space<vmem_shared>> -> memref<125x64xf32, #tpu.memory_space<vmem_shared>>
    tpu.enqueue_dma source(%arg8 : memref<125x64xf32, #tpu.memory_space<vmem>>) target(%dma_start3A_57 : memref<125x64xf32, #tpu.memory_space<vmem_shared>>) target_semaphore(%arg20 : memref<!tpu.dma_semaphore, #tpu.memory_space<semaphore_mem>>)
    %mul3A_58 = arith.constant 5 : i32
    %mul3A_59 = arith.muli %mul3A_58, %arg1 : i32
    %add3A_60 = arith.constant 4 : i32
    %add3A_61 = arith.addi %mul3A_59, %add3A_60 : i32
    %mul3A_62 = arith.constant 125 : i32
    %mul3A_63 = arith.muli %add3A_61, %mul3A_62 : i32
    %dma_start3A_64 = arith.constant 0 : i32
    %dma_start3A_65 = tpu.memref_slice %arg12[%mul3A_63, %dma_start3A_64] : memref<10000x64xf32, #tpu.memory_space<vmem_shared>> -> memref<125x64xf32, #tpu.memory_space<vmem_shared>>
    %dma_start3A_66 = arith.constant 0 : i32
    %dma_start3A_67 = tpu.memref_slice %arg12[%mul3A_63, %dma_start3A_66] : memref<10000x64xf32, #tpu.memory_space<vmem_shared>> -> memref<125x64xf32, #tpu.memory_space<vmem_shared>>
    tpu.enqueue_dma source(%arg8 : memref<125x64xf32, #tpu.memory_space<vmem>>) target(%dma_start3A_67 : memref<125x64xf32, #tpu.memory_space<vmem_shared>>) target_semaphore(%arg17 : memref<!tpu.dma_semaphore, #tpu.memory_space<semaphore_mem>>)
    tpu.wait_dma2 semaphore(%arg17 : memref<!tpu.dma_semaphore, #tpu.memory_space<semaphore_mem>>) src(%arg4 : memref<125x64xf32, #tpu.memory_space<hbm>>) dst(%arg8 : memref<125x64xf32, #tpu.memory_space<vmem>>)
    tpu.wait_dma2 semaphore(%arg18 : memref<!tpu.dma_semaphore, #tpu.memory_space<semaphore_mem>>) src(%arg4 : memref<125x64xf32, #tpu.memory_space<hbm>>) dst(%arg8 : memref<125x64xf32, #tpu.memory_space<vmem>>)
    tpu.wait_dma2 semaphore(%arg19 : memref<!tpu.dma_semaphore, #tpu.memory_space<semaphore_mem>>) src(%arg4 : memref<125x64xf32, #tpu.memory_space<hbm>>) dst(%arg8 : memref<125x64xf32, #tpu.memory_space<vmem>>)
    tpu.wait_dma2 semaphore(%arg20 : memref<!tpu.dma_semaphore, #tpu.memory_space<semaphore_mem>>) src(%arg4 : memref<125x64xf32, #tpu.memory_space<hbm>>) dst(%arg8 : memref<125x64xf32, #tpu.memory_space<vmem>>)
    tpu.wait_dma2 semaphore(%arg17 : memref<!tpu.dma_semaphore, #tpu.memory_space<semaphore_mem>>) src(%arg4 : memref<125x64xf32, #tpu.memory_space<hbm>>) dst(%arg8 : memref<125x64xf32, #tpu.memory_space<vmem>>)
    %dma_wait3A = arith.constant 0 : i32
    %dma_wait3A_68 = arith.constant 0 : i32
    %dma_wait3A_69 = arith.constant 0 : i32
    %dma_wait3A_70 = tpu.memref_slice %arg3[%dma_wait3A, %dma_wait3A_68, %dma_wait3A_69] : memref<2x2560x125xi32, #tpu.memory_space<hbm>> -> memref<1x80x125xi32, #tpu.memory_space<hbm>>
    %dma_wait3A_71 = tpu.memref_squeeze %dma_wait3A_70 : memref<1x80x125xi32, #tpu.memory_space<hbm>> -> memref<80x125xi32, #tpu.memory_space<hbm>>
    %dma_wait3A_72 = arith.constant 0 : i32
    %dma_wait3A_73 = arith.constant 0 : i32
    %dma_wait3A_74 = tpu.memref_slice %arg3[%dma_wait3A, %dma_wait3A_72, %dma_wait3A_73] : memref<2x2560x125xi32, #tpu.memory_space<hbm>> -> memref<1x80x125xi32, #tpu.memory_space<hbm>>
    %dma_wait3A_75 = tpu.memref_squeeze %dma_wait3A_74 : memref<1x80x125xi32, #tpu.memory_space<hbm>> -> memref<80x125xi32, #tpu.memory_space<hbm>>
    tpu.wait_dma2 semaphore(%arg13 : memref<!tpu.dma_semaphore, #tpu.memory_space<semaphore_mem>>) src(%dma_wait3A_75 : memref<80x125xi32, #tpu.memory_space<hbm>>) dst(%arg6 : memref<80x125xi32, #tpu.memory_space<vmem>>)
    %dma_wait3A_76 = arith.constant 0 : i32
    %dma_wait3A_77 = arith.constant 0 : i32
    %dma_wait3A_78 = arith.constant 0 : i32
    %dma_wait3A_79 = tpu.memref_slice %arg3[%dma_wait3A_76, %dma_wait3A_77, %dma_wait3A_78] : memref<2x2560x125xi32, #tpu.memory_space<hbm>> -> memref<1x80x125xi32, #tpu.memory_space<hbm>>
    %dma_wait3A_80 = tpu.memref_squeeze %dma_wait3A_79 : memref<1x80x125xi32, #tpu.memory_space<hbm>> -> memref<80x125xi32, #tpu.memory_space<hbm>>
    %dma_wait3A_81 = arith.constant 0 : i32
    %dma_wait3A_82 = arith.constant 0 : i32
    %dma_wait3A_83 = tpu.memref_slice %arg3[%dma_wait3A_76, %dma_wait3A_81, %dma_wait3A_82] : memref<2x2560x125xi32, #tpu.memory_space<hbm>> -> memref<1x80x125xi32, #tpu.memory_space<hbm>>
    %dma_wait3A_84 = tpu.memref_squeeze %dma_wait3A_83 : memref<1x80x125xi32, #tpu.memory_space<hbm>> -> memref<80x125xi32, #tpu.memory_space<hbm>>
    tpu.wait_dma2 semaphore(%arg14 : memref<!tpu.dma_semaphore, #tpu.memory_space<semaphore_mem>>) src(%dma_wait3A_84 : memref<80x125xi32, #tpu.memory_space<hbm>>) dst(%arg7 : memref<80x125xi32, #tpu.memory_space<vmem>>)
    %barrier3A = arith.constant 0 : index
    tpu.barrier barrier_id(%barrier3A)
    %dma_start3A_85 = arith.constant 0 : i32
    %dma_start3A_86 = arith.constant 0 : i32
    %dma_start3A_87 = tpu.memref_slice %arg6[%dma_start3A_85, %dma_start3A_86] : memref<80x125xi32, #tpu.memory_space<vmem>> -> memref<1x125xi32, #tpu.memory_space<vmem>>
    %dma_start3A_88 = tpu.memref_squeeze %dma_start3A_87 : memref<1x125xi32, #tpu.memory_space<vmem>> -> memref<125xi32, #tpu.memory_space<vmem>>
    %dma_start3A_89 = arith.constant 0 : i32
    %dma_start3A_90 = arith.constant 0 : i32
    %dma_start3A_91 = tpu.memref_slice %arg2[%dma_start3A_89, %dma_start3A_90] : memref<10000x64xf32, #tpu.memory_space<hbm>> -> memref<10000x64xf32, #tpu.memory_space<hbm>>
    tpu.enqueue_indirect_dma source(%dma_start3A_91 : memref<10000x64xf32, #tpu.memory_space<hbm>>) target(%arg8 : memref<125x64xf32, #tpu.memory_space<vmem>>) offsets(%dma_start3A_88 : memref<125xi32, #tpu.memory_space<vmem>>) semaphore(%arg13 : memref<!tpu.dma_semaphore, #tpu.memory_space<semaphore_mem>>)
    %dma_start3A_92 = arith.constant 1 : i32
    %dma_start3A_93 = arith.constant 0 : i32
    %dma_start3A_94 = tpu.memref_slice %arg6[%dma_start3A_92, %dma_start3A_93] : memref<80x125xi32, #tpu.memory_space<vmem>> -> memref<1x125xi32, #tpu.memory_space<vmem>>
    %dma_start3A_95 = tpu.memref_squeeze %dma_start3A_94 : memref<1x125xi32, #tpu.memory_space<vmem>> -> memref<125xi32, #tpu.memory_space<vmem>>
    %dma_start3A_96 = arith.constant 0 : i32
    %dma_start3A_97 = arith.constant 0 : i32
    %dma_start3A_98 = tpu.memref_slice %arg2[%dma_start3A_96, %dma_start3A_97] : memref<10000x64xf32, #tpu.memory_space<hbm>> -> memref<10000x64xf32, #tpu.memory_space<hbm>>
    tpu.enqueue_indirect_dma source(%dma_start3A_98 : memref<10000x64xf32, #tpu.memory_space<hbm>>) target(%arg9 : memref<125x64xf32, #tpu.memory_space<vmem>>) offsets(%dma_start3A_95 : memref<125xi32, #tpu.memory_space<vmem>>) semaphore(%arg14 : memref<!tpu.dma_semaphore, #tpu.memory_space<semaphore_mem>>)
    %dma_start3A_99 = arith.constant 2 : i32
    %dma_start3A_100 = arith.constant 0 : i32
    %dma_start3A_101 = tpu.memref_slice %arg6[%dma_start3A_99, %dma_start3A_100] : memref<80x125xi32, #tpu.memory_space<vmem>> -> memref<1x125xi32, #tpu.memory_space<vmem>>
    %dma_start3A_102 = tpu.memref_squeeze %dma_start3A_101 : memref<1x125xi32, #tpu.memory_space<vmem>> -> memref<125xi32, #tpu.memory_space<vmem>>
    %dma_start3A_103 = arith.constant 0 : i32
    %dma_start3A_104 = arith.constant 0 : i32
    %dma_start3A_105 = tpu.memref_slice %arg2[%dma_start3A_103, %dma_start3A_104] : memref<10000x64xf32, #tpu.memory_space<hbm>> -> memref<10000x64xf32, #tpu.memory_space<hbm>>
    tpu.enqueue_indirect_dma source(%dma_start3A_105 : memref<10000x64xf32, #tpu.memory_space<hbm>>) target(%arg10 : memref<125x64xf32, #tpu.memory_space<vmem>>) offsets(%dma_start3A_102 : memref<125xi32, #tpu.memory_space<vmem>>) semaphore(%arg15 : memref<!tpu.dma_semaphore, #tpu.memory_space<semaphore_mem>>)
    %scan3A = arith.constant 0 : i32
    %scan3A_106 = arith.constant 0 : i32
    %scan3A_107 = arith.constant 20 : i32
    %scan3A_108 = arith.addi %scan3A_106, %scan3A_107 : i32
    %scan3A_109 = arith.constant 1 : i32
    scf.for %scan3A_202 = %scan3A_106 to %scan3A_108 step %scan3A_109  : i32 {
      %mul3A_203 = arith.constant 4 : i32
      %mul3A_204 = arith.muli %mul3A_203, %scan3A_202 : i32
      %add3A_205 = arith.constant 0 : i32
      %add3A_206 = arith.addi %mul3A_204, %add3A_205 : i32
      %gt3A = arith.constant 0 : i32
      %gt3A_207 = arith.cmpi sgt, %add3A_206, %gt3A : i32
      %convert_element_type3A = arith.extui %gt3A_207 : i1 to i32
      %cond3A = arith.constant 0 : i32
      %cond3A_208 = arith.cmpi ne, %convert_element_type3A, %cond3A : i32
      scf.if %cond3A_208 {
        tpu.wait_dma2 semaphore(%arg20 : memref<!tpu.dma_semaphore, #tpu.memory_space<semaphore_mem>>) src(%arg4 : memref<125x64xf32, #tpu.memory_space<hbm>>) dst(%arg11 : memref<125x64xf32, #tpu.memory_space<vmem>>)
      } else {
      }
      %add3A_209 = arith.constant 3 : i32
      %add3A_210 = arith.addi %add3A_206, %add3A_209 : i32
      %lt3A = arith.constant 80 : i32
      %lt3A_211 = arith.cmpi slt, %add3A_210, %lt3A : i32
      %convert_element_type3A_212 = arith.extui %lt3A_211 : i1 to i32
      %cond3A_213 = arith.constant 0 : i32
      %cond3A_214 = arith.cmpi ne, %convert_element_type3A_212, %cond3A_213 : i32
      scf.if %cond3A_214 {
        %add3A_287 = arith.constant 3 : i32
        %add3A_288 = arith.addi %add3A_206, %add3A_287 : i32
        %dma_start3A_289 = arith.constant 0 : i32
        %dma_start3A_290 = tpu.memref_slice %arg6[%add3A_288, %dma_start3A_289] : memref<80x125xi32, #tpu.memory_space<vmem>> -> memref<1x125xi32, #tpu.memory_space<vmem>>
        %dma_start3A_291 = tpu.memref_squeeze %dma_start3A_290 : memref<1x125xi32, #tpu.memory_space<vmem>> -> memref<125xi32, #tpu.memory_space<vmem>>
        %dma_start3A_292 = arith.constant 0 : i32
        %dma_start3A_293 = arith.constant 0 : i32
        %dma_start3A_294 = tpu.memref_slice %arg2[%dma_start3A_292, %dma_start3A_293] : memref<10000x64xf32, #tpu.memory_space<hbm>> -> memref<10000x64xf32, #tpu.memory_space<hbm>>
        tpu.enqueue_indirect_dma source(%dma_start3A_294 : memref<10000x64xf32, #tpu.memory_space<hbm>>) target(%arg11 : memref<125x64xf32, #tpu.memory_space<vmem>>) offsets(%dma_start3A_291 : memref<125xi32, #tpu.memory_space<vmem>>) semaphore(%arg16 : memref<!tpu.dma_semaphore, #tpu.memory_space<semaphore_mem>>)
      } else {
      }
      tpu.wait_dma2 semaphore(%arg13 : memref<!tpu.dma_semaphore, #tpu.memory_space<semaphore_mem>>) src(%arg4 : memref<125x64xf32, #tpu.memory_space<hbm>>) dst(%arg8 : memref<125x64xf32, #tpu.memory_space<vmem>>)
      %dma_start3A_215 = arith.constant 0 : i32
      %dma_start3A_216 = tpu.memref_slice %arg7[%add3A_206, %dma_start3A_215] : memref<80x125xi32, #tpu.memory_space<vmem>> -> memref<1x125xi32, #tpu.memory_space<vmem>>
      %dma_start3A_217 = tpu.memref_squeeze %dma_start3A_216 : memref<1x125xi32, #tpu.memory_space<vmem>> -> memref<125xi32, #tpu.memory_space<vmem>>
      %dma_start3A_218 = arith.constant 0 : i32
      %dma_start3A_219 = arith.constant 0 : i32
      %dma_start3A_220 = tpu.memref_slice %arg12[%dma_start3A_218, %dma_start3A_219] : memref<10000x64xf32, #tpu.memory_space<vmem_shared>> -> memref<10000x64xf32, #tpu.memory_space<vmem_shared>>
      tpu.enqueue_indirect_dma source(%arg8 : memref<125x64xf32, #tpu.memory_space<vmem>>) target(%dma_start3A_220 : memref<10000x64xf32, #tpu.memory_space<vmem_shared>>) offsets(%dma_start3A_217 : memref<125xi32, #tpu.memory_space<vmem>>) semaphore(%arg17 : memref<!tpu.dma_semaphore, #tpu.memory_space<semaphore_mem>>) {add = true}
      %mul3A_221 = arith.constant 4 : i32
      %mul3A_222 = arith.muli %mul3A_221, %scan3A_202 : i32
      %add3A_223 = arith.constant 1 : i32
      %add3A_224 = arith.addi %mul3A_222, %add3A_223 : i32
      %gt3A_225 = arith.constant 0 : i32
      %gt3A_226 = arith.cmpi sgt, %add3A_224, %gt3A_225 : i32
      %convert_element_type3A_227 = arith.extui %gt3A_226 : i1 to i32
      %cond3A_228 = arith.constant 0 : i32
      %cond3A_229 = arith.cmpi ne, %convert_element_type3A_227, %cond3A_228 : i32
      scf.if %cond3A_229 {
        tpu.wait_dma2 semaphore(%arg17 : memref<!tpu.dma_semaphore, #tpu.memory_space<semaphore_mem>>) src(%arg4 : memref<125x64xf32, #tpu.memory_space<hbm>>) dst(%arg8 : memref<125x64xf32, #tpu.memory_space<vmem>>)
      } else {
      }
      %add3A_230 = arith.constant 3 : i32
      %add3A_231 = arith.addi %add3A_224, %add3A_230 : i32
      %lt3A_232 = arith.constant 80 : i32
      %lt3A_233 = arith.cmpi slt, %add3A_231, %lt3A_232 : i32
      %convert_element_type3A_234 = arith.extui %lt3A_233 : i1 to i32
      %cond3A_235 = arith.constant 0 : i32
      %cond3A_236 = arith.cmpi ne, %convert_element_type3A_234, %cond3A_235 : i32
      scf.if %cond3A_236 {
        %add3A_287 = arith.constant 3 : i32
        %add3A_288 = arith.addi %add3A_224, %add3A_287 : i32
        %dma_start3A_289 = arith.constant 0 : i32
        %dma_start3A_290 = tpu.memref_slice %arg6[%add3A_288, %dma_start3A_289] : memref<80x125xi32, #tpu.memory_space<vmem>> -> memref<1x125xi32, #tpu.memory_space<vmem>>
        %dma_start3A_291 = tpu.memref_squeeze %dma_start3A_290 : memref<1x125xi32, #tpu.memory_space<vmem>> -> memref<125xi32, #tpu.memory_space<vmem>>
        %dma_start3A_292 = arith.constant 0 : i32
        %dma_start3A_293 = arith.constant 0 : i32
        %dma_start3A_294 = tpu.memref_slice %arg2[%dma_start3A_292, %dma_start3A_293] : memref<10000x64xf32, #tpu.memory_space<hbm>> -> memref<10000x64xf32, #tpu.memory_space<hbm>>
        tpu.enqueue_indirect_dma source(%dma_start3A_294 : memref<10000x64xf32, #tpu.memory_space<hbm>>) target(%arg8 : memref<125x64xf32, #tpu.memory_space<vmem>>) offsets(%dma_start3A_291 : memref<125xi32, #tpu.memory_space<vmem>>) semaphore(%arg13 : memref<!tpu.dma_semaphore, #tpu.memory_space<semaphore_mem>>)
      } else {
      }
      tpu.wait_dma2 semaphore(%arg14 : memref<!tpu.dma_semaphore, #tpu.memory_space<semaphore_mem>>) src(%arg4 : memref<125x64xf32, #tpu.memory_space<hbm>>) dst(%arg9 : memref<125x64xf32, #tpu.memory_space<vmem>>)
      %dma_start3A_237 = arith.constant 0 : i32
      %dma_start3A_238 = tpu.memref_slice %arg7[%add3A_224, %dma_start3A_237] : memref<80x125xi32, #tpu.memory_space<vmem>> -> memref<1x125xi32, #tpu.memory_space<vmem>>
      %dma_start3A_239 = tpu.memref_squeeze %dma_start3A_238 : memref<1x125xi32, #tpu.memory_space<vmem>> -> memref<125xi32, #tpu.memory_space<vmem>>
      %dma_start3A_240 = arith.constant 0 : i32
      %dma_start3A_241 = arith.constant 0 : i32
      %dma_start3A_242 = tpu.memref_slice %arg12[%dma_start3A_240, %dma_start3A_241] : memref<10000x64xf32, #tpu.memory_space<vmem_shared>> -> memref<10000x64xf32, #tpu.memory_space<vmem_shared>>
      tpu.enqueue_indirect_dma source(%arg9 : memref<125x64xf32, #tpu.memory_space<vmem>>) target(%dma_start3A_242 : memref<10000x64xf32, #tpu.memory_space<vmem_shared>>) offsets(%dma_start3A_239 : memref<125xi32, #tpu.memory_space<vmem>>) semaphore(%arg18 : memref<!tpu.dma_semaphore, #tpu.memory_space<semaphore_mem>>) {add = true}
      %mul3A_243 = arith.constant 4 : i32
      %mul3A_244 = arith.muli %mul3A_243, %scan3A_202 : i32
      %add3A_245 = arith.constant 2 : i32
      %add3A_246 = arith.addi %mul3A_244, %add3A_245 : i32
      %gt3A_247 = arith.constant 0 : i32
      %gt3A_248 = arith.cmpi sgt, %add3A_246, %gt3A_247 : i32
      %convert_element_type3A_249 = arith.extui %gt3A_248 : i1 to i32
      %cond3A_250 = arith.constant 0 : i32
      %cond3A_251 = arith.cmpi ne, %convert_element_type3A_249, %cond3A_250 : i32
      scf.if %cond3A_251 {
        tpu.wait_dma2 semaphore(%arg18 : memref<!tpu.dma_semaphore, #tpu.memory_space<semaphore_mem>>) src(%arg4 : memref<125x64xf32, #tpu.memory_space<hbm>>) dst(%arg9 : memref<125x64xf32, #tpu.memory_space<vmem>>)
      } else {
      }
      %add3A_252 = arith.constant 3 : i32
      %add3A_253 = arith.addi %add3A_246, %add3A_252 : i32
      %lt3A_254 = arith.constant 80 : i32
      %lt3A_255 = arith.cmpi slt, %add3A_253, %lt3A_254 : i32
      %convert_element_type3A_256 = arith.extui %lt3A_255 : i1 to i32
      %cond3A_257 = arith.constant 0 : i32
      %cond3A_258 = arith.cmpi ne, %convert_element_type3A_256, %cond3A_257 : i32
      scf.if %cond3A_258 {
        %add3A_287 = arith.constant 3 : i32
        %add3A_288 = arith.addi %add3A_246, %add3A_287 : i32
        %dma_start3A_289 = arith.constant 0 : i32
        %dma_start3A_290 = tpu.memref_slice %arg6[%add3A_288, %dma_start3A_289] : memref<80x125xi32, #tpu.memory_space<vmem>> -> memref<1x125xi32, #tpu.memory_space<vmem>>
        %dma_start3A_291 = tpu.memref_squeeze %dma_start3A_290 : memref<1x125xi32, #tpu.memory_space<vmem>> -> memref<125xi32, #tpu.memory_space<vmem>>
        %dma_start3A_292 = arith.constant 0 : i32
        %dma_start3A_293 = arith.constant 0 : i32
        %dma_start3A_294 = tpu.memref_slice %arg2[%dma_start3A_292, %dma_start3A_293] : memref<10000x64xf32, #tpu.memory_space<hbm>> -> memref<10000x64xf32, #tpu.memory_space<hbm>>
        tpu.enqueue_indirect_dma source(%dma_start3A_294 : memref<10000x64xf32, #tpu.memory_space<hbm>>) target(%arg9 : memref<125x64xf32, #tpu.memory_space<vmem>>) offsets(%dma_start3A_291 : memref<125xi32, #tpu.memory_space<vmem>>) semaphore(%arg14 : memref<!tpu.dma_semaphore, #tpu.memory_space<semaphore_mem>>)
      } else {
      }
      tpu.wait_dma2 semaphore(%arg15 : memref<!tpu.dma_semaphore, #tpu.memory_space<semaphore_mem>>) src(%arg4 : memref<125x64xf32, #tpu.memory_space<hbm>>) dst(%arg10 : memref<125x64xf32, #tpu.memory_space<vmem>>)
      %dma_start3A_259 = arith.constant 0 : i32
      %dma_start3A_260 = tpu.memref_slice %arg7[%add3A_246, %dma_start3A_259] : memref<80x125xi32, #tpu.memory_space<vmem>> -> memref<1x125xi32, #tpu.memory_space<vmem>>
      %dma_start3A_261 = tpu.memref_squeeze %dma_start3A_260 : memref<1x125xi32, #tpu.memory_space<vmem>> -> memref<125xi32, #tpu.memory_space<vmem>>
      %dma_start3A_262 = arith.constant 0 : i32
      %dma_start3A_263 = arith.constant 0 : i32
      %dma_start3A_264 = tpu.memref_slice %arg12[%dma_start3A_262, %dma_start3A_263] : memref<10000x64xf32, #tpu.memory_space<vmem_shared>> -> memref<10000x64xf32, #tpu.memory_space<vmem_shared>>
      tpu.enqueue_indirect_dma source(%arg10 : memref<125x64xf32, #tpu.memory_space<vmem>>) target(%dma_start3A_264 : memref<10000x64xf32, #tpu.memory_space<vmem_shared>>) offsets(%dma_start3A_261 : memref<125xi32, #tpu.memory_space<vmem>>) semaphore(%arg19 : memref<!tpu.dma_semaphore, #tpu.memory_space<semaphore_mem>>) {add = true}
      %mul3A_265 = arith.constant 4 : i32
      %mul3A_266 = arith.muli %mul3A_265, %scan3A_202 : i32
      %add3A_267 = arith.constant 3 : i32
      %add3A_268 = arith.addi %mul3A_266, %add3A_267 : i32
      %gt3A_269 = arith.constant 0 : i32
      %gt3A_270 = arith.cmpi sgt, %add3A_268, %gt3A_269 : i32
      %convert_element_type3A_271 = arith.extui %gt3A_270 : i1 to i32
      %cond3A_272 = arith.constant 0 : i32
      %cond3A_273 = arith.cmpi ne, %convert_element_type3A_271, %cond3A_272 : i32
      scf.if %cond3A_273 {
        tpu.wait_dma2 semaphore(%arg19 : memref<!tpu.dma_semaphore, #tpu.memory_space<semaphore_mem>>) src(%arg4 : memref<125x64xf32, #tpu.memory_space<hbm>>) dst(%arg10 : memref<125x64xf32, #tpu.memory_space<vmem>>)
      } else {
      }
      %add3A_274 = arith.constant 3 : i32
      %add3A_275 = arith.addi %add3A_268, %add3A_274 : i32
      %lt3A_276 = arith.constant 80 : i32
      %lt3A_277 = arith.cmpi slt, %add3A_275, %lt3A_276 : i32
      %convert_element_type3A_278 = arith.extui %lt3A_277 : i1 to i32
      %cond3A_279 = arith.constant 0 : i32
      %cond3A_280 = arith.cmpi ne, %convert_element_type3A_278, %cond3A_279 : i32
      scf.if %cond3A_280 {
        %add3A_287 = arith.constant 3 : i32
        %add3A_288 = arith.addi %add3A_268, %add3A_287 : i32
        %dma_start3A_289 = arith.constant 0 : i32
        %dma_start3A_290 = tpu.memref_slice %arg6[%add3A_288, %dma_start3A_289] : memref<80x125xi32, #tpu.memory_space<vmem>> -> memref<1x125xi32, #tpu.memory_space<vmem>>
        %dma_start3A_291 = tpu.memref_squeeze %dma_start3A_290 : memref<1x125xi32, #tpu.memory_space<vmem>> -> memref<125xi32, #tpu.memory_space<vmem>>
        %dma_start3A_292 = arith.constant 0 : i32
        %dma_start3A_293 = arith.constant 0 : i32
        %dma_start3A_294 = tpu.memref_slice %arg2[%dma_start3A_292, %dma_start3A_293] : memref<10000x64xf32, #tpu.memory_space<hbm>> -> memref<10000x64xf32, #tpu.memory_space<hbm>>
        tpu.enqueue_indirect_dma source(%dma_start3A_294 : memref<10000x64xf32, #tpu.memory_space<hbm>>) target(%arg10 : memref<125x64xf32, #tpu.memory_space<vmem>>) offsets(%dma_start3A_291 : memref<125xi32, #tpu.memory_space<vmem>>) semaphore(%arg15 : memref<!tpu.dma_semaphore, #tpu.memory_space<semaphore_mem>>)
      } else {
      }
      tpu.wait_dma2 semaphore(%arg16 : memref<!tpu.dma_semaphore, #tpu.memory_space<semaphore_mem>>) src(%arg4 : memref<125x64xf32, #tpu.memory_space<hbm>>) dst(%arg11 : memref<125x64xf32, #tpu.memory_space<vmem>>)
      %dma_start3A_281 = arith.constant 0 : i32
      %dma_start3A_282 = tpu.memref_slice %arg7[%add3A_268, %dma_start3A_281] : memref<80x125xi32, #tpu.memory_space<vmem>> -> memref<1x125xi32, #tpu.memory_space<vmem>>
      %dma_start3A_283 = tpu.memref_squeeze %dma_start3A_282 : memref<1x125xi32, #tpu.memory_space<vmem>> -> memref<125xi32, #tpu.memory_space<vmem>>
      %dma_start3A_284 = arith.constant 0 : i32
      %dma_start3A_285 = arith.constant 0 : i32
      %dma_start3A_286 = tpu.memref_slice %arg12[%dma_start3A_284, %dma_start3A_285] : memref<10000x64xf32, #tpu.memory_space<vmem_shared>> -> memref<10000x64xf32, #tpu.memory_space<vmem_shared>>
      tpu.enqueue_indirect_dma source(%arg11 : memref<125x64xf32, #tpu.memory_space<vmem>>) target(%dma_start3A_286 : memref<10000x64xf32, #tpu.memory_space<vmem_shared>>) offsets(%dma_start3A_283 : memref<125xi32, #tpu.memory_space<vmem>>) semaphore(%arg20 : memref<!tpu.dma_semaphore, #tpu.memory_space<semaphore_mem>>) {add = true}
    }
    %scan3A_110 = arith.constant 20 : i32
    tpu.wait_dma2 semaphore(%arg20 : memref<!tpu.dma_semaphore, #tpu.memory_space<semaphore_mem>>) src(%arg4 : memref<125x64xf32, #tpu.memory_space<hbm>>) dst(%arg11 : memref<125x64xf32, #tpu.memory_space<vmem>>)
    %barrier3A_111 = arith.constant 0 : index
    tpu.barrier barrier_id(%barrier3A_111)
    %mul3A_112 = arith.constant 5 : i32
    %mul3A_113 = arith.muli %mul3A_112, %arg1 : i32
    %add3A_114 = arith.constant 0 : i32
    %add3A_115 = arith.addi %mul3A_113, %add3A_114 : i32
    %mul3A_116 = arith.constant 125 : i32
    %mul3A_117 = arith.muli %add3A_115, %mul3A_116 : i32
    %dma_start3A_118 = arith.constant 0 : i32
    %dma_start3A_119 = tpu.memref_slice %arg12[%mul3A_117, %dma_start3A_118] : memref<10000x64xf32, #tpu.memory_space<vmem_shared>> -> memref<125x64xf32, #tpu.memory_space<vmem_shared>>
    %dma_start3A_120 = arith.constant 0 : i32
    %dma_start3A_121 = tpu.memref_slice %arg12[%mul3A_117, %dma_start3A_120] : memref<10000x64xf32, #tpu.memory_space<vmem_shared>> -> memref<125x64xf32, #tpu.memory_space<vmem_shared>>
    tpu.enqueue_dma source(%dma_start3A_121 : memref<125x64xf32, #tpu.memory_space<vmem_shared>>) target(%arg8 : memref<125x64xf32, #tpu.memory_space<vmem>>) target_semaphore(%arg13 : memref<!tpu.dma_semaphore, #tpu.memory_space<semaphore_mem>>)
    tpu.wait_dma2 semaphore(%arg13 : memref<!tpu.dma_semaphore, #tpu.memory_space<semaphore_mem>>) src(%arg4 : memref<125x64xf32, #tpu.memory_space<hbm>>) dst(%arg8 : memref<125x64xf32, #tpu.memory_space<vmem>>)
    %mul3A_122 = arith.constant 125 : i32
    %mul3A_123 = arith.muli %add3A_115, %mul3A_122 : i32
    %dma_start3A_124 = arith.constant 0 : i32
    %dma_start3A_125 = tpu.memref_slice %arg5[%arg0, %mul3A_123, %dma_start3A_124] : memref<2x10000x64xf32, #tpu.memory_space<hbm>> -> memref<1x125x64xf32, #tpu.memory_space<hbm>>
    %dma_start3A_126 = tpu.memref_squeeze %dma_start3A_125 : memref<1x125x64xf32, #tpu.memory_space<hbm>> -> memref<125x64xf32, #tpu.memory_space<hbm>>
    %dma_start3A_127 = arith.constant 0 : i32
    %dma_start3A_128 = tpu.memref_slice %arg5[%arg0, %mul3A_123, %dma_start3A_127] : memref<2x10000x64xf32, #tpu.memory_space<hbm>> -> memref<1x125x64xf32, #tpu.memory_space<hbm>>
    %dma_start3A_129 = tpu.memref_squeeze %dma_start3A_128 : memref<1x125x64xf32, #tpu.memory_space<hbm>> -> memref<125x64xf32, #tpu.memory_space<hbm>>
    tpu.enqueue_dma source(%arg8 : memref<125x64xf32, #tpu.memory_space<vmem>>) target(%dma_start3A_129 : memref<125x64xf32, #tpu.memory_space<hbm>>) target_semaphore(%arg17 : memref<!tpu.dma_semaphore, #tpu.memory_space<semaphore_mem>>)
    %mul3A_130 = arith.constant 5 : i32
    %mul3A_131 = arith.muli %mul3A_130, %arg1 : i32
    %add3A_132 = arith.constant 1 : i32
    %add3A_133 = arith.addi %mul3A_131, %add3A_132 : i32
    %mul3A_134 = arith.constant 125 : i32
    %mul3A_135 = arith.muli %add3A_133, %mul3A_134 : i32
    %dma_start3A_136 = arith.constant 0 : i32
    %dma_start3A_137 = tpu.memref_slice %arg12[%mul3A_135, %dma_start3A_136] : memref<10000x64xf32, #tpu.memory_space<vmem_shared>> -> memref<125x64xf32, #tpu.memory_space<vmem_shared>>
    %dma_start3A_138 = arith.constant 0 : i32
    %dma_start3A_139 = tpu.memref_slice %arg12[%mul3A_135, %dma_start3A_138] : memref<10000x64xf32, #tpu.memory_space<vmem_shared>> -> memref<125x64xf32, #tpu.memory_space<vmem_shared>>
    tpu.enqueue_dma source(%dma_start3A_139 : memref<125x64xf32, #tpu.memory_space<vmem_shared>>) target(%arg9 : memref<125x64xf32, #tpu.memory_space<vmem>>) target_semaphore(%arg14 : memref<!tpu.dma_semaphore, #tpu.memory_space<semaphore_mem>>)
    tpu.wait_dma2 semaphore(%arg14 : memref<!tpu.dma_semaphore, #tpu.memory_space<semaphore_mem>>) src(%arg4 : memref<125x64xf32, #tpu.memory_space<hbm>>) dst(%arg9 : memref<125x64xf32, #tpu.memory_space<vmem>>)
    %mul3A_140 = arith.constant 125 : i32
    %mul3A_141 = arith.muli %add3A_133, %mul3A_140 : i32
    %dma_start3A_142 = arith.constant 0 : i32
    %dma_start3A_143 = tpu.memref_slice %arg5[%arg0, %mul3A_141, %dma_start3A_142] : memref<2x10000x64xf32, #tpu.memory_space<hbm>> -> memref<1x125x64xf32, #tpu.memory_space<hbm>>
    %dma_start3A_144 = tpu.memref_squeeze %dma_start3A_143 : memref<1x125x64xf32, #tpu.memory_space<hbm>> -> memref<125x64xf32, #tpu.memory_space<hbm>>
    %dma_start3A_145 = arith.constant 0 : i32
    %dma_start3A_146 = tpu.memref_slice %arg5[%arg0, %mul3A_141, %dma_start3A_145] : memref<2x10000x64xf32, #tpu.memory_space<hbm>> -> memref<1x125x64xf32, #tpu.memory_space<hbm>>
    %dma_start3A_147 = tpu.memref_squeeze %dma_start3A_146 : memref<1x125x64xf32, #tpu.memory_space<hbm>> -> memref<125x64xf32, #tpu.memory_space<hbm>>
    tpu.enqueue_dma source(%arg9 : memref<125x64xf32, #tpu.memory_space<vmem>>) target(%dma_start3A_147 : memref<125x64xf32, #tpu.memory_space<hbm>>) target_semaphore(%arg18 : memref<!tpu.dma_semaphore, #tpu.memory_space<semaphore_mem>>)
    %mul3A_148 = arith.constant 5 : i32
    %mul3A_149 = arith.muli %mul3A_148, %arg1 : i32
    %add3A_150 = arith.constant 2 : i32
    %add3A_151 = arith.addi %mul3A_149, %add3A_150 : i32
    %mul3A_152 = arith.constant 125 : i32
    %mul3A_153 = arith.muli %add3A_151, %mul3A_152 : i32
    %dma_start3A_154 = arith.constant 0 : i32
    %dma_start3A_155 = tpu.memref_slice %arg12[%mul3A_153, %dma_start3A_154] : memref<10000x64xf32, #tpu.memory_space<vmem_shared>> -> memref<125x64xf32, #tpu.memory_space<vmem_shared>>
    %dma_start3A_156 = arith.constant 0 : i32
    %dma_start3A_157 = tpu.memref_slice %arg12[%mul3A_153, %dma_start3A_156] : memref<10000x64xf32, #tpu.memory_space<vmem_shared>> -> memref<125x64xf32, #tpu.memory_space<vmem_shared>>
    tpu.enqueue_dma source(%dma_start3A_157 : memref<125x64xf32, #tpu.memory_space<vmem_shared>>) target(%arg10 : memref<125x64xf32, #tpu.memory_space<vmem>>) target_semaphore(%arg15 : memref<!tpu.dma_semaphore, #tpu.memory_space<semaphore_mem>>)
    tpu.wait_dma2 semaphore(%arg15 : memref<!tpu.dma_semaphore, #tpu.memory_space<semaphore_mem>>) src(%arg4 : memref<125x64xf32, #tpu.memory_space<hbm>>) dst(%arg10 : memref<125x64xf32, #tpu.memory_space<vmem>>)
    %mul3A_158 = arith.constant 125 : i32
    %mul3A_159 = arith.muli %add3A_151, %mul3A_158 : i32
    %dma_start3A_160 = arith.constant 0 : i32
    %dma_start3A_161 = tpu.memref_slice %arg5[%arg0, %mul3A_159, %dma_start3A_160] : memref<2x10000x64xf32, #tpu.memory_space<hbm>> -> memref<1x125x64xf32, #tpu.memory_space<hbm>>
    %dma_start3A_162 = tpu.memref_squeeze %dma_start3A_161 : memref<1x125x64xf32, #tpu.memory_space<hbm>> -> memref<125x64xf32, #tpu.memory_space<hbm>>
    %dma_start3A_163 = arith.constant 0 : i32
    %dma_start3A_164 = tpu.memref_slice %arg5[%arg0, %mul3A_159, %dma_start3A_163] : memref<2x10000x64xf32, #tpu.memory_space<hbm>> -> memref<1x125x64xf32, #tpu.memory_space<hbm>>
    %dma_start3A_165 = tpu.memref_squeeze %dma_start3A_164 : memref<1x125x64xf32, #tpu.memory_space<hbm>> -> memref<125x64xf32, #tpu.memory_space<hbm>>
    tpu.enqueue_dma source(%arg10 : memref<125x64xf32, #tpu.memory_space<vmem>>) target(%dma_start3A_165 : memref<125x64xf32, #tpu.memory_space<hbm>>) target_semaphore(%arg19 : memref<!tpu.dma_semaphore, #tpu.memory_space<semaphore_mem>>)
    %mul3A_166 = arith.constant 5 : i32
    %mul3A_167 = arith.muli %mul3A_166, %arg1 : i32
    %add3A_168 = arith.constant 3 : i32
    %add3A_169 = arith.addi %mul3A_167, %add3A_168 : i32
    %mul3A_170 = arith.constant 125 : i32
    %mul3A_171 = arith.muli %add3A_169, %mul3A_170 : i32
    %dma_start3A_172 = arith.constant 0 : i32
    %dma_start3A_173 = tpu.memref_slice %arg12[%mul3A_171, %dma_start3A_172] : memref<10000x64xf32, #tpu.memory_space<vmem_shared>> -> memref<125x64xf32, #tpu.memory_space<vmem_shared>>
    %dma_start3A_174 = arith.constant 0 : i32
    %dma_start3A_175 = tpu.memref_slice %arg12[%mul3A_171, %dma_start3A_174] : memref<10000x64xf32, #tpu.memory_space<vmem_shared>> -> memref<125x64xf32, #tpu.memory_space<vmem_shared>>
    tpu.enqueue_dma source(%dma_start3A_175 : memref<125x64xf32, #tpu.memory_space<vmem_shared>>) target(%arg11 : memref<125x64xf32, #tpu.memory_space<vmem>>) target_semaphore(%arg16 : memref<!tpu.dma_semaphore, #tpu.memory_space<semaphore_mem>>)
    tpu.wait_dma2 semaphore(%arg16 : memref<!tpu.dma_semaphore, #tpu.memory_space<semaphore_mem>>) src(%arg4 : memref<125x64xf32, #tpu.memory_space<hbm>>) dst(%arg11 : memref<125x64xf32, #tpu.memory_space<vmem>>)
    %mul3A_176 = arith.constant 125 : i32
    %mul3A_177 = arith.muli %add3A_169, %mul3A_176 : i32
    %dma_start3A_178 = arith.constant 0 : i32
    %dma_start3A_179 = tpu.memref_slice %arg5[%arg0, %mul3A_177, %dma_start3A_178] : memref<2x10000x64xf32, #tpu.memory_space<hbm>> -> memref<1x125x64xf32, #tpu.memory_space<hbm>>
    %dma_start3A_180 = tpu.memref_squeeze %dma_start3A_179 : memref<1x125x64xf32, #tpu.memory_space<hbm>> -> memref<125x64xf32, #tpu.memory_space<hbm>>
    %dma_start3A_181 = arith.constant 0 : i32
    %dma_start3A_182 = tpu.memref_slice %arg5[%arg0, %mul3A_177, %dma_start3A_181] : memref<2x10000x64xf32, #tpu.memory_space<hbm>> -> memref<1x125x64xf32, #tpu.memory_space<hbm>>
    %dma_start3A_183 = tpu.memref_squeeze %dma_start3A_182 : memref<1x125x64xf32, #tpu.memory_space<hbm>> -> memref<125x64xf32, #tpu.memory_space<hbm>>
    tpu.enqueue_dma source(%arg11 : memref<125x64xf32, #tpu.memory_space<vmem>>) target(%dma_start3A_183 : memref<125x64xf32, #tpu.memory_space<hbm>>) target_semaphore(%arg20 : memref<!tpu.dma_semaphore, #tpu.memory_space<semaphore_mem>>)
    tpu.wait_dma2 semaphore(%arg17 : memref<!tpu.dma_semaphore, #tpu.memory_space<semaphore_mem>>) src(%arg4 : memref<125x64xf32, #tpu.memory_space<hbm>>) dst(%arg8 : memref<125x64xf32, #tpu.memory_space<vmem>>)
    %mul3A_184 = arith.constant 5 : i32
    %mul3A_185 = arith.muli %mul3A_184, %arg1 : i32
    %add3A_186 = arith.constant 4 : i32
    %add3A_187 = arith.addi %mul3A_185, %add3A_186 : i32
    %mul3A_188 = arith.constant 125 : i32
    %mul3A_189 = arith.muli %add3A_187, %mul3A_188 : i32
    %dma_start3A_190 = arith.constant 0 : i32
    %dma_start3A_191 = tpu.memref_slice %arg12[%mul3A_189, %dma_start3A_190] : memref<10000x64xf32, #tpu.memory_space<vmem_shared>> -> memref<125x64xf32, #tpu.memory_space<vmem_shared>>
    %dma_start3A_192 = arith.constant 0 : i32
    %dma_start3A_193 = tpu.memref_slice %arg12[%mul3A_189, %dma_start3A_192] : memref<10000x64xf32, #tpu.memory_space<vmem_shared>> -> memref<125x64xf32, #tpu.memory_space<vmem_shared>>
    tpu.enqueue_dma source(%dma_start3A_193 : memref<125x64xf32, #tpu.memory_space<vmem_shared>>) target(%arg8 : memref<125x64xf32, #tpu.memory_space<vmem>>) target_semaphore(%arg13 : memref<!tpu.dma_semaphore, #tpu.memory_space<semaphore_mem>>)
    tpu.wait_dma2 semaphore(%arg13 : memref<!tpu.dma_semaphore, #tpu.memory_space<semaphore_mem>>) src(%arg4 : memref<125x64xf32, #tpu.memory_space<hbm>>) dst(%arg8 : memref<125x64xf32, #tpu.memory_space<vmem>>)
    %mul3A_194 = arith.constant 125 : i32
    %mul3A_195 = arith.muli %add3A_187, %mul3A_194 : i32
    %dma_start3A_196 = arith.constant 0 : i32
    %dma_start3A_197 = tpu.memref_slice %arg5[%arg0, %mul3A_195, %dma_start3A_196] : memref<2x10000x64xf32, #tpu.memory_space<hbm>> -> memref<1x125x64xf32, #tpu.memory_space<hbm>>
    %dma_start3A_198 = tpu.memref_squeeze %dma_start3A_197 : memref<1x125x64xf32, #tpu.memory_space<hbm>> -> memref<125x64xf32, #tpu.memory_space<hbm>>
    %dma_start3A_199 = arith.constant 0 : i32
    %dma_start3A_200 = tpu.memref_slice %arg5[%arg0, %mul3A_195, %dma_start3A_199] : memref<2x10000x64xf32, #tpu.memory_space<hbm>> -> memref<1x125x64xf32, #tpu.memory_space<hbm>>
    %dma_start3A_201 = tpu.memref_squeeze %dma_start3A_200 : memref<1x125x64xf32, #tpu.memory_space<hbm>> -> memref<125x64xf32, #tpu.memory_space<hbm>>
    tpu.enqueue_dma source(%arg8 : memref<125x64xf32, #tpu.memory_space<vmem>>) target(%dma_start3A_201 : memref<125x64xf32, #tpu.memory_space<hbm>>) target_semaphore(%arg17 : memref<!tpu.dma_semaphore, #tpu.memory_space<semaphore_mem>>)
    tpu.wait_dma2 semaphore(%arg18 : memref<!tpu.dma_semaphore, #tpu.memory_space<semaphore_mem>>) src(%arg4 : memref<125x64xf32, #tpu.memory_space<hbm>>) dst(%arg9 : memref<125x64xf32, #tpu.memory_space<vmem>>)
    tpu.wait_dma2 semaphore(%arg19 : memref<!tpu.dma_semaphore, #tpu.memory_space<semaphore_mem>>) src(%arg4 : memref<125x64xf32, #tpu.memory_space<hbm>>) dst(%arg10 : memref<125x64xf32, #tpu.memory_space<vmem>>)
    tpu.wait_dma2 semaphore(%arg20 : memref<!tpu.dma_semaphore, #tpu.memory_space<semaphore_mem>>) src(%arg4 : memref<125x64xf32, #tpu.memory_space<hbm>>) dst(%arg11 : memref<125x64xf32, #tpu.memory_space<vmem>>)
    tpu.wait_dma2 semaphore(%arg17 : memref<!tpu.dma_semaphore, #tpu.memory_space<semaphore_mem>>) src(%arg4 : memref<125x64xf32, #tpu.memory_space<hbm>>) dst(%arg8 : memref<125x64xf32, #tpu.memory_space<vmem>>)
    return
  }
}

#map = affine_map<(d0, d1) -> (0, 0)>
#map1 = affine_map<(d0, d1) -> (0, 0, 0)>
module attributes {stable_mosaic.version = 14 : i64} {
  func.func @_scatter_kernel(%arg0: i32, %arg1: i32, %arg2: memref<10000x64xf32, #tpu.memory_space<hbm>>, %arg3: memref<2x2560x125xi32, #tpu.memory_space<hbm>>, %arg4: memref<125x64xf32, #tpu.memory_space<hbm>>, %arg5: memref<2x10000x64xf32, #tpu.memory_space<hbm>>, %arg6: memref<80x125xi32, #tpu.memory_space<vmem>>, %arg7: memref<80x125xi32, #tpu.memory_space<vmem>>, %arg8: memref<125x64xf32, #tpu.memory_space<vmem>>, %arg9: memref<125x64xf32, #tpu.memory_space<vmem>>, %arg10: memref<125x64xf32, #tpu.memory_space<vmem>>, %arg11: memref<125x64xf32, #tpu.memory_space<vmem>>, %arg12: memref<10000x64xf32, #tpu.memory_space<vmem_shared>>, %arg13: memref<!tpu.dma_semaphore, #tpu.memory_space<semaphore_mem>>, %arg14: memref<!tpu.dma_semaphore, #tpu.memory_space<semaphore_mem>>, %arg15: memref<!tpu.dma_semaphore, #tpu.memory_space<semaphore_mem>>, %arg16: memref<!tpu.dma_semaphore, #tpu.memory_space<semaphore_mem>>, %arg17: memref<!tpu.dma_semaphore, #tpu.memory_space<semaphore_mem>>, %arg18: memref<!tpu.dma_semaphore, #tpu.memory_space<semaphore_mem>>, %arg19: memref<!tpu.dma_semaphore, #tpu.memory_space<semaphore_mem>>, %arg20: memref<!tpu.dma_semaphore, #tpu.memory_space<semaphore_mem>>) attributes {dimension_semantics = [#tpu.dimension_semantics<core_parallel>, #tpu.dimension_semantics<subcore_parallel>], iteration_bounds = array<i64: 2, 16>, scalar_prefetch = 0 : i64, scratch_operands = 15 : i64, tpu.core_type = #tpu.core_type<sc_vector_subcore>, window_params = [{transform_indices = #map}, {transform_indices = #map1}, {transform_indices = #map}, {transform_indices = #map1}]} {
    %mul3A = arith.constant 2 : i32
    %mul3A_0 = arith.muli %arg1, %mul3A : i32
    %add3A = arith.addi %mul3A_0, %arg0 : i32
    %mul3A_1 = arith.constant 80 : i32
    %mul3A_2 = arith.muli %add3A, %mul3A_1 : i32
    %dma_start3A = arith.constant 0 : i32
    %dma_start3A_3 = arith.constant 0 : i32
    %dma_start3A_4 = tpu.memref_slice %arg3[%dma_start3A, %mul3A_2, %dma_start3A_3] : memref<2x2560x125xi32, #tpu.memory_space<hbm>> -> memref<1x80x125xi32, #tpu.memory_space<hbm>>
    %dma_start3A_5 = tpu.memref_squeeze %dma_start3A_4 : memref<1x80x125xi32, #tpu.memory_space<hbm>> -> memref<80x125xi32, #tpu.memory_space<hbm>>
    %dma_start3A_6 = arith.constant 0 : i32
    %dma_start3A_7 = tpu.memref_slice %arg3[%dma_start3A, %mul3A_2, %dma_start3A_6] : memref<2x2560x125xi32, #tpu.memory_space<hbm>> -> memref<1x80x125xi32, #tpu.memory_space<hbm>>
    %dma_start3A_8 = tpu.memref_squeeze %dma_start3A_7 : memref<1x80x125xi32, #tpu.memory_space<hbm>> -> memref<80x125xi32, #tpu.memory_space<hbm>>
    tpu.enqueue_dma source(%dma_start3A_8 : memref<80x125xi32, #tpu.memory_space<hbm>>) target(%arg6 : memref<80x125xi32, #tpu.memory_space<vmem>>) target_semaphore(%arg13 : memref<!tpu.dma_semaphore, #tpu.memory_space<semaphore_mem>>)
    %mul3A_9 = arith.constant 80 : i32
    %mul3A_10 = arith.muli %add3A, %mul3A_9 : i32
    %dma_start3A_11 = arith.constant 1 : i32
    %dma_start3A_12 = arith.constant 0 : i32
    %dma_start3A_13 = tpu.memref_slice %arg3[%dma_start3A_11, %mul3A_10, %dma_start3A_12] : memref<2x2560x125xi32, #tpu.memory_space<hbm>> -> memref<1x80x125xi32, #tpu.memory_space<hbm>>
    %dma_start3A_14 = tpu.memref_squeeze %dma_start3A_13 : memref<1x80x125xi32, #tpu.memory_space<hbm>> -> memref<80x125xi32, #tpu.memory_space<hbm>>
    %dma_start3A_15 = arith.constant 0 : i32
    %dma_start3A_16 = tpu.memref_slice %arg3[%dma_start3A_11, %mul3A_10, %dma_start3A_15] : memref<2x2560x125xi32, #tpu.memory_space<hbm>> -> memref<1x80x125xi32, #tpu.memory_space<hbm>>
    %dma_start3A_17 = tpu.memref_squeeze %dma_start3A_16 : memref<1x80x125xi32, #tpu.memory_space<hbm>> -> memref<80x125xi32, #tpu.memory_space<hbm>>
    tpu.enqueue_dma source(%dma_start3A_17 : memref<80x125xi32, #tpu.memory_space<hbm>>) target(%arg7 : memref<80x125xi32, #tpu.memory_space<vmem>>) target_semaphore(%arg14 : memref<!tpu.dma_semaphore, #tpu.memory_space<semaphore_mem>>)
    "tpu.region"() ({
      %run_scoped3A = tpu.sem_alloc : memref<!tpu.dma_semaphore, #tpu.memory_space<semaphore_mem>>
      tpu.enqueue_dma source(%arg4 : memref<125x64xf32, #tpu.memory_space<hbm>>) target(%arg8 : memref<125x64xf32, #tpu.memory_space<vmem>>) target_semaphore(%run_scoped3A : memref<!tpu.dma_semaphore, #tpu.memory_space<semaphore_mem>>)
      tpu.wait_dma2 semaphore(%run_scoped3A : memref<!tpu.dma_semaphore, #tpu.memory_space<semaphore_mem>>) src(%arg4 : memref<125x64xf32, #tpu.memory_space<hbm>>) dst(%arg8 : memref<125x64xf32, #tpu.memory_space<vmem>>)
      tpu.yield
    }) : () -> ()
    %mul3A_18 = arith.constant 5 : i32
    %mul3A_19 = arith.muli %mul3A_18, %arg1 : i32
    %add3A_20 = arith.constant 0 : i32
    %add3A_21 = arith.addi %mul3A_19, %add3A_20 : i32
    %mul3A_22 = arith.constant 125 : i32
    %mul3A_23 = arith.muli %add3A_21, %mul3A_22 : i32
    %dma_start3A_24 = arith.constant 0 : i32
    %dma_start3A_25 = tpu.memref_slice %arg12[%mul3A_23, %dma_start3A_24] : memref<10000x64xf32, #tpu.memory_space<vmem_shared>> -> memref<125x64xf32, #tpu.memory_space<vmem_shared>>
    %dma_start3A_26 = arith.constant 0 : i32
    %dma_start3A_27 = tpu.memref_slice %arg12[%mul3A_23, %dma_start3A_26] : memref<10000x64xf32, #tpu.memory_space<vmem_shared>> -> memref<125x64xf32, #tpu.memory_space<vmem_shared>>
    tpu.enqueue_dma source(%arg8 : memref<125x64xf32, #tpu.memory_space<vmem>>) target(%dma_start3A_27 : memref<125x64xf32, #tpu.memory_space<vmem_shared>>) target_semaphore(%arg17 : memref<!tpu.dma_semaphore, #tpu.memory_space<semaphore_mem>>)
    %mul3A_28 = arith.constant 5 : i32
    %mul3A_29 = arith.muli %mul3A_28, %arg1 : i32
    %add3A_30 = arith.constant 1 : i32
    %add3A_31 = arith.addi %mul3A_29, %add3A_30 : i32
    %mul3A_32 = arith.constant 125 : i32
    %mul3A_33 = arith.muli %add3A_31, %mul3A_32 : i32
    %dma_start3A_34 = arith.constant 0 : i32
    %dma_start3A_35 = tpu.memref_slice %arg12[%mul3A_33, %dma_start3A_34] : memref<10000x64xf32, #tpu.memory_space<vmem_shared>> -> memref<125x64xf32, #tpu.memory_space<vmem_shared>>
    %dma_start3A_36 = arith.constant 0 : i32
    %dma_start3A_37 = tpu.memref_slice %arg12[%mul3A_33, %dma_start3A_36] : memref<10000x64xf32, #tpu.memory_space<vmem_shared>> -> memref<125x64xf32, #tpu.memory_space<vmem_shared>>
    tpu.enqueue_dma source(%arg8 : memref<125x64xf32, #tpu.memory_space<vmem>>) target(%dma_start3A_37 : memref<125x64xf32, #tpu.memory_space<vmem_shared>>) target_semaphore(%arg18 : memref<!tpu.dma_semaphore, #tpu.memory_space<semaphore_mem>>)
    %mul3A_38 = arith.constant 5 : i32
    %mul3A_39 = arith.muli %mul3A_38, %arg1 : i32
    %add3A_40 = arith.constant 2 : i32
    %add3A_41 = arith.addi %mul3A_39, %add3A_40 : i32
    %mul3A_42 = arith.constant 125 : i32
    %mul3A_43 = arith.muli %add3A_41, %mul3A_42 : i32
    %dma_start3A_44 = arith.constant 0 : i32
    %dma_start3A_45 = tpu.memref_slice %arg12[%mul3A_43, %dma_start3A_44] : memref<10000x64xf32, #tpu.memory_space<vmem_shared>> -> memref<125x64xf32, #tpu.memory_space<vmem_shared>>
    %dma_start3A_46 = arith.constant 0 : i32
    %dma_start3A_47 = tpu.memref_slice %arg12[%mul3A_43, %dma_start3A_46] : memref<10000x64xf32, #tpu.memory_space<vmem_shared>> -> memref<125x64xf32, #tpu.memory_space<vmem_shared>>
    tpu.enqueue_dma source(%arg8 : memref<125x64xf32, #tpu.memory_space<vmem>>) target(%dma_start3A_47 : memref<125x64xf32, #tpu.memory_space<vmem_shared>>) target_semaphore(%arg19 : memref<!tpu.dma_semaphore, #tpu.memory_space<semaphore_mem>>)
    %mul3A_48 = arith.constant 5 : i32
    %mul3A_49 = arith.muli %mul3A_48, %arg1 : i32
    %add3A_50 = arith.constant 3 : i32
    %add3A_51 = arith.addi %mul3A_49, %add3A_50 : i32
    %mul3A_52 = arith.constant 125 : i32
    %mul3A_53 = arith.muli %add3A_51, %mul3A_52 : i32
    %dma_start3A_54 = arith.constant 0 : i32
    %dma_start3A_55 = tpu.memref_slice %arg12[%mul3A_53, %dma_start3A_54] : memref<10000x64xf32, #tpu.memory_space<vmem_shared>> -> memref<125x64xf32, #tpu.memory_space<vmem_shared>>
    %dma_start3A_56 = arith.constant 0 : i32
    %dma_start3A_57 = tpu.memref_slice %arg12[%mul3A_53, %dma_start3A_56] : memref<10000x64xf32, #tpu.memory_space<vmem_shared>> -> memref<125x64xf32, #tpu.memory_space<vmem_shared>>
    tpu.enqueue_dma source(%arg8 : memref<125x64xf32, #tpu.memory_space<vmem>>) target(%dma_start3A_57 : memref<125x64xf32, #tpu.memory_space<vmem_shared>>) target_semaphore(%arg20 : memref<!tpu.dma_semaphore, #tpu.memory_space<semaphore_mem>>)
    %mul3A_58 = arith.constant 5 : i32
    %mul3A_59 = arith.muli %mul3A_58, %arg1 : i32
    %add3A_60 = arith.constant 4 : i32
    %add3A_61 = arith.addi %mul3A_59, %add3A_60 : i32
    %mul3A_62 = arith.constant 125 : i32
    %mul3A_63 = arith.muli %add3A_61, %mul3A_62 : i32
    %dma_start3A_64 = arith.constant 0 : i32
    %dma_start3A_65 = tpu.memref_slice %arg12[%mul3A_63, %dma_start3A_64] : memref<10000x64xf32, #tpu.memory_space<vmem_shared>> -> memref<125x64xf32, #tpu.memory_space<vmem_shared>>
    %dma_start3A_66 = arith.constant 0 : i32
    %dma_start3A_67 = tpu.memref_slice %arg12[%mul3A_63, %dma_start3A_66] : memref<10000x64xf32, #tpu.memory_space<vmem_shared>> -> memref<125x64xf32, #tpu.memory_space<vmem_shared>>
    tpu.enqueue_dma source(%arg8 : memref<125x64xf32, #tpu.memory_space<vmem>>) target(%dma_start3A_67 : memref<125x64xf32, #tpu.memory_space<vmem_shared>>) target_semaphore(%arg17 : memref<!tpu.dma_semaphore, #tpu.memory_space<semaphore_mem>>)
    tpu.wait_dma2 semaphore(%arg17 : memref<!tpu.dma_semaphore, #tpu.memory_space<semaphore_mem>>) src(%arg4 : memref<125x64xf32, #tpu.memory_space<hbm>>) dst(%arg8 : memref<125x64xf32, #tpu.memory_space<vmem>>)
    tpu.wait_dma2 semaphore(%arg18 : memref<!tpu.dma_semaphore, #tpu.memory_space<semaphore_mem>>) src(%arg4 : memref<125x64xf32, #tpu.memory_space<hbm>>) dst(%arg8 : memref<125x64xf32, #tpu.memory_space<vmem>>)
    tpu.wait_dma2 semaphore(%arg19 : memref<!tpu.dma_semaphore, #tpu.memory_space<semaphore_mem>>) src(%arg4 : memref<125x64xf32, #tpu.memory_space<hbm>>) dst(%arg8 : memref<125x64xf32, #tpu.memory_space<vmem>>)
    tpu.wait_dma2 semaphore(%arg20 : memref<!tpu.dma_semaphore, #tpu.memory_space<semaphore_mem>>) src(%arg4 : memref<125x64xf32, #tpu.memory_space<hbm>>) dst(%arg8 : memref<125x64xf32, #tpu.memory_space<vmem>>)
    tpu.wait_dma2 semaphore(%arg17 : memref<!tpu.dma_semaphore, #tpu.memory_space<semaphore_mem>>) src(%arg4 : memref<125x64xf32, #tpu.memory_space<hbm>>) dst(%arg8 : memref<125x64xf32, #tpu.memory_space<vmem>>)
    %dma_wait3A = arith.constant 0 : i32
    %dma_wait3A_68 = arith.constant 0 : i32
    %dma_wait3A_69 = arith.constant 0 : i32
    %dma_wait3A_70 = tpu.memref_slice %arg3[%dma_wait3A, %dma_wait3A_68, %dma_wait3A_69] : memref<2x2560x125xi32, #tpu.memory_space<hbm>> -> memref<1x80x125xi32, #tpu.memory_space<hbm>>
    %dma_wait3A_71 = tpu.memref_squeeze %dma_wait3A_70 : memref<1x80x125xi32, #tpu.memory_space<hbm>> -> memref<80x125xi32, #tpu.memory_space<hbm>>
    %dma_wait3A_72 = arith.constant 0 : i32
    %dma_wait3A_73 = arith.constant 0 : i32
    %dma_wait3A_74 = tpu.memref_slice %arg3[%dma_wait3A, %dma_wait3A_72, %dma_wait3A_73] : memref<2x2560x125xi32, #tpu.memory_space<hbm>> -> memref<1x80x125xi32, #tpu.memory_space<hbm>>
    %dma_wait3A_75 = tpu.memref_squeeze %dma_wait3A_74 : memref<1x80x125xi32, #tpu.memory_space<hbm>> -> memref<80x125xi32, #tpu.memory_space<hbm>>
    tpu.wait_dma2 semaphore(%arg13 : memref<!tpu.dma_semaphore, #tpu.memory_space<semaphore_mem>>) src(%dma_wait3A_75 : memref<80x125xi32, #tpu.memory_space<hbm>>) dst(%arg6 : memref<80x125xi32, #tpu.memory_space<vmem>>)
    %dma_wait3A_76 = arith.constant 0 : i32
    %dma_wait3A_77 = arith.constant 0 : i32
    %dma_wait3A_78 = arith.constant 0 : i32
    %dma_wait3A_79 = tpu.memref_slice %arg3[%dma_wait3A_76, %dma_wait3A_77, %dma_wait3A_78] : memref<2x2560x125xi32, #tpu.memory_space<hbm>> -> memref<1x80x125xi32, #tpu.memory_space<hbm>>
    %dma_wait3A_80 = tpu.memref_squeeze %dma_wait3A_79 : memref<1x80x125xi32, #tpu.memory_space<hbm>> -> memref<80x125xi32, #tpu.memory_space<hbm>>
    %dma_wait3A_81 = arith.constant 0 : i32
    %dma_wait3A_82 = arith.constant 0 : i32
    %dma_wait3A_83 = tpu.memref_slice %arg3[%dma_wait3A_76, %dma_wait3A_81, %dma_wait3A_82] : memref<2x2560x125xi32, #tpu.memory_space<hbm>> -> memref<1x80x125xi32, #tpu.memory_space<hbm>>
    %dma_wait3A_84 = tpu.memref_squeeze %dma_wait3A_83 : memref<1x80x125xi32, #tpu.memory_space<hbm>> -> memref<80x125xi32, #tpu.memory_space<hbm>>
    tpu.wait_dma2 semaphore(%arg14 : memref<!tpu.dma_semaphore, #tpu.memory_space<semaphore_mem>>) src(%dma_wait3A_84 : memref<80x125xi32, #tpu.memory_space<hbm>>) dst(%arg7 : memref<80x125xi32, #tpu.memory_space<vmem>>)
    %barrier3A = arith.constant 0 : index
    tpu.barrier barrier_id(%barrier3A)
    %dma_start3A_85 = arith.constant 0 : i32
    %dma_start3A_86 = arith.constant 0 : i32
    %dma_start3A_87 = tpu.memref_slice %arg6[%dma_start3A_85, %dma_start3A_86] : memref<80x125xi32, #tpu.memory_space<vmem>> -> memref<1x125xi32, #tpu.memory_space<vmem>>
    %dma_start3A_88 = tpu.memref_squeeze %dma_start3A_87 : memref<1x125xi32, #tpu.memory_space<vmem>> -> memref<125xi32, #tpu.memory_space<vmem>>
    %dma_start3A_89 = arith.constant 0 : i32
    %dma_start3A_90 = arith.constant 0 : i32
    %dma_start3A_91 = tpu.memref_slice %arg2[%dma_start3A_89, %dma_start3A_90] : memref<10000x64xf32, #tpu.memory_space<hbm>> -> memref<10000x64xf32, #tpu.memory_space<hbm>>
    tpu.enqueue_indirect_dma source(%dma_start3A_91 : memref<10000x64xf32, #tpu.memory_space<hbm>>) target(%arg8 : memref<125x64xf32, #tpu.memory_space<vmem>>) offsets(%dma_start3A_88 : memref<125xi32, #tpu.memory_space<vmem>>) semaphore(%arg13 : memref<!tpu.dma_semaphore, #tpu.memory_space<semaphore_mem>>)
    %dma_start3A_92 = arith.constant 1 : i32
    %dma_start3A_93 = arith.constant 0 : i32
    %dma_start3A_94 = tpu.memref_slice %arg6[%dma_start3A_92, %dma_start3A_93] : memref<80x125xi32, #tpu.memory_space<vmem>> -> memref<1x125xi32, #tpu.memory_space<vmem>>
    %dma_start3A_95 = tpu.memref_squeeze %dma_start3A_94 : memref<1x125xi32, #tpu.memory_space<vmem>> -> memref<125xi32, #tpu.memory_space<vmem>>
    %dma_start3A_96 = arith.constant 0 : i32
    %dma_start3A_97 = arith.constant 0 : i32
    %dma_start3A_98 = tpu.memref_slice %arg2[%dma_start3A_96, %dma_start3A_97] : memref<10000x64xf32, #tpu.memory_space<hbm>> -> memref<10000x64xf32, #tpu.memory_space<hbm>>
    tpu.enqueue_indirect_dma source(%dma_start3A_98 : memref<10000x64xf32, #tpu.memory_space<hbm>>) target(%arg9 : memref<125x64xf32, #tpu.memory_space<vmem>>) offsets(%dma_start3A_95 : memref<125xi32, #tpu.memory_space<vmem>>) semaphore(%arg14 : memref<!tpu.dma_semaphore, #tpu.memory_space<semaphore_mem>>)
    %dma_start3A_99 = arith.constant 2 : i32
    %dma_start3A_100 = arith.constant 0 : i32
    %dma_start3A_101 = tpu.memref_slice %arg6[%dma_start3A_99, %dma_start3A_100] : memref<80x125xi32, #tpu.memory_space<vmem>> -> memref<1x125xi32, #tpu.memory_space<vmem>>
    %dma_start3A_102 = tpu.memref_squeeze %dma_start3A_101 : memref<1x125xi32, #tpu.memory_space<vmem>> -> memref<125xi32, #tpu.memory_space<vmem>>
    %dma_start3A_103 = arith.constant 0 : i32
    %dma_start3A_104 = arith.constant 0 : i32
    %dma_start3A_105 = tpu.memref_slice %arg2[%dma_start3A_103, %dma_start3A_104] : memref<10000x64xf32, #tpu.memory_space<hbm>> -> memref<10000x64xf32, #tpu.memory_space<hbm>>
    tpu.enqueue_indirect_dma source(%dma_start3A_105 : memref<10000x64xf32, #tpu.memory_space<hbm>>) target(%arg10 : memref<125x64xf32, #tpu.memory_space<vmem>>) offsets(%dma_start3A_102 : memref<125xi32, #tpu.memory_space<vmem>>) semaphore(%arg15 : memref<!tpu.dma_semaphore, #tpu.memory_space<semaphore_mem>>)
    %scan3A = arith.constant 0 : i32
    %scan3A_106 = arith.constant 0 : i32
    %scan3A_107 = arith.constant 20 : i32
    %scan3A_108 = arith.addi %scan3A_106, %scan3A_107 : i32
    %scan3A_109 = arith.constant 1 : i32
    scf.for %scan3A_202 = %scan3A_106 to %scan3A_108 step %scan3A_109  : i32 {
      %mul3A_203 = arith.constant 4 : i32
      %mul3A_204 = arith.muli %mul3A_203, %scan3A_202 : i32
      %add3A_205 = arith.constant 0 : i32
      %add3A_206 = arith.addi %mul3A_204, %add3A_205 : i32
      %gt3A = arith.constant 0 : i32
      %gt3A_207 = arith.cmpi sgt, %add3A_206, %gt3A : i32
      %convert_element_type3A = arith.extui %gt3A_207 : i1 to i32
      %cond3A = arith.constant 0 : i32
      %cond3A_208 = arith.cmpi ne, %convert_element_type3A, %cond3A : i32
      scf.if %cond3A_208 {
        tpu.wait_dma2 semaphore(%arg20 : memref<!tpu.dma_semaphore, #tpu.memory_space<semaphore_mem>>) src(%arg4 : memref<125x64xf32, #tpu.memory_space<hbm>>) dst(%arg11 : memref<125x64xf32, #tpu.memory_space<vmem>>)
      } else {
      }
      %add3A_209 = arith.constant 3 : i32
      %add3A_210 = arith.addi %add3A_206, %add3A_209 : i32
      %lt3A = arith.constant 80 : i32
      %lt3A_211 = arith.cmpi slt, %add3A_210, %lt3A : i32
      %convert_element_type3A_212 = arith.extui %lt3A_211 : i1 to i32
      %cond3A_213 = arith.constant 0 : i32
      %cond3A_214 = arith.cmpi ne, %convert_element_type3A_212, %cond3A_213 : i32
      scf.if %cond3A_214 {
        %add3A_287 = arith.constant 3 : i32
        %add3A_288 = arith.addi %add3A_206, %add3A_287 : i32
        %dma_start3A_289 = arith.constant 0 : i32
        %dma_start3A_290 = tpu.memref_slice %arg6[%add3A_288, %dma_start3A_289] : memref<80x125xi32, #tpu.memory_space<vmem>> -> memref<1x125xi32, #tpu.memory_space<vmem>>
        %dma_start3A_291 = tpu.memref_squeeze %dma_start3A_290 : memref<1x125xi32, #tpu.memory_space<vmem>> -> memref<125xi32, #tpu.memory_space<vmem>>
        %dma_start3A_292 = arith.constant 0 : i32
        %dma_start3A_293 = arith.constant 0 : i32
        %dma_start3A_294 = tpu.memref_slice %arg2[%dma_start3A_292, %dma_start3A_293] : memref<10000x64xf32, #tpu.memory_space<hbm>> -> memref<10000x64xf32, #tpu.memory_space<hbm>>
        tpu.enqueue_indirect_dma source(%dma_start3A_294 : memref<10000x64xf32, #tpu.memory_space<hbm>>) target(%arg11 : memref<125x64xf32, #tpu.memory_space<vmem>>) offsets(%dma_start3A_291 : memref<125xi32, #tpu.memory_space<vmem>>) semaphore(%arg16 : memref<!tpu.dma_semaphore, #tpu.memory_space<semaphore_mem>>)
      } else {
      }
      tpu.wait_dma2 semaphore(%arg13 : memref<!tpu.dma_semaphore, #tpu.memory_space<semaphore_mem>>) src(%arg4 : memref<125x64xf32, #tpu.memory_space<hbm>>) dst(%arg8 : memref<125x64xf32, #tpu.memory_space<vmem>>)
      %dma_start3A_215 = arith.constant 0 : i32
      %dma_start3A_216 = tpu.memref_slice %arg7[%add3A_206, %dma_start3A_215] : memref<80x125xi32, #tpu.memory_space<vmem>> -> memref<1x125xi32, #tpu.memory_space<vmem>>
      %dma_start3A_217 = tpu.memref_squeeze %dma_start3A_216 : memref<1x125xi32, #tpu.memory_space<vmem>> -> memref<125xi32, #tpu.memory_space<vmem>>
      %dma_start3A_218 = arith.constant 0 : i32
      %dma_start3A_219 = arith.constant 0 : i32
      %dma_start3A_220 = tpu.memref_slice %arg12[%dma_start3A_218, %dma_start3A_219] : memref<10000x64xf32, #tpu.memory_space<vmem_shared>> -> memref<10000x64xf32, #tpu.memory_space<vmem_shared>>
      tpu.enqueue_indirect_dma source(%arg8 : memref<125x64xf32, #tpu.memory_space<vmem>>) target(%dma_start3A_220 : memref<10000x64xf32, #tpu.memory_space<vmem_shared>>) offsets(%dma_start3A_217 : memref<125xi32, #tpu.memory_space<vmem>>) semaphore(%arg17 : memref<!tpu.dma_semaphore, #tpu.memory_space<semaphore_mem>>) {add = true}
      %mul3A_221 = arith.constant 4 : i32
      %mul3A_222 = arith.muli %mul3A_221, %scan3A_202 : i32
      %add3A_223 = arith.constant 1 : i32
      %add3A_224 = arith.addi %mul3A_222, %add3A_223 : i32
      %gt3A_225 = arith.constant 0 : i32
      %gt3A_226 = arith.cmpi sgt, %add3A_224, %gt3A_225 : i32
      %convert_element_type3A_227 = arith.extui %gt3A_226 : i1 to i32
      %cond3A_228 = arith.constant 0 : i32
      %cond3A_229 = arith.cmpi ne, %convert_element_type3A_227, %cond3A_228 : i32
      scf.if %cond3A_229 {
        tpu.wait_dma2 semaphore(%arg17 : memref<!tpu.dma_semaphore, #tpu.memory_space<semaphore_mem>>) src(%arg4 : memref<125x64xf32, #tpu.memory_space<hbm>>) dst(%arg8 : memref<125x64xf32, #tpu.memory_space<vmem>>)
      } else {
      }
      %add3A_230 = arith.constant 3 : i32
      %add3A_231 = arith.addi %add3A_224, %add3A_230 : i32
      %lt3A_232 = arith.constant 80 : i32
      %lt3A_233 = arith.cmpi slt, %add3A_231, %lt3A_232 : i32
      %convert_element_type3A_234 = arith.extui %lt3A_233 : i1 to i32
      %cond3A_235 = arith.constant 0 : i32
      %cond3A_236 = arith.cmpi ne, %convert_element_type3A_234, %cond3A_235 : i32
      scf.if %cond3A_236 {
        %add3A_287 = arith.constant 3 : i32
        %add3A_288 = arith.addi %add3A_224, %add3A_287 : i32
        %dma_start3A_289 = arith.constant 0 : i32
        %dma_start3A_290 = tpu.memref_slice %arg6[%add3A_288, %dma_start3A_289] : memref<80x125xi32, #tpu.memory_space<vmem>> -> memref<1x125xi32, #tpu.memory_space<vmem>>
        %dma_start3A_291 = tpu.memref_squeeze %dma_start3A_290 : memref<1x125xi32, #tpu.memory_space<vmem>> -> memref<125xi32, #tpu.memory_space<vmem>>
        %dma_start3A_292 = arith.constant 0 : i32
        %dma_start3A_293 = arith.constant 0 : i32
        %dma_start3A_294 = tpu.memref_slice %arg2[%dma_start3A_292, %dma_start3A_293] : memref<10000x64xf32, #tpu.memory_space<hbm>> -> memref<10000x64xf32, #tpu.memory_space<hbm>>
        tpu.enqueue_indirect_dma source(%dma_start3A_294 : memref<10000x64xf32, #tpu.memory_space<hbm>>) target(%arg8 : memref<125x64xf32, #tpu.memory_space<vmem>>) offsets(%dma_start3A_291 : memref<125xi32, #tpu.memory_space<vmem>>) semaphore(%arg13 : memref<!tpu.dma_semaphore, #tpu.memory_space<semaphore_mem>>)
      } else {
      }
      tpu.wait_dma2 semaphore(%arg14 : memref<!tpu.dma_semaphore, #tpu.memory_space<semaphore_mem>>) src(%arg4 : memref<125x64xf32, #tpu.memory_space<hbm>>) dst(%arg9 : memref<125x64xf32, #tpu.memory_space<vmem>>)
      %dma_start3A_237 = arith.constant 0 : i32
      %dma_start3A_238 = tpu.memref_slice %arg7[%add3A_224, %dma_start3A_237] : memref<80x125xi32, #tpu.memory_space<vmem>> -> memref<1x125xi32, #tpu.memory_space<vmem>>
      %dma_start3A_239 = tpu.memref_squeeze %dma_start3A_238 : memref<1x125xi32, #tpu.memory_space<vmem>> -> memref<125xi32, #tpu.memory_space<vmem>>
      %dma_start3A_240 = arith.constant 0 : i32
      %dma_start3A_241 = arith.constant 0 : i32
      %dma_start3A_242 = tpu.memref_slice %arg12[%dma_start3A_240, %dma_start3A_241] : memref<10000x64xf32, #tpu.memory_space<vmem_shared>> -> memref<10000x64xf32, #tpu.memory_space<vmem_shared>>
      tpu.enqueue_indirect_dma source(%arg9 : memref<125x64xf32, #tpu.memory_space<vmem>>) target(%dma_start3A_242 : memref<10000x64xf32, #tpu.memory_space<vmem_shared>>) offsets(%dma_start3A_239 : memref<125xi32, #tpu.memory_space<vmem>>) semaphore(%arg18 : memref<!tpu.dma_semaphore, #tpu.memory_space<semaphore_mem>>) {add = true}
      %mul3A_243 = arith.constant 4 : i32
      %mul3A_244 = arith.muli %mul3A_243, %scan3A_202 : i32
      %add3A_245 = arith.constant 2 : i32
      %add3A_246 = arith.addi %mul3A_244, %add3A_245 : i32
      %gt3A_247 = arith.constant 0 : i32
      %gt3A_248 = arith.cmpi sgt, %add3A_246, %gt3A_247 : i32
      %convert_element_type3A_249 = arith.extui %gt3A_248 : i1 to i32
      %cond3A_250 = arith.constant 0 : i32
      %cond3A_251 = arith.cmpi ne, %convert_element_type3A_249, %cond3A_250 : i32
      scf.if %cond3A_251 {
        tpu.wait_dma2 semaphore(%arg18 : memref<!tpu.dma_semaphore, #tpu.memory_space<semaphore_mem>>) src(%arg4 : memref<125x64xf32, #tpu.memory_space<hbm>>) dst(%arg9 : memref<125x64xf32, #tpu.memory_space<vmem>>)
      } else {
      }
      %add3A_252 = arith.constant 3 : i32
      %add3A_253 = arith.addi %add3A_246, %add3A_252 : i32
      %lt3A_254 = arith.constant 80 : i32
      %lt3A_255 = arith.cmpi slt, %add3A_253, %lt3A_254 : i32
      %convert_element_type3A_256 = arith.extui %lt3A_255 : i1 to i32
      %cond3A_257 = arith.constant 0 : i32
      %cond3A_258 = arith.cmpi ne, %convert_element_type3A_256, %cond3A_257 : i32
      scf.if %cond3A_258 {
        %add3A_287 = arith.constant 3 : i32
        %add3A_288 = arith.addi %add3A_246, %add3A_287 : i32
        %dma_start3A_289 = arith.constant 0 : i32
        %dma_start3A_290 = tpu.memref_slice %arg6[%add3A_288, %dma_start3A_289] : memref<80x125xi32, #tpu.memory_space<vmem>> -> memref<1x125xi32, #tpu.memory_space<vmem>>
        %dma_start3A_291 = tpu.memref_squeeze %dma_start3A_290 : memref<1x125xi32, #tpu.memory_space<vmem>> -> memref<125xi32, #tpu.memory_space<vmem>>
        %dma_start3A_292 = arith.constant 0 : i32
        %dma_start3A_293 = arith.constant 0 : i32
        %dma_start3A_294 = tpu.memref_slice %arg2[%dma_start3A_292, %dma_start3A_293] : memref<10000x64xf32, #tpu.memory_space<hbm>> -> memref<10000x64xf32, #tpu.memory_space<hbm>>
        tpu.enqueue_indirect_dma source(%dma_start3A_294 : memref<10000x64xf32, #tpu.memory_space<hbm>>) target(%arg9 : memref<125x64xf32, #tpu.memory_space<vmem>>) offsets(%dma_start3A_291 : memref<125xi32, #tpu.memory_space<vmem>>) semaphore(%arg14 : memref<!tpu.dma_semaphore, #tpu.memory_space<semaphore_mem>>)
      } else {
      }
      tpu.wait_dma2 semaphore(%arg15 : memref<!tpu.dma_semaphore, #tpu.memory_space<semaphore_mem>>) src(%arg4 : memref<125x64xf32, #tpu.memory_space<hbm>>) dst(%arg10 : memref<125x64xf32, #tpu.memory_space<vmem>>)
      %dma_start3A_259 = arith.constant 0 : i32
      %dma_start3A_260 = tpu.memref_slice %arg7[%add3A_246, %dma_start3A_259] : memref<80x125xi32, #tpu.memory_space<vmem>> -> memref<1x125xi32, #tpu.memory_space<vmem>>
      %dma_start3A_261 = tpu.memref_squeeze %dma_start3A_260 : memref<1x125xi32, #tpu.memory_space<vmem>> -> memref<125xi32, #tpu.memory_space<vmem>>
      %dma_start3A_262 = arith.constant 0 : i32
      %dma_start3A_263 = arith.constant 0 : i32
      %dma_start3A_264 = tpu.memref_slice %arg12[%dma_start3A_262, %dma_start3A_263] : memref<10000x64xf32, #tpu.memory_space<vmem_shared>> -> memref<10000x64xf32, #tpu.memory_space<vmem_shared>>
      tpu.enqueue_indirect_dma source(%arg10 : memref<125x64xf32, #tpu.memory_space<vmem>>) target(%dma_start3A_264 : memref<10000x64xf32, #tpu.memory_space<vmem_shared>>) offsets(%dma_start3A_261 : memref<125xi32, #tpu.memory_space<vmem>>) semaphore(%arg19 : memref<!tpu.dma_semaphore, #tpu.memory_space<semaphore_mem>>) {add = true}
      %mul3A_265 = arith.constant 4 : i32
      %mul3A_266 = arith.muli %mul3A_265, %scan3A_202 : i32
      %add3A_267 = arith.constant 3 : i32
      %add3A_268 = arith.addi %mul3A_266, %add3A_267 : i32
      %gt3A_269 = arith.constant 0 : i32
      %gt3A_270 = arith.cmpi sgt, %add3A_268, %gt3A_269 : i32
      %convert_element_type3A_271 = arith.extui %gt3A_270 : i1 to i32
      %cond3A_272 = arith.constant 0 : i32
      %cond3A_273 = arith.cmpi ne, %convert_element_type3A_271, %cond3A_272 : i32
      scf.if %cond3A_273 {
        tpu.wait_dma2 semaphore(%arg19 : memref<!tpu.dma_semaphore, #tpu.memory_space<semaphore_mem>>) src(%arg4 : memref<125x64xf32, #tpu.memory_space<hbm>>) dst(%arg10 : memref<125x64xf32, #tpu.memory_space<vmem>>)
      } else {
      }
      %add3A_274 = arith.constant 3 : i32
      %add3A_275 = arith.addi %add3A_268, %add3A_274 : i32
      %lt3A_276 = arith.constant 80 : i32
      %lt3A_277 = arith.cmpi slt, %add3A_275, %lt3A_276 : i32
      %convert_element_type3A_278 = arith.extui %lt3A_277 : i1 to i32
      %cond3A_279 = arith.constant 0 : i32
      %cond3A_280 = arith.cmpi ne, %convert_element_type3A_278, %cond3A_279 : i32
      scf.if %cond3A_280 {
        %add3A_287 = arith.constant 3 : i32
        %add3A_288 = arith.addi %add3A_268, %add3A_287 : i32
        %dma_start3A_289 = arith.constant 0 : i32
        %dma_start3A_290 = tpu.memref_slice %arg6[%add3A_288, %dma_start3A_289] : memref<80x125xi32, #tpu.memory_space<vmem>> -> memref<1x125xi32, #tpu.memory_space<vmem>>
        %dma_start3A_291 = tpu.memref_squeeze %dma_start3A_290 : memref<1x125xi32, #tpu.memory_space<vmem>> -> memref<125xi32, #tpu.memory_space<vmem>>
        %dma_start3A_292 = arith.constant 0 : i32
        %dma_start3A_293 = arith.constant 0 : i32
        %dma_start3A_294 = tpu.memref_slice %arg2[%dma_start3A_292, %dma_start3A_293] : memref<10000x64xf32, #tpu.memory_space<hbm>> -> memref<10000x64xf32, #tpu.memory_space<hbm>>
        tpu.enqueue_indirect_dma source(%dma_start3A_294 : memref<10000x64xf32, #tpu.memory_space<hbm>>) target(%arg10 : memref<125x64xf32, #tpu.memory_space<vmem>>) offsets(%dma_start3A_291 : memref<125xi32, #tpu.memory_space<vmem>>) semaphore(%arg15 : memref<!tpu.dma_semaphore, #tpu.memory_space<semaphore_mem>>)
      } else {
      }
      tpu.wait_dma2 semaphore(%arg16 : memref<!tpu.dma_semaphore, #tpu.memory_space<semaphore_mem>>) src(%arg4 : memref<125x64xf32, #tpu.memory_space<hbm>>) dst(%arg11 : memref<125x64xf32, #tpu.memory_space<vmem>>)
      %dma_start3A_281 = arith.constant 0 : i32
      %dma_start3A_282 = tpu.memref_slice %arg7[%add3A_268, %dma_start3A_281] : memref<80x125xi32, #tpu.memory_space<vmem>> -> memref<1x125xi32, #tpu.memory_space<vmem>>
      %dma_start3A_283 = tpu.memref_squeeze %dma_start3A_282 : memref<1x125xi32, #tpu.memory_space<vmem>> -> memref<125xi32, #tpu.memory_space<vmem>>
      %dma_start3A_284 = arith.constant 0 : i32
      %dma_start3A_285 = arith.constant 0 : i32
      %dma_start3A_286 = tpu.memref_slice %arg12[%dma_start3A_284, %dma_start3A_285] : memref<10000x64xf32, #tpu.memory_space<vmem_shared>> -> memref<10000x64xf32, #tpu.memory_space<vmem_shared>>
      tpu.enqueue_indirect_dma source(%arg11 : memref<125x64xf32, #tpu.memory_space<vmem>>) target(%dma_start3A_286 : memref<10000x64xf32, #tpu.memory_space<vmem_shared>>) offsets(%dma_start3A_283 : memref<125xi32, #tpu.memory_space<vmem>>) semaphore(%arg20 : memref<!tpu.dma_semaphore, #tpu.memory_space<semaphore_mem>>) {add = true}
    }
    %scan3A_110 = arith.constant 20 : i32
    tpu.wait_dma2 semaphore(%arg20 : memref<!tpu.dma_semaphore, #tpu.memory_space<semaphore_mem>>) src(%arg4 : memref<125x64xf32, #tpu.memory_space<hbm>>) dst(%arg11 : memref<125x64xf32, #tpu.memory_space<vmem>>)
    %barrier3A_111 = arith.constant 0 : index
    tpu.barrier barrier_id(%barrier3A_111)
    %mul3A_112 = arith.constant 5 : i32
    %mul3A_113 = arith.muli %mul3A_112, %arg1 : i32
    %add3A_114 = arith.constant 0 : i32
    %add3A_115 = arith.addi %mul3A_113, %add3A_114 : i32
    %mul3A_116 = arith.constant 125 : i32
    %mul3A_117 = arith.muli %add3A_115, %mul3A_116 : i32
    %dma_start3A_118 = arith.constant 0 : i32
    %dma_start3A_119 = tpu.memref_slice %arg12[%mul3A_117, %dma_start3A_118] : memref<10000x64xf32, #tpu.memory_space<vmem_shared>> -> memref<125x64xf32, #tpu.memory_space<vmem_shared>>
    %dma_start3A_120 = arith.constant 0 : i32
    %dma_start3A_121 = tpu.memref_slice %arg12[%mul3A_117, %dma_start3A_120] : memref<10000x64xf32, #tpu.memory_space<vmem_shared>> -> memref<125x64xf32, #tpu.memory_space<vmem_shared>>
    tpu.enqueue_dma source(%dma_start3A_121 : memref<125x64xf32, #tpu.memory_space<vmem_shared>>) target(%arg8 : memref<125x64xf32, #tpu.memory_space<vmem>>) target_semaphore(%arg13 : memref<!tpu.dma_semaphore, #tpu.memory_space<semaphore_mem>>)
    tpu.wait_dma2 semaphore(%arg13 : memref<!tpu.dma_semaphore, #tpu.memory_space<semaphore_mem>>) src(%arg4 : memref<125x64xf32, #tpu.memory_space<hbm>>) dst(%arg8 : memref<125x64xf32, #tpu.memory_space<vmem>>)
    %mul3A_122 = arith.constant 125 : i32
    %mul3A_123 = arith.muli %add3A_115, %mul3A_122 : i32
    %dma_start3A_124 = arith.constant 0 : i32
    %dma_start3A_125 = tpu.memref_slice %arg5[%arg0, %mul3A_123, %dma_start3A_124] : memref<2x10000x64xf32, #tpu.memory_space<hbm>> -> memref<1x125x64xf32, #tpu.memory_space<hbm>>
    %dma_start3A_126 = tpu.memref_squeeze %dma_start3A_125 : memref<1x125x64xf32, #tpu.memory_space<hbm>> -> memref<125x64xf32, #tpu.memory_space<hbm>>
    %dma_start3A_127 = arith.constant 0 : i32
    %dma_start3A_128 = tpu.memref_slice %arg5[%arg0, %mul3A_123, %dma_start3A_127] : memref<2x10000x64xf32, #tpu.memory_space<hbm>> -> memref<1x125x64xf32, #tpu.memory_space<hbm>>
    %dma_start3A_129 = tpu.memref_squeeze %dma_start3A_128 : memref<1x125x64xf32, #tpu.memory_space<hbm>> -> memref<125x64xf32, #tpu.memory_space<hbm>>
    tpu.enqueue_dma source(%arg8 : memref<125x64xf32, #tpu.memory_space<vmem>>) target(%dma_start3A_129 : memref<125x64xf32, #tpu.memory_space<hbm>>) target_semaphore(%arg17 : memref<!tpu.dma_semaphore, #tpu.memory_space<semaphore_mem>>)
    %mul3A_130 = arith.constant 5 : i32
    %mul3A_131 = arith.muli %mul3A_130, %arg1 : i32
    %add3A_132 = arith.constant 1 : i32
    %add3A_133 = arith.addi %mul3A_131, %add3A_132 : i32
    %mul3A_134 = arith.constant 125 : i32
    %mul3A_135 = arith.muli %add3A_133, %mul3A_134 : i32
    %dma_start3A_136 = arith.constant 0 : i32
    %dma_start3A_137 = tpu.memref_slice %arg12[%mul3A_135, %dma_start3A_136] : memref<10000x64xf32, #tpu.memory_space<vmem_shared>> -> memref<125x64xf32, #tpu.memory_space<vmem_shared>>
    %dma_start3A_138 = arith.constant 0 : i32
    %dma_start3A_139 = tpu.memref_slice %arg12[%mul3A_135, %dma_start3A_138] : memref<10000x64xf32, #tpu.memory_space<vmem_shared>> -> memref<125x64xf32, #tpu.memory_space<vmem_shared>>
    tpu.enqueue_dma source(%dma_start3A_139 : memref<125x64xf32, #tpu.memory_space<vmem_shared>>) target(%arg9 : memref<125x64xf32, #tpu.memory_space<vmem>>) target_semaphore(%arg14 : memref<!tpu.dma_semaphore, #tpu.memory_space<semaphore_mem>>)
    tpu.wait_dma2 semaphore(%arg14 : memref<!tpu.dma_semaphore, #tpu.memory_space<semaphore_mem>>) src(%arg4 : memref<125x64xf32, #tpu.memory_space<hbm>>) dst(%arg9 : memref<125x64xf32, #tpu.memory_space<vmem>>)
    %mul3A_140 = arith.constant 125 : i32
    %mul3A_141 = arith.muli %add3A_133, %mul3A_140 : i32
    %dma_start3A_142 = arith.constant 0 : i32
    %dma_start3A_143 = tpu.memref_slice %arg5[%arg0, %mul3A_141, %dma_start3A_142] : memref<2x10000x64xf32, #tpu.memory_space<hbm>> -> memref<1x125x64xf32, #tpu.memory_space<hbm>>
    %dma_start3A_144 = tpu.memref_squeeze %dma_start3A_143 : memref<1x125x64xf32, #tpu.memory_space<hbm>> -> memref<125x64xf32, #tpu.memory_space<hbm>>
    %dma_start3A_145 = arith.constant 0 : i32
    %dma_start3A_146 = tpu.memref_slice %arg5[%arg0, %mul3A_141, %dma_start3A_145] : memref<2x10000x64xf32, #tpu.memory_space<hbm>> -> memref<1x125x64xf32, #tpu.memory_space<hbm>>
    %dma_start3A_147 = tpu.memref_squeeze %dma_start3A_146 : memref<1x125x64xf32, #tpu.memory_space<hbm>> -> memref<125x64xf32, #tpu.memory_space<hbm>>
    tpu.enqueue_dma source(%arg9 : memref<125x64xf32, #tpu.memory_space<vmem>>) target(%dma_start3A_147 : memref<125x64xf32, #tpu.memory_space<hbm>>) target_semaphore(%arg18 : memref<!tpu.dma_semaphore, #tpu.memory_space<semaphore_mem>>)
    %mul3A_148 = arith.constant 5 : i32
    %mul3A_149 = arith.muli %mul3A_148, %arg1 : i32
    %add3A_150 = arith.constant 2 : i32
    %add3A_151 = arith.addi %mul3A_149, %add3A_150 : i32
    %mul3A_152 = arith.constant 125 : i32
    %mul3A_153 = arith.muli %add3A_151, %mul3A_152 : i32
    %dma_start3A_154 = arith.constant 0 : i32
    %dma_start3A_155 = tpu.memref_slice %arg12[%mul3A_153, %dma_start3A_154] : memref<10000x64xf32, #tpu.memory_space<vmem_shared>> -> memref<125x64xf32, #tpu.memory_space<vmem_shared>>
    %dma_start3A_156 = arith.constant 0 : i32
    %dma_start3A_157 = tpu.memref_slice %arg12[%mul3A_153, %dma_start3A_156] : memref<10000x64xf32, #tpu.memory_space<vmem_shared>> -> memref<125x64xf32, #tpu.memory_space<vmem_shared>>
    tpu.enqueue_dma source(%dma_start3A_157 : memref<125x64xf32, #tpu.memory_space<vmem_shared>>) target(%arg10 : memref<125x64xf32, #tpu.memory_space<vmem>>) target_semaphore(%arg15 : memref<!tpu.dma_semaphore, #tpu.memory_space<semaphore_mem>>)
    tpu.wait_dma2 semaphore(%arg15 : memref<!tpu.dma_semaphore, #tpu.memory_space<semaphore_mem>>) src(%arg4 : memref<125x64xf32, #tpu.memory_space<hbm>>) dst(%arg10 : memref<125x64xf32, #tpu.memory_space<vmem>>)
    %mul3A_158 = arith.constant 125 : i32
    %mul3A_159 = arith.muli %add3A_151, %mul3A_158 : i32
    %dma_start3A_160 = arith.constant 0 : i32
    %dma_start3A_161 = tpu.memref_slice %arg5[%arg0, %mul3A_159, %dma_start3A_160] : memref<2x10000x64xf32, #tpu.memory_space<hbm>> -> memref<1x125x64xf32, #tpu.memory_space<hbm>>
    %dma_start3A_162 = tpu.memref_squeeze %dma_start3A_161 : memref<1x125x64xf32, #tpu.memory_space<hbm>> -> memref<125x64xf32, #tpu.memory_space<hbm>>
    %dma_start3A_163 = arith.constant 0 : i32
    %dma_start3A_164 = tpu.memref_slice %arg5[%arg0, %mul3A_159, %dma_start3A_163] : memref<2x10000x64xf32, #tpu.memory_space<hbm>> -> memref<1x125x64xf32, #tpu.memory_space<hbm>>
    %dma_start3A_165 = tpu.memref_squeeze %dma_start3A_164 : memref<1x125x64xf32, #tpu.memory_space<hbm>> -> memref<125x64xf32, #tpu.memory_space<hbm>>
    tpu.enqueue_dma source(%arg10 : memref<125x64xf32, #tpu.memory_space<vmem>>) target(%dma_start3A_165 : memref<125x64xf32, #tpu.memory_space<hbm>>) target_semaphore(%arg19 : memref<!tpu.dma_semaphore, #tpu.memory_space<semaphore_mem>>)
    %mul3A_166 = arith.constant 5 : i32
    %mul3A_167 = arith.muli %mul3A_166, %arg1 : i32
    %add3A_168 = arith.constant 3 : i32
    %add3A_169 = arith.addi %mul3A_167, %add3A_168 : i32
    %mul3A_170 = arith.constant 125 : i32
    %mul3A_171 = arith.muli %add3A_169, %mul3A_170 : i32
    %dma_start3A_172 = arith.constant 0 : i32
    %dma_start3A_173 = tpu.memref_slice %arg12[%mul3A_171, %dma_start3A_172] : memref<10000x64xf32, #tpu.memory_space<vmem_shared>> -> memref<125x64xf32, #tpu.memory_space<vmem_shared>>
    %dma_start3A_174 = arith.constant 0 : i32
    %dma_start3A_175 = tpu.memref_slice %arg12[%mul3A_171, %dma_start3A_174] : memref<10000x64xf32, #tpu.memory_space<vmem_shared>> -> memref<125x64xf32, #tpu.memory_space<vmem_shared>>
    tpu.enqueue_dma source(%dma_start3A_175 : memref<125x64xf32, #tpu.memory_space<vmem_shared>>) target(%arg11 : memref<125x64xf32, #tpu.memory_space<vmem>>) target_semaphore(%arg16 : memref<!tpu.dma_semaphore, #tpu.memory_space<semaphore_mem>>)
    tpu.wait_dma2 semaphore(%arg16 : memref<!tpu.dma_semaphore, #tpu.memory_space<semaphore_mem>>) src(%arg4 : memref<125x64xf32, #tpu.memory_space<hbm>>) dst(%arg11 : memref<125x64xf32, #tpu.memory_space<vmem>>)
    %mul3A_176 = arith.constant 125 : i32
    %mul3A_177 = arith.muli %add3A_169, %mul3A_176 : i32
    %dma_start3A_178 = arith.constant 0 : i32
    %dma_start3A_179 = tpu.memref_slice %arg5[%arg0, %mul3A_177, %dma_start3A_178] : memref<2x10000x64xf32, #tpu.memory_space<hbm>> -> memref<1x125x64xf32, #tpu.memory_space<hbm>>
    %dma_start3A_180 = tpu.memref_squeeze %dma_start3A_179 : memref<1x125x64xf32, #tpu.memory_space<hbm>> -> memref<125x64xf32, #tpu.memory_space<hbm>>
    %dma_start3A_181 = arith.constant 0 : i32
    %dma_start3A_182 = tpu.memref_slice %arg5[%arg0, %mul3A_177, %dma_start3A_181] : memref<2x10000x64xf32, #tpu.memory_space<hbm>> -> memref<1x125x64xf32, #tpu.memory_space<hbm>>
    %dma_start3A_183 = tpu.memref_squeeze %dma_start3A_182 : memref<1x125x64xf32, #tpu.memory_space<hbm>> -> memref<125x64xf32, #tpu.memory_space<hbm>>
    tpu.enqueue_dma source(%arg11 : memref<125x64xf32, #tpu.memory_space<vmem>>) target(%dma_start3A_183 : memref<125x64xf32, #tpu.memory_space<hbm>>) target_semaphore(%arg20 : memref<!tpu.dma_semaphore, #tpu.memory_space<semaphore_mem>>)
    tpu.wait_dma2 semaphore(%arg17 : memref<!tpu.dma_semaphore, #tpu.memory_space<semaphore_mem>>) src(%arg4 : memref<125x64xf32, #tpu.memory_space<hbm>>) dst(%arg8 : memref<125x64xf32, #tpu.memory_space<vmem>>)
    %mul3A_184 = arith.constant 5 : i32
    %mul3A_185 = arith.muli %mul3A_184, %arg1 : i32
    %add3A_186 = arith.constant 4 : i32
    %add3A_187 = arith.addi %mul3A_185, %add3A_186 : i32
    %mul3A_188 = arith.constant 125 : i32
    %mul3A_189 = arith.muli %add3A_187, %mul3A_188 : i32
    %dma_start3A_190 = arith.constant 0 : i32
    %dma_start3A_191 = tpu.memref_slice %arg12[%mul3A_189, %dma_start3A_190] : memref<10000x64xf32, #tpu.memory_space<vmem_shared>> -> memref<125x64xf32, #tpu.memory_space<vmem_shared>>
    %dma_start3A_192 = arith.constant 0 : i32
    %dma_start3A_193 = tpu.memref_slice %arg12[%mul3A_189, %dma_start3A_192] : memref<10000x64xf32, #tpu.memory_space<vmem_shared>> -> memref<125x64xf32, #tpu.memory_space<vmem_shared>>
    tpu.enqueue_dma source(%dma_start3A_193 : memref<125x64xf32, #tpu.memory_space<vmem_shared>>) target(%arg8 : memref<125x64xf32, #tpu.memory_space<vmem>>) target_semaphore(%arg13 : memref<!tpu.dma_semaphore, #tpu.memory_space<semaphore_mem>>)
    tpu.wait_dma2 semaphore(%arg13 : memref<!tpu.dma_semaphore, #tpu.memory_space<semaphore_mem>>) src(%arg4 : memref<125x64xf32, #tpu.memory_space<hbm>>) dst(%arg8 : memref<125x64xf32, #tpu.memory_space<vmem>>)
    %mul3A_194 = arith.constant 125 : i32
    %mul3A_195 = arith.muli %add3A_187, %mul3A_194 : i32
    %dma_start3A_196 = arith.constant 0 : i32
    %dma_start3A_197 = tpu.memref_slice %arg5[%arg0, %mul3A_195, %dma_start3A_196] : memref<2x10000x64xf32, #tpu.memory_space<hbm>> -> memref<1x125x64xf32, #tpu.memory_space<hbm>>
    %dma_start3A_198 = tpu.memref_squeeze %dma_start3A_197 : memref<1x125x64xf32, #tpu.memory_space<hbm>> -> memref<125x64xf32, #tpu.memory_space<hbm>>
    %dma_start3A_199 = arith.constant 0 : i32
    %dma_start3A_200 = tpu.memref_slice %arg5[%arg0, %mul3A_195, %dma_start3A_199] : memref<2x10000x64xf32, #tpu.memory_space<hbm>> -> memref<1x125x64xf32, #tpu.memory_space<hbm>>
    %dma_start3A_201 = tpu.memref_squeeze %dma_start3A_200 : memref<1x125x64xf32, #tpu.memory_space<hbm>> -> memref<125x64xf32, #tpu.memory_space<hbm>>
    tpu.enqueue_dma source(%arg8 : memref<125x64xf32, #tpu.memory_space<vmem>>) target(%dma_start3A_201 : memref<125x64xf32, #tpu.memory_space<hbm>>) target_semaphore(%arg17 : memref<!tpu.dma_semaphore, #tpu.memory_space<semaphore_mem>>)
    tpu.wait_dma2 semaphore(%arg18 : memref<!tpu.dma_semaphore, #tpu.memory_space<semaphore_mem>>) src(%arg4 : memref<125x64xf32, #tpu.memory_space<hbm>>) dst(%arg9 : memref<125x64xf32, #tpu.memory_space<vmem>>)
    tpu.wait_dma2 semaphore(%arg19 : memref<!tpu.dma_semaphore, #tpu.memory_space<semaphore_mem>>) src(%arg4 : memref<125x64xf32, #tpu.memory_space<hbm>>) dst(%arg10 : memref<125x64xf32, #tpu.memory_space<vmem>>)
    tpu.wait_dma2 semaphore(%arg20 : memref<!tpu.dma_semaphore, #tpu.memory_space<semaphore_mem>>) src(%arg4 : memref<125x64xf32, #tpu.memory_space<hbm>>) dst(%arg11 : memref<125x64xf32, #tpu.memory_space<vmem>>)
    tpu.wait_dma2 semaphore(%arg17 : memref<!tpu.dma_semaphore, #tpu.memory_space<semaphore_mem>>) src(%arg4 : memref<125x64xf32, #tpu.memory_space<hbm>>) dst(%arg8 : memref<125x64xf32, #tpu.memory_space<vmem>>)
    return
  }
}

module attributes {stable_mosaic.version = 14 : i64} {
  func.func @_tc_a_body(%arg0: i32, %arg1: memref<1000x256xf32, #tpu.memory_space<vmem>>, %arg2: memref<128x64xf32, #tpu.memory_space<vmem>>, %arg3: memref<1x64xf32, #tpu.memory_space<vmem>>, %arg4: memref<1000x2xf32, #tpu.memory_space<vmem>>, %arg5: memref<1000x128xf32, #tpu.memory_space<vmem>>, %arg6: memref<1000x128xf32, #tpu.memory_space<vmem>>) attributes {dimension_semantics = [#tpu.dimension_semantics<arbitrary>], iteration_bounds = array<i64: 5>, scalar_prefetch = 0 : i64, scratch_operands = 0 : i64, tpu.core_type = #tpu.core_type<tc>, window_params = [{transform_indices = @transform_0, window_bounds = array<i64: 1000, 256>}, {pipeline_mode = #tpu.pipeline_mode<synchronous>, transform_indices = @transform_1, window_bounds = array<i64: 128, 64>}, {pipeline_mode = #tpu.pipeline_mode<synchronous>, transform_indices = @transform_2, window_bounds = array<i64: 1, 64>}, {transform_indices = @transform_3, window_bounds = array<i64: 1000, 2>}, {transform_indices = @transform_4, window_bounds = array<i64: 1000, 128>}, {transform_indices = @transform_5, window_bounds = array<i64: 1000, 128>}]} {
    %get3A = arith.constant 0 : index
    %get3A_0 = arith.constant 0 : index
    %get3A_1 = vector.load %arg1[%get3A, %get3A_0] : memref<1000x256xf32, #tpu.memory_space<vmem>>, vector<1000x256xf32>
    %get3A_2 = arith.constant 0 : index
    %get3A_3 = arith.constant 0 : index
    %get3A_4 = vector.load %arg2[%get3A_2, %get3A_3] : memref<128x64xf32, #tpu.memory_space<vmem>>, vector<128x64xf32>
    %get3A_5 = arith.constant 0 : index
    %get3A_6 = arith.constant 0 : index
    %get3A_7 = vector.load %arg3[%get3A_5, %get3A_6] : memref<1x64xf32, #tpu.memory_space<vmem>>, vector<1x64xf32>
    %slice3A = vector.extract_strided_slice %get3A_1 {offsets = [0, 0], sizes = [1000, 128], strides = [1, 1]} : vector<1000x256xf32> to vector<1000x128xf32>
    %dot_general3A = arith.constant dense<0.000000e+00> : vector<1000x64xf32>
    %dot_general3A_8 = tpu.matmul %slice3A, %get3A_4, %dot_general3A {dimension_numbers = #tpu.dot_dimension_numbers<[1], [0], [0], [1], [0, 0, 1, 1], [], []>, transpose_lhs_hint = false} : vector<1000x128xf32>, vector<128x64xf32>, vector<1000x64xf32> -> vector<1000x64xf32>
    %add3A = vector.broadcast %get3A_7 : vector<1x64xf32> to vector<1000x64xf32>
    %add3A_9 = arith.addf %dot_general3A_8, %add3A : vector<1000x64xf32>
    %slice3A_10 = vector.extract_strided_slice %get3A_1 {offsets = [0, 128], sizes = [1000, 128], strides = [1, 1]} : vector<1000x256xf32> to vector<1000x128xf32>
    %dot_general3A_11 = arith.constant dense<0.000000e+00> : vector<1000x64xf32>
    %dot_general3A_12 = tpu.matmul %slice3A_10, %get3A_4, %dot_general3A_11 {dimension_numbers = #tpu.dot_dimension_numbers<[1], [0], [0], [1], [0, 0, 1, 1], [], []>, transpose_lhs_hint = false} : vector<1000x128xf32>, vector<128x64xf32>, vector<1000x64xf32> -> vector<1000x64xf32>
    %add3A_13 = vector.broadcast %get3A_7 : vector<1x64xf32> to vector<1000x64xf32>
    %add3A_14 = arith.addf %dot_general3A_12, %add3A_13 : vector<1000x64xf32>
    %concatenate3A = tpu.concatenate %add3A_9, %add3A_14 in 1 : vector<1000x64xf32>, vector<1000x64xf32> -> vector<1000x128xf32>
    %get3A_15 = arith.constant 0 : index
    %get3A_16 = arith.constant 0 : index
    %get3A_17 = vector.load %arg4[%get3A_15, %get3A_16] : memref<1000x2xf32, #tpu.memory_space<vmem>>, vector<1000x2xf32>
    %add3A_18 = arith.constant 1.000000e+00 : f32
    %add3A_19 = vector.broadcast %add3A_18 : f32 to vector<1000x2xf32>
    %add3A_20 = arith.addf %get3A_17, %add3A_19 : vector<1000x2xf32>
    %rsqrt3A = math.rsqrt %add3A_20 : vector<1000x2xf32>
    %slice3A_21 = vector.extract_strided_slice %rsqrt3A {offsets = [0, 0], sizes = [1000, 1], strides = [1, 1]} : vector<1000x2xf32> to vector<1000x1xf32>
    %broadcast_in_dim3A = vector.shape_cast %slice3A_21 : vector<1000x1xf32> to vector<1000x1xf32>
    %broadcast_in_dim3A_22 = vector.broadcast %broadcast_in_dim3A : vector<1000x1xf32> to vector<1000x64xf32>
    %slice3A_23 = vector.extract_strided_slice %rsqrt3A {offsets = [0, 1], sizes = [1000, 1], strides = [1, 1]} : vector<1000x2xf32> to vector<1000x1xf32>
    %broadcast_in_dim3A_24 = vector.shape_cast %slice3A_23 : vector<1000x1xf32> to vector<1000x1xf32>
    %broadcast_in_dim3A_25 = vector.broadcast %broadcast_in_dim3A_24 : vector<1000x1xf32> to vector<1000x64xf32>
    %concatenate3A_26 = tpu.concatenate %broadcast_in_dim3A_22, %broadcast_in_dim3A_25 in 1 : vector<1000x64xf32>, vector<1000x64xf32> -> vector<1000x128xf32>
    %swap3A = arith.constant 0 : index
    %swap3A_27 = arith.constant 0 : index
    %swap3A_28 = vector.load %arg5[%swap3A, %swap3A_27] : memref<1000x128xf32, #tpu.memory_space<vmem>>, vector<1000x128xf32>
    tpu.vector_store %arg5[%swap3A, %swap3A_27], %concatenate3A {strides = array<i32>} : memref<1000x128xf32, #tpu.memory_space<vmem>>, vector<1000x128xf32>,
    %mul3A = arith.mulf %concatenate3A_26, %concatenate3A : vector<1000x128xf32>
    %swap3A_29 = arith.constant 0 : index
    %swap3A_30 = arith.constant 0 : index
    %swap3A_31 = vector.load %arg6[%swap3A_29, %swap3A_30] : memref<1000x128xf32, #tpu.memory_space<vmem>>, vector<1000x128xf32>
    tpu.vector_store %arg6[%swap3A_29, %swap3A_30], %mul3A {strides = array<i32>} : memref<1000x128xf32, #tpu.memory_space<vmem>>, vector<1000x128xf32>,
    return
  }
  func.func @transform_0(%arg0: i32) -> (i32, i32) {
    %c0_i32 = arith.constant 0 : i32
    %c0_i32_0 = arith.constant 0 : i32
    return %arg0, %c0_i32 : i32, i32
  }
  func.func @transform_1(%arg0: i32) -> (i32, i32) {
    %c0_i32 = arith.constant 0 : i32
    %c0_i32_0 = arith.constant 0 : i32
    %c0_i32_1 = arith.constant 0 : i32
    return %c0_i32, %c0_i32_0 : i32, i32
  }
  func.func @transform_2(%arg0: i32) -> (i32, i32) {
    %c0_i32 = arith.constant 0 : i32
    %c0_i32_0 = arith.constant 0 : i32
    %c0_i32_1 = arith.constant 0 : i32
    return %c0_i32, %c0_i32_0 : i32, i32
  }
  func.func @transform_3(%arg0: i32) -> (i32, i32) {
    %c0_i32 = arith.constant 0 : i32
    %c0_i32_0 = arith.constant 0 : i32
    return %arg0, %c0_i32 : i32, i32
  }
  func.func @transform_4(%arg0: i32) -> (i32, i32) {
    %c0_i32 = arith.constant 0 : i32
    %c0_i32_0 = arith.constant 0 : i32
    return %arg0, %c0_i32 : i32, i32
  }
  func.func @transform_5(%arg0: i32) -> (i32, i32) {
    %c0_i32 = arith.constant 0 : i32
    %c0_i32_0 = arith.constant 0 : i32
    return %arg0, %c0_i32 : i32, i32
  }
}

module attributes {stable_mosaic.version = 14 : i64} {
  func.func @_tc_b_body(%arg0: i32, %arg1: memref<2x1000x128xf32, #tpu.memory_space<vmem>>, %arg2: memref<1000x128xf32, #tpu.memory_space<vmem>>, %arg3: memref<1000x2xf32, #tpu.memory_space<vmem>>, %arg4: memref<64x64xf32, #tpu.memory_space<vmem>>, %arg5: memref<1x64xf32, #tpu.memory_space<vmem>>, %arg6: memref<1000x128xf32, #tpu.memory_space<vmem>>, %arg7: memref<1000x128xf32, #tpu.memory_space<vmem>>) attributes {dimension_semantics = [#tpu.dimension_semantics<arbitrary>], iteration_bounds = array<i64: 5>, scalar_prefetch = 0 : i64, scratch_operands = 0 : i64, tpu.core_type = #tpu.core_type<tc>, window_params = [{transform_indices = @transform_0, window_bounds = array<i64: 2, 1000, 128>}, {transform_indices = @transform_1, window_bounds = array<i64: 1000, 128>}, {transform_indices = @transform_2, window_bounds = array<i64: 1000, 2>}, {pipeline_mode = #tpu.pipeline_mode<synchronous>, transform_indices = @transform_3, window_bounds = array<i64: 64, 64>}, {pipeline_mode = #tpu.pipeline_mode<synchronous>, transform_indices = @transform_4, window_bounds = array<i64: 1, 64>}, {transform_indices = @transform_5, window_bounds = array<i64: 1000, 128>}, {transform_indices = @transform_6, window_bounds = array<i64: 1000, 128>}]} {
    %get3A = arith.constant 0 : index
    %get3A_0 = arith.constant 0 : index
    %get3A_1 = vector.load %arg3[%get3A, %get3A_0] : memref<1000x2xf32, #tpu.memory_space<vmem>>, vector<1000x2xf32>
    %add3A = arith.constant 1.000000e+00 : f32
    %add3A_2 = vector.broadcast %add3A : f32 to vector<1000x2xf32>
    %add3A_3 = arith.addf %get3A_1, %add3A_2 : vector<1000x2xf32>
    %rsqrt3A = math.rsqrt %add3A_3 : vector<1000x2xf32>
    %slice3A = vector.extract_strided_slice %rsqrt3A {offsets = [0, 0], sizes = [1000, 1], strides = [1, 1]} : vector<1000x2xf32> to vector<1000x1xf32>
    %broadcast_in_dim3A = vector.shape_cast %slice3A : vector<1000x1xf32> to vector<1000x1xf32>
    %broadcast_in_dim3A_4 = vector.broadcast %broadcast_in_dim3A : vector<1000x1xf32> to vector<1000x64xf32>
    %slice3A_5 = vector.extract_strided_slice %rsqrt3A {offsets = [0, 1], sizes = [1000, 1], strides = [1, 1]} : vector<1000x2xf32> to vector<1000x1xf32>
    %broadcast_in_dim3A_6 = vector.shape_cast %slice3A_5 : vector<1000x1xf32> to vector<1000x1xf32>
    %broadcast_in_dim3A_7 = vector.broadcast %broadcast_in_dim3A_6 : vector<1000x1xf32> to vector<1000x64xf32>
    %concatenate3A = tpu.concatenate %broadcast_in_dim3A_4, %broadcast_in_dim3A_7 in 1 : vector<1000x64xf32>, vector<1000x64xf32> -> vector<1000x128xf32>
    %get3A_8 = arith.constant 0 : index
    %get3A_9 = arith.constant 0 : index
    %get3A_10 = arith.constant 0 : index
    %get3A_11 = vector.load %arg1[%get3A_8, %get3A_9, %get3A_10] : memref<2x1000x128xf32, #tpu.memory_space<vmem>>, vector<1x1000x128xf32>
    %get3A_12 = vector.shape_cast %get3A_11 : vector<1x1000x128xf32> to vector<1000x128xf32>
    %get3A_13 = arith.constant 1 : index
    %get3A_14 = arith.constant 0 : index
    %get3A_15 = arith.constant 0 : index
    %get3A_16 = vector.load %arg1[%get3A_13, %get3A_14, %get3A_15] : memref<2x1000x128xf32, #tpu.memory_space<vmem>>, vector<1x1000x128xf32>
    %get3A_17 = vector.shape_cast %get3A_16 : vector<1x1000x128xf32> to vector<1000x128xf32>
    %add3A_18 = arith.addf %get3A_12, %get3A_17 : vector<1000x128xf32>
    %mul3A = arith.mulf %concatenate3A, %add3A_18 : vector<1000x128xf32>
    %mul3A_19 = arith.mulf %concatenate3A, %concatenate3A : vector<1000x128xf32>
    %get3A_20 = arith.constant 0 : index
    %get3A_21 = arith.constant 0 : index
    %get3A_22 = vector.load %arg2[%get3A_20, %get3A_21] : memref<1000x128xf32, #tpu.memory_space<vmem>>, vector<1000x128xf32>
    %mul3A_23 = arith.mulf %mul3A_19, %get3A_22 : vector<1000x128xf32>
    %add3A_24 = arith.addf %mul3A, %mul3A_23 : vector<1000x128xf32>
    %max3A = arith.constant 0.000000e+00 : f32
    %max3A_25 = vector.broadcast %max3A : f32 to vector<1000x128xf32>
    %max3A_26 = arith.maximumf %add3A_24, %max3A_25 : vector<1000x128xf32>
    %get3A_27 = arith.constant 0 : index
    %get3A_28 = arith.constant 0 : index
    %get3A_29 = vector.load %arg4[%get3A_27, %get3A_28] : memref<64x64xf32, #tpu.memory_space<vmem>>, vector<64x64xf32>
    %get3A_30 = arith.constant 0 : index
    %get3A_31 = arith.constant 0 : index
    %get3A_32 = vector.load %arg5[%get3A_30, %get3A_31] : memref<1x64xf32, #tpu.memory_space<vmem>>, vector<1x64xf32>
    %slice3A_33 = vector.extract_strided_slice %max3A_26 {offsets = [0, 0], sizes = [1000, 64], strides = [1, 1]} : vector<1000x128xf32> to vector<1000x64xf32>
    %dot_general3A = arith.constant dense<0.000000e+00> : vector<1000x64xf32>
    %dot_general3A_34 = tpu.matmul %slice3A_33, %get3A_29, %dot_general3A {dimension_numbers = #tpu.dot_dimension_numbers<[1], [0], [0], [1], [0, 0, 1, 1], [], []>, transpose_lhs_hint = false} : vector<1000x64xf32>, vector<64x64xf32>, vector<1000x64xf32> -> vector<1000x64xf32>
    %add3A_35 = vector.broadcast %get3A_32 : vector<1x64xf32> to vector<1000x64xf32>
    %add3A_36 = arith.addf %dot_general3A_34, %add3A_35 : vector<1000x64xf32>
    %slice3A_37 = vector.extract_strided_slice %max3A_26 {offsets = [0, 64], sizes = [1000, 64], strides = [1, 1]} : vector<1000x128xf32> to vector<1000x64xf32>
    %dot_general3A_38 = arith.constant dense<0.000000e+00> : vector<1000x64xf32>
    %dot_general3A_39 = tpu.matmul %slice3A_37, %get3A_29, %dot_general3A_38 {dimension_numbers = #tpu.dot_dimension_numbers<[1], [0], [0], [1], [0, 0, 1, 1], [], []>, transpose_lhs_hint = false} : vector<1000x64xf32>, vector<64x64xf32>, vector<1000x64xf32> -> vector<1000x64xf32>
    %add3A_40 = vector.broadcast %get3A_32 : vector<1x64xf32> to vector<1000x64xf32>
    %add3A_41 = arith.addf %dot_general3A_39, %add3A_40 : vector<1000x64xf32>
    %concatenate3A_42 = tpu.concatenate %add3A_36, %add3A_41 in 1 : vector<1000x64xf32>, vector<1000x64xf32> -> vector<1000x128xf32>
    %swap3A = arith.constant 0 : index
    %swap3A_43 = arith.constant 0 : index
    %swap3A_44 = vector.load %arg6[%swap3A, %swap3A_43] : memref<1000x128xf32, #tpu.memory_space<vmem>>, vector<1000x128xf32>
    tpu.vector_store %arg6[%swap3A, %swap3A_43], %concatenate3A_42 {strides = array<i32>} : memref<1000x128xf32, #tpu.memory_space<vmem>>, vector<1000x128xf32>,
    %mul3A_45 = arith.mulf %concatenate3A, %concatenate3A_42 : vector<1000x128xf32>
    %swap3A_46 = arith.constant 0 : index
    %swap3A_47 = arith.constant 0 : index
    %swap3A_48 = vector.load %arg7[%swap3A_46, %swap3A_47] : memref<1000x128xf32, #tpu.memory_space<vmem>>, vector<1000x128xf32>
    tpu.vector_store %arg7[%swap3A_46, %swap3A_47], %mul3A_45 {strides = array<i32>} : memref<1000x128xf32, #tpu.memory_space<vmem>>, vector<1000x128xf32>,
    return
  }
  func.func @transform_0(%arg0: i32) -> (i32, i32, i32) {
    %c0_i32 = arith.constant 0 : i32
    %c0_i32_0 = arith.constant 0 : i32
    %c0_i32_1 = arith.constant 0 : i32
    return %c0_i32, %arg0, %c0_i32_0 : i32, i32, i32
  }
  func.func @transform_1(%arg0: i32) -> (i32, i32) {
    %c0_i32 = arith.constant 0 : i32
    %c0_i32_0 = arith.constant 0 : i32
    return %arg0, %c0_i32 : i32, i32
  }
  func.func @transform_2(%arg0: i32) -> (i32, i32) {
    %c0_i32 = arith.constant 0 : i32
    %c0_i32_0 = arith.constant 0 : i32
    return %arg0, %c0_i32 : i32, i32
  }
  func.func @transform_3(%arg0: i32) -> (i32, i32) {
    %c0_i32 = arith.constant 0 : i32
    %c0_i32_0 = arith.constant 0 : i32
    %c0_i32_1 = arith.constant 0 : i32
    return %c0_i32, %c0_i32_0 : i32, i32
  }
  func.func @transform_4(%arg0: i32) -> (i32, i32) {
    %c0_i32 = arith.constant 0 : i32
    %c0_i32_0 = arith.constant 0 : i32
    %c0_i32_1 = arith.constant 0 : i32
    return %c0_i32, %c0_i32_0 : i32, i32
  }
  func.func @transform_5(%arg0: i32) -> (i32, i32) {
    %c0_i32 = arith.constant 0 : i32
    %c0_i32_0 = arith.constant 0 : i32
    return %arg0, %c0_i32 : i32, i32
  }
  func.func @transform_6(%arg0: i32) -> (i32, i32) {
    %c0_i32 = arith.constant 0 : i32
    %c0_i32_0 = arith.constant 0 : i32
    return %arg0, %c0_i32 : i32, i32
  }
}

module attributes {stable_mosaic.version = 14 : i64} {
  func.func @_tc_c_body(%arg0: i32, %arg1: memref<2x1000x128xf32, #tpu.memory_space<vmem>>, %arg2: memref<1000x128xf32, #tpu.memory_space<vmem>>, %arg3: memref<1000x2xf32, #tpu.memory_space<vmem>>, %arg4: memref<1000x128xf32, #tpu.memory_space<vmem>>) attributes {dimension_semantics = [#tpu.dimension_semantics<arbitrary>], iteration_bounds = array<i64: 5>, scalar_prefetch = 0 : i64, scratch_operands = 0 : i64, tpu.core_type = #tpu.core_type<tc>, window_params = [{transform_indices = @transform_0, window_bounds = array<i64: 2, 1000, 128>}, {transform_indices = @transform_1, window_bounds = array<i64: 1000, 128>}, {transform_indices = @transform_2, window_bounds = array<i64: 1000, 2>}, {transform_indices = @transform_3, window_bounds = array<i64: 1000, 128>}]} {
    %get3A = arith.constant 0 : index
    %get3A_0 = arith.constant 0 : index
    %get3A_1 = vector.load %arg3[%get3A, %get3A_0] : memref<1000x2xf32, #tpu.memory_space<vmem>>, vector<1000x2xf32>
    %add3A = arith.constant 1.000000e+00 : f32
    %add3A_2 = vector.broadcast %add3A : f32 to vector<1000x2xf32>
    %add3A_3 = arith.addf %get3A_1, %add3A_2 : vector<1000x2xf32>
    %rsqrt3A = math.rsqrt %add3A_3 : vector<1000x2xf32>
    %slice3A = vector.extract_strided_slice %rsqrt3A {offsets = [0, 0], sizes = [1000, 1], strides = [1, 1]} : vector<1000x2xf32> to vector<1000x1xf32>
    %broadcast_in_dim3A = vector.shape_cast %slice3A : vector<1000x1xf32> to vector<1000x1xf32>
    %broadcast_in_dim3A_4 = vector.broadcast %broadcast_in_dim3A : vector<1000x1xf32> to vector<1000x64xf32>
    %slice3A_5 = vector.extract_strided_slice %rsqrt3A {offsets = [0, 1], sizes = [1000, 1], strides = [1, 1]} : vector<1000x2xf32> to vector<1000x1xf32>
    %broadcast_in_dim3A_6 = vector.shape_cast %slice3A_5 : vector<1000x1xf32> to vector<1000x1xf32>
    %broadcast_in_dim3A_7 = vector.broadcast %broadcast_in_dim3A_6 : vector<1000x1xf32> to vector<1000x64xf32>
    %concatenate3A = tpu.concatenate %broadcast_in_dim3A_4, %broadcast_in_dim3A_7 in 1 : vector<1000x64xf32>, vector<1000x64xf32> -> vector<1000x128xf32>
    %get3A_8 = arith.constant 0 : index
    %get3A_9 = arith.constant 0 : index
    %get3A_10 = arith.constant 0 : index
    %get3A_11 = vector.load %arg1[%get3A_8, %get3A_9, %get3A_10] : memref<2x1000x128xf32, #tpu.memory_space<vmem>>, vector<1x1000x128xf32>
    %get3A_12 = vector.shape_cast %get3A_11 : vector<1x1000x128xf32> to vector<1000x128xf32>
    %get3A_13 = arith.constant 1 : index
    %get3A_14 = arith.constant 0 : index
    %get3A_15 = arith.constant 0 : index
    %get3A_16 = vector.load %arg1[%get3A_13, %get3A_14, %get3A_15] : memref<2x1000x128xf32, #tpu.memory_space<vmem>>, vector<1x1000x128xf32>
    %get3A_17 = vector.shape_cast %get3A_16 : vector<1x1000x128xf32> to vector<1000x128xf32>
    %add3A_18 = arith.addf %get3A_12, %get3A_17 : vector<1000x128xf32>
    %mul3A = arith.mulf %concatenate3A, %add3A_18 : vector<1000x128xf32>
    %mul3A_19 = arith.mulf %concatenate3A, %concatenate3A : vector<1000x128xf32>
    %get3A_20 = arith.constant 0 : index
    %get3A_21 = arith.constant 0 : index
    %get3A_22 = vector.load %arg2[%get3A_20, %get3A_21] : memref<1000x128xf32, #tpu.memory_space<vmem>>, vector<1000x128xf32>
    %mul3A_23 = arith.mulf %mul3A_19, %get3A_22 : vector<1000x128xf32>
    %add3A_24 = arith.addf %mul3A, %mul3A_23 : vector<1000x128xf32>
    %swap3A = arith.constant 0 : index
    %swap3A_25 = arith.constant 0 : index
    %swap3A_26 = vector.load %arg4[%swap3A, %swap3A_25] : memref<1000x128xf32, #tpu.memory_space<vmem>>, vector<1000x128xf32>
    tpu.vector_store %arg4[%swap3A, %swap3A_25], %add3A_24 {strides = array<i32>} : memref<1000x128xf32, #tpu.memory_space<vmem>>, vector<1000x128xf32>,
    return
  }
  func.func @transform_0(%arg0: i32) -> (i32, i32, i32) {
    %c0_i32 = arith.constant 0 : i32
    %c0_i32_0 = arith.constant 0 : i32
    %c0_i32_1 = arith.constant 0 : i32
    return %c0_i32, %arg0, %c0_i32_0 : i32, i32, i32
  }
  func.func @transform_1(%arg0: i32) -> (i32, i32) {
    %c0_i32 = arith.constant 0 : i32
    %c0_i32_0 = arith.constant 0 : i32
    return %arg0, %c0_i32 : i32, i32
  }
  func.func @transform_2(%arg0: i32) -> (i32, i32) {
    %c0_i32 = arith.constant 0 : i32
    %c0_i32_0 = arith.constant 0 : i32
    return %arg0, %c0_i32 : i32, i32
  }
  func.func @transform_3(%arg0: i32) -> (i32, i32) {
    %c0_i32 = arith.constant 0 : i32
    %c0_i32_0 = arith.constant 0 : i32
    return %arg0, %c0_i32 : i32, i32
  }
}

</mosaic_0001>

<sc_bundles>
// kernel: kernel.13.cloned.1.call-start
scs
__scs_entry_jumppad:
0x0: {  	(pc) =	sbr.rel $0x88, $3  }
0x1: {  	(tag) =	ssettag $0x0;
	lr =	simm.s32 $0x1  }
0x2: {  	[smem:$0x3F95] =	sst lr;
	_ =	strace $0xD0000000  }
0x3: {  	_ = 	snop  }
0x4: {  	_ = 	snop  }
0x5: {  	_ = 	snop  }
0x6: {  	_ = 	snop  }
0x7: {  	_ = 	snop  }
__scs_overlays_trampoline_lowered:
0x8: {  	[smem:$0x3FA4] =	sst s0  }
0x9: {  	[smem:$0x3FA5] =	sst s1  }
0xa: {  	[smem:$0x3FA6] =	sst s2  }
0xb: {  	[smem:$0x3FA7] =	sst s3  }
0xc: {  	[smem:$0x3FA8] =	sst s4  }
0xd: {  	[smem:$0x3FA9] =	sst s5  }
0xe: {  	[smem:$0x3FAA] =	sst s6  }
0xf: {  	[smem:$0x3FAB] =	sst s7  }
0x10: {  	[smem:$0x3FAC] =	sst s8  }
0x11: {  	[smem:$0x3FAD] =	sst s9;
	s0 =	simm.s32 @!p0 $0x0  }
0x12: {  	s1 =	sld [smem:$0x3F93];
	s0 =	simm.s32 @p0 $0x1  }
0x13: {  	[smem:$0x3FAE] =	sst s0;
	s0 =	simm.s32 @!p1 $0x0  }
0x14: {  	s2 =	sld [smem:$0x3F92];
	s0 =	simm.s32 @p1 $0x1  }
0x15: {  	[smem:$0x3FAF] =	sst s0;
	s0 =	simm.s32 @!p2 $0x0  }
0x16: {  	s3 =	sld [smem:$0x3FDB];
	s0 =	simm.s32 @p2 $0x1  }
0x17: {  	s4 =	simm.s32 $0x1BF5;
	[smem:$0x3FB1] =	sst s0  }
0x18: {  	s0 =	sld [smem:$0x3F94];
	_ =	swait.ge [sflag:s4], $0x0  }
0x19: {  	s7 =	sld [smem:$0x3F95]  }
0x1a: {  	s8 =	sadd.s32 $0xFFFFE003, lr  }
0x1b: {  	s9 =	sadd.s32 $0xFFFFFEF7, lr;
	s5 =	simm.s32 $0xFFFFFFFF;
	p2 =	slt.u32 s8, $0xFFFFF086  }
0x1c: {  	p1 =	slt.u32 s9, $0xF7A;
	s5 =	simm.s32 @!p2 $0x0  }
0x1d: {  	s5 =	simm.s32 @p1 $0x1;
	p0 =	seq.s32 s7, s2  }
0x1e: {  	s7 =	smul.u32 @!p0 $0xF7A, s2;
	p2 =	seq.s32 @!p0 s5, $0x0  }
0x1f: {  	s9 =	smul.u32 $0xF7A, s1;
	s8 =	simm.s32 @!p0 $0x1BF5;
	p2 =	por !p2, p0  }
0x20: {  	[sflag:s8] =	ssyncset.s32 @!p0 $0xFFFFF086;
	s6 =	sadd.s32 @!p0 s3, s7;
	s7 =	simm.s32 @!p0 $0x108  }
0x21: {  	s3 =	sadd.s32 s3, s9;
	s6 =	sadd.s32 @!p0 $0x88, s6;
	s7 =	simm.s32 @p2 $0x1082  }
0x22: {  	[simem:s7], [sflag:s8] =	dma.local @!p0 [hbm:s6], $0xF7A  }
0x23: {  	s9 =	sor.u32 $0xD0000000, s2;
	s6 =	simm.s32 $0x108;
	_ =	swait.ge @!p0 [sflag:s8], $0x0  }
0x24: {  	s3 =	sadd.s32 $0x88, s3;
	s6 =	simm.s32 @!p1 $0x1082;
	[sflag:s4] =	ssyncset.s32 $0xFFFFF086  }
0x25: {  	[simem:s6], [sflag:s4] =	dma.local [hbm:s3], $0xF7A  }
0x26: {  	[smem:$0x3F95] =	sst s1;
	(tag) =	ssettag s2;
	_ =	strace s9  }
0x27: {  	s1 =	sld [smem:$0x3FA5]  }
0x28: {  	s2 =	sld [smem:$0x3FA6]  }
0x29: {  	s4 =	sld [smem:$0x3FA8]  }
0x2a: {  	p0 =	seq.s32 s5, $0x0;
	s5 =	sld [smem:$0x3FA9]  }
0x2b: {  	s6 =	sld [smem:$0x3FAA]  }
0x2c: {  	s7 =	sld [smem:$0x3FAB]  }
0x2d: {  	s3 =	simm.s32 $0x108;
	s8 =	sld [smem:$0x3FAC]  }
0x2e: {  	s3 =	simm.s32 @!p0 $0x1082;
	s9 =	sld [smem:$0x3FAD]  }
0x2f: {  	lr =	sadd.s32 s0, s3;
	s0 =	sld [smem:$0x3FA4]  }
0x30: {  	s3 =	sld [smem:$0x3FA7]  }
0x31: {  	[smem:$0x3FB0] =	sst s10  }
0x32: {  	s10 =	sld [smem:$0x3FAE];
	_ =	sdelay $0x3  }
0x33: {  	p0 =	seq.s32 s10, $0x1;
	s10 =	sld [smem:$0x3FB0];
	_ =	sdelay $0x3  }
0x34: {  	[smem:$0x3FB0] =	sst s10  }
0x35: {  	s10 =	sld [smem:$0x3FAF];
	_ =	sdelay $0x3  }
0x36: {  	p1 =	seq.s32 s10, $0x1;
	s10 =	sld [smem:$0x3FB0];
	_ =	sdelay $0x3  }
0x37: {  	[smem:$0x3FB0] =	sst s10  }
0x38: {  	s10 =	sld [smem:$0x3FB1]  }
0x39: {  	_ = 	snop;
	(pc) =	sbr.ind lr, $3  }
0x3a: {  	_ = 	snop  }
0x3b: {  	_ = 	snop  }
0x3c: {  	p2 =	seq.s32 s10, $0x1;
	s10 =	sld [smem:$0x3FB0]  }
0x3d: {  	_ =	shalt  }
0x3e: {  	_ =	shalt  }
0x3f: {  	_ =	shalt  }
0x40: {  	_ =	shalt  }
0x41: {  	_ =	shalt  }
0x42: {  	_ =	shalt  }
0x43: {  	_ =	shalt  }
0x44: {  	_ =	shalt  }
0x45: {  	_ =	shalt  }
0x46: {  	_ =	shalt  }
0x47: {  	_ =	shalt  }
0x48: {  	_ =	shalt  }
0x49: {  	_ =	shalt  }
0x4a: {  	_ =	shalt  }
0x4b: {  	_ =	shalt  }
0x4c: {  	_ =	shalt  }
0x4d: {  	_ =	shalt  }
0x4e: {  	_ =	shalt  }
0x4f: {  	_ =	shalt  }
0x50: {  	_ =	shalt  }
0x51: {  	_ =	shalt  }
0x52: {  	_ =	shalt  }
0x53: {  	_ =	shalt  }
0x54: {  	_ =	shalt  }
0x55: {  	_ =	shalt  }
0x56: {  	_ =	shalt  }
0x57: {  	_ =	shalt  }
0x58: {  	_ =	shalt  }
0x59: {  	_ =	shalt  }
0x5a: {  	_ =	shalt  }
0x5b: {  	_ =	shalt  }
0x5c: {  	_ =	shalt  }
0x5d: {  	_ =	shalt  }
0x5e: {  	_ =	shalt  }
0x5f: {  	_ =	shalt  }
0x60: {  	_ =	shalt  }
0x61: {  	_ =	shalt  }
0x62: {  	_ =	shalt  }
0x63: {  	_ =	shalt  }
0x64: {  	_ =	shalt  }
0x65: {  	_ =	shalt  }
0x66: {  	_ =	shalt  }
0x67: {  	_ =	shalt  }
0x68: {  	_ =	shalt  }
0x69: {  	_ =	shalt  }
0x6a: {  	_ =	shalt  }
0x6b: {  	_ =	shalt  }
0x6c: {  	_ =	shalt  }
0x6d: {  	_ =	shalt  }
0x6e: {  	_ =	shalt  }
0x6f: {  	_ =	shalt  }
0x70: {  	_ =	shalt  }
0x71: {  	_ =	shalt  }
0x72: {  	_ =	shalt  }
0x73: {  	_ =	shalt  }
0x74: {  	_ =	shalt  }
0x75: {  	_ =	shalt  }
0x76: {  	_ =	shalt  }
0x77: {  	_ =	shalt  }
0x78: {  	_ =	shalt  }
0x79: {  	_ =	shalt  }
0x7a: {  	_ =	shalt  }
0x7b: {  	_ =	shalt  }
0x7c: {  	_ =	shalt  }
0x7d: {  	_ =	shalt  }
0x7e: {  	_ =	shalt  }
0x7f: {  	_ =	shalt  }
0x80: {  	_ =	shalt  }
0x81: {  	_ =	shalt  }
0x82: {  	_ =	shalt  }
0x83: {  	_ =	shalt  }
0x84: {  	_ =	shalt  }
0x85: {  	_ =	shalt  }
0x86: {  	_ =	shalt  }
0x87: {  	_ =	shalt  }
.Lfunc_end0:
.L_simem_size_0:
called_computation_lowered:
.L_overlay_start_0:
0x88: {  	s2 =	sld [smem:$0x3FD9]  }
0x89: {  	s3 =	sld [smem:$0x3FFE];
	_ =	sdelay $0x1  }
0x8a: {  	s1 =	srdreg.scid  }
0x8b: {  	s0 =	sand.u32 $0x1, s1  }
0x8c: {  	s14 =	sshll.u32 s0, $0xA;
	s2 =	sadd.s32 s3, s2  }
0x8d: {  	s2 =	sadd.s32 s2, s14  }
0x8e: {  	[smem:$0x3FBC] =	sst s2  }
0x8f: {  	_ = 	snop  }
0x90: {  	s2 =	sld [smem:$0x3FD0];
	_ =	sdelay $0x2  }
0x91: {  	s15 =	simm.s32 $0xB;
	s4 =	simm.s32 $0x10  }
0x92: {  	[smem:s4], [sflag:s15] =	dma.local [hbm:s2], $0x1  }
0x93: {  	_ =	swait.eq [sflag:s15], $0x1  }
0x94: {  	[sflag:s15] =	ssyncset.done $0x0  }
0x95: {  	s16 =	sld [smem:$0x10];
	[sflag:s15] =	ssyncadd.s32 $0xFFFFFFFF  }
0x96: {  	s17 =	sld [smem:$0x11];
	(tm) =	ssettm $0x1  }
0x97: {  	s18 =	sld [smem:$0x3FFB];
	_ =	sdelay $0x3  }
0x98: {  	_ =	strace s18  }
0x99: {  	s4 =	sld [smem:$0x3FFC];
	_ =	sdelay $0x3  }
0x9a: {  	_ =	strace s4  }
0x9b: {  	s4 =	sld [smem:$0x3FFD];
	_ =	sdelay $0x3  }
0x9c: {  	_ =	strace s4  }
0x9d: {  	_ =	strace $0x8FFFFFFF  }
0x9e: {  	s19 =	sld [smem:$0x3FDB];
	_ =	sdelay $0x1  }
0x9f: {  	s5 =	simm.s32 $_scs_section_size  }
0xa0: {  	s6 =	simm.s32 $_size__tile_overlayer_lowered;
	s7 =	simm.s32 $_tile_overlayer_lowered  }
0xa1: {  	s22 =	simm.s32 $0x1BFF;
	s21 =	sshll.u32 s7, $0x1;
	s4 =	sadd.s32 s5, s19  }
0xa2: {  	s8 =	simm.s32 $0x0;
	s20 =	sshll.u32 s6, $0x1;
	s6 =	sadd.s32 s21, s4  }
0xa3: {  	[timem:s8], [sflag:s22] =	dma.local [hbm:s6], s20  }
0xa4: {  	_ =	swait.ge [sflag:s22], s20  }
0xa5: {  	s5 =	ssub.s32 $0x0, s20;
	[sflag:s22] =	ssyncset.done $0x0  }
0xa6: {  	[sflag:s22] =	ssyncadd.s32 s5;
	_ =	sdelay $0x1  }
0xa7: {  	s23 =	simm.s32 $0x1B8B  }
0xa8: {  	_ =	swait.ge [sflag:s23], $0x1  }
0xa9: {  	[sflag:s23] =	ssyncset.done $0x0  }
0xaa: {  	s25 =	simm.s32 $0x1B8E;
	s24 =	sld [smem:$0x3FFE];
	[sflag:s23] =	ssyncadd.s32 $0xFFFFFFFF  }
0xab: {  	s26 =	simm.s32 $execute0_lowered;
	[smem:$0x3FD2] =	sst s25  }
0xac: {  	s6 =	sshll.u32 s26, $0x1;
	_ =	strace $0x80000046;
	[dreg:$0x1] =	wrdreg $0xFFFFFFFF  }
0xad: {  	s28 =	simm.s32 $_size_execute0_lowered;
	s4 =	sadd.s32 s4, s6;
	[dreg:$0x0] =	wrdreg $0x0  }
0xae: {  	s6 =	sshll.u32 s28, $0x1;
	[dreg:$0x2] =	wrdreg s4  }
0xaf: {  	[dreg:$0x3] =	wrdreg s6  }
0xb0: {  	[dreg:$0x4] =	wrdreg $0xC0  }
0xb1: {  	_ =	task [dreg:s8], $0x5FFFF  }
0xb2: {  	[dreg:$0x1] =	wrdreg $0xFFFFFFFF  }
0xb3: {  	[dreg:$0x0] =	wrdreg $0x60  }
0xb4: {  	[dreg:$0x2] =	wrdreg s17  }
0xb5: {  	[dreg:$0x3] =	wrdreg s24  }
0xb6: {  	[dreg:$0x4] =	wrdreg s16  }
0xb7: {  	[dreg:$0x5] =	wrdreg $0x7D000  }
0xb8: {  	[dreg:$0x6] =	wrdreg $0x9  }
0xb9: {  	_ =	task.clear_ibuf [dreg:s8], $0x7FFFF;
	_ =	strace $0x90000046  }
0xba: {  	s29 =	simm.s32 $0x9;
	_ =	strace $0x80000048  }
0xbb: {  	_ =	swait.ge [sflag:s29], $0x1  }
0xbc: {  	[sflag:s29] =	ssyncadd.s32 $0xFFFFFFFF  }
0xbd: {  	_ =	strace $0x90000048  }
0xbe: {  	_ =	sfence  }
0xbf: {  	s30 =	sld [smem:$0x0];
	_ =	sdelay $0x2  }
0xc0: {  	s31 =	sshll.u32 s1, $0xD;
	s1 =	sshrl.u32 s1, $0x2  }
0xc1: {  	s3 =	sand.u32 $0x4000, s31;
	s1 =	sadd.s32 s1, s30  }
0xc2: {  	s0 =	sor.u32 s3, s0;
	s1 =	sshll.u32 s1, $0x11  }
0xc3: {  	s0 =	sor.u32 s1, s0  }
0xc4: {  	s0 =	sadd.s32 $0x8F2B, s0  }
0xc5: {  	[sflag:s0] =	ssyncadd.remote.s32 $0x1  }
0xc6: {  	_ =	sfence.sel $0xFFFF  }
0xc7: {  	[dreg:$0x0] =	wrdreg $0xFFFFFFFF;
	(pc) =	sbr.abs _section_cstart, $3  }
0xc8: {  	[dreg:$0x1] =	wrdreg $0xFFFFFFFF  }
0xc9: {  	_ =	task.clear_ibuf [dreg:s8], $0x2FFFF;
	_ =	strace $0x9FFFFFFF  }
0xca: {  	(tm) =	ssettm $0x7FFFFFFF  }
0xcb: {  	_ =	shalt  }
tec
execute0_lowered:
.L_overlay_start_1:
0x0: {  	(tag) =	ssettag $0x1  }
0x1: {  	s0 =	rddreg [dreg:$0x0]  }
0x2: {  	s1 =	rddreg [dreg:$0x1]  }
0x3: {  	s5 =	rddreg [dreg:$0x2]  }
0x4: {  	s17 =	rddreg [dreg:$0x3]  }
0x5: {  	s2 =	simm.s32 $0x0;
	s3 =	srdreg.scid;
	s12 =	simm.s32 $0x5208  }
0x6: {  	s13 =	simm.s32 $0x3;
	s23 =	simm.s32 $0x1B58;
	s24 =	simm.s32 $0x1F40  }
0x7: {  	s28 =	simm.s32 $0x2AF8;
	s29 =	simm.s32 $0x2EE0;
	s30 =	simm.s32 $0x32C8  }
0x8: {  	s31 =	simm.s32 $0x36B0;
	[smem:$0x7FF] =	sst s2;
	s6 =	sand.u32 $0x1, s3  }
0x9: {  	s3 =	sadd.s32 $0x4A00, s1;
	s4 =	sadd.s32 $0x4800, s1;
	s1 =	stileid.u32  }
0xa: {  	s20 =	sadd.s32 $0x2328, s17;
	s14 =	sadd.s32 $0x1F40, s17;
	s15 =	sadd.s32 $0x1B58, s17  }
0xb: {  	s21 =	sadd.s32 $0x1770, s17;
	s16 =	sadd.s32 $0x1388, s17;
	s22 =	sadd.s32 $0xFA0, s17  }
0xc: {  	s18 =	sadd.s32 $0xBB8, s17;
	s19 =	sadd.s32 $0x7D0, s17;
	s25 =	smul.u32 $0x4E200, s6  }
0xd: {  	s26 =	sadd.s32 $0x3E8, s17;
	_ =	strace $0x80000047;
	s9 =	smul.u32 $0x4E20, s1  }
0xe: {  	s7 =	ssub.s32 $0x2, s6;
	s6 =	smul.u32 $0x4E2, s6;
	[dreg:$0x8] =	wrdreg s26  }
0xf: {  	p2 =	seq.s32 s1, $0x2;
	p0 =	sgt.s32 s1, $0x4;
	p4 =	seq.s32 s1, $0x5  }
0x10: {  	p5 =	seq.s32 s1, $0x7;
	s26 =	simm.s32 $0x2710;
	s8 =	sshrl.u32 s7, $0x1  }
0x11: {  	p1 =	seq.s32 @!p2 s1, $0x3;
	s18 =	smov.u32 @p2 s19;
	p6 =	seq.s32 @!p5 s1, $0x8  }
0x12: {  	s21 =	smov.u32 @p4 s16;
	s14 =	smov.u32 @p5 s15;
	s15 =	simm.s32 $0x3E8  }
0x13: {  	s16 =	simm.s32 $0x1;
	s7 =	ssub.s32 s7, s8;
	s8 =	sadd.s32 s9, s25  }
0x14: {  	s10 =	sadd.s32 s5, s6;
	p3 =	por p2, p1;
	p1 =	sgt.s32 s1, $0x1  }
0x15: {  	[dreg:$0x6] =	wrdreg s21;
	s21 =	simm.s32 $0x1388;
	s25 =	simm.s32 $0x2328  }
0x16: {  	s6 =	simm.s32 $0x4268;
	s5 =	simm.s32 $0x4650;
	s8 =	sshrl.u32 s8, $0x3  }
0x17: {  	s11 =	smax.u32 s7, $0x1;
	p2 =	seq.s32 @!p3 s1, $0x4;
	s22 =	smov.u32 @p3 s18  }
0x18: {  	s18 =	simm.s32 $0x2;
	p2 =	por p3, p2;
	p3 =	seq.s32 @!p4 s1, $0x6  }
0x19: {  	s7 =	simm.s32 $0x4A38;
	s9 =	sadd.s32 s0, s8;
	p3 =	por p4, p3  }
0x1a: {  	[dreg:$0x7] =	wrdreg s22;
	s22 =	simm.s32 $0x1770;
	s0 =	simm.s32 @!p3 $0x0  }
0x1b: {  	s8 =	simm.s32 $0x3E80;
	p4 =	seq.s32 s1, $0x0;
	s0 =	simm.s32 @p3 $0x1  }
0x1c: {  	p3 =	por p5, p6;
	[smem:$0x7FB] =	sst s0;
	s0 =	simm.s32 @!p4 $0x0  }
.Ltmp0:
0x1d: {  	p5 =	seq.s32 @!p3 s1, $0x9;
	s20 =	smov.u32 @p3 s14;
	(pc) =	sbr.rel .LBB2_1-.Ltmp0, $4  }
0x1e: {  	s0 =	simm.s32 @p4 $0x1;
	p5 =	por p3, p5;
	p3 =	seq.s32 s1, $0x1  }
0x1f: {  	p6 =	sne.s32 s1, $0x0;
	[smem:$0x7FC] =	sst s0;
	s0 =	simm.s32 @!p3 $0x0  }
0x20: {  	s14 =	simm.s32 $0x4E20;
	[dreg:$0x5] =	wrdreg s20;
	s0 =	simm.s32 @p3 $0x1  }
0x21: {  	p3 =	sgt.s32 s1, $0x6;
	[smem:$0x7FD] =	sst s0;
	s0 =	simm.s32 $0x3A98  }
.LBB2_8:
0x22: {  	s19 =	sld [smem:$0x7FB];
	_ =	sdelay $0x2  }
0x23: {  	p4 =	seq.s32 s19, $0x1  }
.Ltmp1:
0x24: {  	_ = 	snop;
	(pc) =	sbr.rel @!p4 .LBB2_11-.Ltmp1, $2  }
0x25: {  	_ =	sdelay $0x2  }
0x26: {  	s1 =	rddreg [dreg:$0x6]  }
.LBB2_10:
0x27: {  	[spmem:s1] =	stream.linear.scatter [tilespmem:s12], [sflag:$0x3], $0x3E8, $0x38;
	[tilespmem:$0x7F78] =	vst v63  }
0x28: {  	_ =	swait.ge [sflag:s13], $0x3E8  }
0x29: {  	[sflag:s13] =	ssyncset.done $0x0  }
0x2a: {  	[sflag:s13] =	ssyncadd.s32 $0xFFFFFC18  }
.LBB2_11:
0x2b: {  	[tilespmem:s14], [sflag:$0x3] =	stream.linear.gather [hbm4b:s3+s2], $0x3E8, $0x38;
	[tilespmem:$0x7F78] =	vst v63  }
0x2c: {  	_ =	swait.ge [sflag:s13], $0x3E8  }
0x2d: {  	[sflag:s13] =	ssyncset.done $0x0  }
0x2e: {  	[sflag:s13] =	ssyncadd.s32 $0xFFFFFC18  }
0x2f: {  	[bflag:$0x0] =	sbarrier.arrive $0xFFFF  }
0x30: {  	[tilespmem:s2], [sflag:$0x3] =	stream.linear.gather [hbm4b:s9+s2], $0x4E20, $0x38;
	[tilespmem:$0x7F78] =	vst v63  }
0x31: {  	_ =	swait.ge [sflag:s13], $0x4E20  }
0x32: {  	[sflag:s13] =	ssyncset.done $0x0  }
0x33: {  	[sflag:s13] =	ssyncadd.s32 $0xFFFFB1E0  }
0x34: {  	[spmem:s17] =	stream.indirect.scatter.add.f32 [tilespmem:s14], [sflag:$0x1], $0x1, s2, s15, $0xb8;
	[tilespmem:$0x7F78] =	vst v63  }
0x35: {  	_ = 	snop  }
0x36: {  	[spmem:s17] =	stream.indirect.scatter.add.f32 [tilespmem:s14], [sflag:$0x2], $0x1, s15, s15, $0xb8;
	[tilespmem:$0x7F78] =	vst v63  }
0x37: {  	_ =	swait.ge [sflag:s16], $0x3E8  }
0x38: {  	[sflag:s16] =	ssyncset.done $0x0  }
0x39: {  	s1 =	simm.s32 $0x7D0;
	[sflag:s16] =	ssyncadd.s32 $0xFFFFFC18  }
0x3a: {  	[spmem:s17] =	stream.indirect.scatter.add.f32 [tilespmem:s14], [sflag:$0x1], $0x1, s1, s15, $0xb8;
	[tilespmem:$0x7F78] =	vst v63  }
0x3b: {  	_ =	swait.ge [sflag:s18], $0x3E8  }
0x3c: {  	[sflag:s18] =	ssyncset.done $0x0  }
0x3d: {  	s19 =	simm.s32 $0xBB8;
	[sflag:s18] =	ssyncadd.s32 $0xFFFFFC18  }
0x3e: {  	[spmem:s17] =	stream.indirect.scatter.add.f32 [tilespmem:s14], [sflag:$0x2], $0x1, s19, s15, $0xb8;
	[tilespmem:$0x7F78] =	vst v63  }
0x3f: {  	_ =	swait.ge [sflag:s16], $0x3E8  }
0x40: {  	[sflag:s16] =	ssyncset.done $0x0  }
0x41: {  	s20 =	simm.s32 $0xFA0;
	[sflag:s16] =	ssyncadd.s32 $0xFFFFFC18  }
0x42: {  	[spmem:s17] =	stream.indirect.scatter.add.f32 [tilespmem:s14], [sflag:$0x1], $0x1, s20, s15, $0xb8;
	[tilespmem:$0x7F78] =	vst v63  }
0x43: {  	_ =	swait.ge [sflag:s18], $0x3E8  }
0x44: {  	[sflag:s18] =	ssyncset.done $0x0  }
0x45: {  	[sflag:s18] =	ssyncadd.s32 $0xFFFFFC18  }
0x46: {  	[spmem:s17] =	stream.indirect.scatter.add.f32 [tilespmem:s14], [sflag:$0x2], $0x1, s21, s15, $0xb8;
	[tilespmem:$0x7F78] =	vst v63  }
0x47: {  	_ =	swait.ge [sflag:s16], $0x3E8  }
0x48: {  	[sflag:s16] =	ssyncset.done $0x0  }
0x49: {  	[sflag:s16] =	ssyncadd.s32 $0xFFFFFC18  }
0x4a: {  	[spmem:s17] =	stream.indirect.scatter.add.f32 [tilespmem:s14], [sflag:$0x1], $0x1, s22, s15, $0xb8;
	[tilespmem:$0x7F78] =	vst v63  }
0x4b: {  	_ =	swait.ge [sflag:s18], $0x3E8  }
0x4c: {  	[sflag:s18] =	ssyncset.done $0x0  }
0x4d: {  	[sflag:s18] =	ssyncadd.s32 $0xFFFFFC18  }
0x4e: {  	[spmem:s17] =	stream.indirect.scatter.add.f32 [tilespmem:s14], [sflag:$0x2], $0x1, s23, s15, $0xb8;
	[tilespmem:$0x7F78] =	vst v63  }
0x4f: {  	_ =	swait.ge [sflag:s16], $0x3E8  }
0x50: {  	[sflag:s16] =	ssyncset.done $0x0  }
0x51: {  	[sflag:s16] =	ssyncadd.s32 $0xFFFFFC18  }
0x52: {  	[spmem:s17] =	stream.indirect.scatter.add.f32 [tilespmem:s14], [sflag:$0x1], $0x1, s24, s15, $0xb8;
	[tilespmem:$0x7F78] =	vst v63  }
0x53: {  	_ =	swait.ge [sflag:s18], $0x3E8  }
0x54: {  	[sflag:s18] =	ssyncset.done $0x0  }
0x55: {  	[sflag:s18] =	ssyncadd.s32 $0xFFFFFC18  }
0x56: {  	[spmem:s17] =	stream.indirect.scatter.add.f32 [tilespmem:s14], [sflag:$0x2], $0x1, s25, s15, $0xb8;
	[tilespmem:$0x7F78] =	vst v63  }
0x57: {  	_ =	swait.ge [sflag:s16], $0x3E8  }
0x58: {  	[sflag:s16] =	ssyncset.done $0x0  }
0x59: {  	[sflag:s16] =	ssyncadd.s32 $0xFFFFFC18  }
0x5a: {  	[spmem:s17] =	stream.indirect.scatter.add.f32 [tilespmem:s14], [sflag:$0x1], $0x1, s26, s15, $0xb8;
	[tilespmem:$0x7F78] =	vst v63  }
0x5b: {  	_ =	swait.ge [sflag:s18], $0x3E8  }
0x5c: {  	[sflag:s18] =	ssyncset.done $0x0  }
0x5d: {  	[sflag:s18] =	ssyncadd.s32 $0xFFFFFC18  }
0x5e: {  	[spmem:s17] =	stream.indirect.scatter.add.f32 [tilespmem:s14], [sflag:$0x2], $0x1, s28, s15, $0xb8;
	[tilespmem:$0x7F78] =	vst v63  }
0x5f: {  	_ =	swait.ge [sflag:s16], $0x3E8  }
0x60: {  	[sflag:s16] =	ssyncset.done $0x0  }
0x61: {  	[sflag:s16] =	ssyncadd.s32 $0xFFFFFC18  }
0x62: {  	[spmem:s17] =	stream.indirect.scatter.add.f32 [tilespmem:s14], [sflag:$0x1], $0x1, s29, s15, $0xb8;
	[tilespmem:$0x7F78] =	vst v63  }
0x63: {  	_ =	swait.ge [sflag:s18], $0x3E8  }
0x64: {  	[sflag:s18] =	ssyncset.done $0x0  }
0x65: {  	[sflag:s18] =	ssyncadd.s32 $0xFFFFFC18  }
0x66: {  	[spmem:s17] =	stream.indirect.scatter.add.f32 [tilespmem:s14], [sflag:$0x2], $0x1, s30, s15, $0xb8;
	[tilespmem:$0x7F78] =	vst v63  }
0x67: {  	_ =	swait.ge [sflag:s16], $0x3E8  }
0x68: {  	[sflag:s16] =	ssyncset.done $0x0  }
0x69: {  	[sflag:s16] =	ssyncadd.s32 $0xFFFFFC18  }
0x6a: {  	[spmem:s17] =	stream.indirect.scatter.add.f32 [tilespmem:s14], [sflag:$0x1], $0x1, s31, s15, $0xb8;
	[tilespmem:$0x7F78] =	vst v63  }
0x6b: {  	_ =	swait.ge [sflag:s18], $0x3E8  }
0x6c: {  	[sflag:s18] =	ssyncset.done $0x0  }
0x6d: {  	[sflag:s18] =	ssyncadd.s32 $0xFFFFFC18  }
0x6e: {  	[spmem:s17] =	stream.indirect.scatter.add.f32 [tilespmem:s14], [sflag:$0x2], $0x1, s0, s15, $0xb8;
	[tilespmem:$0x7F78] =	vst v63  }
0x6f: {  	_ =	swait.ge [sflag:s16], $0x3E8  }
0x70: {  	[sflag:s16] =	ssyncset.done $0x0  }
0x71: {  	[sflag:s16] =	ssyncadd.s32 $0xFFFFFC18  }
0x72: {  	[spmem:s17] =	stream.indirect.scatter.add.f32 [tilespmem:s14], [sflag:$0x1], $0x1, s8, s15, $0xb8;
	[tilespmem:$0x7F78] =	vst v63  }
0x73: {  	_ =	swait.ge [sflag:s18], $0x3E8  }
0x74: {  	[sflag:s18] =	ssyncset.done $0x0  }
0x75: {  	[sflag:s18] =	ssyncadd.s32 $0xFFFFFC18  }
0x76: {  	[spmem:s17] =	stream.indirect.scatter.add.f32 [tilespmem:s14], [sflag:$0x2], $0x1, s6, s15, $0xb8;
	[tilespmem:$0x7F78] =	vst v63  }
0x77: {  	_ =	swait.ge [sflag:s16], $0x3E8  }
0x78: {  	[sflag:s16] =	ssyncset.done $0x0  }
0x79: {  	[sflag:s16] =	ssyncadd.s32 $0xFFFFFC18  }
0x7a: {  	[spmem:s17] =	stream.indirect.scatter.add.f32 [tilespmem:s14], [sflag:$0x1], $0x1, s5, s15, $0xb8;
	[tilespmem:$0x7F78] =	vst v63  }
0x7b: {  	_ =	swait.ge [sflag:s18], $0x3E8  }
0x7c: {  	[sflag:s18] =	ssyncset.done $0x0  }
0x7d: {  	[sflag:s18] =	ssyncadd.s32 $0xFFFFFC18  }
0x7e: {  	[spmem:s17] =	stream.indirect.scatter.add.f32 [tilespmem:s14], [sflag:$0x2], $0x1, s7, s15, $0xb8;
	[tilespmem:$0x7F78] =	vst v63  }
0x7f: {  	_ =	swait.ge [sflag:s16], $0x3E8  }
0x80: {  	[sflag:s16] =	ssyncset.done $0x0  }
0x81: {  	[sflag:s16] =	ssyncadd.s32 $0xFFFFFC18  }
0x82: {  	_ =	swait.ge [sflag:s18], $0x3E8  }
0x83: {  	[sflag:s18] =	ssyncset.done $0x0  }
0x84: {  	[sflag:s18] =	ssyncadd.s32 $0xFFFFFC18  }
0x85: {  	s1 =	simm.s32 @!p6 $0x55F0;
	s19 =	simm.s32 @!p6 $0x3;
	[bflag:$0x0] =	sbarrier.arrive $0xFFFF  }
0x86: {  	[tilespmem:s1], [sflag:$0x3] =	stream.linear.gather @!p6 [spmem:s17], $0x2710, $0x38;
	[tilespmem:$0x7F78] =	vst v63  }
0x87: {  	s11 =	sadd.s32 $0xFFFFFFFF, s11;
	_ =	swait.ge @!p6 [sflag:s19], $0x2710  }
0x88: {  	p4 =	sne.s32 s11, $0x0;
	[sflag:s19] =	ssyncset.done @!p6 $0x0  }
.Ltmp2:
0x89: {  	s20 =	simm.s32 @!p6 $0x0;
	[sflag:s19] =	ssyncadd.s32 @!p6 $0xFFFFD8F0;
	(pc) =	sbr.rel @!p4 .LBB2_12-.Ltmp2, $4  }
0x8a: {  	[hbm4b:s10+s20] =	stream.linear.scatter @!p6 [tilespmem:s1], [sflag:$0x3], $0x2710, $0x38;
	[tilespmem:$0x7F78] =	vst v63  }
0x8b: {  	_ =	swait.ge @!p6 [sflag:s19], $0x2710  }
0x8c: {  	[sflag:s19] =	ssyncset.done @!p6 $0x0  }
0x8d: {  	[sflag:s19] =	ssyncadd.s32 @!p6 $0xFFFFD8F0  }
.LBB2_1:
.Ltmp3:
0x8e: {  	(pc) =	sbr.rel @p0 .LBB2_7-.Ltmp3, $4  }
0x8f: {  	[tilespmem:s12], [sflag:$0x3] =	stream.linear.gather [hbm4b:s4+s2], $0x3E8, $0x38;
	[tilespmem:$0x7F78] =	vst v63  }
0x90: {  	_ =	swait.ge [sflag:s13], $0x3E8  }
0x91: {  	[sflag:s13] =	ssyncset.done $0x0  }
0x92: {  	[sflag:s13] =	ssyncadd.s32 $0xFFFFFC18  }
.Ltmp4:
0x93: {  	(pc) =	sbr.rel @!p1 .LBB2_3-.Ltmp4, $1  }
0x94: {  	_ =	sdelay $0x3  }
.Ltmp5:
0x95: {  	(pc) =	sbr.rel @p2 .LBB2_10-.Ltmp5, $4  }
.Ltmp6:
0x96: {  	(pc) =	sbr.rel @!p2 .LBB2_11-.Ltmp6, $4  }
0x97: {  	_ = 	snop  }
0x98: {  	_ = 	snop  }
0x99: {  	s1 =	rddreg [dreg:$0x7]  }
0x9a: {  	_ = 	snop  }
.LBB2_7:
.Ltmp7:
0x9b: {  	(pc) =	sbr.rel @!p3 .LBB2_8-.Ltmp7, $1  }
0x9c: {  	_ =	sdelay $0x3  }
.Ltmp8:
0x9d: {  	(pc) =	sbr.rel @p5 .LBB2_10-.Ltmp8, $4  }
.Ltmp9:
0x9e: {  	(pc) =	sbr.rel @!p5 .LBB2_11-.Ltmp9, $4  }
0x9f: {  	_ = 	snop  }
0xa0: {  	_ = 	snop  }
0xa1: {  	s1 =	rddreg [dreg:$0x5]  }
0xa2: {  	_ = 	snop  }
.LBB2_3:
0xa3: {  	s19 =	sld [smem:$0x7FC];
	_ =	sdelay $0x2  }
0xa4: {  	p4 =	seq.s32 s19, $0x1  }
.Ltmp10:
0xa5: {  	_ = 	snop;
	(pc) =	sbr.rel @p4 .LBB2_10-.Ltmp10, $2  }
0xa6: {  	_ =	sdelay $0x2  }
0xa7: {  	s1 =	smov.u32 s17  }
0xa8: {  	s1 =	sld [smem:$0x7FD];
	_ =	sdelay $0x2  }
0xa9: {  	p4 =	seq.s32 s1, $0x1  }
.Ltmp11:
0xaa: {  	_ = 	snop;
	(pc) =	sbr.rel @!p4 .LBB2_11-.Ltmp11, $1  }
0xab: {  	_ =	sdelay $0x3  }
.Ltmp12:
0xac: {  	(pc) =	sbr.rel .LBB2_10-.Ltmp12, $2  }
0xad: {  	_ =	sdelay $0x2  }
0xae: {  	s1 =	rddreg [dreg:$0x8]  }
.LBB2_12:
0xaf: {  	_ =	sfence.sel $0x180000  }
0xb0: {  	[bflag:$0x0] =	sbarrier.arrive $0xFFFF  }
0xb1: {  	_ =	strace $0x90000047  }
0xb2: {  	[bflag:$0x2] =	sbarrier.arrive $0xFFFF  }
0xb3: {  	s0 =	rddreg [dreg:$0x4]  }
0xb4: {  	s0 =	sadd.s32 @!p6 $0x100000, s0  }
0xb5: {  	[sflag:s0] =	ssyncadd.tile.s32 @!p6 $0x1;
	_ =	shalt  }
.Lfunc_end2:
_tile_overlayer_lowered:
.L_overlay_start_2:
0xb6: {  	(tag) =	ssettag $0x2  }
0xb7: {  	s0 =	rddreg [dreg:$0x0];
	s2 =	stileid.u32  }
0xb8: {  	s1 =	rddreg [dreg:$0x1];
	p0 =	sne.s32 s2, $0x0  }
0xb9: {  	s3 =	rddreg [dreg:$0x2];
	[bflag:$0x3] =	sbarrier.arrive $0xFFFF;
	s2 =	simm.s32 @!p0 $0x1C03  }
0xba: {  	[timem:s3], [sflag:s2] =	dma.local @!p0 [hbm:s0], s1  }
0xbb: {  	s0 =	simm.s32 @!p0 $0x3  }
0xbc: {  	_ =	swait.ge @!p0 [sflag:s0], s1  }
0xbd: {  	s1 =	ssub.s32 @!p0 $0x0, s1;
	[sflag:s0] =	ssyncset.done @!p0 $0x0  }
0xbe: {  	[sflag:s0] =	ssyncadd.s32 @!p0 s1  }
0xbf: {  	[bflag:$0x3] =	sbarrier.arrive $0xFFFF  }
0xc0: {  	_ =	shalt  }

// kernel: kernel.16.cloned.1.call-start
scs
__scs_entry_jumppad:
0x0: {  	(pc) =	sbr.rel $0x88, $3  }
0x1: {  	(tag) =	ssettag $0x0;
	lr =	simm.s32 $0x1  }
0x2: {  	[smem:$0x3F95] =	sst lr;
	_ =	strace $0xD0000000  }
0x3: {  	_ = 	snop  }
0x4: {  	_ = 	snop  }
0x5: {  	_ = 	snop  }
0x6: {  	_ = 	snop  }
0x7: {  	_ = 	snop  }
__scs_overlays_trampoline_lowered:
0x8: {  	[smem:$0x3FA4] =	sst s0  }
0x9: {  	[smem:$0x3FA5] =	sst s1  }
0xa: {  	[smem:$0x3FA6] =	sst s2  }
0xb: {  	[smem:$0x3FA7] =	sst s3  }
0xc: {  	[smem:$0x3FA8] =	sst s4  }
0xd: {  	[smem:$0x3FA9] =	sst s5  }
0xe: {  	[smem:$0x3FAA] =	sst s6  }
0xf: {  	[smem:$0x3FAB] =	sst s7  }
0x10: {  	[smem:$0x3FAC] =	sst s8  }
0x11: {  	[smem:$0x3FAD] =	sst s9;
	s0 =	simm.s32 @!p0 $0x0  }
0x12: {  	s1 =	sld [smem:$0x3F93];
	s0 =	simm.s32 @p0 $0x1  }
0x13: {  	[smem:$0x3FAE] =	sst s0;
	s0 =	simm.s32 @!p1 $0x0  }
0x14: {  	s2 =	sld [smem:$0x3F92];
	s0 =	simm.s32 @p1 $0x1  }
0x15: {  	[smem:$0x3FAF] =	sst s0;
	s0 =	simm.s32 @!p2 $0x0  }
0x16: {  	s3 =	sld [smem:$0x3FDB];
	s0 =	simm.s32 @p2 $0x1  }
0x17: {  	s4 =	simm.s32 $0x1BF5;
	[smem:$0x3FB1] =	sst s0  }
0x18: {  	s0 =	sld [smem:$0x3F94];
	_ =	swait.ge [sflag:s4], $0x0  }
0x19: {  	s7 =	sld [smem:$0x3F95]  }
0x1a: {  	s8 =	sadd.s32 $0xFFFFE003, lr  }
0x1b: {  	s9 =	sadd.s32 $0xFFFFFEF7, lr;
	s5 =	simm.s32 $0xFFFFFFFF;
	p2 =	slt.u32 s8, $0xFFFFF086  }
0x1c: {  	p1 =	slt.u32 s9, $0xF7A;
	s5 =	simm.s32 @!p2 $0x0  }
0x1d: {  	s5 =	simm.s32 @p1 $0x1;
	p0 =	seq.s32 s7, s2  }
0x1e: {  	s7 =	smul.u32 @!p0 $0xF7A, s2;
	p2 =	seq.s32 @!p0 s5, $0x0  }
0x1f: {  	s9 =	smul.u32 $0xF7A, s1;
	s8 =	simm.s32 @!p0 $0x1BF5;
	p2 =	por !p2, p0  }
0x20: {  	[sflag:s8] =	ssyncset.s32 @!p0 $0xFFFFF086;
	s6 =	sadd.s32 @!p0 s3, s7;
	s7 =	simm.s32 @!p0 $0x108  }
0x21: {  	s3 =	sadd.s32 s3, s9;
	s6 =	sadd.s32 @!p0 $0x88, s6;
	s7 =	simm.s32 @p2 $0x1082  }
0x22: {  	[simem:s7], [sflag:s8] =	dma.local @!p0 [hbm:s6], $0xF7A  }
0x23: {  	s9 =	sor.u32 $0xD0000000, s2;
	s6 =	simm.s32 $0x108;
	_ =	swait.ge @!p0 [sflag:s8], $0x0  }
0x24: {  	s3 =	sadd.s32 $0x88, s3;
	s6 =	simm.s32 @!p1 $0x1082;
	[sflag:s4] =	ssyncset.s32 $0xFFFFF086  }
0x25: {  	[simem:s6], [sflag:s4] =	dma.local [hbm:s3], $0xF7A  }
0x26: {  	[smem:$0x3F95] =	sst s1;
	(tag) =	ssettag s2;
	_ =	strace s9  }
0x27: {  	s1 =	sld [smem:$0x3FA5]  }
0x28: {  	s2 =	sld [smem:$0x3FA6]  }
0x29: {  	s4 =	sld [smem:$0x3FA8]  }
0x2a: {  	p0 =	seq.s32 s5, $0x0;
	s5 =	sld [smem:$0x3FA9]  }
0x2b: {  	s6 =	sld [smem:$0x3FAA]  }
0x2c: {  	s7 =	sld [smem:$0x3FAB]  }
0x2d: {  	s3 =	simm.s32 $0x108;
	s8 =	sld [smem:$0x3FAC]  }
0x2e: {  	s3 =	simm.s32 @!p0 $0x1082;
	s9 =	sld [smem:$0x3FAD]  }
0x2f: {  	lr =	sadd.s32 s0, s3;
	s0 =	sld [smem:$0x3FA4]  }
0x30: {  	s3 =	sld [smem:$0x3FA7]  }
0x31: {  	[smem:$0x3FB0] =	sst s10  }
0x32: {  	s10 =	sld [smem:$0x3FAE];
	_ =	sdelay $0x3  }
0x33: {  	p0 =	seq.s32 s10, $0x1;
	s10 =	sld [smem:$0x3FB0];
	_ =	sdelay $0x3  }
0x34: {  	[smem:$0x3FB0] =	sst s10  }
0x35: {  	s10 =	sld [smem:$0x3FAF];
	_ =	sdelay $0x3  }
0x36: {  	p1 =	seq.s32 s10, $0x1;
	s10 =	sld [smem:$0x3FB0];
	_ =	sdelay $0x3  }
0x37: {  	[smem:$0x3FB0] =	sst s10  }
0x38: {  	s10 =	sld [smem:$0x3FB1]  }
0x39: {  	_ = 	snop;
	(pc) =	sbr.ind lr, $3  }
0x3a: {  	_ = 	snop  }
0x3b: {  	_ = 	snop  }
0x3c: {  	p2 =	seq.s32 s10, $0x1;
	s10 =	sld [smem:$0x3FB0]  }
0x3d: {  	_ =	shalt  }
0x3e: {  	_ =	shalt  }
0x3f: {  	_ =	shalt  }
0x40: {  	_ =	shalt  }
0x41: {  	_ =	shalt  }
0x42: {  	_ =	shalt  }
0x43: {  	_ =	shalt  }
0x44: {  	_ =	shalt  }
0x45: {  	_ =	shalt  }
0x46: {  	_ =	shalt  }
0x47: {  	_ =	shalt  }
0x48: {  	_ =	shalt  }
0x49: {  	_ =	shalt  }
0x4a: {  	_ =	shalt  }
0x4b: {  	_ =	shalt  }
0x4c: {  	_ =	shalt  }
0x4d: {  	_ =	shalt  }
0x4e: {  	_ =	shalt  }
0x4f: {  	_ =	shalt  }
0x50: {  	_ =	shalt  }
0x51: {  	_ =	shalt  }
0x52: {  	_ =	shalt  }
0x53: {  	_ =	shalt  }
0x54: {  	_ =	shalt  }
0x55: {  	_ =	shalt  }
0x56: {  	_ =	shalt  }
0x57: {  	_ =	shalt  }
0x58: {  	_ =	shalt  }
0x59: {  	_ =	shalt  }
0x5a: {  	_ =	shalt  }
0x5b: {  	_ =	shalt  }
0x5c: {  	_ =	shalt  }
0x5d: {  	_ =	shalt  }
0x5e: {  	_ =	shalt  }
0x5f: {  	_ =	shalt  }
0x60: {  	_ =	shalt  }
0x61: {  	_ =	shalt  }
0x62: {  	_ =	shalt  }
0x63: {  	_ =	shalt  }
0x64: {  	_ =	shalt  }
0x65: {  	_ =	shalt  }
0x66: {  	_ =	shalt  }
0x67: {  	_ =	shalt  }
0x68: {  	_ =	shalt  }
0x69: {  	_ =	shalt  }
0x6a: {  	_ =	shalt  }
0x6b: {  	_ =	shalt  }
0x6c: {  	_ =	shalt  }
0x6d: {  	_ =	shalt  }
0x6e: {  	_ =	shalt  }
0x6f: {  	_ =	shalt  }
0x70: {  	_ =	shalt  }
0x71: {  	_ =	shalt  }
0x72: {  	_ =	shalt  }
0x73: {  	_ =	shalt  }
0x74: {  	_ =	shalt  }
0x75: {  	_ =	shalt  }
0x76: {  	_ =	shalt  }
0x77: {  	_ =	shalt  }
0x78: {  	_ =	shalt  }
0x79: {  	_ =	shalt  }
0x7a: {  	_ =	shalt  }
0x7b: {  	_ =	shalt  }
0x7c: {  	_ =	shalt  }
0x7d: {  	_ =	shalt  }
0x7e: {  	_ =	shalt  }
0x7f: {  	_ =	shalt  }
0x80: {  	_ =	shalt  }
0x81: {  	_ =	shalt  }
0x82: {  	_ =	shalt  }
0x83: {  	_ =	shalt  }
0x84: {  	_ =	shalt  }
0x85: {  	_ =	shalt  }
0x86: {  	_ =	shalt  }
0x87: {  	_ =	shalt  }
.Lfunc_end0:
.L_simem_size_0:
called_computation.1_lowered:
.L_overlay_start_0:
0x88: {  	s2 =	sld [smem:$0x3FD9]  }
0x89: {  	s3 =	sld [smem:$0x3FFE];
	_ =	sdelay $0x1  }
0x8a: {  	s1 =	srdreg.scid  }
0x8b: {  	s0 =	sand.u32 $0x1, s1  }
0x8c: {  	s15 =	sshll.u32 s0, $0xA;
	s2 =	sadd.s32 s3, s2  }
0x8d: {  	s2 =	sadd.s32 s2, s15  }
0x8e: {  	[smem:$0x3FBC] =	sst s2  }
0x8f: {  	_ = 	snop  }
0x90: {  	s2 =	sld [smem:$0x3FD0];
	_ =	sdelay $0x2  }
0x91: {  	s16 =	simm.s32 $0xB;
	s4 =	simm.s32 $0x10  }
0x92: {  	[smem:s4], [sflag:s16] =	dma.local [hbm:s2], $0x1  }
0x93: {  	_ =	swait.eq [sflag:s16], $0x1  }
0x94: {  	[sflag:s16] =	ssyncset.done $0x0  }
0x95: {  	[sflag:s16] =	ssyncadd.s32 $0xFFFFFFFF  }
0x96: {  	s17 =	sld [smem:$0x11];
	(tm) =	ssettm $0x1  }
0x97: {  	s18 =	sld [smem:$0x3FFB];
	_ =	sdelay $0x3  }
0x98: {  	_ =	strace s18  }
0x99: {  	s2 =	sld [smem:$0x3FFC];
	_ =	sdelay $0x3  }
0x9a: {  	_ =	strace s2  }
0x9b: {  	s2 =	sld [smem:$0x3FFD];
	_ =	sdelay $0x3  }
0x9c: {  	_ =	strace s2  }
0x9d: {  	_ =	strace $0x8FFFFFFF  }
0x9e: {  	s19 =	sld [smem:$0x3FDB];
	_ =	sdelay $0x1  }
0x9f: {  	s20 =	simm.s32 $_scs_section_size  }
0xa0: {  	s5 =	simm.s32 $_size__tile_overlayer_lowered;
	s6 =	simm.s32 $_tile_overlayer_lowered  }
0xa1: {  	s7 =	simm.s32 $0x1BFF;
	s21 =	sshll.u32 s6, $0x1;
	s4 =	sadd.s32 s20, s19  }
0xa2: {  	s22 =	simm.s32 $0x0;
	s5 =	sshll.u32 s5, $0x1;
	s6 =	sadd.s32 s21, s4  }
0xa3: {  	[timem:s22], [sflag:s7] =	dma.local [hbm:s6], s5  }
0xa4: {  	_ =	swait.ge [sflag:s7], s5  }
0xa5: {  	s5 =	ssub.s32 $0x0, s5;
	[sflag:s7] =	ssyncset.done $0x0  }
0xa6: {  	[sflag:s7] =	ssyncadd.s32 s5;
	_ =	sdelay $0x1  }
0xa7: {  	s23 =	simm.s32 $0x1B8B  }
0xa8: {  	_ =	swait.ge [sflag:s23], $0x1  }
0xa9: {  	[sflag:s23] =	ssyncset.done $0x0  }
0xaa: {  	[sflag:s23] =	ssyncadd.s32 $0xFFFFFFFF  }
0xab: {  	s5 =	sld [smem:$0x0]  }
0xac: {  	s6 =	sand.u32 $0xFFFFFFFE, s1  }
0xad: {  	p0 =	sne.s32 s1, s6  }
0xae: {  	s6 =	sshll.u32 @p0 s6, $0xE  }
0xaf: {  	s6 =	sadd.s32 @p0 $0x11B8D, s6;
	s7 =	sshll.u32 @p0 s5, $0x11  }
0xb0: {  	s6 =	sor.u32 @p0 s7, s6  }
0xb1: {  	[sflag:s6] =	ssyncadd.remote.s32 @p0 $0x1;
	_ =	sdelay $0x1  }
0xb2: {  	s6 =	simm.s32 @p0 $0x1B8D  }
0xb3: {  	_ =	swait.eq @p0 [sflag:s6], $0x1  }
0xb4: {  	[sflag:s6] =	ssyncadd.s32 @p0 $0xFFFFFFFF  }
0xb5: {  	s7 =	sshll.u32 @!p0 s1, $0xE  }
0xb6: {  	s7 =	sor.u32 @!p0 $0x4000, s7;
	s6 =	simm.s32 @!p0 $0x1B8D  }
0xb7: {  	s5 =	sshll.u32 @!p0 s5, $0x11;
	s7 =	sadd.s32 @!p0 $0x11B8D, s7;
	_ =	swait.eq @!p0 [sflag:s6], $0x1  }
0xb8: {  	s5 =	sor.u32 @!p0 s5, s7;
	[sflag:s6] =	ssyncadd.s32 @!p0 $0xFFFFFFFF  }
0xb9: {  	s25 =	simm.s32 $0x1B8E;
	s24 =	sld [smem:$0x3FFE];
	[sflag:s5] =	ssyncadd.remote.s32 @!p0 $0x1  }
0xba: {  	s26 =	simm.s32 $execute0_lowered;
	[smem:$0x3FD2] =	sst s25  }
0xbb: {  	s6 =	sshll.u32 s26, $0x1;
	_ =	strace $0x8000004C;
	[dreg:$0x1] =	wrdreg $0xFFFFFFFF  }
0xbc: {  	s28 =	simm.s32 $_size_execute0_lowered;
	s4 =	sadd.s32 s4, s6;
	[dreg:$0x0] =	wrdreg $0x0  }
0xbd: {  	s6 =	sshll.u32 s28, $0x1;
	[dreg:$0x2] =	wrdreg s4  }
0xbe: {  	[dreg:$0x3] =	wrdreg s6  }
0xbf: {  	[dreg:$0x4] =	wrdreg $0xC0  }
0xc0: {  	_ =	task [dreg:s22], $0x5FFFF  }
0xc1: {  	[dreg:$0x1] =	wrdreg $0xFFFFFFFF  }
0xc2: {  	[dreg:$0x0] =	wrdreg $0x60  }
0xc3: {  	[dreg:$0x2] =	wrdreg s17  }
0xc4: {  	[dreg:$0x3] =	wrdreg s24  }
0xc5: {  	[dreg:$0x4] =	wrdreg $0xCD000  }
0xc6: {  	[dreg:$0x5] =	wrdreg $0x9  }
0xc7: {  	_ =	task.clear_ibuf [dreg:s22], $0x6FFFF;
	_ =	strace $0x9000004C  }
0xc8: {  	s29 =	simm.s32 $0x9;
	_ =	strace $0x8000004E  }
0xc9: {  	_ =	swait.ge [sflag:s29], $0x1  }
0xca: {  	[sflag:s29] =	ssyncadd.s32 $0xFFFFFFFF  }
0xcb: {  	_ =	strace $0x9000004E  }
0xcc: {  	_ =	sfence  }
0xcd: {  	s30 =	sld [smem:$0x0];
	_ =	sdelay $0x2  }
0xce: {  	s31 =	sshll.u32 s1, $0xD;
	s1 =	sshrl.u32 s1, $0x2  }
0xcf: {  	s4 =	sand.u32 $0x4000, s31;
	s1 =	sadd.s32 s1, s30  }
0xd0: {  	s0 =	sor.u32 s4, s0;
	s1 =	sshll.u32 s1, $0x11  }
0xd1: {  	s0 =	sor.u32 s1, s0  }
0xd2: {  	s0 =	sadd.s32 $0x8F2B, s0  }
0xd3: {  	[sflag:s0] =	ssyncadd.remote.s32 $0x1  }
0xd4: {  	_ =	sfence.sel $0xFFFF  }
0xd5: {  	[dreg:$0x0] =	wrdreg $0xFFFFFFFF;
	(pc) =	sbr.abs _section_cstart, $3  }
0xd6: {  	[dreg:$0x1] =	wrdreg $0xFFFFFFFF  }
0xd7: {  	_ =	task.clear_ibuf [dreg:s22], $0x2FFFF;
	_ =	strace $0x9FFFFFFF  }
0xd8: {  	(tm) =	ssettm $0x7FFFFFFF  }
0xd9: {  	_ =	shalt  }
tec
execute0_lowered:
.L_overlay_start_1:
0x0: {  	(tag) =	ssettag $0x1  }
0x1: {  	s1 =	rddreg [dreg:$0x0]  }
0x2: {  	s0 =	srdreg.scid;
	s5 =	rddreg [dreg:$0x1]  }
0x3: {  	s8 =	stileid.u32;
	s3 =	rddreg [dreg:$0x2];
	s4 =	simm.s32 $0x0  }
0x4: {  	s19 =	simm.s32 $0x2800;
	s28 =	simm.s32 $0x2;
	s29 =	simm.s32 $0x7D  }
0x5: {  	s31 =	simm.s32 $0x6F40;
	s30 =	simm.s32 $0x3;
	s0 =	sand.u32 $0x1, s0  }
0x6: {  	s2 =	sshll.u32 s8, $0x1;
	[smem:$0x7FF] =	sst s4;
	s7 =	sadd.s32 $0x18C00, s5  }
0x7: {  	s12 =	smul.u32 $0x9C40, s8;
	s2 =	sor.u32 s0, s2;
	_ =	strace $0x8000004D  }
0x8: {  	s6 =	ssub.s32 $0x2, s0;
	[dreg:$0x4] =	wrdreg s7;
	s0 =	smul.u32 $0x9C400, s0  }
0x9: {  	s2 =	smul.u32 $0x2800, s2;
	s20 =	sshrl.u32 s6, $0x1;
	s8 =	sadd.s32 s12, s3  }
0xa: {  	s22 =	sadd.s32 $0x1F40, s12;
	s23 =	sadd.s32 $0x3E80, s12;
	s13 =	sadd.s32 $0x5DC0, s12  }
0xb: {  	s15 =	sadd.s32 $0x7D00, s12;
	s6 =	ssub.s32 s6, s20;
	s9 =	sadd.s32 s22, s3  }
0xc: {  	s10 =	sadd.s32 s23, s3;
	s11 =	sadd.s32 s13, s3;
	s14 =	sadd.s32 s12, s0  }
0xd: {  	s12 =	sadd.s32 s15, s3;
	s24 =	sadd.s32 s0, s23;
	s25 =	sadd.s32 s0, s13  }
0xe: {  	s20 =	simm.s32 $0x5000;
	s23 =	simm.s32 $0x6;
	s2 =	sshrl.u32 s2, $0x3  }
0xf: {  	s14 =	sshrl.u32 s14, $0x3;
	s26 =	sshrl.u32 s25, $0x3;
	s18 =	smax.u32 s6, $0x1  }
0x10: {  	s25 =	simm.s32 $0x8;
	s6 =	simm.s32 $0x0;
	s2 =	sadd.s32 s2, s5  }
0x11: {  	s5 =	sadd.s32 $0x54200, s5;
	s21 =	sadd.s32 $0x40200, s2;
	s2 =	sadd.s32 $0x4A200, s2  }
0x12: {  	s14 =	sadd.s32 s5, s14;
	s16 =	sadd.s32 s5, s26;
	[dreg:$0x5] =	wrdreg s21  }
0x13: {  	s26 =	simm.s32 $0x1;
	[dreg:$0x6] =	wrdreg s2;
	s2 =	sadd.s32 s0, s22  }
0x14: {  	[dreg:$0x7] =	wrdreg s14;
	s0 =	sadd.s32 s0, s15;
	s21 =	simm.s32 $0x9  }
0x15: {  	s22 =	simm.s32 $0x5;
	s2 =	sshrl.u32 s2, $0x3;
	s0 =	sshrl.u32 s0, $0x3  }
0x16: {  	s2 =	sadd.s32 s5, s2;
	s17 =	sadd.s32 s5, s0;
	s0 =	simm.s32 $0x8E80  }
0x17: {  	[dreg:$0x8] =	wrdreg s2;
	s2 =	sshrl.u32 s24, $0x3;
	s24 =	simm.s32 $0x7  }
0x18: {  	s15 =	sadd.s32 s5, s2;
	s2 =	simm.s32 $0xADC0;
	s5 =	simm.s32 $0x4  }
.LBB2_1:
0x19: {  	s7 =	rddreg [dreg:$0x5]  }
0x1a: {  	[tilespmem:s4], [sflag:$0x1] =	stream.linear.gather [hbm4b:s7+s4], $0x2800, $0x38;
	[tilespmem:$0x16940] =	vst v63  }
0x1b: {  	s13 =	rddreg [dreg:$0x6]  }
0x1c: {  	[tilespmem:s19], [sflag:$0x2] =	stream.linear.gather [hbm4b:s13+s4], $0x2800, $0x38;
	[tilespmem:$0x16940] =	vst v63  }
0x1d: {  	s14 =	rddreg [dreg:$0x4]  }
0x1e: {  	[tilespmem:s20], [sflag:$0x9] =	stream.linear.gather [hbm4b:s14+s4], $0x1F40, $0x38;
	[tilespmem:$0x16940] =	vst v63  }
0x1f: {  	_ =	swait.ge [sflag:s21], $0x1F40  }
0x20: {  	[sflag:s21] =	ssyncset.done $0x0  }
0x21: {  	[sflag:s21] =	ssyncadd.s32 $0xFFFFE0C0  }
0x22: {  	[spmem:s8] =	stream.linear.scatter [tilespmem:s20], [sflag:$0x5], $0x1F40, $0x38;
	[tilespmem:$0x16940] =	vst v63  }
0x23: {  	_ = 	snop  }
0x24: {  	[spmem:s9] =	stream.linear.scatter [tilespmem:s20], [sflag:$0x6], $0x1F40, $0x38;
	[tilespmem:$0x16940] =	vst v63  }
0x25: {  	_ = 	snop  }
0x26: {  	[spmem:s10] =	stream.linear.scatter [tilespmem:s20], [sflag:$0x7], $0x1F40, $0x38;
	[tilespmem:$0x16940] =	vst v63  }
0x27: {  	_ = 	snop  }
0x28: {  	[spmem:s11] =	stream.linear.scatter [tilespmem:s20], [sflag:$0x8], $0x1F40, $0x38;
	[tilespmem:$0x16940] =	vst v63  }
0x29: {  	_ = 	snop  }
0x2a: {  	[spmem:s12] =	stream.linear.scatter [tilespmem:s20], [sflag:$0x5], $0x1F40, $0x38;
	[tilespmem:$0x16940] =	vst v63  }
0x2b: {  	_ =	swait.ge [sflag:s22], $0x1F40  }
0x2c: {  	[sflag:s22] =	ssyncset.done $0x0  }
0x2d: {  	[sflag:s22] =	ssyncadd.s32 $0xFFFFE0C0  }
0x2e: {  	_ =	swait.ge [sflag:s23], $0x1F40  }
0x2f: {  	[sflag:s23] =	ssyncset.done $0x0  }
0x30: {  	[sflag:s23] =	ssyncadd.s32 $0xFFFFE0C0  }
0x31: {  	_ =	swait.ge [sflag:s24], $0x1F40  }
0x32: {  	[sflag:s24] =	ssyncset.done $0x0  }
0x33: {  	[sflag:s24] =	ssyncadd.s32 $0xFFFFE0C0  }
0x34: {  	_ =	swait.ge [sflag:s25], $0x1F40  }
0x35: {  	[sflag:s25] =	ssyncset.done $0x0  }
0x36: {  	[sflag:s25] =	ssyncadd.s32 $0xFFFFE0C0  }
0x37: {  	_ =	swait.ge [sflag:s22], $0x1F40  }
0x38: {  	[sflag:s22] =	ssyncset.done $0x0  }
0x39: {  	[sflag:s22] =	ssyncadd.s32 $0xFFFFE0C0  }
0x3a: {  	_ =	swait.ge [sflag:s26], $0x2800  }
0x3b: {  	[sflag:s26] =	ssyncset.done $0x0  }
0x3c: {  	[sflag:s26] =	ssyncadd.s32 $0xFFFFD800  }
0x3d: {  	_ =	swait.ge [sflag:s28], $0x2800  }
0x3e: {  	[sflag:s28] =	ssyncset.done $0x0  }
0x3f: {  	[sflag:s28] =	ssyncadd.s32 $0xFFFFD800  }
0x40: {  	[bflag:$0x0] =	sbarrier.arrive $0xFFFF  }
0x41: {  	[tilespmem:s20], [sflag:$0x1] =	stream.indirect.gather [hbm4b:s1+s29], $0x40, s4, s29, $0xb8;
	[tilespmem:$0x16940] =	vst v63  }
0x42: {  	s13 =	simm.s32 $0x80  }
0x43: {  	[tilespmem:s31], [sflag:$0x2] =	stream.indirect.gather [hbm4b:s1+s29], $0x40, s13, s29, $0xb8;
	[tilespmem:$0x16940] =	vst v63  }
0x44: {  	s14 =	simm.s32 $0x100  }
0x45: {  	[tilespmem:s0], [sflag:$0x3] =	stream.indirect.gather [hbm4b:s1+s29], $0x40, s14, s29, $0xb8;
	[tilespmem:$0x16940] =	vst v63  }
0x46: {  	s13 =	simm.s32 $0x180  }
0x47: {  	[tilespmem:s2], [sflag:$0x4] =	stream.indirect.gather [hbm4b:s1+s29], $0x40, s13, s29, $0xb8;
	[tilespmem:$0x16940] =	vst v63  }
0x48: {  	_ =	swait.ge [sflag:s26], $0x1F40  }
0x49: {  	[sflag:s26] =	ssyncset.done $0x0  }
0x4a: {  	[sflag:s26] =	ssyncadd.s32 $0xFFFFE0C0  }
0x4b: {  	[spmem:s3] =	stream.indirect.scatter.add.f32 [tilespmem:s20], [sflag:$0x5], $0x40, s19, s29, $0xb8;
	[tilespmem:$0x16940] =	vst v63  }
0x4c: {  	_ =	swait.ge [sflag:s22], $0x1F40  }
0x4d: {  	[sflag:s22] =	ssyncset.done $0x0  }
0x4e: {  	s14 =	simm.s32 $0x200;
	[sflag:s22] =	ssyncadd.s32 $0xFFFFE0C0  }
0x4f: {  	[tilespmem:s20], [sflag:$0x1] =	stream.indirect.gather [hbm4b:s1+s29], $0x40, s14, s29, $0xb8;
	[tilespmem:$0x16940] =	vst v63  }
0x50: {  	_ =	swait.ge [sflag:s28], $0x1F40  }
0x51: {  	[sflag:s28] =	ssyncset.done $0x0  }
0x52: {  	s13 =	simm.s32 $0x2880;
	[sflag:s28] =	ssyncadd.s32 $0xFFFFE0C0  }
0x53: {  	[spmem:s3] =	stream.indirect.scatter.add.f32 [tilespmem:s31], [sflag:$0x6], $0x40, s13, s29, $0xb8;
	[tilespmem:$0x16940] =	vst v63  }
0x54: {  	_ =	swait.ge [sflag:s23], $0x1F40  }
0x55: {  	[sflag:s23] =	ssyncset.done $0x0  }
0x56: {  	s14 =	simm.s32 $0x280;
	[sflag:s23] =	ssyncadd.s32 $0xFFFFE0C0  }
0x57: {  	[tilespmem:s31], [sflag:$0x2] =	stream.indirect.gather [hbm4b:s1+s29], $0x40, s14, s29, $0xb8;
	[tilespmem:$0x16940] =	vst v63  }
0x58: {  	_ =	swait.ge [sflag:s30], $0x1F40  }
0x59: {  	[sflag:s30] =	ssyncset.done $0x0  }
0x5a: {  	s13 =	simm.s32 $0x2900;
	[sflag:s30] =	ssyncadd.s32 $0xFFFFE0C0  }
0x5b: {  	[spmem:s3] =	stream.indirect.scatter.add.f32 [tilespmem:s0], [sflag:$0x7], $0x40, s13, s29, $0xb8;
	[tilespmem:$0x16940] =	vst v63  }
0x5c: {  	_ =	swait.ge [sflag:s24], $0x1F40  }
0x5d: {  	[sflag:s24] =	ssyncset.done $0x0  }
0x5e: {  	s14 =	simm.s32 $0x300;
	[sflag:s24] =	ssyncadd.s32 $0xFFFFE0C0  }
0x5f: {  	[tilespmem:s0], [sflag:$0x3] =	stream.indirect.gather [hbm4b:s1+s29], $0x40, s14, s29, $0xb8;
	[tilespmem:$0x16940] =	vst v63  }
0x60: {  	_ =	swait.ge [sflag:s5], $0x1F40  }
0x61: {  	[sflag:s5] =	ssyncset.done $0x0  }
0x62: {  	s13 =	simm.s32 $0x2980;
	[sflag:s5] =	ssyncadd.s32 $0xFFFFE0C0  }
0x63: {  	[spmem:s3] =	stream.indirect.scatter.add.f32 [tilespmem:s2], [sflag:$0x8], $0x40, s13, s29, $0xb8;
	[tilespmem:$0x16940] =	vst v63  }
0x64: {  	_ =	swait.ge [sflag:s25], $0x1F40  }
0x65: {  	[sflag:s25] =	ssyncset.done $0x0  }
0x66: {  	s14 =	simm.s32 $0x380;
	[sflag:s25] =	ssyncadd.s32 $0xFFFFE0C0  }
0x67: {  	[tilespmem:s2], [sflag:$0x4] =	stream.indirect.gather [hbm4b:s1+s29], $0x40, s14, s29, $0xb8;
	[tilespmem:$0x16940] =	vst v63  }
0x68: {  	_ =	swait.ge [sflag:s26], $0x1F40  }
0x69: {  	[sflag:s26] =	ssyncset.done $0x0  }
0x6a: {  	s13 =	simm.s32 $0x2A00;
	[sflag:s26] =	ssyncadd.s32 $0xFFFFE0C0  }
0x6b: {  	[spmem:s3] =	stream.indirect.scatter.add.f32 [tilespmem:s20], [sflag:$0x5], $0x40, s13, s29, $0xb8;
	[tilespmem:$0x16940] =	vst v63  }
0x6c: {  	_ =	swait.ge [sflag:s22], $0x1F40  }
0x6d: {  	[sflag:s22] =	ssyncset.done $0x0  }
0x6e: {  	s14 =	simm.s32 $0x400;
	[sflag:s22] =	ssyncadd.s32 $0xFFFFE0C0  }
0x6f: {  	[tilespmem:s20], [sflag:$0x1] =	stream.indirect.gather [hbm4b:s1+s29], $0x40, s14, s29, $0xb8;
	[tilespmem:$0x16940] =	vst v63  }
0x70: {  	_ =	swait.ge [sflag:s28], $0x1F40  }
0x71: {  	[sflag:s28] =	ssyncset.done $0x0  }
0x72: {  	s13 =	simm.s32 $0x2A80;
	[sflag:s28] =	ssyncadd.s32 $0xFFFFE0C0  }
0x73: {  	[spmem:s3] =	stream.indirect.scatter.add.f32 [tilespmem:s31], [sflag:$0x6], $0x40, s13, s29, $0xb8;
	[tilespmem:$0x16940] =	vst v63  }
0x74: {  	_ =	swait.ge [sflag:s23], $0x1F40  }
0x75: {  	[sflag:s23] =	ssyncset.done $0x0  }
0x76: {  	s14 =	simm.s32 $0x480;
	[sflag:s23] =	ssyncadd.s32 $0xFFFFE0C0  }
0x77: {  	[tilespmem:s31], [sflag:$0x2] =	stream.indirect.gather [hbm4b:s1+s29], $0x40, s14, s29, $0xb8;
	[tilespmem:$0x16940] =	vst v63  }
0x78: {  	_ =	swait.ge [sflag:s30], $0x1F40  }
0x79: {  	[sflag:s30] =	ssyncset.done $0x0  }
0x7a: {  	s13 =	simm.s32 $0x2B00;
	[sflag:s30] =	ssyncadd.s32 $0xFFFFE0C0  }
0x7b: {  	[spmem:s3] =	stream.indirect.scatter.add.f32 [tilespmem:s0], [sflag:$0x7], $0x40, s13, s29, $0xb8;
	[tilespmem:$0x16940] =	vst v63  }
0x7c: {  	_ =	swait.ge [sflag:s24], $0x1F40  }
0x7d: {  	[sflag:s24] =	ssyncset.done $0x0  }
0x7e: {  	s14 =	simm.s32 $0x500;
	[sflag:s24] =	ssyncadd.s32 $0xFFFFE0C0  }
0x7f: {  	[tilespmem:s0], [sflag:$0x3] =	stream.indirect.gather [hbm4b:s1+s29], $0x40, s14, s29, $0xb8;
	[tilespmem:$0x16940] =	vst v63  }
0x80: {  	_ =	swait.ge [sflag:s5], $0x1F40  }
0x81: {  	[sflag:s5] =	ssyncset.done $0x0  }
0x82: {  	s7 =	simm.s32 $0x800;
	s13 =	simm.s32 $0x2B80;
	[sflag:s5] =	ssyncadd.s32 $0xFFFFE0C0  }
.LBB2_2:
0x83: {  	[spmem:s3] =	stream.indirect.scatter.add.f32 [tilespmem:s2], [sflag:$0x8], $0x40, s13, s29, $0xb8;
	[tilespmem:$0x16940] =	vst v63  }
0x84: {  	s13 =	smov.u32 s7  }
0x85: {  	p0 =	sne.s32 s7, $0x8800;
	s7 =	sadd.s32 $0x800, s7;
	_ =	swait.ge [sflag:s25], $0x1F40  }
0x86: {  	s13 =	sshra.s32 s13, $0x2;
	[sflag:s25] =	ssyncset.done $0x0  }
0x87: {  	s14 =	sadd.s32 $0x380, s13;
	[sflag:s25] =	ssyncadd.s32 $0xFFFFE0C0  }
0x88: {  	[tilespmem:s2], [sflag:$0x4] =	stream.indirect.gather [hbm4b:s1+s29], $0x40, s14, s29, $0xb8;
	[tilespmem:$0x16940] =	vst v63  }
0x89: {  	_ =	swait.ge [sflag:s26], $0x1F40  }
0x8a: {  	[sflag:s26] =	ssyncset.done $0x0  }
0x8b: {  	s14 =	sadd.s32 $0x2A00, s13;
	[sflag:s26] =	ssyncadd.s32 $0xFFFFE0C0  }
0x8c: {  	[spmem:s3] =	stream.indirect.scatter.add.f32 [tilespmem:s20], [sflag:$0x5], $0x40, s14, s29, $0xb8;
	[tilespmem:$0x16940] =	vst v63  }
0x8d: {  	_ =	swait.ge [sflag:s22], $0x1F40  }
0x8e: {  	[sflag:s22] =	ssyncset.done $0x0  }
0x8f: {  	s14 =	sadd.s32 $0x400, s13;
	[sflag:s22] =	ssyncadd.s32 $0xFFFFE0C0  }
0x90: {  	[tilespmem:s20], [sflag:$0x1] =	stream.indirect.gather [hbm4b:s1+s29], $0x40, s14, s29, $0xb8;
	[tilespmem:$0x16940] =	vst v63  }
0x91: {  	_ =	swait.ge [sflag:s28], $0x1F40  }
0x92: {  	[sflag:s28] =	ssyncset.done $0x0  }
0x93: {  	s14 =	sadd.s32 $0x2A80, s13;
	[sflag:s28] =	ssyncadd.s32 $0xFFFFE0C0  }
0x94: {  	[spmem:s3] =	stream.indirect.scatter.add.f32 [tilespmem:s31], [sflag:$0x6], $0x40, s14, s29, $0xb8;
	[tilespmem:$0x16940] =	vst v63  }
0x95: {  	_ =	swait.ge [sflag:s23], $0x1F40  }
0x96: {  	[sflag:s23] =	ssyncset.done $0x0  }
0x97: {  	s14 =	sadd.s32 $0x480, s13;
	[sflag:s23] =	ssyncadd.s32 $0xFFFFE0C0  }
0x98: {  	[tilespmem:s31], [sflag:$0x2] =	stream.indirect.gather [hbm4b:s1+s29], $0x40, s14, s29, $0xb8;
	[tilespmem:$0x16940] =	vst v63  }
0x99: {  	_ =	swait.ge [sflag:s30], $0x1F40  }
0x9a: {  	[sflag:s30] =	ssyncset.done $0x0  }
0x9b: {  	s14 =	sadd.s32 $0x2B00, s13;
	[sflag:s30] =	ssyncadd.s32 $0xFFFFE0C0  }
0x9c: {  	[spmem:s3] =	stream.indirect.scatter.add.f32 [tilespmem:s0], [sflag:$0x7], $0x40, s14, s29, $0xb8;
	[tilespmem:$0x16940] =	vst v63  }
0x9d: {  	_ =	swait.ge [sflag:s24], $0x1F40  }
0x9e: {  	[sflag:s24] =	ssyncset.done $0x0  }
.Ltmp0:
0x9f: {  	s14 =	sadd.s32 $0x500, s13;
	[sflag:s24] =	ssyncadd.s32 $0xFFFFE0C0;
	(pc) =	sbr.rel @p0 .LBB2_2-.Ltmp0, $4  }
0xa0: {  	[tilespmem:s0], [sflag:$0x3] =	stream.indirect.gather [hbm4b:s1+s29], $0x40, s14, s29, $0xb8;
	[tilespmem:$0x16940] =	vst v63  }
0xa1: {  	_ =	swait.ge [sflag:s5], $0x1F40  }
0xa2: {  	[sflag:s5] =	ssyncset.done $0x0  }
0xa3: {  	s13 =	sadd.s32 $0x2B80, s13;
	[sflag:s5] =	ssyncadd.s32 $0xFFFFE0C0  }
0xa4: {  	[spmem:s3] =	stream.indirect.scatter.add.f32 [tilespmem:s2], [sflag:$0x8], $0x40, s13, s29, $0xb8;
	[tilespmem:$0x16940] =	vst v63  }
0xa5: {  	_ =	swait.ge [sflag:s25], $0x1F40  }
0xa6: {  	[sflag:s25] =	ssyncset.done $0x0  }
0xa7: {  	s7 =	simm.s32 $0x2780;
	[sflag:s25] =	ssyncadd.s32 $0xFFFFE0C0  }
0xa8: {  	[tilespmem:s2], [sflag:$0x4] =	stream.indirect.gather [hbm4b:s1+s29], $0x40, s7, s29, $0xb8;
	[tilespmem:$0x16940] =	vst v63  }
0xa9: {  	_ =	swait.ge [sflag:s26], $0x1F40  }
0xaa: {  	[sflag:s26] =	ssyncset.done $0x0  }
0xab: {  	s13 =	simm.s32 $0x4E00;
	[sflag:s26] =	ssyncadd.s32 $0xFFFFE0C0  }
0xac: {  	[spmem:s3] =	stream.indirect.scatter.add.f32 [tilespmem:s20], [sflag:$0x5], $0x40, s13, s29, $0xb8;
	[tilespmem:$0x16940] =	vst v63  }
0xad: {  	_ =	swait.ge [sflag:s22], $0x1F40  }
0xae: {  	[sflag:s22] =	ssyncset.done $0x0  }
0xaf: {  	[sflag:s22] =	ssyncadd.s32 $0xFFFFE0C0  }
0xb0: {  	_ =	swait.ge [sflag:s28], $0x1F40  }
0xb1: {  	[sflag:s28] =	ssyncset.done $0x0  }
0xb2: {  	s14 =	simm.s32 $0x4E80;
	[sflag:s28] =	ssyncadd.s32 $0xFFFFE0C0  }
0xb3: {  	[spmem:s3] =	stream.indirect.scatter.add.f32 [tilespmem:s31], [sflag:$0x6], $0x40, s14, s29, $0xb8;
	[tilespmem:$0x16940] =	vst v63  }
0xb4: {  	_ =	swait.ge [sflag:s23], $0x1F40  }
0xb5: {  	[sflag:s23] =	ssyncset.done $0x0  }
0xb6: {  	[sflag:s23] =	ssyncadd.s32 $0xFFFFE0C0  }
0xb7: {  	_ =	swait.ge [sflag:s30], $0x1F40  }
0xb8: {  	[sflag:s30] =	ssyncset.done $0x0  }
0xb9: {  	s13 =	simm.s32 $0x4F00;
	[sflag:s30] =	ssyncadd.s32 $0xFFFFE0C0  }
0xba: {  	[spmem:s3] =	stream.indirect.scatter.add.f32 [tilespmem:s0], [sflag:$0x7], $0x40, s13, s29, $0xb8;
	[tilespmem:$0x16940] =	vst v63  }
0xbb: {  	_ =	swait.ge [sflag:s24], $0x1F40  }
0xbc: {  	[sflag:s24] =	ssyncset.done $0x0  }
0xbd: {  	[sflag:s24] =	ssyncadd.s32 $0xFFFFE0C0  }
0xbe: {  	_ =	swait.ge [sflag:s5], $0x1F40  }
0xbf: {  	[sflag:s5] =	ssyncset.done $0x0  }
0xc0: {  	s14 =	simm.s32 $0x4F80;
	[sflag:s5] =	ssyncadd.s32 $0xFFFFE0C0  }
0xc1: {  	[spmem:s3] =	stream.indirect.scatter.add.f32 [tilespmem:s2], [sflag:$0x8], $0x40, s14, s29, $0xb8;
	[tilespmem:$0x16940] =	vst v63  }
0xc2: {  	_ =	swait.ge [sflag:s25], $0x1F40  }
0xc3: {  	[sflag:s25] =	ssyncset.done $0x0  }
0xc4: {  	[sflag:s25] =	ssyncadd.s32 $0xFFFFE0C0  }
0xc5: {  	[bflag:$0x0] =	sbarrier.arrive $0xFFFF  }
0xc6: {  	[tilespmem:s20], [sflag:$0x1] =	stream.linear.gather [spmem:s8], $0x1F40, $0x38;
	[tilespmem:$0x16940] =	vst v63  }
0xc7: {  	_ =	swait.ge [sflag:s26], $0x1F40  }
0xc8: {  	[sflag:s26] =	ssyncset.done $0x0  }
0xc9: {  	s13 =	rddreg [dreg:$0x7];
	[sflag:s26] =	ssyncadd.s32 $0xFFFFE0C0  }
0xca: {  	[hbm4b:s13+s4] =	stream.linear.scatter [tilespmem:s20], [sflag:$0x5], $0x1F40, $0x38;
	[tilespmem:$0x16940] =	vst v63  }
0xcb: {  	_ = 	snop  }
0xcc: {  	[tilespmem:s31], [sflag:$0x2] =	stream.linear.gather [spmem:s9], $0x1F40, $0x38;
	[tilespmem:$0x16940] =	vst v63  }
0xcd: {  	_ =	swait.ge [sflag:s28], $0x1F40  }
0xce: {  	[sflag:s28] =	ssyncset.done $0x0  }
0xcf: {  	s14 =	rddreg [dreg:$0x8];
	[sflag:s28] =	ssyncadd.s32 $0xFFFFE0C0  }
0xd0: {  	[hbm4b:s14+s4] =	stream.linear.scatter [tilespmem:s31], [sflag:$0x6], $0x1F40, $0x38;
	[tilespmem:$0x16940] =	vst v63  }
0xd1: {  	_ = 	snop  }
0xd2: {  	[tilespmem:s0], [sflag:$0x3] =	stream.linear.gather [spmem:s10], $0x1F40, $0x38;
	[tilespmem:$0x16940] =	vst v63  }
0xd3: {  	_ =	swait.ge [sflag:s30], $0x1F40  }
0xd4: {  	[sflag:s30] =	ssyncset.done $0x0  }
0xd5: {  	[sflag:s30] =	ssyncadd.s32 $0xFFFFE0C0  }
0xd6: {  	[hbm4b:s15+s4] =	stream.linear.scatter [tilespmem:s0], [sflag:$0x7], $0x1F40, $0x38;
	[tilespmem:$0x16940] =	vst v63  }
0xd7: {  	_ = 	snop  }
0xd8: {  	[tilespmem:s2], [sflag:$0x4] =	stream.linear.gather [spmem:s11], $0x1F40, $0x38;
	[tilespmem:$0x16940] =	vst v63  }
0xd9: {  	_ =	swait.ge [sflag:s5], $0x1F40  }
0xda: {  	[sflag:s5] =	ssyncset.done $0x0  }
0xdb: {  	[sflag:s5] =	ssyncadd.s32 $0xFFFFE0C0  }
0xdc: {  	[hbm4b:s16+s4] =	stream.linear.scatter [tilespmem:s2], [sflag:$0x8], $0x1F40, $0x38;
	[tilespmem:$0x16940] =	vst v63  }
0xdd: {  	_ =	swait.ge [sflag:s22], $0x1F40  }
0xde: {  	[sflag:s22] =	ssyncset.done $0x0  }
0xdf: {  	[sflag:s22] =	ssyncadd.s32 $0xFFFFE0C0  }
0xe0: {  	[tilespmem:s20], [sflag:$0x1] =	stream.linear.gather [spmem:s12], $0x1F40, $0x38;
	[tilespmem:$0x16940] =	vst v63  }
0xe1: {  	_ =	swait.ge [sflag:s26], $0x1F40  }
0xe2: {  	[sflag:s26] =	ssyncset.done $0x0  }
0xe3: {  	[sflag:s26] =	ssyncadd.s32 $0xFFFFE0C0  }
0xe4: {  	[hbm4b:s17+s4] =	stream.linear.scatter [tilespmem:s20], [sflag:$0x5], $0x1F40, $0x38;
	[tilespmem:$0x16940] =	vst v63  }
0xe5: {  	_ =	swait.ge [sflag:s23], $0x1F40  }
0xe6: {  	[sflag:s23] =	ssyncset.done $0x0  }
0xe7: {  	[sflag:s23] =	ssyncadd.s32 $0xFFFFE0C0  }
0xe8: {  	_ =	swait.ge [sflag:s24], $0x1F40  }
0xe9: {  	[sflag:s24] =	ssyncset.done $0x0  }
0xea: {  	s6 =	sadd.s32 $0x1, s6;
	[sflag:s24] =	ssyncadd.s32 $0xFFFFE0C0  }
0xeb: {  	p0 =	sne.s32 s6, s18;
	_ =	swait.ge [sflag:s25], $0x1F40  }
.Ltmp1:
0xec: {  	[sflag:s25] =	ssyncset.done $0x0;
	(pc) =	sbr.rel @p0 .LBB2_1-.Ltmp1, $4  }
0xed: {  	[sflag:s25] =	ssyncadd.s32 $0xFFFFE0C0  }
0xee: {  	_ =	swait.ge [sflag:s22], $0x1F40  }
0xef: {  	[sflag:s22] =	ssyncset.done $0x0  }
0xf0: {  	[sflag:s22] =	ssyncadd.s32 $0xFFFFE0C0  }
0xf1: {  	_ =	sfence.sel $0x180000  }
0xf2: {  	[bflag:$0x0] =	sbarrier.arrive $0xFFFF  }
0xf3: {  	_ =	strace $0x9000004D  }
0xf4: {  	s0 =	stileid.u32;
	[bflag:$0x2] =	sbarrier.arrive $0xFFFF  }
0xf5: {  	p0 =	sne.s32 s0, $0x0;
	s0 =	rddreg [dreg:$0x3]  }
0xf6: {  	s0 =	sadd.s32 @!p0 $0x100000, s0  }
0xf7: {  	[sflag:s0] =	ssyncadd.tile.s32 @!p0 $0x1;
	_ =	shalt  }
.Lfunc_end2:
_tile_overlayer_lowered:
.L_overlay_start_2:
0xf8: {  	(tag) =	ssettag $0x2  }
0xf9: {  	s0 =	rddreg [dreg:$0x0];
	s2 =	stileid.u32  }
0xfa: {  	s1 =	rddreg [dreg:$0x1];
	p0 =	sne.s32 s2, $0x0  }
0xfb: {  	s3 =	rddreg [dreg:$0x2];
	[bflag:$0x3] =	sbarrier.arrive $0xFFFF;
	s2 =	simm.s32 @!p0 $0x1C09  }
0xfc: {  	[timem:s3], [sflag:s2] =	dma.local @!p0 [hbm:s0], s1  }
0xfd: {  	s0 =	simm.s32 @!p0 $0x9  }
0xfe: {  	_ =	swait.ge @!p0 [sflag:s0], s1  }
0xff: {  	s1 =	ssub.s32 @!p0 $0x0, s1;
	[sflag:s0] =	ssyncset.done @!p0 $0x0  }
0x100: {  	[sflag:s0] =	ssyncadd.s32 @!p0 s1  }
0x101: {  	[bflag:$0x3] =	sbarrier.arrive $0xFFFF  }
0x102: {  	_ =	shalt  }

// kernel: kernel.19.cloned.1.call-start
scs
__scs_entry_jumppad:
0x0: {  	(pc) =	sbr.rel $0x88, $3  }
0x1: {  	(tag) =	ssettag $0x0;
	lr =	simm.s32 $0x1  }
0x2: {  	[smem:$0x3F95] =	sst lr;
	_ =	strace $0xD0000000  }
0x3: {  	_ = 	snop  }
0x4: {  	_ = 	snop  }
0x5: {  	_ = 	snop  }
0x6: {  	_ = 	snop  }
0x7: {  	_ = 	snop  }
__scs_overlays_trampoline_lowered:
0x8: {  	[smem:$0x3FA4] =	sst s0  }
0x9: {  	[smem:$0x3FA5] =	sst s1  }
0xa: {  	[smem:$0x3FA6] =	sst s2  }
0xb: {  	[smem:$0x3FA7] =	sst s3  }
0xc: {  	[smem:$0x3FA8] =	sst s4  }
0xd: {  	[smem:$0x3FA9] =	sst s5  }
0xe: {  	[smem:$0x3FAA] =	sst s6  }
0xf: {  	[smem:$0x3FAB] =	sst s7  }
0x10: {  	[smem:$0x3FAC] =	sst s8  }
0x11: {  	[smem:$0x3FAD] =	sst s9;
	s0 =	simm.s32 @!p0 $0x0  }
0x12: {  	s1 =	sld [smem:$0x3F93];
	s0 =	simm.s32 @p0 $0x1  }
0x13: {  	[smem:$0x3FAE] =	sst s0;
	s0 =	simm.s32 @!p1 $0x0  }
0x14: {  	s2 =	sld [smem:$0x3F92];
	s0 =	simm.s32 @p1 $0x1  }
0x15: {  	[smem:$0x3FAF] =	sst s0;
	s0 =	simm.s32 @!p2 $0x0  }
0x16: {  	s3 =	sld [smem:$0x3FDB];
	s0 =	simm.s32 @p2 $0x1  }
0x17: {  	s4 =	simm.s32 $0x1BF5;
	[smem:$0x3FB1] =	sst s0  }
0x18: {  	s0 =	sld [smem:$0x3F94];
	_ =	swait.ge [sflag:s4], $0x0  }
0x19: {  	s7 =	sld [smem:$0x3F95]  }
0x1a: {  	s8 =	sadd.s32 $0xFFFFE003, lr  }
0x1b: {  	s9 =	sadd.s32 $0xFFFFFEF7, lr;
	s5 =	simm.s32 $0xFFFFFFFF;
	p2 =	slt.u32 s8, $0xFFFFF086  }
0x1c: {  	p1 =	slt.u32 s9, $0xF7A;
	s5 =	simm.s32 @!p2 $0x0  }
0x1d: {  	s5 =	simm.s32 @p1 $0x1;
	p0 =	seq.s32 s7, s2  }
0x1e: {  	s7 =	smul.u32 @!p0 $0xF7A, s2;
	p2 =	seq.s32 @!p0 s5, $0x0  }
0x1f: {  	s9 =	smul.u32 $0xF7A, s1;
	s8 =	simm.s32 @!p0 $0x1BF5;
	p2 =	por !p2, p0  }
0x20: {  	[sflag:s8] =	ssyncset.s32 @!p0 $0xFFFFF086;
	s6 =	sadd.s32 @!p0 s3, s7;
	s7 =	simm.s32 @!p0 $0x108  }
0x21: {  	s3 =	sadd.s32 s3, s9;
	s6 =	sadd.s32 @!p0 $0x88, s6;
	s7 =	simm.s32 @p2 $0x1082  }
0x22: {  	[simem:s7], [sflag:s8] =	dma.local @!p0 [hbm:s6], $0xF7A  }
0x23: {  	s9 =	sor.u32 $0xD0000000, s2;
	s6 =	simm.s32 $0x108;
	_ =	swait.ge @!p0 [sflag:s8], $0x0  }
0x24: {  	s3 =	sadd.s32 $0x88, s3;
	s6 =	simm.s32 @!p1 $0x1082;
	[sflag:s4] =	ssyncset.s32 $0xFFFFF086  }
0x25: {  	[simem:s6], [sflag:s4] =	dma.local [hbm:s3], $0xF7A  }
0x26: {  	[smem:$0x3F95] =	sst s1;
	(tag) =	ssettag s2;
	_ =	strace s9  }
0x27: {  	s1 =	sld [smem:$0x3FA5]  }
0x28: {  	s2 =	sld [smem:$0x3FA6]  }
0x29: {  	s4 =	sld [smem:$0x3FA8]  }
0x2a: {  	p0 =	seq.s32 s5, $0x0;
	s5 =	sld [smem:$0x3FA9]  }
0x2b: {  	s6 =	sld [smem:$0x3FAA]  }
0x2c: {  	s7 =	sld [smem:$0x3FAB]  }
0x2d: {  	s3 =	simm.s32 $0x108;
	s8 =	sld [smem:$0x3FAC]  }
0x2e: {  	s3 =	simm.s32 @!p0 $0x1082;
	s9 =	sld [smem:$0x3FAD]  }
0x2f: {  	lr =	sadd.s32 s0, s3;
	s0 =	sld [smem:$0x3FA4]  }
0x30: {  	s3 =	sld [smem:$0x3FA7]  }
0x31: {  	[smem:$0x3FB0] =	sst s10  }
0x32: {  	s10 =	sld [smem:$0x3FAE];
	_ =	sdelay $0x3  }
0x33: {  	p0 =	seq.s32 s10, $0x1;
	s10 =	sld [smem:$0x3FB0];
	_ =	sdelay $0x3  }
0x34: {  	[smem:$0x3FB0] =	sst s10  }
0x35: {  	s10 =	sld [smem:$0x3FAF];
	_ =	sdelay $0x3  }
0x36: {  	p1 =	seq.s32 s10, $0x1;
	s10 =	sld [smem:$0x3FB0];
	_ =	sdelay $0x3  }
0x37: {  	[smem:$0x3FB0] =	sst s10  }
0x38: {  	s10 =	sld [smem:$0x3FB1]  }
0x39: {  	_ = 	snop;
	(pc) =	sbr.ind lr, $3  }
0x3a: {  	_ = 	snop  }
0x3b: {  	_ = 	snop  }
0x3c: {  	p2 =	seq.s32 s10, $0x1;
	s10 =	sld [smem:$0x3FB0]  }
0x3d: {  	_ =	shalt  }
0x3e: {  	_ =	shalt  }
0x3f: {  	_ =	shalt  }
0x40: {  	_ =	shalt  }
0x41: {  	_ =	shalt  }
0x42: {  	_ =	shalt  }
0x43: {  	_ =	shalt  }
0x44: {  	_ =	shalt  }
0x45: {  	_ =	shalt  }
0x46: {  	_ =	shalt  }
0x47: {  	_ =	shalt  }
0x48: {  	_ =	shalt  }
0x49: {  	_ =	shalt  }
0x4a: {  	_ =	shalt  }
0x4b: {  	_ =	shalt  }
0x4c: {  	_ =	shalt  }
0x4d: {  	_ =	shalt  }
0x4e: {  	_ =	shalt  }
0x4f: {  	_ =	shalt  }
0x50: {  	_ =	shalt  }
0x51: {  	_ =	shalt  }
0x52: {  	_ =	shalt  }
0x53: {  	_ =	shalt  }
0x54: {  	_ =	shalt  }
0x55: {  	_ =	shalt  }
0x56: {  	_ =	shalt  }
0x57: {  	_ =	shalt  }
0x58: {  	_ =	shalt  }
0x59: {  	_ =	shalt  }
0x5a: {  	_ =	shalt  }
0x5b: {  	_ =	shalt  }
0x5c: {  	_ =	shalt  }
0x5d: {  	_ =	shalt  }
0x5e: {  	_ =	shalt  }
0x5f: {  	_ =	shalt  }
0x60: {  	_ =	shalt  }
0x61: {  	_ =	shalt  }
0x62: {  	_ =	shalt  }
0x63: {  	_ =	shalt  }
0x64: {  	_ =	shalt  }
0x65: {  	_ =	shalt  }
0x66: {  	_ =	shalt  }
0x67: {  	_ =	shalt  }
0x68: {  	_ =	shalt  }
0x69: {  	_ =	shalt  }
0x6a: {  	_ =	shalt  }
0x6b: {  	_ =	shalt  }
0x6c: {  	_ =	shalt  }
0x6d: {  	_ =	shalt  }
0x6e: {  	_ =	shalt  }
0x6f: {  	_ =	shalt  }
0x70: {  	_ =	shalt  }
0x71: {  	_ =	shalt  }
0x72: {  	_ =	shalt  }
0x73: {  	_ =	shalt  }
0x74: {  	_ =	shalt  }
0x75: {  	_ =	shalt  }
0x76: {  	_ =	shalt  }
0x77: {  	_ =	shalt  }
0x78: {  	_ =	shalt  }
0x79: {  	_ =	shalt  }
0x7a: {  	_ =	shalt  }
0x7b: {  	_ =	shalt  }
0x7c: {  	_ =	shalt  }
0x7d: {  	_ =	shalt  }
0x7e: {  	_ =	shalt  }
0x7f: {  	_ =	shalt  }
0x80: {  	_ =	shalt  }
0x81: {  	_ =	shalt  }
0x82: {  	_ =	shalt  }
0x83: {  	_ =	shalt  }
0x84: {  	_ =	shalt  }
0x85: {  	_ =	shalt  }
0x86: {  	_ =	shalt  }
0x87: {  	_ =	shalt  }
.Lfunc_end0:
.L_simem_size_0:
called_computation.2_lowered:
.L_overlay_start_0:
0x88: {  	s2 =	sld [smem:$0x3FD9]  }
0x89: {  	s3 =	sld [smem:$0x3FFE];
	_ =	sdelay $0x1  }
0x8a: {  	s1 =	srdreg.scid  }
0x8b: {  	s0 =	sand.u32 $0x1, s1  }
0x8c: {  	s14 =	sshll.u32 s0, $0xA;
	s2 =	sadd.s32 s3, s2  }
0x8d: {  	s2 =	sadd.s32 s2, s14  }
0x8e: {  	[smem:$0x3FBC] =	sst s2  }
0x8f: {  	_ = 	snop  }
0x90: {  	s2 =	sld [smem:$0x3FD0];
	_ =	sdelay $0x2  }
0x91: {  	s15 =	simm.s32 $0xB;
	s4 =	simm.s32 $0x10  }
0x92: {  	[smem:s4], [sflag:s15] =	dma.local [hbm:s2], $0x1  }
0x93: {  	_ =	swait.eq [sflag:s15], $0x1  }
0x94: {  	[sflag:s15] =	ssyncset.done $0x0  }
0x95: {  	[sflag:s15] =	ssyncadd.s32 $0xFFFFFFFF  }
0x96: {  	s16 =	sld [smem:$0x10];
	(tm) =	ssettm $0x1  }
0x97: {  	s17 =	sld [smem:$0x3FFB];
	_ =	sdelay $0x3  }
0x98: {  	_ =	strace s17  }
0x99: {  	s3 =	sld [smem:$0x3FFC];
	_ =	sdelay $0x3  }
0x9a: {  	_ =	strace s3  }
0x9b: {  	s3 =	sld [smem:$0x3FFD];
	_ =	sdelay $0x3  }
0x9c: {  	_ =	strace s3  }
0x9d: {  	_ =	strace $0x8FFFFFFF  }
0x9e: {  	s18 =	sld [smem:$0x3FDB];
	_ =	sdelay $0x1  }
0x9f: {  	s19 =	simm.s32 $_scs_section_size  }
0xa0: {  	s5 =	simm.s32 $_size__tile_overlayer_lowered;
	s6 =	simm.s32 $_tile_overlayer_lowered  }
0xa1: {  	s22 =	simm.s32 $0x1BFF;
	s21 =	sshll.u32 s6, $0x1;
	s3 =	sadd.s32 s19, s18  }
0xa2: {  	s7 =	simm.s32 $0x0;
	s20 =	sshll.u32 s5, $0x1;
	s5 =	sadd.s32 s21, s3  }
0xa3: {  	[timem:s7], [sflag:s22] =	dma.local [hbm:s5], s20  }
0xa4: {  	_ =	swait.ge [sflag:s22], s20  }
0xa5: {  	s4 =	ssub.s32 $0x0, s20;
	[sflag:s22] =	ssyncset.done $0x0  }
0xa6: {  	[sflag:s22] =	ssyncadd.s32 s4;
	_ =	sdelay $0x1  }
0xa7: {  	s23 =	simm.s32 $0x1B8B  }
0xa8: {  	_ =	swait.ge [sflag:s23], $0x1  }
0xa9: {  	[sflag:s23] =	ssyncset.done $0x0  }
0xaa: {  	s25 =	simm.s32 $0x1B8E;
	s24 =	sld [smem:$0x3FFE];
	[sflag:s23] =	ssyncadd.s32 $0xFFFFFFFF  }
0xab: {  	s26 =	simm.s32 $execute0_lowered;
	[smem:$0x3FD2] =	sst s25  }
0xac: {  	s5 =	sshll.u32 s26, $0x1;
	_ =	strace $0x80000049;
	[dreg:$0x1] =	wrdreg $0xFFFFFFFF  }
0xad: {  	s28 =	simm.s32 $_size_execute0_lowered;
	s3 =	sadd.s32 s3, s5;
	[dreg:$0x0] =	wrdreg $0x0  }
0xae: {  	s5 =	sshll.u32 s28, $0x1;
	[dreg:$0x2] =	wrdreg s3  }
0xaf: {  	[dreg:$0x3] =	wrdreg s5  }
0xb0: {  	[dreg:$0x4] =	wrdreg $0xC0  }
0xb1: {  	_ =	task [dreg:s7], $0x5FFFF  }
0xb2: {  	[dreg:$0x1] =	wrdreg $0xFFFFFFFF  }
0xb3: {  	[dreg:$0x0] =	wrdreg $0x60  }
0xb4: {  	[dreg:$0x2] =	wrdreg s16  }
0xb5: {  	[dreg:$0x3] =	wrdreg s24  }
0xb6: {  	[dreg:$0x4] =	wrdreg $0xCD000  }
0xb7: {  	[dreg:$0x5] =	wrdreg $0xA  }
0xb8: {  	_ =	task.clear_ibuf [dreg:s7], $0x6FFFF;
	_ =	strace $0x90000049  }
0xb9: {  	s29 =	simm.s32 $0xA;
	_ =	strace $0x8000004B  }
0xba: {  	_ =	swait.ge [sflag:s29], $0x1  }
0xbb: {  	[sflag:s29] =	ssyncadd.s32 $0xFFFFFFFF  }
0xbc: {  	_ =	strace $0x9000004B  }
0xbd: {  	_ =	sfence  }
0xbe: {  	s30 =	sld [smem:$0x0];
	_ =	sdelay $0x2  }
0xbf: {  	s31 =	sshll.u32 s1, $0xD;
	s1 =	sshrl.u32 s1, $0x2  }
0xc0: {  	s3 =	sand.u32 $0x4000, s31;
	s1 =	sadd.s32 s1, s30  }
0xc1: {  	s0 =	sor.u32 s3, s0;
	s1 =	sshll.u32 s1, $0x11  }
0xc2: {  	s0 =	sor.u32 s1, s0  }
0xc3: {  	s0 =	sadd.s32 $0x8F2B, s0  }
0xc4: {  	[sflag:s0] =	ssyncadd.remote.s32 $0x1  }
0xc5: {  	_ =	sfence.sel $0xFFFF  }
0xc6: {  	[dreg:$0x0] =	wrdreg $0xFFFFFFFF;
	(pc) =	sbr.abs _section_cstart, $3  }
0xc7: {  	[dreg:$0x1] =	wrdreg $0xFFFFFFFF  }
0xc8: {  	_ =	task.clear_ibuf [dreg:s7], $0x2FFFF;
	_ =	strace $0x9FFFFFFF  }
0xc9: {  	(tm) =	ssettm $0x7FFFFFFF  }
tec
execute0_lowered:
.L_overlay_start_1:
0x0: {  	(tag) =	ssettag $0x1  }
0x1: {  	s1 =	rddreg [dreg:$0x0]  }
0x2: {  	s0 =	srdreg.scid;
	s5 =	rddreg [dreg:$0x1]  }
0x3: {  	s8 =	stileid.u32;
	s3 =	rddreg [dreg:$0x2];
	s4 =	simm.s32 $0x0  }
0x4: {  	s19 =	simm.s32 $0x2800;
	s28 =	simm.s32 $0x2;
	s29 =	simm.s32 $0x7D  }
0x5: {  	s31 =	simm.s32 $0x6F40;
	s30 =	simm.s32 $0x3;
	s0 =	sand.u32 $0x1, s0  }
0x6: {  	s2 =	sshll.u32 s8, $0x1;
	[smem:$0x7FF] =	sst s4;
	s7 =	sadd.s32 $0x18C00, s5  }
0x7: {  	s12 =	smul.u32 $0x9C40, s8;
	s2 =	sor.u32 s0, s2;
	_ =	strace $0x8000004A  }
0x8: {  	s6 =	ssub.s32 $0x2, s0;
	[dreg:$0x4] =	wrdreg s7;
	s0 =	smul.u32 $0x9C400, s0  }
0x9: {  	s2 =	smul.u32 $0x2800, s2;
	s20 =	sshrl.u32 s6, $0x1;
	s8 =	sadd.s32 s12, s3  }
0xa: {  	s22 =	sadd.s32 $0x1F40, s12;
	s23 =	sadd.s32 $0x3E80, s12;
	s13 =	sadd.s32 $0x5DC0, s12  }
0xb: {  	s15 =	sadd.s32 $0x7D00, s12;
	s6 =	ssub.s32 s6, s20;
	s9 =	sadd.s32 s22, s3  }
0xc: {  	s10 =	sadd.s32 s23, s3;
	s11 =	sadd.s32 s13, s3;
	s14 =	sadd.s32 s12, s0  }
0xd: {  	s12 =	sadd.s32 s15, s3;
	s24 =	sadd.s32 s0, s23;
	s25 =	sadd.s32 s0, s13  }
0xe: {  	s20 =	simm.s32 $0x5000;
	s23 =	simm.s32 $0x6;
	s2 =	sshrl.u32 s2, $0x3  }
0xf: {  	s14 =	sshrl.u32 s14, $0x3;
	s26 =	sshrl.u32 s25, $0x3;
	s18 =	smax.u32 s6, $0x1  }
0x10: {  	s25 =	simm.s32 $0x8;
	s6 =	simm.s32 $0x0;
	s2 =	sadd.s32 s2, s5  }
0x11: {  	s5 =	sadd.s32 $0x19000, s5;
	s21 =	sadd.s32 $0x4C00, s2;
	s2 =	sadd.s32 $0xEC00, s2  }
0x12: {  	s14 =	sadd.s32 s5, s14;
	s16 =	sadd.s32 s5, s26;
	[dreg:$0x5] =	wrdreg s21  }
0x13: {  	s26 =	simm.s32 $0x1;
	[dreg:$0x6] =	wrdreg s2;
	s2 =	sadd.s32 s0, s22  }
0x14: {  	[dreg:$0x7] =	wrdreg s14;
	s0 =	sadd.s32 s0, s15;
	s21 =	simm.s32 $0x9  }
0x15: {  	s22 =	simm.s32 $0x5;
	s2 =	sshrl.u32 s2, $0x3;
	s0 =	sshrl.u32 s0, $0x3  }
0x16: {  	s2 =	sadd.s32 s5, s2;
	s17 =	sadd.s32 s5, s0;
	s0 =	simm.s32 $0x8E80  }
0x17: {  	[dreg:$0x8] =	wrdreg s2;
	s2 =	sshrl.u32 s24, $0x3;
	s24 =	simm.s32 $0x7  }
0x18: {  	s15 =	sadd.s32 s5, s2;
	s2 =	simm.s32 $0xADC0;
	s5 =	simm.s32 $0x4  }
.LBB2_1:
0x19: {  	s7 =	rddreg [dreg:$0x5]  }
0x1a: {  	[tilespmem:s4], [sflag:$0x1] =	stream.linear.gather [hbm4b:s7+s4], $0x2800, $0x38;
	[tilespmem:$0x16940] =	vst v63  }
0x1b: {  	s13 =	rddreg [dreg:$0x6]  }
0x1c: {  	[tilespmem:s19], [sflag:$0x2] =	stream.linear.gather [hbm4b:s13+s4], $0x2800, $0x38;
	[tilespmem:$0x16940] =	vst v63  }
0x1d: {  	s14 =	rddreg [dreg:$0x4]  }
0x1e: {  	[tilespmem:s20], [sflag:$0x9] =	stream.linear.gather [hbm4b:s14+s4], $0x1F40, $0x38;
	[tilespmem:$0x16940] =	vst v63  }
0x1f: {  	_ =	swait.ge [sflag:s21], $0x1F40  }
0x20: {  	[sflag:s21] =	ssyncset.done $0x0  }
0x21: {  	[sflag:s21] =	ssyncadd.s32 $0xFFFFE0C0  }
0x22: {  	[spmem:s8] =	stream.linear.scatter [tilespmem:s20], [sflag:$0x5], $0x1F40, $0x38;
	[tilespmem:$0x16940] =	vst v63  }
0x23: {  	_ = 	snop  }
0x24: {  	[spmem:s9] =	stream.linear.scatter [tilespmem:s20], [sflag:$0x6], $0x1F40, $0x38;
	[tilespmem:$0x16940] =	vst v63  }
0x25: {  	_ = 	snop  }
0x26: {  	[spmem:s10] =	stream.linear.scatter [tilespmem:s20], [sflag:$0x7], $0x1F40, $0x38;
	[tilespmem:$0x16940] =	vst v63  }
0x27: {  	_ = 	snop  }
0x28: {  	[spmem:s11] =	stream.linear.scatter [tilespmem:s20], [sflag:$0x8], $0x1F40, $0x38;
	[tilespmem:$0x16940] =	vst v63  }
0x29: {  	_ = 	snop  }
0x2a: {  	[spmem:s12] =	stream.linear.scatter [tilespmem:s20], [sflag:$0x5], $0x1F40, $0x38;
	[tilespmem:$0x16940] =	vst v63  }
0x2b: {  	_ =	swait.ge [sflag:s22], $0x1F40  }
0x2c: {  	[sflag:s22] =	ssyncset.done $0x0  }
0x2d: {  	[sflag:s22] =	ssyncadd.s32 $0xFFFFE0C0  }
0x2e: {  	_ =	swait.ge [sflag:s23], $0x1F40  }
0x2f: {  	[sflag:s23] =	ssyncset.done $0x0  }
0x30: {  	[sflag:s23] =	ssyncadd.s32 $0xFFFFE0C0  }
0x31: {  	_ =	swait.ge [sflag:s24], $0x1F40  }
0x32: {  	[sflag:s24] =	ssyncset.done $0x0  }
0x33: {  	[sflag:s24] =	ssyncadd.s32 $0xFFFFE0C0  }
0x34: {  	_ =	swait.ge [sflag:s25], $0x1F40  }
0x35: {  	[sflag:s25] =	ssyncset.done $0x0  }
0x36: {  	[sflag:s25] =	ssyncadd.s32 $0xFFFFE0C0  }
0x37: {  	_ =	swait.ge [sflag:s22], $0x1F40  }
0x38: {  	[sflag:s22] =	ssyncset.done $0x0  }
0x39: {  	[sflag:s22] =	ssyncadd.s32 $0xFFFFE0C0  }
0x3a: {  	_ =	swait.ge [sflag:s26], $0x2800  }
0x3b: {  	[sflag:s26] =	ssyncset.done $0x0  }
0x3c: {  	[sflag:s26] =	ssyncadd.s32 $0xFFFFD800  }
0x3d: {  	_ =	swait.ge [sflag:s28], $0x2800  }
0x3e: {  	[sflag:s28] =	ssyncset.done $0x0  }
0x3f: {  	[sflag:s28] =	ssyncadd.s32 $0xFFFFD800  }
0x40: {  	[bflag:$0x0] =	sbarrier.arrive $0xFFFF  }
0x41: {  	[tilespmem:s20], [sflag:$0x1] =	stream.indirect.gather [hbm4b:s1+s29], $0x40, s4, s29, $0xb8;
	[tilespmem:$0x16940] =	vst v63  }
0x42: {  	s13 =	simm.s32 $0x80  }
0x43: {  	[tilespmem:s31], [sflag:$0x2] =	stream.indirect.gather [hbm4b:s1+s29], $0x40, s13, s29, $0xb8;
	[tilespmem:$0x16940] =	vst v63  }
0x44: {  	s14 =	simm.s32 $0x100  }
0x45: {  	[tilespmem:s0], [sflag:$0x3] =	stream.indirect.gather [hbm4b:s1+s29], $0x40, s14, s29, $0xb8;
	[tilespmem:$0x16940] =	vst v63  }
0x46: {  	s13 =	simm.s32 $0x180  }
0x47: {  	[tilespmem:s2], [sflag:$0x4] =	stream.indirect.gather [hbm4b:s1+s29], $0x40, s13, s29, $0xb8;
	[tilespmem:$0x16940] =	vst v63  }
0x48: {  	_ =	swait.ge [sflag:s26], $0x1F40  }
0x49: {  	[sflag:s26] =	ssyncset.done $0x0  }
0x4a: {  	[sflag:s26] =	ssyncadd.s32 $0xFFFFE0C0  }
0x4b: {  	[spmem:s3] =	stream.indirect.scatter.add.f32 [tilespmem:s20], [sflag:$0x5], $0x40, s19, s29, $0xb8;
	[tilespmem:$0x16940] =	vst v63  }
0x4c: {  	_ =	swait.ge [sflag:s22], $0x1F40  }
0x4d: {  	[sflag:s22] =	ssyncset.done $0x0  }
0x4e: {  	s14 =	simm.s32 $0x200;
	[sflag:s22] =	ssyncadd.s32 $0xFFFFE0C0  }
0x4f: {  	[tilespmem:s20], [sflag:$0x1] =	stream.indirect.gather [hbm4b:s1+s29], $0x40, s14, s29, $0xb8;
	[tilespmem:$0x16940] =	vst v63  }
0x50: {  	_ =	swait.ge [sflag:s28], $0x1F40  }
0x51: {  	[sflag:s28] =	ssyncset.done $0x0  }
0x52: {  	s13 =	simm.s32 $0x2880;
	[sflag:s28] =	ssyncadd.s32 $0xFFFFE0C0  }
0x53: {  	[spmem:s3] =	stream.indirect.scatter.add.f32 [tilespmem:s31], [sflag:$0x6], $0x40, s13, s29, $0xb8;
	[tilespmem:$0x16940] =	vst v63  }
0x54: {  	_ =	swait.ge [sflag:s23], $0x1F40  }
0x55: {  	[sflag:s23] =	ssyncset.done $0x0  }
0x56: {  	s14 =	simm.s32 $0x280;
	[sflag:s23] =	ssyncadd.s32 $0xFFFFE0C0  }
0x57: {  	[tilespmem:s31], [sflag:$0x2] =	stream.indirect.gather [hbm4b:s1+s29], $0x40, s14, s29, $0xb8;
	[tilespmem:$0x16940] =	vst v63  }
0x58: {  	_ =	swait.ge [sflag:s30], $0x1F40  }
0x59: {  	[sflag:s30] =	ssyncset.done $0x0  }
0x5a: {  	s13 =	simm.s32 $0x2900;
	[sflag:s30] =	ssyncadd.s32 $0xFFFFE0C0  }
0x5b: {  	[spmem:s3] =	stream.indirect.scatter.add.f32 [tilespmem:s0], [sflag:$0x7], $0x40, s13, s29, $0xb8;
	[tilespmem:$0x16940] =	vst v63  }
0x5c: {  	_ =	swait.ge [sflag:s24], $0x1F40  }
0x5d: {  	[sflag:s24] =	ssyncset.done $0x0  }
0x5e: {  	s14 =	simm.s32 $0x300;
	[sflag:s24] =	ssyncadd.s32 $0xFFFFE0C0  }
0x5f: {  	[tilespmem:s0], [sflag:$0x3] =	stream.indirect.gather [hbm4b:s1+s29], $0x40, s14, s29, $0xb8;
	[tilespmem:$0x16940] =	vst v63  }
0x60: {  	_ =	swait.ge [sflag:s5], $0x1F40  }
0x61: {  	[sflag:s5] =	ssyncset.done $0x0  }
0x62: {  	s13 =	simm.s32 $0x2980;
	[sflag:s5] =	ssyncadd.s32 $0xFFFFE0C0  }
0x63: {  	[spmem:s3] =	stream.indirect.scatter.add.f32 [tilespmem:s2], [sflag:$0x8], $0x40, s13, s29, $0xb8;
	[tilespmem:$0x16940] =	vst v63  }
0x64: {  	_ =	swait.ge [sflag:s25], $0x1F40  }
0x65: {  	[sflag:s25] =	ssyncset.done $0x0  }
0x66: {  	s14 =	simm.s32 $0x380;
	[sflag:s25] =	ssyncadd.s32 $0xFFFFE0C0  }
0x67: {  	[tilespmem:s2], [sflag:$0x4] =	stream.indirect.gather [hbm4b:s1+s29], $0x40, s14, s29, $0xb8;
	[tilespmem:$0x16940] =	vst v63  }
0x68: {  	_ =	swait.ge [sflag:s26], $0x1F40  }
0x69: {  	[sflag:s26] =	ssyncset.done $0x0  }
0x6a: {  	s13 =	simm.s32 $0x2A00;
	[sflag:s26] =	ssyncadd.s32 $0xFFFFE0C0  }
0x6b: {  	[spmem:s3] =	stream.indirect.scatter.add.f32 [tilespmem:s20], [sflag:$0x5], $0x40, s13, s29, $0xb8;
	[tilespmem:$0x16940] =	vst v63  }
0x6c: {  	_ =	swait.ge [sflag:s22], $0x1F40  }
0x6d: {  	[sflag:s22] =	ssyncset.done $0x0  }
0x6e: {  	s14 =	simm.s32 $0x400;
	[sflag:s22] =	ssyncadd.s32 $0xFFFFE0C0  }
0x6f: {  	[tilespmem:s20], [sflag:$0x1] =	stream.indirect.gather [hbm4b:s1+s29], $0x40, s14, s29, $0xb8;
	[tilespmem:$0x16940] =	vst v63  }
0x70: {  	_ =	swait.ge [sflag:s28], $0x1F40  }
0x71: {  	[sflag:s28] =	ssyncset.done $0x0  }
0x72: {  	s13 =	simm.s32 $0x2A80;
	[sflag:s28] =	ssyncadd.s32 $0xFFFFE0C0  }
0x73: {  	[spmem:s3] =	stream.indirect.scatter.add.f32 [tilespmem:s31], [sflag:$0x6], $0x40, s13, s29, $0xb8;
	[tilespmem:$0x16940] =	vst v63  }
0x74: {  	_ =	swait.ge [sflag:s23], $0x1F40  }
0x75: {  	[sflag:s23] =	ssyncset.done $0x0  }
0x76: {  	s14 =	simm.s32 $0x480;
	[sflag:s23] =	ssyncadd.s32 $0xFFFFE0C0  }
0x77: {  	[tilespmem:s31], [sflag:$0x2] =	stream.indirect.gather [hbm4b:s1+s29], $0x40, s14, s29, $0xb8;
	[tilespmem:$0x16940] =	vst v63  }
0x78: {  	_ =	swait.ge [sflag:s30], $0x1F40  }
0x79: {  	[sflag:s30] =	ssyncset.done $0x0  }
0x7a: {  	s13 =	simm.s32 $0x2B00;
	[sflag:s30] =	ssyncadd.s32 $0xFFFFE0C0  }
0x7b: {  	[spmem:s3] =	stream.indirect.scatter.add.f32 [tilespmem:s0], [sflag:$0x7], $0x40, s13, s29, $0xb8;
	[tilespmem:$0x16940] =	vst v63  }
0x7c: {  	_ =	swait.ge [sflag:s24], $0x1F40  }
0x7d: {  	[sflag:s24] =	ssyncset.done $0x0  }
0x7e: {  	s14 =	simm.s32 $0x500;
	[sflag:s24] =	ssyncadd.s32 $0xFFFFE0C0  }
0x7f: {  	[tilespmem:s0], [sflag:$0x3] =	stream.indirect.gather [hbm4b:s1+s29], $0x40, s14, s29, $0xb8;
	[tilespmem:$0x16940] =	vst v63  }
0x80: {  	_ =	swait.ge [sflag:s5], $0x1F40  }
0x81: {  	[sflag:s5] =	ssyncset.done $0x0  }
0x82: {  	s7 =	simm.s32 $0x800;
	s13 =	simm.s32 $0x2B80;
	[sflag:s5] =	ssyncadd.s32 $0xFFFFE0C0  }
.LBB2_2:
0x83: {  	[spmem:s3] =	stream.indirect.scatter.add.f32 [tilespmem:s2], [sflag:$0x8], $0x40, s13, s29, $0xb8;
	[tilespmem:$0x16940] =	vst v63  }
0x84: {  	s13 =	smov.u32 s7  }
0x85: {  	p0 =	sne.s32 s7, $0x8800;
	s7 =	sadd.s32 $0x800, s7;
	_ =	swait.ge [sflag:s25], $0x1F40  }
0x86: {  	s13 =	sshra.s32 s13, $0x2;
	[sflag:s25] =	ssyncset.done $0x0  }
0x87: {  	s14 =	sadd.s32 $0x380, s13;
	[sflag:s25] =	ssyncadd.s32 $0xFFFFE0C0  }
0x88: {  	[tilespmem:s2], [sflag:$0x4] =	stream.indirect.gather [hbm4b:s1+s29], $0x40, s14, s29, $0xb8;
	[tilespmem:$0x16940] =	vst v63  }
0x89: {  	_ =	swait.ge [sflag:s26], $0x1F40  }
0x8a: {  	[sflag:s26] =	ssyncset.done $0x0  }
0x8b: {  	s14 =	sadd.s32 $0x2A00, s13;
	[sflag:s26] =	ssyncadd.s32 $0xFFFFE0C0  }
0x8c: {  	[spmem:s3] =	stream.indirect.scatter.add.f32 [tilespmem:s20], [sflag:$0x5], $0x40, s14, s29, $0xb8;
	[tilespmem:$0x16940] =	vst v63  }
0x8d: {  	_ =	swait.ge [sflag:s22], $0x1F40  }
0x8e: {  	[sflag:s22] =	ssyncset.done $0x0  }
0x8f: {  	s14 =	sadd.s32 $0x400, s13;
	[sflag:s22] =	ssyncadd.s32 $0xFFFFE0C0  }
0x90: {  	[tilespmem:s20], [sflag:$0x1] =	stream.indirect.gather [hbm4b:s1+s29], $0x40, s14, s29, $0xb8;
	[tilespmem:$0x16940] =	vst v63  }
0x91: {  	_ =	swait.ge [sflag:s28], $0x1F40  }
0x92: {  	[sflag:s28] =	ssyncset.done $0x0  }
0x93: {  	s14 =	sadd.s32 $0x2A80, s13;
	[sflag:s28] =	ssyncadd.s32 $0xFFFFE0C0  }
0x94: {  	[spmem:s3] =	stream.indirect.scatter.add.f32 [tilespmem:s31], [sflag:$0x6], $0x40, s14, s29, $0xb8;
	[tilespmem:$0x16940] =	vst v63  }
0x95: {  	_ =	swait.ge [sflag:s23], $0x1F40  }
0x96: {  	[sflag:s23] =	ssyncset.done $0x0  }
0x97: {  	s14 =	sadd.s32 $0x480, s13;
	[sflag:s23] =	ssyncadd.s32 $0xFFFFE0C0  }
0x98: {  	[tilespmem:s31], [sflag:$0x2] =	stream.indirect.gather [hbm4b:s1+s29], $0x40, s14, s29, $0xb8;
	[tilespmem:$0x16940] =	vst v63  }
0x99: {  	_ =	swait.ge [sflag:s30], $0x1F40  }
0x9a: {  	[sflag:s30] =	ssyncset.done $0x0  }
0x9b: {  	s14 =	sadd.s32 $0x2B00, s13;
	[sflag:s30] =	ssyncadd.s32 $0xFFFFE0C0  }
0x9c: {  	[spmem:s3] =	stream.indirect.scatter.add.f32 [tilespmem:s0], [sflag:$0x7], $0x40, s14, s29, $0xb8;
	[tilespmem:$0x16940] =	vst v63  }
0x9d: {  	_ =	swait.ge [sflag:s24], $0x1F40  }
0x9e: {  	[sflag:s24] =	ssyncset.done $0x0  }
.Ltmp0:
0x9f: {  	s14 =	sadd.s32 $0x500, s13;
	[sflag:s24] =	ssyncadd.s32 $0xFFFFE0C0;
	(pc) =	sbr.rel @p0 .LBB2_2-.Ltmp0, $4  }
0xa0: {  	[tilespmem:s0], [sflag:$0x3] =	stream.indirect.gather [hbm4b:s1+s29], $0x40, s14, s29, $0xb8;
	[tilespmem:$0x16940] =	vst v63  }
0xa1: {  	_ =	swait.ge [sflag:s5], $0x1F40  }
0xa2: {  	[sflag:s5] =	ssyncset.done $0x0  }
0xa3: {  	s13 =	sadd.s32 $0x2B80, s13;
	[sflag:s5] =	ssyncadd.s32 $0xFFFFE0C0  }
0xa4: {  	[spmem:s3] =	stream.indirect.scatter.add.f32 [tilespmem:s2], [sflag:$0x8], $0x40, s13, s29, $0xb8;
	[tilespmem:$0x16940] =	vst v63  }
0xa5: {  	_ =	swait.ge [sflag:s25], $0x1F40  }
0xa6: {  	[sflag:s25] =	ssyncset.done $0x0  }
0xa7: {  	s7 =	simm.s32 $0x2780;
	[sflag:s25] =	ssyncadd.s32 $0xFFFFE0C0  }
0xa8: {  	[tilespmem:s2], [sflag:$0x4] =	stream.indirect.gather [hbm4b:s1+s29], $0x40, s7, s29, $0xb8;
	[tilespmem:$0x16940] =	vst v63  }
0xa9: {  	_ =	swait.ge [sflag:s26], $0x1F40  }
0xaa: {  	[sflag:s26] =	ssyncset.done $0x0  }
0xab: {  	s13 =	simm.s32 $0x4E00;
	[sflag:s26] =	ssyncadd.s32 $0xFFFFE0C0  }
0xac: {  	[spmem:s3] =	stream.indirect.scatter.add.f32 [tilespmem:s20], [sflag:$0x5], $0x40, s13, s29, $0xb8;
	[tilespmem:$0x16940] =	vst v63  }
0xad: {  	_ =	swait.ge [sflag:s22], $0x1F40  }
0xae: {  	[sflag:s22] =	ssyncset.done $0x0  }
0xaf: {  	[sflag:s22] =	ssyncadd.s32 $0xFFFFE0C0  }
0xb0: {  	_ =	swait.ge [sflag:s28], $0x1F40  }
0xb1: {  	[sflag:s28] =	ssyncset.done $0x0  }
0xb2: {  	s14 =	simm.s32 $0x4E80;
	[sflag:s28] =	ssyncadd.s32 $0xFFFFE0C0  }
0xb3: {  	[spmem:s3] =	stream.indirect.scatter.add.f32 [tilespmem:s31], [sflag:$0x6], $0x40, s14, s29, $0xb8;
	[tilespmem:$0x16940] =	vst v63  }
0xb4: {  	_ =	swait.ge [sflag:s23], $0x1F40  }
0xb5: {  	[sflag:s23] =	ssyncset.done $0x0  }
0xb6: {  	[sflag:s23] =	ssyncadd.s32 $0xFFFFE0C0  }
0xb7: {  	_ =	swait.ge [sflag:s30], $0x1F40  }
0xb8: {  	[sflag:s30] =	ssyncset.done $0x0  }
0xb9: {  	s13 =	simm.s32 $0x4F00;
	[sflag:s30] =	ssyncadd.s32 $0xFFFFE0C0  }
0xba: {  	[spmem:s3] =	stream.indirect.scatter.add.f32 [tilespmem:s0], [sflag:$0x7], $0x40, s13, s29, $0xb8;
	[tilespmem:$0x16940] =	vst v63  }
0xbb: {  	_ =	swait.ge [sflag:s24], $0x1F40  }
0xbc: {  	[sflag:s24] =	ssyncset.done $0x0  }
0xbd: {  	[sflag:s24] =	ssyncadd.s32 $0xFFFFE0C0  }
0xbe: {  	_ =	swait.ge [sflag:s5], $0x1F40  }
0xbf: {  	[sflag:s5] =	ssyncset.done $0x0  }
0xc0: {  	s14 =	simm.s32 $0x4F80;
	[sflag:s5] =	ssyncadd.s32 $0xFFFFE0C0  }
0xc1: {  	[spmem:s3] =	stream.indirect.scatter.add.f32 [tilespmem:s2], [sflag:$0x8], $0x40, s14, s29, $0xb8;
	[tilespmem:$0x16940] =	vst v63  }
0xc2: {  	_ =	swait.ge [sflag:s25], $0x1F40  }
0xc3: {  	[sflag:s25] =	ssyncset.done $0x0  }
0xc4: {  	[sflag:s25] =	ssyncadd.s32 $0xFFFFE0C0  }
0xc5: {  	[bflag:$0x0] =	sbarrier.arrive $0xFFFF  }
0xc6: {  	[tilespmem:s20], [sflag:$0x1] =	stream.linear.gather [spmem:s8], $0x1F40, $0x38;
	[tilespmem:$0x16940] =	vst v63  }
0xc7: {  	_ =	swait.ge [sflag:s26], $0x1F40  }
0xc8: {  	[sflag:s26] =	ssyncset.done $0x0  }
0xc9: {  	s13 =	rddreg [dreg:$0x7];
	[sflag:s26] =	ssyncadd.s32 $0xFFFFE0C0  }
0xca: {  	[hbm4b:s13+s4] =	stream.linear.scatter [tilespmem:s20], [sflag:$0x5], $0x1F40, $0x38;
	[tilespmem:$0x16940] =	vst v63  }
0xcb: {  	_ = 	snop  }
0xcc: {  	[tilespmem:s31], [sflag:$0x2] =	stream.linear.gather [spmem:s9], $0x1F40, $0x38;
	[tilespmem:$0x16940] =	vst v63  }
0xcd: {  	_ =	swait.ge [sflag:s28], $0x1F40  }
0xce: {  	[sflag:s28] =	ssyncset.done $0x0  }
0xcf: {  	s14 =	rddreg [dreg:$0x8];
	[sflag:s28] =	ssyncadd.s32 $0xFFFFE0C0  }
0xd0: {  	[hbm4b:s14+s4] =	stream.linear.scatter [tilespmem:s31], [sflag:$0x6], $0x1F40, $0x38;
	[tilespmem:$0x16940] =	vst v63  }
0xd1: {  	_ = 	snop  }
0xd2: {  	[tilespmem:s0], [sflag:$0x3] =	stream.linear.gather [spmem:s10], $0x1F40, $0x38;
	[tilespmem:$0x16940] =	vst v63  }
0xd3: {  	_ =	swait.ge [sflag:s30], $0x1F40  }
0xd4: {  	[sflag:s30] =	ssyncset.done $0x0  }
0xd5: {  	[sflag:s30] =	ssyncadd.s32 $0xFFFFE0C0  }
0xd6: {  	[hbm4b:s15+s4] =	stream.linear.scatter [tilespmem:s0], [sflag:$0x7], $0x1F40, $0x38;
	[tilespmem:$0x16940] =	vst v63  }
0xd7: {  	_ = 	snop  }
0xd8: {  	[tilespmem:s2], [sflag:$0x4] =	stream.linear.gather [spmem:s11], $0x1F40, $0x38;
	[tilespmem:$0x16940] =	vst v63  }
0xd9: {  	_ =	swait.ge [sflag:s5], $0x1F40  }
0xda: {  	[sflag:s5] =	ssyncset.done $0x0  }
0xdb: {  	[sflag:s5] =	ssyncadd.s32 $0xFFFFE0C0  }
0xdc: {  	[hbm4b:s16+s4] =	stream.linear.scatter [tilespmem:s2], [sflag:$0x8], $0x1F40, $0x38;
	[tilespmem:$0x16940] =	vst v63  }
0xdd: {  	_ =	swait.ge [sflag:s22], $0x1F40  }
0xde: {  	[sflag:s22] =	ssyncset.done $0x0  }
0xdf: {  	[sflag:s22] =	ssyncadd.s32 $0xFFFFE0C0  }
0xe0: {  	[tilespmem:s20], [sflag:$0x1] =	stream.linear.gather [spmem:s12], $0x1F40, $0x38;
	[tilespmem:$0x16940] =	vst v63  }
0xe1: {  	_ =	swait.ge [sflag:s26], $0x1F40  }
0xe2: {  	[sflag:s26] =	ssyncset.done $0x0  }
0xe3: {  	[sflag:s26] =	ssyncadd.s32 $0xFFFFE0C0  }
0xe4: {  	[hbm4b:s17+s4] =	stream.linear.scatter [tilespmem:s20], [sflag:$0x5], $0x1F40, $0x38;
	[tilespmem:$0x16940] =	vst v63  }
0xe5: {  	_ =	swait.ge [sflag:s23], $0x1F40  }
0xe6: {  	[sflag:s23] =	ssyncset.done $0x0  }
0xe7: {  	[sflag:s23] =	ssyncadd.s32 $0xFFFFE0C0  }
0xe8: {  	_ =	swait.ge [sflag:s24], $0x1F40  }
0xe9: {  	[sflag:s24] =	ssyncset.done $0x0  }
0xea: {  	s6 =	sadd.s32 $0x1, s6;
	[sflag:s24] =	ssyncadd.s32 $0xFFFFE0C0  }
0xeb: {  	p0 =	sne.s32 s6, s18;
	_ =	swait.ge [sflag:s25], $0x1F40  }
.Ltmp1:
0xec: {  	[sflag:s25] =	ssyncset.done $0x0;
	(pc) =	sbr.rel @p0 .LBB2_1-.Ltmp1, $4  }
0xed: {  	[sflag:s25] =	ssyncadd.s32 $0xFFFFE0C0  }
0xee: {  	_ =	swait.ge [sflag:s22], $0x1F40  }
0xef: {  	[sflag:s22] =	ssyncset.done $0x0  }
0xf0: {  	[sflag:s22] =	ssyncadd.s32 $0xFFFFE0C0  }
0xf1: {  	_ =	sfence.sel $0x180000  }
0xf2: {  	[bflag:$0x0] =	sbarrier.arrive $0xFFFF  }
0xf3: {  	_ =	strace $0x9000004A  }
0xf4: {  	s0 =	stileid.u32;
	[bflag:$0x2] =	sbarrier.arrive $0xFFFF  }
0xf5: {  	p0 =	sne.s32 s0, $0x0;
	s0 =	rddreg [dreg:$0x3]  }
0xf6: {  	s0 =	sadd.s32 @!p0 $0x100000, s0  }
0xf7: {  	[sflag:s0] =	ssyncadd.tile.s32 @!p0 $0x1;
	_ =	shalt  }
.Lfunc_end2:
_tile_overlayer_lowered:
.L_overlay_start_2:
0xf8: {  	(tag) =	ssettag $0x2  }
0xf9: {  	s0 =	rddreg [dreg:$0x0];
	s2 =	stileid.u32  }
0xfa: {  	s1 =	rddreg [dreg:$0x1];
	p0 =	sne.s32 s2, $0x0  }
0xfb: {  	s3 =	rddreg [dreg:$0x2];
	[bflag:$0x3] =	sbarrier.arrive $0xFFFF;
	s2 =	simm.s32 @!p0 $0x1C09  }
0xfc: {  	[timem:s3], [sflag:s2] =	dma.local @!p0 [hbm:s0], s1  }
0xfd: {  	s0 =	simm.s32 @!p0 $0x9  }
0xfe: {  	_ =	swait.ge @!p0 [sflag:s0], s1  }
0xff: {  	s1 =	ssub.s32 @!p0 $0x0, s1;
	[sflag:s0] =	ssyncset.done @!p0 $0x0  }
0x100: {  	[sflag:s0] =	ssyncadd.s32 @!p0 s1  }
0x101: {  	[bflag:$0x3] =	sbarrier.arrive $0xFFFF  }
0x102: {  	_ =	shalt  }

// kernel: kernel.22.cloned.1.call-start
scs
__scs_entry_jumppad:
0x0: {  	(pc) =	sbr.rel $0x88, $3  }
0x1: {  	(tag) =	ssettag $0x0;
	lr =	simm.s32 $0x1  }
0x2: {  	[smem:$0x3F95] =	sst lr;
	_ =	strace $0xD0000000  }
0x3: {  	_ = 	snop  }
0x4: {  	_ = 	snop  }
0x5: {  	_ = 	snop  }
0x6: {  	_ = 	snop  }
0x7: {  	_ = 	snop  }
__scs_overlays_trampoline_lowered:
0x8: {  	[smem:$0x3FA4] =	sst s0  }
0x9: {  	[smem:$0x3FA5] =	sst s1  }
0xa: {  	[smem:$0x3FA6] =	sst s2  }
0xb: {  	[smem:$0x3FA7] =	sst s3  }
0xc: {  	[smem:$0x3FA8] =	sst s4  }
0xd: {  	[smem:$0x3FA9] =	sst s5  }
0xe: {  	[smem:$0x3FAA] =	sst s6  }
0xf: {  	[smem:$0x3FAB] =	sst s7  }
0x10: {  	[smem:$0x3FAC] =	sst s8  }
0x11: {  	[smem:$0x3FAD] =	sst s9;
	s0 =	simm.s32 @!p0 $0x0  }
0x12: {  	s1 =	sld [smem:$0x3F93];
	s0 =	simm.s32 @p0 $0x1  }
0x13: {  	[smem:$0x3FAE] =	sst s0;
	s0 =	simm.s32 @!p1 $0x0  }
0x14: {  	s2 =	sld [smem:$0x3F92];
	s0 =	simm.s32 @p1 $0x1  }
0x15: {  	[smem:$0x3FAF] =	sst s0;
	s0 =	simm.s32 @!p2 $0x0  }
0x16: {  	s3 =	sld [smem:$0x3FDB];
	s0 =	simm.s32 @p2 $0x1  }
0x17: {  	s4 =	simm.s32 $0x1BF5;
	[smem:$0x3FB1] =	sst s0  }
0x18: {  	s0 =	sld [smem:$0x3F94];
	_ =	swait.ge [sflag:s4], $0x0  }
0x19: {  	s7 =	sld [smem:$0x3F95]  }
0x1a: {  	s8 =	sadd.s32 $0xFFFFE003, lr  }
0x1b: {  	s9 =	sadd.s32 $0xFFFFFEF7, lr;
	s5 =	simm.s32 $0xFFFFFFFF;
	p2 =	slt.u32 s8, $0xFFFFF086  }
0x1c: {  	p1 =	slt.u32 s9, $0xF7A;
	s5 =	simm.s32 @!p2 $0x0  }
0x1d: {  	s5 =	simm.s32 @p1 $0x1;
	p0 =	seq.s32 s7, s2  }
0x1e: {  	s7 =	smul.u32 @!p0 $0xF7A, s2;
	p2 =	seq.s32 @!p0 s5, $0x0  }
0x1f: {  	s9 =	smul.u32 $0xF7A, s1;
	s8 =	simm.s32 @!p0 $0x1BF5;
	p2 =	por !p2, p0  }
0x20: {  	[sflag:s8] =	ssyncset.s32 @!p0 $0xFFFFF086;
	s6 =	sadd.s32 @!p0 s3, s7;
	s7 =	simm.s32 @!p0 $0x108  }
0x21: {  	s3 =	sadd.s32 s3, s9;
	s6 =	sadd.s32 @!p0 $0x88, s6;
	s7 =	simm.s32 @p2 $0x1082  }
0x22: {  	[simem:s7], [sflag:s8] =	dma.local @!p0 [hbm:s6], $0xF7A  }
0x23: {  	s9 =	sor.u32 $0xD0000000, s2;
	s6 =	simm.s32 $0x108;
	_ =	swait.ge @!p0 [sflag:s8], $0x0  }
0x24: {  	s3 =	sadd.s32 $0x88, s3;
	s6 =	simm.s32 @!p1 $0x1082;
	[sflag:s4] =	ssyncset.s32 $0xFFFFF086  }
0x25: {  	[simem:s6], [sflag:s4] =	dma.local [hbm:s3], $0xF7A  }
0x26: {  	[smem:$0x3F95] =	sst s1;
	(tag) =	ssettag s2;
	_ =	strace s9  }
0x27: {  	s1 =	sld [smem:$0x3FA5]  }
0x28: {  	s2 =	sld [smem:$0x3FA6]  }
0x29: {  	s4 =	sld [smem:$0x3FA8]  }
0x2a: {  	p0 =	seq.s32 s5, $0x0;
	s5 =	sld [smem:$0x3FA9]  }
0x2b: {  	s6 =	sld [smem:$0x3FAA]  }
0x2c: {  	s7 =	sld [smem:$0x3FAB]  }
0x2d: {  	s3 =	simm.s32 $0x108;
	s8 =	sld [smem:$0x3FAC]  }
0x2e: {  	s3 =	simm.s32 @!p0 $0x1082;
	s9 =	sld [smem:$0x3FAD]  }
0x2f: {  	lr =	sadd.s32 s0, s3;
	s0 =	sld [smem:$0x3FA4]  }
0x30: {  	s3 =	sld [smem:$0x3FA7]  }
0x31: {  	[smem:$0x3FB0] =	sst s10  }
0x32: {  	s10 =	sld [smem:$0x3FAE];
	_ =	sdelay $0x3  }
0x33: {  	p0 =	seq.s32 s10, $0x1;
	s10 =	sld [smem:$0x3FB0];
	_ =	sdelay $0x3  }
0x34: {  	[smem:$0x3FB0] =	sst s10  }
0x35: {  	s10 =	sld [smem:$0x3FAF];
	_ =	sdelay $0x3  }
0x36: {  	p1 =	seq.s32 s10, $0x1;
	s10 =	sld [smem:$0x3FB0];
	_ =	sdelay $0x3  }
0x37: {  	[smem:$0x3FB0] =	sst s10  }
0x38: {  	s10 =	sld [smem:$0x3FB1]  }
0x39: {  	_ = 	snop;
	(pc) =	sbr.ind lr, $3  }
0x3a: {  	_ = 	snop  }
0x3b: {  	_ = 	snop  }
0x3c: {  	p2 =	seq.s32 s10, $0x1;
	s10 =	sld [smem:$0x3FB0]  }
0x3d: {  	_ =	shalt  }
0x3e: {  	_ =	shalt  }
0x3f: {  	_ =	shalt  }
0x40: {  	_ =	shalt  }
0x41: {  	_ =	shalt  }
0x42: {  	_ =	shalt  }
0x43: {  	_ =	shalt  }
0x44: {  	_ =	shalt  }
0x45: {  	_ =	shalt  }
0x46: {  	_ =	shalt  }
0x47: {  	_ =	shalt  }
0x48: {  	_ =	shalt  }
0x49: {  	_ =	shalt  }
0x4a: {  	_ =	shalt  }
0x4b: {  	_ =	shalt  }
0x4c: {  	_ =	shalt  }
0x4d: {  	_ =	shalt  }
0x4e: {  	_ =	shalt  }
0x4f: {  	_ =	shalt  }
0x50: {  	_ =	shalt  }
0x51: {  	_ =	shalt  }
0x52: {  	_ =	shalt  }
0x53: {  	_ =	shalt  }
0x54: {  	_ =	shalt  }
0x55: {  	_ =	shalt  }
0x56: {  	_ =	shalt  }
0x57: {  	_ =	shalt  }
0x58: {  	_ =	shalt  }
0x59: {  	_ =	shalt  }
0x5a: {  	_ =	shalt  }
0x5b: {  	_ =	shalt  }
0x5c: {  	_ =	shalt  }
0x5d: {  	_ =	shalt  }
0x5e: {  	_ =	shalt  }
0x5f: {  	_ =	shalt  }
0x60: {  	_ =	shalt  }
0x61: {  	_ =	shalt  }
0x62: {  	_ =	shalt  }
0x63: {  	_ =	shalt  }
0x64: {  	_ =	shalt  }
0x65: {  	_ =	shalt  }
0x66: {  	_ =	shalt  }
0x67: {  	_ =	shalt  }
0x68: {  	_ =	shalt  }
0x69: {  	_ =	shalt  }
0x6a: {  	_ =	shalt  }
0x6b: {  	_ =	shalt  }
0x6c: {  	_ =	shalt  }
0x6d: {  	_ =	shalt  }
0x6e: {  	_ =	shalt  }
0x6f: {  	_ =	shalt  }
0x70: {  	_ =	shalt  }
0x71: {  	_ =	shalt  }
0x72: {  	_ =	shalt  }
0x73: {  	_ =	shalt  }
0x74: {  	_ =	shalt  }
0x75: {  	_ =	shalt  }
0x76: {  	_ =	shalt  }
0x77: {  	_ =	shalt  }
0x78: {  	_ =	shalt  }
0x79: {  	_ =	shalt  }
0x7a: {  	_ =	shalt  }
0x7b: {  	_ =	shalt  }
0x7c: {  	_ =	shalt  }
0x7d: {  	_ =	shalt  }
0x7e: {  	_ =	shalt  }
0x7f: {  	_ =	shalt  }
0x80: {  	_ =	shalt  }
0x81: {  	_ =	shalt  }
0x82: {  	_ =	shalt  }
0x83: {  	_ =	shalt  }
0x84: {  	_ =	shalt  }
0x85: {  	_ =	shalt  }
0x86: {  	_ =	shalt  }
0x87: {  	_ =	shalt  }
.Lfunc_end0:
.L_simem_size_0:
called_computation.3_lowered:
.L_overlay_start_0:
0x88: {  	s2 =	sld [smem:$0x3FD9]  }
0x89: {  	s3 =	sld [smem:$0x3FFE];
	_ =	sdelay $0x1  }
0x8a: {  	s1 =	srdreg.scid  }
0x8b: {  	s0 =	sand.u32 $0x1, s1  }
0x8c: {  	s15 =	sshll.u32 s0, $0xA;
	s2 =	sadd.s32 s3, s2  }
0x8d: {  	s2 =	sadd.s32 s2, s15  }
0x8e: {  	[smem:$0x3FBC] =	sst s2  }
0x8f: {  	_ = 	snop  }
0x90: {  	s2 =	sld [smem:$0x3FD0];
	_ =	sdelay $0x2  }
0x91: {  	s16 =	simm.s32 $0xB;
	s4 =	simm.s32 $0x10  }
0x92: {  	[smem:s4], [sflag:s16] =	dma.local [hbm:s2], $0x1  }
0x93: {  	_ =	swait.eq [sflag:s16], $0x1  }
0x94: {  	[sflag:s16] =	ssyncset.done $0x0  }
0x95: {  	[sflag:s16] =	ssyncadd.s32 $0xFFFFFFFF  }
0x96: {  	s17 =	sld [smem:$0x10];
	(tm) =	ssettm $0x1  }
0x97: {  	s18 =	sld [smem:$0x3FFB];
	_ =	sdelay $0x3  }
0x98: {  	_ =	strace s18  }
0x99: {  	s2 =	sld [smem:$0x3FFC];
	_ =	sdelay $0x3  }
0x9a: {  	_ =	strace s2  }
0x9b: {  	s2 =	sld [smem:$0x3FFD];
	_ =	sdelay $0x3  }
0x9c: {  	_ =	strace s2  }
0x9d: {  	_ =	strace $0x8FFFFFFF  }
0x9e: {  	s19 =	sld [smem:$0x3FDB];
	_ =	sdelay $0x1  }
0x9f: {  	s20 =	simm.s32 $_scs_section_size  }
0xa0: {  	s5 =	simm.s32 $_size__tile_overlayer_lowered;
	s6 =	simm.s32 $_tile_overlayer_lowered  }
0xa1: {  	s7 =	simm.s32 $0x1BFF;
	s21 =	sshll.u32 s6, $0x1;
	s4 =	sadd.s32 s20, s19  }
0xa2: {  	s22 =	simm.s32 $0x0;
	s5 =	sshll.u32 s5, $0x1;
	s6 =	sadd.s32 s21, s4  }
0xa3: {  	[timem:s22], [sflag:s7] =	dma.local [hbm:s6], s5  }
0xa4: {  	_ =	swait.ge [sflag:s7], s5  }
0xa5: {  	s5 =	ssub.s32 $0x0, s5;
	[sflag:s7] =	ssyncset.done $0x0  }
0xa6: {  	[sflag:s7] =	ssyncadd.s32 s5;
	_ =	sdelay $0x1  }
0xa7: {  	s23 =	simm.s32 $0x1B8B  }
0xa8: {  	_ =	swait.ge [sflag:s23], $0x1  }
0xa9: {  	[sflag:s23] =	ssyncset.done $0x0  }
0xaa: {  	[sflag:s23] =	ssyncadd.s32 $0xFFFFFFFF  }
0xab: {  	s5 =	sld [smem:$0x0]  }
0xac: {  	s6 =	sand.u32 $0xFFFFFFFE, s1  }
0xad: {  	p0 =	sne.s32 s1, s6  }
0xae: {  	s6 =	sshll.u32 @p0 s6, $0xE  }
0xaf: {  	s6 =	sadd.s32 @p0 $0x11B8D, s6;
	s7 =	sshll.u32 @p0 s5, $0x11  }
0xb0: {  	s6 =	sor.u32 @p0 s7, s6  }
0xb1: {  	[sflag:s6] =	ssyncadd.remote.s32 @p0 $0x1;
	_ =	sdelay $0x1  }
0xb2: {  	s6 =	simm.s32 @p0 $0x1B8D  }
0xb3: {  	_ =	swait.eq @p0 [sflag:s6], $0x1  }
0xb4: {  	[sflag:s6] =	ssyncadd.s32 @p0 $0xFFFFFFFF  }
0xb5: {  	s7 =	sshll.u32 @!p0 s1, $0xE  }
0xb6: {  	s7 =	sor.u32 @!p0 $0x4000, s7;
	s6 =	simm.s32 @!p0 $0x1B8D  }
0xb7: {  	s5 =	sshll.u32 @!p0 s5, $0x11;
	s7 =	sadd.s32 @!p0 $0x11B8D, s7;
	_ =	swait.eq @!p0 [sflag:s6], $0x1  }
0xb8: {  	s5 =	sor.u32 @!p0 s5, s7;
	[sflag:s6] =	ssyncadd.s32 @!p0 $0xFFFFFFFF  }
0xb9: {  	s25 =	simm.s32 $0x1B8E;
	s24 =	sld [smem:$0x3FFE];
	[sflag:s5] =	ssyncadd.remote.s32 @!p0 $0x1  }
0xba: {  	s26 =	simm.s32 $execute0_lowered;
	[smem:$0x3FD2] =	sst s25  }
0xbb: {  	s6 =	sshll.u32 s26, $0x1;
	_ =	strace $0x80000052;
	[dreg:$0x1] =	wrdreg $0xFFFFFFFF  }
0xbc: {  	s28 =	simm.s32 $_size_execute0_lowered;
	s4 =	sadd.s32 s4, s6;
	[dreg:$0x0] =	wrdreg $0x0  }
0xbd: {  	s6 =	sshll.u32 s28, $0x1;
	[dreg:$0x2] =	wrdreg s4  }
0xbe: {  	[dreg:$0x3] =	wrdreg s6  }
0xbf: {  	[dreg:$0x4] =	wrdreg $0xC0  }
0xc0: {  	_ =	task [dreg:s22], $0x5FFFF  }
0xc1: {  	[dreg:$0x1] =	wrdreg $0xFFFFFFFF  }
0xc2: {  	[dreg:$0x0] =	wrdreg $0x60  }
0xc3: {  	[dreg:$0x2] =	wrdreg s17  }
0xc4: {  	[dreg:$0x3] =	wrdreg s24  }
0xc5: {  	[dreg:$0x4] =	wrdreg $0xCD000  }
0xc6: {  	[dreg:$0x5] =	wrdreg $0x9  }
0xc7: {  	_ =	task.clear_ibuf [dreg:s22], $0x6FFFF;
	_ =	strace $0x90000052  }
0xc8: {  	s29 =	simm.s32 $0x9;
	_ =	strace $0x80000054  }
0xc9: {  	_ =	swait.ge [sflag:s29], $0x1  }
0xca: {  	[sflag:s29] =	ssyncadd.s32 $0xFFFFFFFF  }
0xcb: {  	_ =	strace $0x90000054  }
0xcc: {  	_ =	sfence  }
0xcd: {  	s30 =	sld [smem:$0x0];
	_ =	sdelay $0x2  }
0xce: {  	s31 =	sshll.u32 s1, $0xD;
	s1 =	sshrl.u32 s1, $0x2  }
0xcf: {  	s4 =	sand.u32 $0x4000, s31;
	s1 =	sadd.s32 s1, s30  }
0xd0: {  	s0 =	sor.u32 s4, s0;
	s1 =	sshll.u32 s1, $0x11  }
0xd1: {  	s0 =	sor.u32 s1, s0  }
0xd2: {  	s0 =	sadd.s32 $0x8F2B, s0  }
0xd3: {  	[sflag:s0] =	ssyncadd.remote.s32 $0x1  }
0xd4: {  	_ =	sfence.sel $0xFFFF  }
0xd5: {  	[dreg:$0x0] =	wrdreg $0xFFFFFFFF;
	(pc) =	sbr.abs _section_cstart, $3  }
0xd6: {  	[dreg:$0x1] =	wrdreg $0xFFFFFFFF  }
0xd7: {  	_ =	task.clear_ibuf [dreg:s22], $0x2FFFF;
	_ =	strace $0x9FFFFFFF  }
0xd8: {  	(tm) =	ssettm $0x7FFFFFFF  }
0xd9: {  	_ =	shalt  }
tec
execute0_lowered:
.L_overlay_start_1:
0x0: {  	(tag) =	ssettag $0x1  }
0x1: {  	s1 =	rddreg [dreg:$0x0]  }
0x2: {  	s0 =	srdreg.scid;
	s5 =	rddreg [dreg:$0x1]  }
0x3: {  	s8 =	stileid.u32;
	s3 =	rddreg [dreg:$0x2];
	s4 =	simm.s32 $0x0  }
0x4: {  	s19 =	simm.s32 $0x2800;
	s28 =	simm.s32 $0x2;
	s29 =	simm.s32 $0x7D  }
0x5: {  	s31 =	simm.s32 $0x6F40;
	s30 =	simm.s32 $0x3;
	s0 =	sand.u32 $0x1, s0  }
0x6: {  	s2 =	sshll.u32 s8, $0x1;
	[smem:$0x7FF] =	sst s4;
	s7 =	sadd.s32 $0x18C00, s5  }
0x7: {  	s12 =	smul.u32 $0x9C40, s8;
	s2 =	sor.u32 s0, s2;
	_ =	strace $0x80000053  }
0x8: {  	s6 =	ssub.s32 $0x2, s0;
	[dreg:$0x4] =	wrdreg s7;
	s0 =	smul.u32 $0x9C400, s0  }
0x9: {  	s2 =	smul.u32 $0x2800, s2;
	s20 =	sshrl.u32 s6, $0x1;
	s8 =	sadd.s32 s12, s3  }
0xa: {  	s22 =	sadd.s32 $0x1F40, s12;
	s23 =	sadd.s32 $0x3E80, s12;
	s13 =	sadd.s32 $0x5DC0, s12  }
0xb: {  	s15 =	sadd.s32 $0x7D00, s12;
	s6 =	ssub.s32 s6, s20;
	s9 =	sadd.s32 s22, s3  }
0xc: {  	s10 =	sadd.s32 s23, s3;
	s11 =	sadd.s32 s13, s3;
	s14 =	sadd.s32 s12, s0  }
0xd: {  	s12 =	sadd.s32 s15, s3;
	s24 =	sadd.s32 s0, s23;
	s25 =	sadd.s32 s0, s13  }
0xe: {  	s20 =	simm.s32 $0x5000;
	s23 =	simm.s32 $0x6;
	s2 =	sshrl.u32 s2, $0x3  }
0xf: {  	s14 =	sshrl.u32 s14, $0x3;
	s26 =	sshrl.u32 s25, $0x3;
	s18 =	smax.u32 s6, $0x1  }
0x10: {  	s25 =	simm.s32 $0x8;
	s6 =	simm.s32 $0x0;
	s2 =	sadd.s32 s2, s5  }
0x11: {  	s5 =	sadd.s32 $0x54200, s5;
	s21 =	sadd.s32 $0x40200, s2;
	s2 =	sadd.s32 $0x4A200, s2  }
0x12: {  	s14 =	sadd.s32 s5, s14;
	s16 =	sadd.s32 s5, s26;
	[dreg:$0x5] =	wrdreg s21  }
0x13: {  	s26 =	simm.s32 $0x1;
	[dreg:$0x6] =	wrdreg s2;
	s2 =	sadd.s32 s0, s22  }
0x14: {  	[dreg:$0x7] =	wrdreg s14;
	s0 =	sadd.s32 s0, s15;
	s21 =	simm.s32 $0x9  }
0x15: {  	s22 =	simm.s32 $0x5;
	s2 =	sshrl.u32 s2, $0x3;
	s0 =	sshrl.u32 s0, $0x3  }
0x16: {  	s2 =	sadd.s32 s5, s2;
	s17 =	sadd.s32 s5, s0;
	s0 =	simm.s32 $0x8E80  }
0x17: {  	[dreg:$0x8] =	wrdreg s2;
	s2 =	sshrl.u32 s24, $0x3;
	s24 =	simm.s32 $0x7  }
0x18: {  	s15 =	sadd.s32 s5, s2;
	s2 =	simm.s32 $0xADC0;
	s5 =	simm.s32 $0x4  }
.LBB2_1:
0x19: {  	s7 =	rddreg [dreg:$0x5]  }
0x1a: {  	[tilespmem:s4], [sflag:$0x1] =	stream.linear.gather [hbm4b:s7+s4], $0x2800, $0x38;
	[tilespmem:$0x16940] =	vst v63  }
0x1b: {  	s13 =	rddreg [dreg:$0x6]  }
0x1c: {  	[tilespmem:s19], [sflag:$0x2] =	stream.linear.gather [hbm4b:s13+s4], $0x2800, $0x38;
	[tilespmem:$0x16940] =	vst v63  }
0x1d: {  	s14 =	rddreg [dreg:$0x4]  }
0x1e: {  	[tilespmem:s20], [sflag:$0x9] =	stream.linear.gather [hbm4b:s14+s4], $0x1F40, $0x38;
	[tilespmem:$0x16940] =	vst v63  }
0x1f: {  	_ =	swait.ge [sflag:s21], $0x1F40  }
0x20: {  	[sflag:s21] =	ssyncset.done $0x0  }
0x21: {  	[sflag:s21] =	ssyncadd.s32 $0xFFFFE0C0  }
0x22: {  	[spmem:s8] =	stream.linear.scatter [tilespmem:s20], [sflag:$0x5], $0x1F40, $0x38;
	[tilespmem:$0x16940] =	vst v63  }
0x23: {  	_ = 	snop  }
0x24: {  	[spmem:s9] =	stream.linear.scatter [tilespmem:s20], [sflag:$0x6], $0x1F40, $0x38;
	[tilespmem:$0x16940] =	vst v63  }
0x25: {  	_ = 	snop  }
0x26: {  	[spmem:s10] =	stream.linear.scatter [tilespmem:s20], [sflag:$0x7], $0x1F40, $0x38;
	[tilespmem:$0x16940] =	vst v63  }
0x27: {  	_ = 	snop  }
0x28: {  	[spmem:s11] =	stream.linear.scatter [tilespmem:s20], [sflag:$0x8], $0x1F40, $0x38;
	[tilespmem:$0x16940] =	vst v63  }
0x29: {  	_ = 	snop  }
0x2a: {  	[spmem:s12] =	stream.linear.scatter [tilespmem:s20], [sflag:$0x5], $0x1F40, $0x38;
	[tilespmem:$0x16940] =	vst v63  }
0x2b: {  	_ =	swait.ge [sflag:s22], $0x1F40  }
0x2c: {  	[sflag:s22] =	ssyncset.done $0x0  }
0x2d: {  	[sflag:s22] =	ssyncadd.s32 $0xFFFFE0C0  }
0x2e: {  	_ =	swait.ge [sflag:s23], $0x1F40  }
0x2f: {  	[sflag:s23] =	ssyncset.done $0x0  }
0x30: {  	[sflag:s23] =	ssyncadd.s32 $0xFFFFE0C0  }
0x31: {  	_ =	swait.ge [sflag:s24], $0x1F40  }
0x32: {  	[sflag:s24] =	ssyncset.done $0x0  }
0x33: {  	[sflag:s24] =	ssyncadd.s32 $0xFFFFE0C0  }
0x34: {  	_ =	swait.ge [sflag:s25], $0x1F40  }
0x35: {  	[sflag:s25] =	ssyncset.done $0x0  }
0x36: {  	[sflag:s25] =	ssyncadd.s32 $0xFFFFE0C0  }
0x37: {  	_ =	swait.ge [sflag:s22], $0x1F40  }
0x38: {  	[sflag:s22] =	ssyncset.done $0x0  }
0x39: {  	[sflag:s22] =	ssyncadd.s32 $0xFFFFE0C0  }
0x3a: {  	_ =	swait.ge [sflag:s26], $0x2800  }
0x3b: {  	[sflag:s26] =	ssyncset.done $0x0  }
0x3c: {  	[sflag:s26] =	ssyncadd.s32 $0xFFFFD800  }
0x3d: {  	_ =	swait.ge [sflag:s28], $0x2800  }
0x3e: {  	[sflag:s28] =	ssyncset.done $0x0  }
0x3f: {  	[sflag:s28] =	ssyncadd.s32 $0xFFFFD800  }
0x40: {  	[bflag:$0x0] =	sbarrier.arrive $0xFFFF  }
0x41: {  	[tilespmem:s20], [sflag:$0x1] =	stream.indirect.gather [hbm4b:s1+s29], $0x40, s4, s29, $0xb8;
	[tilespmem:$0x16940] =	vst v63  }
0x42: {  	s13 =	simm.s32 $0x80  }
0x43: {  	[tilespmem:s31], [sflag:$0x2] =	stream.indirect.gather [hbm4b:s1+s29], $0x40, s13, s29, $0xb8;
	[tilespmem:$0x16940] =	vst v63  }
0x44: {  	s14 =	simm.s32 $0x100  }
0x45: {  	[tilespmem:s0], [sflag:$0x3] =	stream.indirect.gather [hbm4b:s1+s29], $0x40, s14, s29, $0xb8;
	[tilespmem:$0x16940] =	vst v63  }
0x46: {  	s13 =	simm.s32 $0x180  }
0x47: {  	[tilespmem:s2], [sflag:$0x4] =	stream.indirect.gather [hbm4b:s1+s29], $0x40, s13, s29, $0xb8;
	[tilespmem:$0x16940] =	vst v63  }
0x48: {  	_ =	swait.ge [sflag:s26], $0x1F40  }
0x49: {  	[sflag:s26] =	ssyncset.done $0x0  }
0x4a: {  	[sflag:s26] =	ssyncadd.s32 $0xFFFFE0C0  }
0x4b: {  	[spmem:s3] =	stream.indirect.scatter.add.f32 [tilespmem:s20], [sflag:$0x5], $0x40, s19, s29, $0xb8;
	[tilespmem:$0x16940] =	vst v63  }
0x4c: {  	_ =	swait.ge [sflag:s22], $0x1F40  }
0x4d: {  	[sflag:s22] =	ssyncset.done $0x0  }
0x4e: {  	s14 =	simm.s32 $0x200;
	[sflag:s22] =	ssyncadd.s32 $0xFFFFE0C0  }
0x4f: {  	[tilespmem:s20], [sflag:$0x1] =	stream.indirect.gather [hbm4b:s1+s29], $0x40, s14, s29, $0xb8;
	[tilespmem:$0x16940] =	vst v63  }
0x50: {  	_ =	swait.ge [sflag:s28], $0x1F40  }
0x51: {  	[sflag:s28] =	ssyncset.done $0x0  }
0x52: {  	s13 =	simm.s32 $0x2880;
	[sflag:s28] =	ssyncadd.s32 $0xFFFFE0C0  }
0x53: {  	[spmem:s3] =	stream.indirect.scatter.add.f32 [tilespmem:s31], [sflag:$0x6], $0x40, s13, s29, $0xb8;
	[tilespmem:$0x16940] =	vst v63  }
0x54: {  	_ =	swait.ge [sflag:s23], $0x1F40  }
0x55: {  	[sflag:s23] =	ssyncset.done $0x0  }
0x56: {  	s14 =	simm.s32 $0x280;
	[sflag:s23] =	ssyncadd.s32 $0xFFFFE0C0  }
0x57: {  	[tilespmem:s31], [sflag:$0x2] =	stream.indirect.gather [hbm4b:s1+s29], $0x40, s14, s29, $0xb8;
	[tilespmem:$0x16940] =	vst v63  }
0x58: {  	_ =	swait.ge [sflag:s30], $0x1F40  }
0x59: {  	[sflag:s30] =	ssyncset.done $0x0  }
0x5a: {  	s13 =	simm.s32 $0x2900;
	[sflag:s30] =	ssyncadd.s32 $0xFFFFE0C0  }
0x5b: {  	[spmem:s3] =	stream.indirect.scatter.add.f32 [tilespmem:s0], [sflag:$0x7], $0x40, s13, s29, $0xb8;
	[tilespmem:$0x16940] =	vst v63  }
0x5c: {  	_ =	swait.ge [sflag:s24], $0x1F40  }
0x5d: {  	[sflag:s24] =	ssyncset.done $0x0  }
0x5e: {  	s14 =	simm.s32 $0x300;
	[sflag:s24] =	ssyncadd.s32 $0xFFFFE0C0  }
0x5f: {  	[tilespmem:s0], [sflag:$0x3] =	stream.indirect.gather [hbm4b:s1+s29], $0x40, s14, s29, $0xb8;
	[tilespmem:$0x16940] =	vst v63  }
0x60: {  	_ =	swait.ge [sflag:s5], $0x1F40  }
0x61: {  	[sflag:s5] =	ssyncset.done $0x0  }
0x62: {  	s13 =	simm.s32 $0x2980;
	[sflag:s5] =	ssyncadd.s32 $0xFFFFE0C0  }
0x63: {  	[spmem:s3] =	stream.indirect.scatter.add.f32 [tilespmem:s2], [sflag:$0x8], $0x40, s13, s29, $0xb8;
	[tilespmem:$0x16940] =	vst v63  }
0x64: {  	_ =	swait.ge [sflag:s25], $0x1F40  }
0x65: {  	[sflag:s25] =	ssyncset.done $0x0  }
0x66: {  	s14 =	simm.s32 $0x380;
	[sflag:s25] =	ssyncadd.s32 $0xFFFFE0C0  }
0x67: {  	[tilespmem:s2], [sflag:$0x4] =	stream.indirect.gather [hbm4b:s1+s29], $0x40, s14, s29, $0xb8;
	[tilespmem:$0x16940] =	vst v63  }
0x68: {  	_ =	swait.ge [sflag:s26], $0x1F40  }
0x69: {  	[sflag:s26] =	ssyncset.done $0x0  }
0x6a: {  	s13 =	simm.s32 $0x2A00;
	[sflag:s26] =	ssyncadd.s32 $0xFFFFE0C0  }
0x6b: {  	[spmem:s3] =	stream.indirect.scatter.add.f32 [tilespmem:s20], [sflag:$0x5], $0x40, s13, s29, $0xb8;
	[tilespmem:$0x16940] =	vst v63  }
0x6c: {  	_ =	swait.ge [sflag:s22], $0x1F40  }
0x6d: {  	[sflag:s22] =	ssyncset.done $0x0  }
0x6e: {  	s14 =	simm.s32 $0x400;
	[sflag:s22] =	ssyncadd.s32 $0xFFFFE0C0  }
0x6f: {  	[tilespmem:s20], [sflag:$0x1] =	stream.indirect.gather [hbm4b:s1+s29], $0x40, s14, s29, $0xb8;
	[tilespmem:$0x16940] =	vst v63  }
0x70: {  	_ =	swait.ge [sflag:s28], $0x1F40  }
0x71: {  	[sflag:s28] =	ssyncset.done $0x0  }
0x72: {  	s13 =	simm.s32 $0x2A80;
	[sflag:s28] =	ssyncadd.s32 $0xFFFFE0C0  }
0x73: {  	[spmem:s3] =	stream.indirect.scatter.add.f32 [tilespmem:s31], [sflag:$0x6], $0x40, s13, s29, $0xb8;
	[tilespmem:$0x16940] =	vst v63  }
0x74: {  	_ =	swait.ge [sflag:s23], $0x1F40  }
0x75: {  	[sflag:s23] =	ssyncset.done $0x0  }
0x76: {  	s14 =	simm.s32 $0x480;
	[sflag:s23] =	ssyncadd.s32 $0xFFFFE0C0  }
0x77: {  	[tilespmem:s31], [sflag:$0x2] =	stream.indirect.gather [hbm4b:s1+s29], $0x40, s14, s29, $0xb8;
	[tilespmem:$0x16940] =	vst v63  }
0x78: {  	_ =	swait.ge [sflag:s30], $0x1F40  }
0x79: {  	[sflag:s30] =	ssyncset.done $0x0  }
0x7a: {  	s13 =	simm.s32 $0x2B00;
	[sflag:s30] =	ssyncadd.s32 $0xFFFFE0C0  }
0x7b: {  	[spmem:s3] =	stream.indirect.scatter.add.f32 [tilespmem:s0], [sflag:$0x7], $0x40, s13, s29, $0xb8;
	[tilespmem:$0x16940] =	vst v63  }
0x7c: {  	_ =	swait.ge [sflag:s24], $0x1F40  }
0x7d: {  	[sflag:s24] =	ssyncset.done $0x0  }
0x7e: {  	s14 =	simm.s32 $0x500;
	[sflag:s24] =	ssyncadd.s32 $0xFFFFE0C0  }
0x7f: {  	[tilespmem:s0], [sflag:$0x3] =	stream.indirect.gather [hbm4b:s1+s29], $0x40, s14, s29, $0xb8;
	[tilespmem:$0x16940] =	vst v63  }
0x80: {  	_ =	swait.ge [sflag:s5], $0x1F40  }
0x81: {  	[sflag:s5] =	ssyncset.done $0x0  }
0x82: {  	s7 =	simm.s32 $0x800;
	s13 =	simm.s32 $0x2B80;
	[sflag:s5] =	ssyncadd.s32 $0xFFFFE0C0  }
.LBB2_2:
0x83: {  	[spmem:s3] =	stream.indirect.scatter.add.f32 [tilespmem:s2], [sflag:$0x8], $0x40, s13, s29, $0xb8;
	[tilespmem:$0x16940] =	vst v63  }
0x84: {  	s13 =	smov.u32 s7  }
0x85: {  	p0 =	sne.s32 s7, $0x8800;
	s7 =	sadd.s32 $0x800, s7;
	_ =	swait.ge [sflag:s25], $0x1F40  }
0x86: {  	s13 =	sshra.s32 s13, $0x2;
	[sflag:s25] =	ssyncset.done $0x0  }
0x87: {  	s14 =	sadd.s32 $0x380, s13;
	[sflag:s25] =	ssyncadd.s32 $0xFFFFE0C0  }
0x88: {  	[tilespmem:s2], [sflag:$0x4] =	stream.indirect.gather [hbm4b:s1+s29], $0x40, s14, s29, $0xb8;
	[tilespmem:$0x16940] =	vst v63  }
0x89: {  	_ =	swait.ge [sflag:s26], $0x1F40  }
0x8a: {  	[sflag:s26] =	ssyncset.done $0x0  }
0x8b: {  	s14 =	sadd.s32 $0x2A00, s13;
	[sflag:s26] =	ssyncadd.s32 $0xFFFFE0C0  }
0x8c: {  	[spmem:s3] =	stream.indirect.scatter.add.f32 [tilespmem:s20], [sflag:$0x5], $0x40, s14, s29, $0xb8;
	[tilespmem:$0x16940] =	vst v63  }
0x8d: {  	_ =	swait.ge [sflag:s22], $0x1F40  }
0x8e: {  	[sflag:s22] =	ssyncset.done $0x0  }
0x8f: {  	s14 =	sadd.s32 $0x400, s13;
	[sflag:s22] =	ssyncadd.s32 $0xFFFFE0C0  }
0x90: {  	[tilespmem:s20], [sflag:$0x1] =	stream.indirect.gather [hbm4b:s1+s29], $0x40, s14, s29, $0xb8;
	[tilespmem:$0x16940] =	vst v63  }
0x91: {  	_ =	swait.ge [sflag:s28], $0x1F40  }
0x92: {  	[sflag:s28] =	ssyncset.done $0x0  }
0x93: {  	s14 =	sadd.s32 $0x2A80, s13;
	[sflag:s28] =	ssyncadd.s32 $0xFFFFE0C0  }
0x94: {  	[spmem:s3] =	stream.indirect.scatter.add.f32 [tilespmem:s31], [sflag:$0x6], $0x40, s14, s29, $0xb8;
	[tilespmem:$0x16940] =	vst v63  }
0x95: {  	_ =	swait.ge [sflag:s23], $0x1F40  }
0x96: {  	[sflag:s23] =	ssyncset.done $0x0  }
0x97: {  	s14 =	sadd.s32 $0x480, s13;
	[sflag:s23] =	ssyncadd.s32 $0xFFFFE0C0  }
0x98: {  	[tilespmem:s31], [sflag:$0x2] =	stream.indirect.gather [hbm4b:s1+s29], $0x40, s14, s29, $0xb8;
	[tilespmem:$0x16940] =	vst v63  }
0x99: {  	_ =	swait.ge [sflag:s30], $0x1F40  }
0x9a: {  	[sflag:s30] =	ssyncset.done $0x0  }
0x9b: {  	s14 =	sadd.s32 $0x2B00, s13;
	[sflag:s30] =	ssyncadd.s32 $0xFFFFE0C0  }
0x9c: {  	[spmem:s3] =	stream.indirect.scatter.add.f32 [tilespmem:s0], [sflag:$0x7], $0x40, s14, s29, $0xb8;
	[tilespmem:$0x16940] =	vst v63  }
0x9d: {  	_ =	swait.ge [sflag:s24], $0x1F40  }
0x9e: {  	[sflag:s24] =	ssyncset.done $0x0  }
.Ltmp0:
0x9f: {  	s14 =	sadd.s32 $0x500, s13;
	[sflag:s24] =	ssyncadd.s32 $0xFFFFE0C0;
	(pc) =	sbr.rel @p0 .LBB2_2-.Ltmp0, $4  }
0xa0: {  	[tilespmem:s0], [sflag:$0x3] =	stream.indirect.gather [hbm4b:s1+s29], $0x40, s14, s29, $0xb8;
	[tilespmem:$0x16940] =	vst v63  }
0xa1: {  	_ =	swait.ge [sflag:s5], $0x1F40  }
0xa2: {  	[sflag:s5] =	ssyncset.done $0x0  }
0xa3: {  	s13 =	sadd.s32 $0x2B80, s13;
	[sflag:s5] =	ssyncadd.s32 $0xFFFFE0C0  }
0xa4: {  	[spmem:s3] =	stream.indirect.scatter.add.f32 [tilespmem:s2], [sflag:$0x8], $0x40, s13, s29, $0xb8;
	[tilespmem:$0x16940] =	vst v63  }
0xa5: {  	_ =	swait.ge [sflag:s25], $0x1F40  }
0xa6: {  	[sflag:s25] =	ssyncset.done $0x0  }
0xa7: {  	s7 =	simm.s32 $0x2780;
	[sflag:s25] =	ssyncadd.s32 $0xFFFFE0C0  }
0xa8: {  	[tilespmem:s2], [sflag:$0x4] =	stream.indirect.gather [hbm4b:s1+s29], $0x40, s7, s29, $0xb8;
	[tilespmem:$0x16940] =	vst v63  }
0xa9: {  	_ =	swait.ge [sflag:s26], $0x1F40  }
0xaa: {  	[sflag:s26] =	ssyncset.done $0x0  }
0xab: {  	s13 =	simm.s32 $0x4E00;
	[sflag:s26] =	ssyncadd.s32 $0xFFFFE0C0  }
0xac: {  	[spmem:s3] =	stream.indirect.scatter.add.f32 [tilespmem:s20], [sflag:$0x5], $0x40, s13, s29, $0xb8;
	[tilespmem:$0x16940] =	vst v63  }
0xad: {  	_ =	swait.ge [sflag:s22], $0x1F40  }
0xae: {  	[sflag:s22] =	ssyncset.done $0x0  }
0xaf: {  	[sflag:s22] =	ssyncadd.s32 $0xFFFFE0C0  }
0xb0: {  	_ =	swait.ge [sflag:s28], $0x1F40  }
0xb1: {  	[sflag:s28] =	ssyncset.done $0x0  }
0xb2: {  	s14 =	simm.s32 $0x4E80;
	[sflag:s28] =	ssyncadd.s32 $0xFFFFE0C0  }
0xb3: {  	[spmem:s3] =	stream.indirect.scatter.add.f32 [tilespmem:s31], [sflag:$0x6], $0x40, s14, s29, $0xb8;
	[tilespmem:$0x16940] =	vst v63  }
0xb4: {  	_ =	swait.ge [sflag:s23], $0x1F40  }
0xb5: {  	[sflag:s23] =	ssyncset.done $0x0  }
0xb6: {  	[sflag:s23] =	ssyncadd.s32 $0xFFFFE0C0  }
0xb7: {  	_ =	swait.ge [sflag:s30], $0x1F40  }
0xb8: {  	[sflag:s30] =	ssyncset.done $0x0  }
0xb9: {  	s13 =	simm.s32 $0x4F00;
	[sflag:s30] =	ssyncadd.s32 $0xFFFFE0C0  }
0xba: {  	[spmem:s3] =	stream.indirect.scatter.add.f32 [tilespmem:s0], [sflag:$0x7], $0x40, s13, s29, $0xb8;
	[tilespmem:$0x16940] =	vst v63  }
0xbb: {  	_ =	swait.ge [sflag:s24], $0x1F40  }
0xbc: {  	[sflag:s24] =	ssyncset.done $0x0  }
0xbd: {  	[sflag:s24] =	ssyncadd.s32 $0xFFFFE0C0  }
0xbe: {  	_ =	swait.ge [sflag:s5], $0x1F40  }
0xbf: {  	[sflag:s5] =	ssyncset.done $0x0  }
0xc0: {  	s14 =	simm.s32 $0x4F80;
	[sflag:s5] =	ssyncadd.s32 $0xFFFFE0C0  }
0xc1: {  	[spmem:s3] =	stream.indirect.scatter.add.f32 [tilespmem:s2], [sflag:$0x8], $0x40, s14, s29, $0xb8;
	[tilespmem:$0x16940] =	vst v63  }
0xc2: {  	_ =	swait.ge [sflag:s25], $0x1F40  }
0xc3: {  	[sflag:s25] =	ssyncset.done $0x0  }
0xc4: {  	[sflag:s25] =	ssyncadd.s32 $0xFFFFE0C0  }
0xc5: {  	[bflag:$0x0] =	sbarrier.arrive $0xFFFF  }
0xc6: {  	[tilespmem:s20], [sflag:$0x1] =	stream.linear.gather [spmem:s8], $0x1F40, $0x38;
	[tilespmem:$0x16940] =	vst v63  }
0xc7: {  	_ =	swait.ge [sflag:s26], $0x1F40  }
0xc8: {  	[sflag:s26] =	ssyncset.done $0x0  }
0xc9: {  	s13 =	rddreg [dreg:$0x7];
	[sflag:s26] =	ssyncadd.s32 $0xFFFFE0C0  }
0xca: {  	[hbm4b:s13+s4] =	stream.linear.scatter [tilespmem:s20], [sflag:$0x5], $0x1F40, $0x38;
	[tilespmem:$0x16940] =	vst v63  }
0xcb: {  	_ = 	snop  }
0xcc: {  	[tilespmem:s31], [sflag:$0x2] =	stream.linear.gather [spmem:s9], $0x1F40, $0x38;
	[tilespmem:$0x16940] =	vst v63  }
0xcd: {  	_ =	swait.ge [sflag:s28], $0x1F40  }
0xce: {  	[sflag:s28] =	ssyncset.done $0x0  }
0xcf: {  	s14 =	rddreg [dreg:$0x8];
	[sflag:s28] =	ssyncadd.s32 $0xFFFFE0C0  }
0xd0: {  	[hbm4b:s14+s4] =	stream.linear.scatter [tilespmem:s31], [sflag:$0x6], $0x1F40, $0x38;
	[tilespmem:$0x16940] =	vst v63  }
0xd1: {  	_ = 	snop  }
0xd2: {  	[tilespmem:s0], [sflag:$0x3] =	stream.linear.gather [spmem:s10], $0x1F40, $0x38;
	[tilespmem:$0x16940] =	vst v63  }
0xd3: {  	_ =	swait.ge [sflag:s30], $0x1F40  }
0xd4: {  	[sflag:s30] =	ssyncset.done $0x0  }
0xd5: {  	[sflag:s30] =	ssyncadd.s32 $0xFFFFE0C0  }
0xd6: {  	[hbm4b:s15+s4] =	stream.linear.scatter [tilespmem:s0], [sflag:$0x7], $0x1F40, $0x38;
	[tilespmem:$0x16940] =	vst v63  }
0xd7: {  	_ = 	snop  }
0xd8: {  	[tilespmem:s2], [sflag:$0x4] =	stream.linear.gather [spmem:s11], $0x1F40, $0x38;
	[tilespmem:$0x16940] =	vst v63  }
0xd9: {  	_ =	swait.ge [sflag:s5], $0x1F40  }
0xda: {  	[sflag:s5] =	ssyncset.done $0x0  }
0xdb: {  	[sflag:s5] =	ssyncadd.s32 $0xFFFFE0C0  }
0xdc: {  	[hbm4b:s16+s4] =	stream.linear.scatter [tilespmem:s2], [sflag:$0x8], $0x1F40, $0x38;
	[tilespmem:$0x16940] =	vst v63  }
0xdd: {  	_ =	swait.ge [sflag:s22], $0x1F40  }
0xde: {  	[sflag:s22] =	ssyncset.done $0x0  }
0xdf: {  	[sflag:s22] =	ssyncadd.s32 $0xFFFFE0C0  }
0xe0: {  	[tilespmem:s20], [sflag:$0x1] =	stream.linear.gather [spmem:s12], $0x1F40, $0x38;
	[tilespmem:$0x16940] =	vst v63  }
0xe1: {  	_ =	swait.ge [sflag:s26], $0x1F40  }
0xe2: {  	[sflag:s26] =	ssyncset.done $0x0  }
0xe3: {  	[sflag:s26] =	ssyncadd.s32 $0xFFFFE0C0  }
0xe4: {  	[hbm4b:s17+s4] =	stream.linear.scatter [tilespmem:s20], [sflag:$0x5], $0x1F40, $0x38;
	[tilespmem:$0x16940] =	vst v63  }
0xe5: {  	_ =	swait.ge [sflag:s23], $0x1F40  }
0xe6: {  	[sflag:s23] =	ssyncset.done $0x0  }
0xe7: {  	[sflag:s23] =	ssyncadd.s32 $0xFFFFE0C0  }
0xe8: {  	_ =	swait.ge [sflag:s24], $0x1F40  }
0xe9: {  	[sflag:s24] =	ssyncset.done $0x0  }
0xea: {  	s6 =	sadd.s32 $0x1, s6;
	[sflag:s24] =	ssyncadd.s32 $0xFFFFE0C0  }
0xeb: {  	p0 =	sne.s32 s6, s18;
	_ =	swait.ge [sflag:s25], $0x1F40  }
.Ltmp1:
0xec: {  	[sflag:s25] =	ssyncset.done $0x0;
	(pc) =	sbr.rel @p0 .LBB2_1-.Ltmp1, $4  }
0xed: {  	[sflag:s25] =	ssyncadd.s32 $0xFFFFE0C0  }
0xee: {  	_ =	swait.ge [sflag:s22], $0x1F40  }
0xef: {  	[sflag:s22] =	ssyncset.done $0x0  }
0xf0: {  	[sflag:s22] =	ssyncadd.s32 $0xFFFFE0C0  }
0xf1: {  	_ =	sfence.sel $0x180000  }
0xf2: {  	[bflag:$0x0] =	sbarrier.arrive $0xFFFF  }
0xf3: {  	_ =	strace $0x90000053  }
0xf4: {  	s0 =	stileid.u32;
	[bflag:$0x2] =	sbarrier.arrive $0xFFFF  }
0xf5: {  	p0 =	sne.s32 s0, $0x0;
	s0 =	rddreg [dreg:$0x3]  }
0xf6: {  	s0 =	sadd.s32 @!p0 $0x100000, s0  }
0xf7: {  	[sflag:s0] =	ssyncadd.tile.s32 @!p0 $0x1;
	_ =	shalt  }
.Lfunc_end2:
_tile_overlayer_lowered:
.L_overlay_start_2:
0xf8: {  	(tag) =	ssettag $0x2  }
0xf9: {  	s0 =	rddreg [dreg:$0x0];
	s2 =	stileid.u32  }
0xfa: {  	s1 =	rddreg [dreg:$0x1];
	p0 =	sne.s32 s2, $0x0  }
0xfb: {  	s3 =	rddreg [dreg:$0x2];
	[bflag:$0x3] =	sbarrier.arrive $0xFFFF;
	s2 =	simm.s32 @!p0 $0x1C09  }
0xfc: {  	[timem:s3], [sflag:s2] =	dma.local @!p0 [hbm:s0], s1  }
0xfd: {  	s0 =	simm.s32 @!p0 $0x9  }
0xfe: {  	_ =	swait.ge @!p0 [sflag:s0], s1  }
0xff: {  	s1 =	ssub.s32 @!p0 $0x0, s1;
	[sflag:s0] =	ssyncset.done @!p0 $0x0  }
0x100: {  	[sflag:s0] =	ssyncadd.s32 @!p0 s1  }
0x101: {  	[bflag:$0x3] =	sbarrier.arrive $0xFFFF  }
0x102: {  	_ =	shalt  }

// kernel: kernel.25.cloned.1.call-start
scs
__scs_entry_jumppad:
0x0: {  	(pc) =	sbr.rel $0x88, $3  }
0x1: {  	(tag) =	ssettag $0x0;
	lr =	simm.s32 $0x1  }
0x2: {  	[smem:$0x3F95] =	sst lr;
	_ =	strace $0xD0000000  }
0x3: {  	_ = 	snop  }
0x4: {  	_ = 	snop  }
0x5: {  	_ = 	snop  }
0x6: {  	_ = 	snop  }
0x7: {  	_ = 	snop  }
__scs_overlays_trampoline_lowered:
0x8: {  	[smem:$0x3FA4] =	sst s0  }
0x9: {  	[smem:$0x3FA5] =	sst s1  }
0xa: {  	[smem:$0x3FA6] =	sst s2  }
0xb: {  	[smem:$0x3FA7] =	sst s3  }
0xc: {  	[smem:$0x3FA8] =	sst s4  }
0xd: {  	[smem:$0x3FA9] =	sst s5  }
0xe: {  	[smem:$0x3FAA] =	sst s6  }
0xf: {  	[smem:$0x3FAB] =	sst s7  }
0x10: {  	[smem:$0x3FAC] =	sst s8  }
0x11: {  	[smem:$0x3FAD] =	sst s9;
	s0 =	simm.s32 @!p0 $0x0  }
0x12: {  	s1 =	sld [smem:$0x3F93];
	s0 =	simm.s32 @p0 $0x1  }
0x13: {  	[smem:$0x3FAE] =	sst s0;
	s0 =	simm.s32 @!p1 $0x0  }
0x14: {  	s2 =	sld [smem:$0x3F92];
	s0 =	simm.s32 @p1 $0x1  }
0x15: {  	[smem:$0x3FAF] =	sst s0;
	s0 =	simm.s32 @!p2 $0x0  }
0x16: {  	s3 =	sld [smem:$0x3FDB];
	s0 =	simm.s32 @p2 $0x1  }
0x17: {  	s4 =	simm.s32 $0x1BF5;
	[smem:$0x3FB1] =	sst s0  }
0x18: {  	s0 =	sld [smem:$0x3F94];
	_ =	swait.ge [sflag:s4], $0x0  }
0x19: {  	s7 =	sld [smem:$0x3F95]  }
0x1a: {  	s8 =	sadd.s32 $0xFFFFE003, lr  }
0x1b: {  	s9 =	sadd.s32 $0xFFFFFEF7, lr;
	s5 =	simm.s32 $0xFFFFFFFF;
	p2 =	slt.u32 s8, $0xFFFFF086  }
0x1c: {  	p1 =	slt.u32 s9, $0xF7A;
	s5 =	simm.s32 @!p2 $0x0  }
0x1d: {  	s5 =	simm.s32 @p1 $0x1;
	p0 =	seq.s32 s7, s2  }
0x1e: {  	s7 =	smul.u32 @!p0 $0xF7A, s2;
	p2 =	seq.s32 @!p0 s5, $0x0  }
0x1f: {  	s9 =	smul.u32 $0xF7A, s1;
	s8 =	simm.s32 @!p0 $0x1BF5;
	p2 =	por !p2, p0  }
0x20: {  	[sflag:s8] =	ssyncset.s32 @!p0 $0xFFFFF086;
	s6 =	sadd.s32 @!p0 s3, s7;
	s7 =	simm.s32 @!p0 $0x108  }
0x21: {  	s3 =	sadd.s32 s3, s9;
	s6 =	sadd.s32 @!p0 $0x88, s6;
	s7 =	simm.s32 @p2 $0x1082  }
0x22: {  	[simem:s7], [sflag:s8] =	dma.local @!p0 [hbm:s6], $0xF7A  }
0x23: {  	s9 =	sor.u32 $0xD0000000, s2;
	s6 =	simm.s32 $0x108;
	_ =	swait.ge @!p0 [sflag:s8], $0x0  }
0x24: {  	s3 =	sadd.s32 $0x88, s3;
	s6 =	simm.s32 @!p1 $0x1082;
	[sflag:s4] =	ssyncset.s32 $0xFFFFF086  }
0x25: {  	[simem:s6], [sflag:s4] =	dma.local [hbm:s3], $0xF7A  }
0x26: {  	[smem:$0x3F95] =	sst s1;
	(tag) =	ssettag s2;
	_ =	strace s9  }
0x27: {  	s1 =	sld [smem:$0x3FA5]  }
0x28: {  	s2 =	sld [smem:$0x3FA6]  }
0x29: {  	s4 =	sld [smem:$0x3FA8]  }
0x2a: {  	p0 =	seq.s32 s5, $0x0;
	s5 =	sld [smem:$0x3FA9]  }
0x2b: {  	s6 =	sld [smem:$0x3FAA]  }
0x2c: {  	s7 =	sld [smem:$0x3FAB]  }
0x2d: {  	s3 =	simm.s32 $0x108;
	s8 =	sld [smem:$0x3FAC]  }
0x2e: {  	s3 =	simm.s32 @!p0 $0x1082;
	s9 =	sld [smem:$0x3FAD]  }
0x2f: {  	lr =	sadd.s32 s0, s3;
	s0 =	sld [smem:$0x3FA4]  }
0x30: {  	s3 =	sld [smem:$0x3FA7]  }
0x31: {  	[smem:$0x3FB0] =	sst s10  }
0x32: {  	s10 =	sld [smem:$0x3FAE];
	_ =	sdelay $0x3  }
0x33: {  	p0 =	seq.s32 s10, $0x1;
	s10 =	sld [smem:$0x3FB0];
	_ =	sdelay $0x3  }
0x34: {  	[smem:$0x3FB0] =	sst s10  }
0x35: {  	s10 =	sld [smem:$0x3FAF];
	_ =	sdelay $0x3  }
0x36: {  	p1 =	seq.s32 s10, $0x1;
	s10 =	sld [smem:$0x3FB0];
	_ =	sdelay $0x3  }
0x37: {  	[smem:$0x3FB0] =	sst s10  }
0x38: {  	s10 =	sld [smem:$0x3FB1]  }
0x39: {  	_ = 	snop;
	(pc) =	sbr.ind lr, $3  }
0x3a: {  	_ = 	snop  }
0x3b: {  	_ = 	snop  }
0x3c: {  	p2 =	seq.s32 s10, $0x1;
	s10 =	sld [smem:$0x3FB0]  }
0x3d: {  	_ =	shalt  }
0x3e: {  	_ =	shalt  }
0x3f: {  	_ =	shalt  }
0x40: {  	_ =	shalt  }
0x41: {  	_ =	shalt  }
0x42: {  	_ =	shalt  }
0x43: {  	_ =	shalt  }
0x44: {  	_ =	shalt  }
0x45: {  	_ =	shalt  }
0x46: {  	_ =	shalt  }
0x47: {  	_ =	shalt  }
0x48: {  	_ =	shalt  }
0x49: {  	_ =	shalt  }
0x4a: {  	_ =	shalt  }
0x4b: {  	_ =	shalt  }
0x4c: {  	_ =	shalt  }
0x4d: {  	_ =	shalt  }
0x4e: {  	_ =	shalt  }
0x4f: {  	_ =	shalt  }
0x50: {  	_ =	shalt  }
0x51: {  	_ =	shalt  }
0x52: {  	_ =	shalt  }
0x53: {  	_ =	shalt  }
0x54: {  	_ =	shalt  }
0x55: {  	_ =	shalt  }
0x56: {  	_ =	shalt  }
0x57: {  	_ =	shalt  }
0x58: {  	_ =	shalt  }
0x59: {  	_ =	shalt  }
0x5a: {  	_ =	shalt  }
0x5b: {  	_ =	shalt  }
0x5c: {  	_ =	shalt  }
0x5d: {  	_ =	shalt  }
0x5e: {  	_ =	shalt  }
0x5f: {  	_ =	shalt  }
0x60: {  	_ =	shalt  }
0x61: {  	_ =	shalt  }
0x62: {  	_ =	shalt  }
0x63: {  	_ =	shalt  }
0x64: {  	_ =	shalt  }
0x65: {  	_ =	shalt  }
0x66: {  	_ =	shalt  }
0x67: {  	_ =	shalt  }
0x68: {  	_ =	shalt  }
0x69: {  	_ =	shalt  }
0x6a: {  	_ =	shalt  }
0x6b: {  	_ =	shalt  }
0x6c: {  	_ =	shalt  }
0x6d: {  	_ =	shalt  }
0x6e: {  	_ =	shalt  }
0x6f: {  	_ =	shalt  }
0x70: {  	_ =	shalt  }
0x71: {  	_ =	shalt  }
0x72: {  	_ =	shalt  }
0x73: {  	_ =	shalt  }
0x74: {  	_ =	shalt  }
0x75: {  	_ =	shalt  }
0x76: {  	_ =	shalt  }
0x77: {  	_ =	shalt  }
0x78: {  	_ =	shalt  }
0x79: {  	_ =	shalt  }
0x7a: {  	_ =	shalt  }
0x7b: {  	_ =	shalt  }
0x7c: {  	_ =	shalt  }
0x7d: {  	_ =	shalt  }
0x7e: {  	_ =	shalt  }
0x7f: {  	_ =	shalt  }
0x80: {  	_ =	shalt  }
0x81: {  	_ =	shalt  }
0x82: {  	_ =	shalt  }
0x83: {  	_ =	shalt  }
0x84: {  	_ =	shalt  }
0x85: {  	_ =	shalt  }
0x86: {  	_ =	shalt  }
0x87: {  	_ =	shalt  }
.Lfunc_end0:
.L_simem_size_0:
called_computation.4_lowered:
.L_overlay_start_0:
0x88: {  	s2 =	sld [smem:$0x3FD9]  }
0x89: {  	s3 =	sld [smem:$0x3FFE];
	_ =	sdelay $0x1  }
0x8a: {  	s1 =	srdreg.scid  }
0x8b: {  	s0 =	sand.u32 $0x1, s1  }
0x8c: {  	s17 =	sshll.u32 s0, $0xA;
	s2 =	sadd.s32 s3, s2  }
0x8d: {  	s2 =	sadd.s32 s2, s17  }
0x8e: {  	[smem:$0x3FBC] =	sst s2  }
0x8f: {  	_ = 	snop  }
0x90: {  	(tm) =	ssettm $0x1  }
0x91: {  	s18 =	sld [smem:$0x3FFB];
	_ =	sdelay $0x3  }
0x92: {  	_ =	strace s18  }
0x93: {  	s2 =	sld [smem:$0x3FFC];
	_ =	sdelay $0x3  }
0x94: {  	_ =	strace s2  }
0x95: {  	s2 =	sld [smem:$0x3FFD];
	_ =	sdelay $0x3  }
0x96: {  	_ =	strace s2  }
0x97: {  	_ =	strace $0x8FFFFFFF  }
0x98: {  	s19 =	sld [smem:$0x3FDB];
	_ =	sdelay $0x1  }
0x99: {  	s20 =	simm.s32 $_scs_section_size  }
0x9a: {  	s4 =	simm.s32 $_size__tile_overlayer_lowered;
	s5 =	simm.s32 $_tile_overlayer_lowered  }
0x9b: {  	s6 =	simm.s32 $0x1BFF;
	s21 =	sshll.u32 s5, $0x1;
	s3 =	sadd.s32 s20, s19  }
0x9c: {  	s22 =	simm.s32 $0x0;
	s4 =	sshll.u32 s4, $0x1;
	s5 =	sadd.s32 s21, s3  }
0x9d: {  	[timem:s22], [sflag:s6] =	dma.local [hbm:s5], s4  }
0x9e: {  	_ =	swait.ge [sflag:s6], s4  }
0x9f: {  	s4 =	ssub.s32 $0x0, s4;
	[sflag:s6] =	ssyncset.done $0x0  }
0xa0: {  	[sflag:s6] =	ssyncadd.s32 s4;
	_ =	sdelay $0x1  }
0xa1: {  	s23 =	simm.s32 $0x1B8B  }
0xa2: {  	_ =	swait.ge [sflag:s23], $0x1  }
0xa3: {  	[sflag:s23] =	ssyncset.done $0x0  }
0xa4: {  	[sflag:s23] =	ssyncadd.s32 $0xFFFFFFFF  }
0xa5: {  	s4 =	sld [smem:$0x0]  }
0xa6: {  	s5 =	sand.u32 $0xFFFFFFFE, s1  }
0xa7: {  	p0 =	sne.s32 s1, s5  }
0xa8: {  	s5 =	sshll.u32 @p0 s5, $0xE  }
0xa9: {  	s5 =	sadd.s32 @p0 $0x11B8D, s5;
	s6 =	sshll.u32 @p0 s4, $0x11  }
0xaa: {  	s5 =	sor.u32 @p0 s6, s5  }
0xab: {  	[sflag:s5] =	ssyncadd.remote.s32 @p0 $0x1;
	_ =	sdelay $0x1  }
0xac: {  	s5 =	simm.s32 @p0 $0x1B8D  }
0xad: {  	_ =	swait.eq @p0 [sflag:s5], $0x1  }
0xae: {  	[sflag:s5] =	ssyncadd.s32 @p0 $0xFFFFFFFF  }
0xaf: {  	s6 =	sshll.u32 @!p0 s1, $0xE  }
0xb0: {  	s6 =	sor.u32 @!p0 $0x4000, s6;
	s5 =	simm.s32 @!p0 $0x1B8D  }
0xb1: {  	s4 =	sshll.u32 @!p0 s4, $0x11;
	s6 =	sadd.s32 @!p0 $0x11B8D, s6;
	_ =	swait.eq @!p0 [sflag:s5], $0x1  }
0xb2: {  	s4 =	sor.u32 @!p0 s4, s6;
	[sflag:s5] =	ssyncadd.s32 @!p0 $0xFFFFFFFF  }
0xb3: {  	s25 =	simm.s32 $0x1B8E;
	s24 =	sld [smem:$0x3FFE];
	[sflag:s4] =	ssyncadd.remote.s32 @!p0 $0x1  }
0xb4: {  	s26 =	simm.s32 $execute0_lowered;
	[smem:$0x3FD2] =	sst s25  }
0xb5: {  	s5 =	sshll.u32 s26, $0x1;
	_ =	strace $0x8000004F;
	[dreg:$0x1] =	wrdreg $0xFFFFFFFF  }
0xb6: {  	s28 =	simm.s32 $_size_execute0_lowered;
	s3 =	sadd.s32 s3, s5;
	[dreg:$0x0] =	wrdreg $0x0  }
0xb7: {  	s5 =	sshll.u32 s28, $0x1;
	[dreg:$0x2] =	wrdreg s3  }
0xb8: {  	[dreg:$0x3] =	wrdreg s5  }
0xb9: {  	[dreg:$0x4] =	wrdreg $0xC0  }
0xba: {  	_ =	task [dreg:s22], $0x5FFFF  }
0xbb: {  	[dreg:$0x1] =	wrdreg $0xFFFFFFFF  }
0xbc: {  	[dreg:$0x0] =	wrdreg $0x60  }
0xbd: {  	[dreg:$0x2] =	wrdreg s24  }
0xbe: {  	[dreg:$0x3] =	wrdreg $0xCD000  }
0xbf: {  	[dreg:$0x4] =	wrdreg $0xA  }
0xc0: {  	_ =	task.clear_ibuf [dreg:s22], $0x5FFFF;
	_ =	strace $0x9000004F  }
0xc1: {  	s29 =	simm.s32 $0xA;
	_ =	strace $0x80000051  }
0xc2: {  	_ =	swait.ge [sflag:s29], $0x1  }
0xc3: {  	[sflag:s29] =	ssyncadd.s32 $0xFFFFFFFF  }
0xc4: {  	_ =	strace $0x90000051  }
0xc5: {  	_ =	sfence  }
0xc6: {  	s30 =	sld [smem:$0x0];
	_ =	sdelay $0x2  }
0xc7: {  	s31 =	sshll.u32 s1, $0xD;
	s1 =	sshrl.u32 s1, $0x2  }
0xc8: {  	s4 =	sand.u32 $0x4000, s31;
	s1 =	sadd.s32 s1, s30  }
0xc9: {  	s0 =	sor.u32 s4, s0;
	s1 =	sshll.u32 s1, $0x11  }
0xca: {  	s0 =	sor.u32 s1, s0  }
0xcb: {  	s0 =	sadd.s32 $0x8F2B, s0  }
0xcc: {  	[sflag:s0] =	ssyncadd.remote.s32 $0x1  }
0xcd: {  	_ =	sfence.sel $0xFFFF  }
0xce: {  	[dreg:$0x0] =	wrdreg $0xFFFFFFFF;
	(pc) =	sbr.abs _section_cstart, $3  }
0xcf: {  	[dreg:$0x1] =	wrdreg $0xFFFFFFFF  }
0xd0: {  	_ =	task.clear_ibuf [dreg:s22], $0x2FFFF;
	_ =	strace $0x9FFFFFFF  }
0xd1: {  	(tm) =	ssettm $0x7FFFFFFF  }
tec
execute0_lowered:
.L_overlay_start_1:
0x0: {  	(tag) =	ssettag $0x1  }
0x1: {  	s0 =	srdreg.scid  }
0x2: {  	s8 =	stileid.u32;
	s1 =	rddreg [dreg:$0x0]  }
0x3: {  	s2 =	rddreg [dreg:$0x1];
	s19 =	simm.s32 $0x2800;
	s28 =	simm.s32 $0x2  }
0x4: {  	s29 =	simm.s32 $0x7D;
	s31 =	simm.s32 $0x6F40;
	s30 =	simm.s32 $0x3  }
0x5: {  	s0 =	sand.u32 $0x1, s0;
	s3 =	sshll.u32 s8, $0x1;
	s12 =	smul.u32 $0x9C40, s8  }
0x6: {  	s4 =	sor.u32 s0, s3;
	s6 =	ssub.s32 $0x2, s0;
	s0 =	smul.u32 $0x9C400, s0  }
0x7: {  	s7 =	sadd.s32 $0x18C00, s1;
	s3 =	simm.s32 $0x0;
	s4 =	smul.u32 $0x2800, s4  }
0x8: {  	[smem:$0x7FF] =	sst s3;
	s20 =	sshrl.u32 s6, $0x1;
	s8 =	sadd.s32 s12, s2  }
0x9: {  	s22 =	sadd.s32 $0x1F40, s12;
	s23 =	sadd.s32 $0x3E80, s12;
	s13 =	sadd.s32 $0x5DC0, s12  }
0xa: {  	s15 =	sadd.s32 $0x7D00, s12;
	_ =	strace $0x80000050;
	[dreg:$0x3] =	wrdreg s7  }
0xb: {  	s6 =	ssub.s32 s6, s20;
	s9 =	sadd.s32 s22, s2;
	s10 =	sadd.s32 s23, s2  }
0xc: {  	s11 =	sadd.s32 s13, s2;
	s14 =	sadd.s32 s12, s0;
	s12 =	sadd.s32 s15, s2  }
0xd: {  	s24 =	sadd.s32 s0, s23;
	s25 =	sadd.s32 s0, s13;
	s20 =	simm.s32 $0x5000  }
0xe: {  	s23 =	simm.s32 $0x6;
	s5 =	sshrl.u32 s4, $0x3;
	s4 =	sadd.s32 $0x19000, s1  }
0xf: {  	s14 =	sshrl.u32 s14, $0x3;
	s26 =	sshrl.u32 s25, $0x3;
	s18 =	smax.u32 s6, $0x1  }
0x10: {  	s25 =	simm.s32 $0x8;
	s6 =	simm.s32 $0x0;
	s5 =	sadd.s32 s5, s1  }
0x11: {  	s1 =	sadd.s32 $0x7B400, s1;
	s21 =	sadd.s32 $0x4C00, s5;
	s5 =	sadd.s32 $0xEC00, s5  }
0x12: {  	s14 =	sadd.s32 s1, s14;
	s16 =	sadd.s32 s1, s26;
	[dreg:$0x4] =	wrdreg s21  }
0x13: {  	s26 =	simm.s32 $0x1;
	[dreg:$0x5] =	wrdreg s5;
	s5 =	sadd.s32 s0, s22  }
0x14: {  	[dreg:$0x6] =	wrdreg s14;
	s0 =	sadd.s32 s0, s15;
	s21 =	simm.s32 $0x9  }
0x15: {  	s22 =	simm.s32 $0x5;
	s5 =	sshrl.u32 s5, $0x3;
	s0 =	sshrl.u32 s0, $0x3  }
0x16: {  	s5 =	sadd.s32 s1, s5;
	s17 =	sadd.s32 s1, s0;
	s0 =	simm.s32 $0x8E80  }
0x17: {  	[dreg:$0x7] =	wrdreg s5;
	s5 =	sshrl.u32 s24, $0x3;
	s24 =	simm.s32 $0x7  }
0x18: {  	s15 =	sadd.s32 s1, s5;
	s1 =	simm.s32 $0xADC0;
	s5 =	simm.s32 $0x4  }
.LBB2_1:
0x19: {  	s7 =	rddreg [dreg:$0x4]  }
0x1a: {  	[tilespmem:s3], [sflag:$0x1] =	stream.linear.gather [hbm4b:s7+s3], $0x2800, $0x38;
	[tilespmem:$0x16940] =	vst v63  }
0x1b: {  	s13 =	rddreg [dreg:$0x5]  }
0x1c: {  	[tilespmem:s19], [sflag:$0x2] =	stream.linear.gather [hbm4b:s13+s3], $0x2800, $0x38;
	[tilespmem:$0x16940] =	vst v63  }
0x1d: {  	s14 =	rddreg [dreg:$0x3]  }
0x1e: {  	[tilespmem:s20], [sflag:$0x9] =	stream.linear.gather [hbm4b:s14+s3], $0x1F40, $0x38;
	[tilespmem:$0x16940] =	vst v63  }
0x1f: {  	_ =	swait.ge [sflag:s21], $0x1F40  }
0x20: {  	[sflag:s21] =	ssyncset.done $0x0  }
0x21: {  	[sflag:s21] =	ssyncadd.s32 $0xFFFFE0C0  }
0x22: {  	[spmem:s8] =	stream.linear.scatter [tilespmem:s20], [sflag:$0x5], $0x1F40, $0x38;
	[tilespmem:$0x16940] =	vst v63  }
0x23: {  	_ = 	snop  }
0x24: {  	[spmem:s9] =	stream.linear.scatter [tilespmem:s20], [sflag:$0x6], $0x1F40, $0x38;
	[tilespmem:$0x16940] =	vst v63  }
0x25: {  	_ = 	snop  }
0x26: {  	[spmem:s10] =	stream.linear.scatter [tilespmem:s20], [sflag:$0x7], $0x1F40, $0x38;
	[tilespmem:$0x16940] =	vst v63  }
0x27: {  	_ = 	snop  }
0x28: {  	[spmem:s11] =	stream.linear.scatter [tilespmem:s20], [sflag:$0x8], $0x1F40, $0x38;
	[tilespmem:$0x16940] =	vst v63  }
0x29: {  	_ = 	snop  }
0x2a: {  	[spmem:s12] =	stream.linear.scatter [tilespmem:s20], [sflag:$0x5], $0x1F40, $0x38;
	[tilespmem:$0x16940] =	vst v63  }
0x2b: {  	_ =	swait.ge [sflag:s22], $0x1F40  }
0x2c: {  	[sflag:s22] =	ssyncset.done $0x0  }
0x2d: {  	[sflag:s22] =	ssyncadd.s32 $0xFFFFE0C0  }
0x2e: {  	_ =	swait.ge [sflag:s23], $0x1F40  }
0x2f: {  	[sflag:s23] =	ssyncset.done $0x0  }
0x30: {  	[sflag:s23] =	ssyncadd.s32 $0xFFFFE0C0  }
0x31: {  	_ =	swait.ge [sflag:s24], $0x1F40  }
0x32: {  	[sflag:s24] =	ssyncset.done $0x0  }
0x33: {  	[sflag:s24] =	ssyncadd.s32 $0xFFFFE0C0  }
0x34: {  	_ =	swait.ge [sflag:s25], $0x1F40  }
0x35: {  	[sflag:s25] =	ssyncset.done $0x0  }
0x36: {  	[sflag:s25] =	ssyncadd.s32 $0xFFFFE0C0  }
0x37: {  	_ =	swait.ge [sflag:s22], $0x1F40  }
0x38: {  	[sflag:s22] =	ssyncset.done $0x0  }
0x39: {  	[sflag:s22] =	ssyncadd.s32 $0xFFFFE0C0  }
0x3a: {  	_ =	swait.ge [sflag:s26], $0x2800  }
0x3b: {  	[sflag:s26] =	ssyncset.done $0x0  }
0x3c: {  	[sflag:s26] =	ssyncadd.s32 $0xFFFFD800  }
0x3d: {  	_ =	swait.ge [sflag:s28], $0x2800  }
0x3e: {  	[sflag:s28] =	ssyncset.done $0x0  }
0x3f: {  	[sflag:s28] =	ssyncadd.s32 $0xFFFFD800  }
0x40: {  	[bflag:$0x0] =	sbarrier.arrive $0xFFFF  }
0x41: {  	[tilespmem:s20], [sflag:$0x1] =	stream.indirect.gather [hbm4b:s4+s29], $0x40, s3, s29, $0xb8;
	[tilespmem:$0x16940] =	vst v63  }
0x42: {  	s13 =	simm.s32 $0x80  }
0x43: {  	[tilespmem:s31], [sflag:$0x2] =	stream.indirect.gather [hbm4b:s4+s29], $0x40, s13, s29, $0xb8;
	[tilespmem:$0x16940] =	vst v63  }
0x44: {  	s14 =	simm.s32 $0x100  }
0x45: {  	[tilespmem:s0], [sflag:$0x3] =	stream.indirect.gather [hbm4b:s4+s29], $0x40, s14, s29, $0xb8;
	[tilespmem:$0x16940] =	vst v63  }
0x46: {  	s13 =	simm.s32 $0x180  }
0x47: {  	[tilespmem:s1], [sflag:$0x4] =	stream.indirect.gather [hbm4b:s4+s29], $0x40, s13, s29, $0xb8;
	[tilespmem:$0x16940] =	vst v63  }
0x48: {  	_ =	swait.ge [sflag:s26], $0x1F40  }
0x49: {  	[sflag:s26] =	ssyncset.done $0x0  }
0x4a: {  	[sflag:s26] =	ssyncadd.s32 $0xFFFFE0C0  }
0x4b: {  	[spmem:s2] =	stream.indirect.scatter.add.f32 [tilespmem:s20], [sflag:$0x5], $0x40, s19, s29, $0xb8;
	[tilespmem:$0x16940] =	vst v63  }
0x4c: {  	_ =	swait.ge [sflag:s22], $0x1F40  }
0x4d: {  	[sflag:s22] =	ssyncset.done $0x0  }
0x4e: {  	s14 =	simm.s32 $0x200;
	[sflag:s22] =	ssyncadd.s32 $0xFFFFE0C0  }
0x4f: {  	[tilespmem:s20], [sflag:$0x1] =	stream.indirect.gather [hbm4b:s4+s29], $0x40, s14, s29, $0xb8;
	[tilespmem:$0x16940] =	vst v63  }
0x50: {  	_ =	swait.ge [sflag:s28], $0x1F40  }
0x51: {  	[sflag:s28] =	ssyncset.done $0x0  }
0x52: {  	s13 =	simm.s32 $0x2880;
	[sflag:s28] =	ssyncadd.s32 $0xFFFFE0C0  }
0x53: {  	[spmem:s2] =	stream.indirect.scatter.add.f32 [tilespmem:s31], [sflag:$0x6], $0x40, s13, s29, $0xb8;
	[tilespmem:$0x16940] =	vst v63  }
0x54: {  	_ =	swait.ge [sflag:s23], $0x1F40  }
0x55: {  	[sflag:s23] =	ssyncset.done $0x0  }
0x56: {  	s14 =	simm.s32 $0x280;
	[sflag:s23] =	ssyncadd.s32 $0xFFFFE0C0  }
0x57: {  	[tilespmem:s31], [sflag:$0x2] =	stream.indirect.gather [hbm4b:s4+s29], $0x40, s14, s29, $0xb8;
	[tilespmem:$0x16940] =	vst v63  }
0x58: {  	_ =	swait.ge [sflag:s30], $0x1F40  }
0x59: {  	[sflag:s30] =	ssyncset.done $0x0  }
0x5a: {  	s13 =	simm.s32 $0x2900;
	[sflag:s30] =	ssyncadd.s32 $0xFFFFE0C0  }
0x5b: {  	[spmem:s2] =	stream.indirect.scatter.add.f32 [tilespmem:s0], [sflag:$0x7], $0x40, s13, s29, $0xb8;
	[tilespmem:$0x16940] =	vst v63  }
0x5c: {  	_ =	swait.ge [sflag:s24], $0x1F40  }
0x5d: {  	[sflag:s24] =	ssyncset.done $0x0  }
0x5e: {  	s14 =	simm.s32 $0x300;
	[sflag:s24] =	ssyncadd.s32 $0xFFFFE0C0  }
0x5f: {  	[tilespmem:s0], [sflag:$0x3] =	stream.indirect.gather [hbm4b:s4+s29], $0x40, s14, s29, $0xb8;
	[tilespmem:$0x16940] =	vst v63  }
0x60: {  	_ =	swait.ge [sflag:s5], $0x1F40  }
0x61: {  	[sflag:s5] =	ssyncset.done $0x0  }
0x62: {  	s13 =	simm.s32 $0x2980;
	[sflag:s5] =	ssyncadd.s32 $0xFFFFE0C0  }
0x63: {  	[spmem:s2] =	stream.indirect.scatter.add.f32 [tilespmem:s1], [sflag:$0x8], $0x40, s13, s29, $0xb8;
	[tilespmem:$0x16940] =	vst v63  }
0x64: {  	_ =	swait.ge [sflag:s25], $0x1F40  }
0x65: {  	[sflag:s25] =	ssyncset.done $0x0  }
0x66: {  	s14 =	simm.s32 $0x380;
	[sflag:s25] =	ssyncadd.s32 $0xFFFFE0C0  }
0x67: {  	[tilespmem:s1], [sflag:$0x4] =	stream.indirect.gather [hbm4b:s4+s29], $0x40, s14, s29, $0xb8;
	[tilespmem:$0x16940] =	vst v63  }
0x68: {  	_ =	swait.ge [sflag:s26], $0x1F40  }
0x69: {  	[sflag:s26] =	ssyncset.done $0x0  }
0x6a: {  	s13 =	simm.s32 $0x2A00;
	[sflag:s26] =	ssyncadd.s32 $0xFFFFE0C0  }
0x6b: {  	[spmem:s2] =	stream.indirect.scatter.add.f32 [tilespmem:s20], [sflag:$0x5], $0x40, s13, s29, $0xb8;
	[tilespmem:$0x16940] =	vst v63  }
0x6c: {  	_ =	swait.ge [sflag:s22], $0x1F40  }
0x6d: {  	[sflag:s22] =	ssyncset.done $0x0  }
0x6e: {  	s14 =	simm.s32 $0x400;
	[sflag:s22] =	ssyncadd.s32 $0xFFFFE0C0  }
0x6f: {  	[tilespmem:s20], [sflag:$0x1] =	stream.indirect.gather [hbm4b:s4+s29], $0x40, s14, s29, $0xb8;
	[tilespmem:$0x16940] =	vst v63  }
0x70: {  	_ =	swait.ge [sflag:s28], $0x1F40  }
0x71: {  	[sflag:s28] =	ssyncset.done $0x0  }
0x72: {  	s13 =	simm.s32 $0x2A80;
	[sflag:s28] =	ssyncadd.s32 $0xFFFFE0C0  }
0x73: {  	[spmem:s2] =	stream.indirect.scatter.add.f32 [tilespmem:s31], [sflag:$0x6], $0x40, s13, s29, $0xb8;
	[tilespmem:$0x16940] =	vst v63  }
0x74: {  	_ =	swait.ge [sflag:s23], $0x1F40  }
0x75: {  	[sflag:s23] =	ssyncset.done $0x0  }
0x76: {  	s14 =	simm.s32 $0x480;
	[sflag:s23] =	ssyncadd.s32 $0xFFFFE0C0  }
0x77: {  	[tilespmem:s31], [sflag:$0x2] =	stream.indirect.gather [hbm4b:s4+s29], $0x40, s14, s29, $0xb8;
	[tilespmem:$0x16940] =	vst v63  }
0x78: {  	_ =	swait.ge [sflag:s30], $0x1F40  }
0x79: {  	[sflag:s30] =	ssyncset.done $0x0  }
0x7a: {  	s13 =	simm.s32 $0x2B00;
	[sflag:s30] =	ssyncadd.s32 $0xFFFFE0C0  }
0x7b: {  	[spmem:s2] =	stream.indirect.scatter.add.f32 [tilespmem:s0], [sflag:$0x7], $0x40, s13, s29, $0xb8;
	[tilespmem:$0x16940] =	vst v63  }
0x7c: {  	_ =	swait.ge [sflag:s24], $0x1F40  }
0x7d: {  	[sflag:s24] =	ssyncset.done $0x0  }
0x7e: {  	s14 =	simm.s32 $0x500;
	[sflag:s24] =	ssyncadd.s32 $0xFFFFE0C0  }
0x7f: {  	[tilespmem:s0], [sflag:$0x3] =	stream.indirect.gather [hbm4b:s4+s29], $0x40, s14, s29, $0xb8;
	[tilespmem:$0x16940] =	vst v63  }
0x80: {  	_ =	swait.ge [sflag:s5], $0x1F40  }
0x81: {  	[sflag:s5] =	ssyncset.done $0x0  }
0x82: {  	s7 =	simm.s32 $0x800;
	s13 =	simm.s32 $0x2B80;
	[sflag:s5] =	ssyncadd.s32 $0xFFFFE0C0  }
.LBB2_2:
0x83: {  	[spmem:s2] =	stream.indirect.scatter.add.f32 [tilespmem:s1], [sflag:$0x8], $0x40, s13, s29, $0xb8;
	[tilespmem:$0x16940] =	vst v63  }
0x84: {  	s13 =	smov.u32 s7  }
0x85: {  	p0 =	sne.s32 s7, $0x8800;
	s7 =	sadd.s32 $0x800, s7;
	_ =	swait.ge [sflag:s25], $0x1F40  }
0x86: {  	s13 =	sshra.s32 s13, $0x2;
	[sflag:s25] =	ssyncset.done $0x0  }
0x87: {  	s14 =	sadd.s32 $0x380, s13;
	[sflag:s25] =	ssyncadd.s32 $0xFFFFE0C0  }
0x88: {  	[tilespmem:s1], [sflag:$0x4] =	stream.indirect.gather [hbm4b:s4+s29], $0x40, s14, s29, $0xb8;
	[tilespmem:$0x16940] =	vst v63  }
0x89: {  	_ =	swait.ge [sflag:s26], $0x1F40  }
0x8a: {  	[sflag:s26] =	ssyncset.done $0x0  }
0x8b: {  	s14 =	sadd.s32 $0x2A00, s13;
	[sflag:s26] =	ssyncadd.s32 $0xFFFFE0C0  }
0x8c: {  	[spmem:s2] =	stream.indirect.scatter.add.f32 [tilespmem:s20], [sflag:$0x5], $0x40, s14, s29, $0xb8;
	[tilespmem:$0x16940] =	vst v63  }
0x8d: {  	_ =	swait.ge [sflag:s22], $0x1F40  }
0x8e: {  	[sflag:s22] =	ssyncset.done $0x0  }
0x8f: {  	s14 =	sadd.s32 $0x400, s13;
	[sflag:s22] =	ssyncadd.s32 $0xFFFFE0C0  }
0x90: {  	[tilespmem:s20], [sflag:$0x1] =	stream.indirect.gather [hbm4b:s4+s29], $0x40, s14, s29, $0xb8;
	[tilespmem:$0x16940] =	vst v63  }
0x91: {  	_ =	swait.ge [sflag:s28], $0x1F40  }
0x92: {  	[sflag:s28] =	ssyncset.done $0x0  }
0x93: {  	s14 =	sadd.s32 $0x2A80, s13;
	[sflag:s28] =	ssyncadd.s32 $0xFFFFE0C0  }
0x94: {  	[spmem:s2] =	stream.indirect.scatter.add.f32 [tilespmem:s31], [sflag:$0x6], $0x40, s14, s29, $0xb8;
	[tilespmem:$0x16940] =	vst v63  }
0x95: {  	_ =	swait.ge [sflag:s23], $0x1F40  }
0x96: {  	[sflag:s23] =	ssyncset.done $0x0  }
0x97: {  	s14 =	sadd.s32 $0x480, s13;
	[sflag:s23] =	ssyncadd.s32 $0xFFFFE0C0  }
0x98: {  	[tilespmem:s31], [sflag:$0x2] =	stream.indirect.gather [hbm4b:s4+s29], $0x40, s14, s29, $0xb8;
	[tilespmem:$0x16940] =	vst v63  }
0x99: {  	_ =	swait.ge [sflag:s30], $0x1F40  }
0x9a: {  	[sflag:s30] =	ssyncset.done $0x0  }
0x9b: {  	s14 =	sadd.s32 $0x2B00, s13;
	[sflag:s30] =	ssyncadd.s32 $0xFFFFE0C0  }
0x9c: {  	[spmem:s2] =	stream.indirect.scatter.add.f32 [tilespmem:s0], [sflag:$0x7], $0x40, s14, s29, $0xb8;
	[tilespmem:$0x16940] =	vst v63  }
0x9d: {  	_ =	swait.ge [sflag:s24], $0x1F40  }
0x9e: {  	[sflag:s24] =	ssyncset.done $0x0  }
.Ltmp0:
0x9f: {  	s14 =	sadd.s32 $0x500, s13;
	[sflag:s24] =	ssyncadd.s32 $0xFFFFE0C0;
	(pc) =	sbr.rel @p0 .LBB2_2-.Ltmp0, $4  }
0xa0: {  	[tilespmem:s0], [sflag:$0x3] =	stream.indirect.gather [hbm4b:s4+s29], $0x40, s14, s29, $0xb8;
	[tilespmem:$0x16940] =	vst v63  }
0xa1: {  	_ =	swait.ge [sflag:s5], $0x1F40  }
0xa2: {  	[sflag:s5] =	ssyncset.done $0x0  }
0xa3: {  	s13 =	sadd.s32 $0x2B80, s13;
	[sflag:s5] =	ssyncadd.s32 $0xFFFFE0C0  }
0xa4: {  	[spmem:s2] =	stream.indirect.scatter.add.f32 [tilespmem:s1], [sflag:$0x8], $0x40, s13, s29, $0xb8;
	[tilespmem:$0x16940] =	vst v63  }
0xa5: {  	_ =	swait.ge [sflag:s25], $0x1F40  }
0xa6: {  	[sflag:s25] =	ssyncset.done $0x0  }
0xa7: {  	s7 =	simm.s32 $0x2780;
	[sflag:s25] =	ssyncadd.s32 $0xFFFFE0C0  }
0xa8: {  	[tilespmem:s1], [sflag:$0x4] =	stream.indirect.gather [hbm4b:s4+s29], $0x40, s7, s29, $0xb8;
	[tilespmem:$0x16940] =	vst v63  }
0xa9: {  	_ =	swait.ge [sflag:s26], $0x1F40  }
0xaa: {  	[sflag:s26] =	ssyncset.done $0x0  }
0xab: {  	s13 =	simm.s32 $0x4E00;
	[sflag:s26] =	ssyncadd.s32 $0xFFFFE0C0  }
0xac: {  	[spmem:s2] =	stream.indirect.scatter.add.f32 [tilespmem:s20], [sflag:$0x5], $0x40, s13, s29, $0xb8;
	[tilespmem:$0x16940] =	vst v63  }
0xad: {  	_ =	swait.ge [sflag:s22], $0x1F40  }
0xae: {  	[sflag:s22] =	ssyncset.done $0x0  }
0xaf: {  	[sflag:s22] =	ssyncadd.s32 $0xFFFFE0C0  }
0xb0: {  	_ =	swait.ge [sflag:s28], $0x1F40  }
0xb1: {  	[sflag:s28] =	ssyncset.done $0x0  }
0xb2: {  	s14 =	simm.s32 $0x4E80;
	[sflag:s28] =	ssyncadd.s32 $0xFFFFE0C0  }
0xb3: {  	[spmem:s2] =	stream.indirect.scatter.add.f32 [tilespmem:s31], [sflag:$0x6], $0x40, s14, s29, $0xb8;
	[tilespmem:$0x16940] =	vst v63  }
0xb4: {  	_ =	swait.ge [sflag:s23], $0x1F40  }
0xb5: {  	[sflag:s23] =	ssyncset.done $0x0  }
0xb6: {  	[sflag:s23] =	ssyncadd.s32 $0xFFFFE0C0  }
0xb7: {  	_ =	swait.ge [sflag:s30], $0x1F40  }
0xb8: {  	[sflag:s30] =	ssyncset.done $0x0  }
0xb9: {  	s13 =	simm.s32 $0x4F00;
	[sflag:s30] =	ssyncadd.s32 $0xFFFFE0C0  }
0xba: {  	[spmem:s2] =	stream.indirect.scatter.add.f32 [tilespmem:s0], [sflag:$0x7], $0x40, s13, s29, $0xb8;
	[tilespmem:$0x16940] =	vst v63  }
0xbb: {  	_ =	swait.ge [sflag:s24], $0x1F40  }
0xbc: {  	[sflag:s24] =	ssyncset.done $0x0  }
0xbd: {  	[sflag:s24] =	ssyncadd.s32 $0xFFFFE0C0  }
0xbe: {  	_ =	swait.ge [sflag:s5], $0x1F40  }
0xbf: {  	[sflag:s5] =	ssyncset.done $0x0  }
0xc0: {  	s14 =	simm.s32 $0x4F80;
	[sflag:s5] =	ssyncadd.s32 $0xFFFFE0C0  }
0xc1: {  	[spmem:s2] =	stream.indirect.scatter.add.f32 [tilespmem:s1], [sflag:$0x8], $0x40, s14, s29, $0xb8;
	[tilespmem:$0x16940] =	vst v63  }
0xc2: {  	_ =	swait.ge [sflag:s25], $0x1F40  }
0xc3: {  	[sflag:s25] =	ssyncset.done $0x0  }
0xc4: {  	[sflag:s25] =	ssyncadd.s32 $0xFFFFE0C0  }
0xc5: {  	[bflag:$0x0] =	sbarrier.arrive $0xFFFF  }
0xc6: {  	[tilespmem:s20], [sflag:$0x1] =	stream.linear.gather [spmem:s8], $0x1F40, $0x38;
	[tilespmem:$0x16940] =	vst v63  }
0xc7: {  	_ =	swait.ge [sflag:s26], $0x1F40  }
0xc8: {  	[sflag:s26] =	ssyncset.done $0x0  }
0xc9: {  	s13 =	rddreg [dreg:$0x6];
	[sflag:s26] =	ssyncadd.s32 $0xFFFFE0C0  }
0xca: {  	[hbm4b:s13+s3] =	stream.linear.scatter [tilespmem:s20], [sflag:$0x5], $0x1F40, $0x38;
	[tilespmem:$0x16940] =	vst v63  }
0xcb: {  	_ = 	snop  }
0xcc: {  	[tilespmem:s31], [sflag:$0x2] =	stream.linear.gather [spmem:s9], $0x1F40, $0x38;
	[tilespmem:$0x16940] =	vst v63  }
0xcd: {  	_ =	swait.ge [sflag:s28], $0x1F40  }
0xce: {  	[sflag:s28] =	ssyncset.done $0x0  }
0xcf: {  	s14 =	rddreg [dreg:$0x7];
	[sflag:s28] =	ssyncadd.s32 $0xFFFFE0C0  }
0xd0: {  	[hbm4b:s14+s3] =	stream.linear.scatter [tilespmem:s31], [sflag:$0x6], $0x1F40, $0x38;
	[tilespmem:$0x16940] =	vst v63  }
0xd1: {  	_ = 	snop  }
0xd2: {  	[tilespmem:s0], [sflag:$0x3] =	stream.linear.gather [spmem:s10], $0x1F40, $0x38;
	[tilespmem:$0x16940] =	vst v63  }
0xd3: {  	_ =	swait.ge [sflag:s30], $0x1F40  }
0xd4: {  	[sflag:s30] =	ssyncset.done $0x0  }
0xd5: {  	[sflag:s30] =	ssyncadd.s32 $0xFFFFE0C0  }
0xd6: {  	[hbm4b:s15+s3] =	stream.linear.scatter [tilespmem:s0], [sflag:$0x7], $0x1F40, $0x38;
	[tilespmem:$0x16940] =	vst v63  }
0xd7: {  	_ = 	snop  }
0xd8: {  	[tilespmem:s1], [sflag:$0x4] =	stream.linear.gather [spmem:s11], $0x1F40, $0x38;
	[tilespmem:$0x16940] =	vst v63  }
0xd9: {  	_ =	swait.ge [sflag:s5], $0x1F40  }
0xda: {  	[sflag:s5] =	ssyncset.done $0x0  }
0xdb: {  	[sflag:s5] =	ssyncadd.s32 $0xFFFFE0C0  }
0xdc: {  	[hbm4b:s16+s3] =	stream.linear.scatter [tilespmem:s1], [sflag:$0x8], $0x1F40, $0x38;
	[tilespmem:$0x16940] =	vst v63  }
0xdd: {  	_ =	swait.ge [sflag:s22], $0x1F40  }
0xde: {  	[sflag:s22] =	ssyncset.done $0x0  }
0xdf: {  	[sflag:s22] =	ssyncadd.s32 $0xFFFFE0C0  }
0xe0: {  	[tilespmem:s20], [sflag:$0x1] =	stream.linear.gather [spmem:s12], $0x1F40, $0x38;
	[tilespmem:$0x16940] =	vst v63  }
0xe1: {  	_ =	swait.ge [sflag:s26], $0x1F40  }
0xe2: {  	[sflag:s26] =	ssyncset.done $0x0  }
0xe3: {  	[sflag:s26] =	ssyncadd.s32 $0xFFFFE0C0  }
0xe4: {  	[hbm4b:s17+s3] =	stream.linear.scatter [tilespmem:s20], [sflag:$0x5], $0x1F40, $0x38;
	[tilespmem:$0x16940] =	vst v63  }
0xe5: {  	_ =	swait.ge [sflag:s23], $0x1F40  }
0xe6: {  	[sflag:s23] =	ssyncset.done $0x0  }
0xe7: {  	[sflag:s23] =	ssyncadd.s32 $0xFFFFE0C0  }
0xe8: {  	_ =	swait.ge [sflag:s24], $0x1F40  }
0xe9: {  	[sflag:s24] =	ssyncset.done $0x0  }
0xea: {  	s6 =	sadd.s32 $0x1, s6;
	[sflag:s24] =	ssyncadd.s32 $0xFFFFE0C0  }
0xeb: {  	p0 =	sne.s32 s6, s18;
	_ =	swait.ge [sflag:s25], $0x1F40  }
.Ltmp1:
0xec: {  	[sflag:s25] =	ssyncset.done $0x0;
	(pc) =	sbr.rel @p0 .LBB2_1-.Ltmp1, $4  }
0xed: {  	[sflag:s25] =	ssyncadd.s32 $0xFFFFE0C0  }
0xee: {  	_ =	swait.ge [sflag:s22], $0x1F40  }
0xef: {  	[sflag:s22] =	ssyncset.done $0x0  }
0xf0: {  	[sflag:s22] =	ssyncadd.s32 $0xFFFFE0C0  }
0xf1: {  	_ =	sfence.sel $0x180000  }
0xf2: {  	[bflag:$0x0] =	sbarrier.arrive $0xFFFF  }
0xf3: {  	_ =	strace $0x90000050  }
0xf4: {  	s0 =	stileid.u32;
	[bflag:$0x2] =	sbarrier.arrive $0xFFFF  }
0xf5: {  	p0 =	sne.s32 s0, $0x0;
	s0 =	rddreg [dreg:$0x2]  }
0xf6: {  	s0 =	sadd.s32 @!p0 $0x100000, s0  }
0xf7: {  	[sflag:s0] =	ssyncadd.tile.s32 @!p0 $0x1;
	_ =	shalt  }
.Lfunc_end2:
_tile_overlayer_lowered:
.L_overlay_start_2:
0xf8: {  	(tag) =	ssettag $0x2  }
0xf9: {  	s0 =	rddreg [dreg:$0x0];
	s2 =	stileid.u32  }
0xfa: {  	s1 =	rddreg [dreg:$0x1];
	p0 =	sne.s32 s2, $0x0  }
0xfb: {  	s3 =	rddreg [dreg:$0x2];
	[bflag:$0x3] =	sbarrier.arrive $0xFFFF;
	s2 =	simm.s32 @!p0 $0x1C09  }
0xfc: {  	[timem:s3], [sflag:s2] =	dma.local @!p0 [hbm:s0], s1  }
0xfd: {  	s0 =	simm.s32 @!p0 $0x9  }
0xfe: {  	_ =	swait.ge @!p0 [sflag:s0], s1  }
0xff: {  	s1 =	ssub.s32 @!p0 $0x0, s1;
	[sflag:s0] =	ssyncset.done @!p0 $0x0  }
0x100: {  	[sflag:s0] =	ssyncadd.s32 @!p0 s1  }
0x101: {  	[bflag:$0x3] =	sbarrier.arrive $0xFFFF  }
0x102: {  	_ =	shalt  }

</sc_bundles>
